<compile_context>
chip_gen: v7x
topology: tpu7x:2x2x1
jax: 0.10.2.dev20260603
libtpu: 0.0.44.dev20260713+nightly
codegen_flags: <defaults>
</compile_context>

<pallas_src>
import functools

import jax
import jax.numpy as jnp
from jax import lax
from jax.experimental import pallas as pl
from jax.experimental.pallas import tpu as pltpu
from jax.experimental.pallas import tpu_sc as plsc

N_NODES = 10000
N_EDGES = 320000
HIDDEN = 128
EPS = 1e-5

NC = 2
NS = 16
L = 16
NW = NC * NS
EPW = N_EDGES // NW
CHUNK = 40
NCHUNK = EPW // CHUNK
N_PAD = 10240
RPT = N_PAD // NS



_BLK = 2000
_NODE_BLKS = N_NODES // _BLK


def _proj_body(e_ref, we_ref, h_ref, wsrc_ref, wb_ref,
               ee_ref, s_ref, t_ref):
    ee_ref[...] = jnp.dot(e_ref[...], we_ref[...],
                          preferred_element_type=jnp.float32)

    @pl.when(pl.program_id(0) < _NODE_BLKS)
    def _():
        hb = h_ref[...]
        s_ref[...] = jnp.dot(hb, wsrc_ref[...],
                             preferred_element_type=jnp.float32)
        t_ref[...] = jnp.dot(hb, wb_ref[...],
                             preferred_element_type=jnp.float32)


def _edge_node_proj(e, we, h, wsrc, wb):
    grid = N_EDGES // _BLK
    node_idx = lambda i: (jnp.minimum(i, _NODE_BLKS - 1), 0)
    return pl.pallas_call(
        _proj_body,
        grid=(grid,),
        in_specs=[
            pl.BlockSpec((_BLK, HIDDEN), lambda i: (i, 0)),
            pl.BlockSpec((HIDDEN, HIDDEN), lambda i: (0, 0)),
            pl.BlockSpec((_BLK, HIDDEN), node_idx),
            pl.BlockSpec((HIDDEN, 2 * HIDDEN), lambda i: (0, 0)),
            pl.BlockSpec((HIDDEN, HIDDEN), lambda i: (0, 0)),
        ],
        out_specs=[
            pl.BlockSpec((_BLK, HIDDEN), lambda i: (i, 0)),
            pl.BlockSpec((_BLK, 2 * HIDDEN), node_idx),
            pl.BlockSpec((_BLK, HIDDEN), node_idx),
        ],
        out_shape=[
            jax.ShapeDtypeStruct((N_EDGES, HIDDEN), jnp.float32),
            jax.ShapeDtypeStruct((N_NODES, 2 * HIDDEN), jnp.float32),
            jax.ShapeDtypeStruct((N_NODES, HIDDEN), jnp.float32),
        ],
    )(e, we, h, wsrc, wb)



def _sc_edge_body(s_hbm, t_hbm, ee_hbm, src_hbm, dst_hbm, out_hbm,
                  src0, dst0, src1, dst1, dc0, dc1,
                  s0, s1, t0, t1, m0, m1, acc,
                  semi0, semi1, seme0, seme1, semb0, semb1, sems0, sems1):
    c = lax.axis_index("c")
    s = lax.axis_index("s")
    wid = s * NC + c
    base = wid * EPW
    row0 = s * RPT

    srcv, dstv, dcv = [src0, src1], [dst0, dst1], [dc0, dc1]
    sv, tv, mv = [s0, s1], [t0, t1], [m0, m1]
    semi, seme = [semi0, semi1], [seme0, seme1]
    semb, sems = [semb0, semb1], [sems0, sems1]

    zero = jnp.zeros((L,), jnp.float32)

    def zrow(i, carry):
        for j in range(HIDDEN // L):
            m0[i, pl.ds(j * L, L)] = zero
        return carry

    lax.fori_loop(0, CHUNK, zrow, 0)
    for r in range(RPT // CHUNK):
        pltpu.sync_copy(m0, acc.at[pl.ds(row0 + r * CHUNK, CHUNK)])
    plsc.subcore_barrier()

    def issue_idx(ci, p):
        off = base + ci * CHUNK
        pltpu.async_copy(src_hbm.at[pl.ds(off, CHUNK)], srcv[p], semi[p])
        pltpu.async_copy(dst_hbm.at[pl.ds(off, CHUNK)], dstv[p], semi[p])

    def issue_ee(ci, p):
        off = base + ci * CHUNK
        pltpu.async_copy(ee_hbm.at[pl.ds(off, CHUNK)], mv[p], seme[p])

    def wait_a_idx(p):
        pltpu.make_async_copy(src_hbm.at[pl.ds(0, CHUNK)], srcv[p], semi[p]).wait()
        pltpu.make_async_copy(dst_hbm.at[pl.ds(0, CHUNK)], dstv[p], semi[p]).wait()

    def issue_b(p):
        pltpu.async_copy(s_hbm.at[srcv[p]], sv[p], semb[p])
        pltpu.async_copy(t_hbm.at[dstv[p]], tv[p], semb[p])

    def wait_b(p):
        pltpu.make_async_copy(s_hbm.at[pl.ds(0, CHUNK)], sv[p], semb[p]).wait()
        pltpu.make_async_copy(t_hbm.at[pl.ds(0, CHUNK)], tv[p], semb[p]).wait()

    def wait_ee(p):
        pltpu.make_async_copy(ee_hbm.at[pl.ds(0, CHUNK)], mv[p], seme[p]).wait()

    def wait_scat(p):
        pltpu.make_async_copy(ee_hbm.at[pl.ds(0, CHUNK)], mv[p], sems[p]).wait()

    def half(ci, p):
        wait_b(p)

        @pl.when(ci + 1 < NCHUNK)
        def _():
            wait_a_idx(1 - p)
            issue_b(1 - p)

        wait_ee(p)

        @pl.when(ci >= 1)
        def _():
            wait_scat(1 - p)

        @pl.when(ci + 1 < NCHUNK)
        def _():
            issue_ee(ci + 1, 1 - p)

        @plsc.parallel_loop(0, CHUNK, step=1, unroll=4)
        def edge_body(k):
            for j in range(HIDDEN // L):
                a = sv[p][k, pl.ds(j * L, L)]
                cc = sv[p][k, pl.ds(HIDDEN + j * L, L)]
                b = tv[p][k, pl.ds(j * L, L)]
                ee = mv[p][k, pl.ds(j * L, L)]
                x = a + b + ee
                gate = 1.0 / (1.0 + jnp.exp(-x))
                mv[p][k, pl.ds(j * L, L)] = cc * gate

        for off in (0, 16, 24):
            dcv[p][pl.ds(off, L)] = dstv[p][pl.ds(off, L)]
        pltpu.async_copy(mv[p], acc.at[dcv[p]], sems[p], add=True)

        @pl.when(ci + 2 < NCHUNK)
        def _():
            issue_idx(ci + 2, p)

    issue_idx(0, 0)
    issue_idx(1, 1)
    issue_ee(0, 0)
    wait_a_idx(0)
    issue_b(0)

    def pair_body(it, carry):
        half(2 * it, 0)
        half(2 * it + 1, 1)
        return carry

    lax.fori_loop(0, NCHUNK // 2, pair_body, 0)
    wait_scat(1)
    plsc.subcore_barrier()

    pltpu.sync_copy(acc.at[pl.ds(row0, RPT)], out_hbm.at[c, pl.ds(row0, RPT)])


def _sc_edge(s_tab, t_tab, ee, src, dst):
    mesh = plsc.VectorSubcoreMesh(core_axis_name="c", subcore_axis_name="s")
    fn = functools.partial(
        pl.kernel,
        out_type=jax.ShapeDtypeStruct((NC, N_PAD, HIDDEN), jnp.float32),
        mesh=mesh,
        scratch_types=[
            pltpu.VMEM((CHUNK,), jnp.int32),
            pltpu.VMEM((CHUNK,), jnp.int32),
            pltpu.VMEM((CHUNK,), jnp.int32),
            pltpu.VMEM((CHUNK,), jnp.int32),
            pltpu.VMEM((CHUNK,), jnp.int32),
            pltpu.VMEM((CHUNK,), jnp.int32),
            pltpu.VMEM((CHUNK, 2 * HIDDEN), jnp.float32),
            pltpu.VMEM((CHUNK, 2 * HIDDEN), jnp.float32),
            pltpu.VMEM((CHUNK, HIDDEN), jnp.float32),
            pltpu.VMEM((CHUNK, HIDDEN), jnp.float32),
            pltpu.VMEM((CHUNK, HIDDEN), jnp.float32),
            pltpu.VMEM((CHUNK, HIDDEN), jnp.float32),
            pltpu.VMEM_SHARED((N_PAD, HIDDEN), jnp.float32),
            pltpu.SemaphoreType.DMA,
            pltpu.SemaphoreType.DMA,
            pltpu.SemaphoreType.DMA,
            pltpu.SemaphoreType.DMA,
            pltpu.SemaphoreType.DMA,
            pltpu.SemaphoreType.DMA,
            pltpu.SemaphoreType.DMA,
            pltpu.SemaphoreType.DMA,
        ],
    )(_sc_edge_body)
    return fn(s_tab, t_tab, ee, src, dst)



def _final_body(h_ref, wd_ref, ms_ref, gamma_ref, beta_ref, out_ref):
    hn = jnp.dot(h_ref[...], wd_ref[...], preferred_element_type=jnp.float32)
    ms = ms_ref[...]
    hn = hn + ms[0, :N_NODES] + ms[1, :N_NODES]
    mean = jnp.mean(hn, axis=0, keepdims=True)
    xc = hn - mean
    var = jnp.mean(xc * xc, axis=0, keepdims=True)
    y = xc * lax.rsqrt(var + EPS) * gamma_ref[...] + beta_ref[...]
    out_ref[...] = jnp.maximum(y, 0.0)


def _final(h, wd, msum, gamma, beta):
    return pl.pallas_call(
        _final_body,
        out_shape=jax.ShapeDtypeStruct((N_NODES, HIDDEN), jnp.float32),
    )(h, wd, msum, gamma, beta)



def kernel(h, edge_index, e, WA, WB, WC, WD, WE, gamma, beta):
    src = edge_index[0].astype(jnp.int32)
    dst = edge_index[1].astype(jnp.int32)
    wsrc = jnp.concatenate([WA.T, WC.T], axis=1)
    ee, s_tab, t_tab = _edge_node_proj(e, WE.T, h, wsrc, WB.T)
    msum = _sc_edge(s_tab, t_tab, ee, src, dst)
    h_out = _final(h, WD.T, msum, gamma.reshape(1, HIDDEN),
                   beta.reshape(1, HIDDEN))
    return (h_out, ee)

# --- scband reference (transcript-rebuilt; emitter-appended) ---
"""Pipeline reference for scband-gated-gcnlayer-10943576670413 (READ-ONLY COPY).

The authoritative reference and input builder live on the scoring server;
editing this copy changes nothing except your own understanding.
"""

import jax, jax.numpy as jnp
import numpy as np

N_NODES = 10000
N_EDGES = 320000
HIDDEN = 128
EPS = 1e-5

def setup_inputs(seed: int = 0) -> dict:
    key = jax.random.key(seed)
    ks = jax.random.split(key, 10)
    h = jax.random.normal(ks[0], (N_NODES, HIDDEN), dtype=jnp.float32)
    edge_index = jax.random.randint(ks[1], (2, N_EDGES), 0, N_NODES)
    e = jax.random.normal(ks[2], (N_EDGES, HIDDEN), dtype=jnp.float32)
    WA = jax.random.normal(ks[3], (HIDDEN, HIDDEN), dtype=jnp.float32) * 0.05
    WB = jax.random.normal(ks[4], (HIDDEN, HIDDEN), dtype=jnp.float32) * 0.05
    WC = jax.random.normal(ks[5], (HIDDEN, HIDDEN), dtype=jnp.float32) * 0.05
    WD = jax.random.normal(ks[6], (HIDDEN, HIDDEN), dtype=jnp.float32) * 0.05
    WE = jax.random.normal(ks[7], (HIDDEN, HIDDEN), dtype=jnp.float32) * 0.05
    gamma = jnp.ones((HIDDEN,), dtype=jnp.float32)
    beta = jnp.zeros((HIDDEN,), dtype=jnp.float32)
    return {"h": h, "edge_index": edge_index, "e": e,
            "WA": WA, "WB": WB, "WC": WC, "WD": WD, "WE": WE,
            "gamma": gamma, "beta": beta}

def reference(h, edge_index, e, WA, WB, WC, WD, WE, gamma, beta):
    # node projections (nn.Linear with bias=False => x @ W.T)
    Ah = h @ WA.T
    Bh = h @ WB.T
    Ch = h @ WC.T
    # edge projection
    Ee = e @ WE.T
    src = edge_index[0]
    dst = edge_index[1]
    # message: gate = sigmoid(Ah[src] + Bh[dst] + Ee), m = Ch[src] * gate
    gate = jax.nn.sigmoid(jnp.take(Ah, src, axis=0) + jnp.take(Bh, dst, axis=0) + Ee)
    m = jnp.take(Ch, src, axis=0) * gate
    # sum aggregation onto destination nodes
    m_sum = jax.ops.segment_sum(m, dst, num_segments=N_NODES)
    h_new = h @ WD.T + m_sum
    # BatchNorm1d in training mode: batch statistics over nodes
    mean = jnp.mean(h_new, axis=0)
    var = jnp.var(h_new, axis=0)
    h_bn = (h_new - mean) / jnp.sqrt(var + EPS) * gamma + beta
    h_out = jax.nn.relu(h_bn)
    # dropout p=0.0 -> identity
    return (h_out, Ee)

if __name__ == "__main__":
    import jax
    _d = setup_inputs()
    print(jax.jit(kernel)(*tuple(_d.values())))

</pallas_src>

<mosaic_0001>
#map = affine_map<(d0, d1) -> (0, 0)>
#map1 = affine_map<(d0, d1) -> (0)>
#map2 = affine_map<(d0, d1) -> (0, 0, 0)>
module attributes {stable_mosaic.version = 14 : i64} {
  func.func @_sc_edge_body(%arg0: i32, %arg1: i32, %arg2: memref<10000x256xf32, #tpu.memory_space<hbm>>, %arg3: memref<10000x128xf32, #tpu.memory_space<hbm>>, %arg4: memref<320000x128xf32, #tpu.memory_space<hbm>>, %arg5: memref<320000xi32, #tpu.memory_space<hbm>>, %arg6: memref<320000xi32, #tpu.memory_space<hbm>>, %arg7: memref<2x10240x128xf32, #tpu.memory_space<hbm>>, %arg8: memref<40xi32, #tpu.memory_space<vmem>>, %arg9: memref<40xi32, #tpu.memory_space<vmem>>, %arg10: memref<40xi32, #tpu.memory_space<vmem>>, %arg11: memref<40xi32, #tpu.memory_space<vmem>>, %arg12: memref<40xi32, #tpu.memory_space<vmem>>, %arg13: memref<40xi32, #tpu.memory_space<vmem>>, %arg14: memref<40x256xf32, #tpu.memory_space<vmem>>, %arg15: memref<40x256xf32, #tpu.memory_space<vmem>>, %arg16: memref<40x128xf32, #tpu.memory_space<vmem>>, %arg17: memref<40x128xf32, #tpu.memory_space<vmem>>, %arg18: memref<40x128xf32, #tpu.memory_space<vmem>>, %arg19: memref<40x128xf32, #tpu.memory_space<vmem>>, %arg20: memref<10240x128xf32, #tpu.memory_space<vmem_shared>>, %arg21: memref<!tpu.dma_semaphore, #tpu.memory_space<semaphore_mem>>, %arg22: memref<!tpu.dma_semaphore, #tpu.memory_space<semaphore_mem>>, %arg23: memref<!tpu.dma_semaphore, #tpu.memory_space<semaphore_mem>>, %arg24: memref<!tpu.dma_semaphore, #tpu.memory_space<semaphore_mem>>, %arg25: memref<!tpu.dma_semaphore, #tpu.memory_space<semaphore_mem>>, %arg26: memref<!tpu.dma_semaphore, #tpu.memory_space<semaphore_mem>>, %arg27: memref<!tpu.dma_semaphore, #tpu.memory_space<semaphore_mem>>, %arg28: memref<!tpu.dma_semaphore, #tpu.memory_space<semaphore_mem>>) attributes {dimension_semantics = [#tpu.dimension_semantics<core_parallel>, #tpu.dimension_semantics<subcore_parallel>], iteration_bounds = array<i64: 2, 16>, scalar_prefetch = 0 : i64, scratch_operands = 21 : i64, tpu.core_type = #tpu.core_type<sc_vector_subcore>, window_params = [{transform_indices = #map}, {transform_indices = #map}, {transform_indices = #map}, {transform_indices = #map1}, {transform_indices = #map1}, {transform_indices = #map2}]} {
    %mul3A = arith.constant 2 : i32
    %mul3A_0 = arith.muli %arg1, %mul3A : i32
    %add3A = arith.addi %mul3A_0, %arg0 : i32
    %mul3A_1 = arith.constant 10000 : i32
    %mul3A_2 = arith.muli %add3A, %mul3A_1 : i32
    %mul3A_3 = arith.constant 640 : i32
    %mul3A_4 = arith.muli %arg1, %mul3A_3 : i32
    %broadcast_in_dim3A = arith.constant 0.000000e+00 : f32
    %broadcast_in_dim3A_5 = vector.broadcast %broadcast_in_dim3A : f32 to vector<16xf32>
    %scan3A = arith.constant 0 : i32
    %scan3A_6 = arith.constant 0 : i32
    %scan3A_7 = arith.constant 40 : i32
    %scan3A_8 = arith.addi %scan3A_6, %scan3A_7 : i32
    %scan3A_9 = arith.constant 1 : i32
    scf.for %scan3A_86 = %scan3A_6 to %scan3A_8 step %scan3A_9  : i32 {
      %swap3A = arith.index_cast %scan3A_86 : i32 to index
      %swap3A_87 = arith.constant 0 : index
      %swap3A_88 = tpu.vector_load %arg18[%swap3A, %swap3A_87] {strides = array<i32>} : memref<40x128xf32, #tpu.memory_space<vmem>>, vector<1x16xf32>,
      %swap3A_89 = vector.shape_cast %swap3A_88 : vector<1x16xf32> to vector<16xf32>
      %swap3A_90 = vector.shape_cast %broadcast_in_dim3A_5 : vector<16xf32> to vector<1x16xf32>
      tpu.vector_store %arg18[%swap3A, %swap3A_87], %swap3A_90 {strides = array<i32>} : memref<40x128xf32, #tpu.memory_space<vmem>>, vector<1x16xf32>,
      %swap3A_91 = arith.index_cast %scan3A_86 : i32 to index
      %swap3A_92 = arith.constant 16 : index
      %swap3A_93 = tpu.vector_load %arg18[%swap3A_91, %swap3A_92] {strides = array<i32>} : memref<40x128xf32, #tpu.memory_space<vmem>>, vector<1x16xf32>,
      %swap3A_94 = vector.shape_cast %swap3A_93 : vector<1x16xf32> to vector<16xf32>
      %swap3A_95 = vector.shape_cast %broadcast_in_dim3A_5 : vector<16xf32> to vector<1x16xf32>
      tpu.vector_store %arg18[%swap3A_91, %swap3A_92], %swap3A_95 {strides = array<i32>} : memref<40x128xf32, #tpu.memory_space<vmem>>, vector<1x16xf32>,
      %swap3A_96 = arith.index_cast %scan3A_86 : i32 to index
      %swap3A_97 = arith.constant 32 : index
      %swap3A_98 = tpu.vector_load %arg18[%swap3A_96, %swap3A_97] {strides = array<i32>} : memref<40x128xf32, #tpu.memory_space<vmem>>, vector<1x16xf32>,
      %swap3A_99 = vector.shape_cast %swap3A_98 : vector<1x16xf32> to vector<16xf32>
      %swap3A_100 = vector.shape_cast %broadcast_in_dim3A_5 : vector<16xf32> to vector<1x16xf32>
      tpu.vector_store %arg18[%swap3A_96, %swap3A_97], %swap3A_100 {strides = array<i32>} : memref<40x128xf32, #tpu.memory_space<vmem>>, vector<1x16xf32>,
      %swap3A_101 = arith.index_cast %scan3A_86 : i32 to index
      %swap3A_102 = arith.constant 48 : index
      %swap3A_103 = tpu.vector_load %arg18[%swap3A_101, %swap3A_102] {strides = array<i32>} : memref<40x128xf32, #tpu.memory_space<vmem>>, vector<1x16xf32>,
      %swap3A_104 = vector.shape_cast %swap3A_103 : vector<1x16xf32> to vector<16xf32>
      %swap3A_105 = vector.shape_cast %broadcast_in_dim3A_5 : vector<16xf32> to vector<1x16xf32>
      tpu.vector_store %arg18[%swap3A_101, %swap3A_102], %swap3A_105 {strides = array<i32>} : memref<40x128xf32, #tpu.memory_space<vmem>>, vector<1x16xf32>,
      %swap3A_106 = arith.index_cast %scan3A_86 : i32 to index
      %swap3A_107 = arith.constant 64 : index
      %swap3A_108 = tpu.vector_load %arg18[%swap3A_106, %swap3A_107] {strides = array<i32>} : memref<40x128xf32, #tpu.memory_space<vmem>>, vector<1x16xf32>,
      %swap3A_109 = vector.shape_cast %swap3A_108 : vector<1x16xf32> to vector<16xf32>
      %swap3A_110 = vector.shape_cast %broadcast_in_dim3A_5 : vector<16xf32> to vector<1x16xf32>
      tpu.vector_store %arg18[%swap3A_106, %swap3A_107], %swap3A_110 {strides = array<i32>} : memref<40x128xf32, #tpu.memory_space<vmem>>, vector<1x16xf32>,
      %swap3A_111 = arith.index_cast %scan3A_86 : i32 to index
      %swap3A_112 = arith.constant 80 : index
      %swap3A_113 = tpu.vector_load %arg18[%swap3A_111, %swap3A_112] {strides = array<i32>} : memref<40x128xf32, #tpu.memory_space<vmem>>, vector<1x16xf32>,
      %swap3A_114 = vector.shape_cast %swap3A_113 : vector<1x16xf32> to vector<16xf32>
      %swap3A_115 = vector.shape_cast %broadcast_in_dim3A_5 : vector<16xf32> to vector<1x16xf32>
      tpu.vector_store %arg18[%swap3A_111, %swap3A_112], %swap3A_115 {strides = array<i32>} : memref<40x128xf32, #tpu.memory_space<vmem>>, vector<1x16xf32>,
      %swap3A_116 = arith.index_cast %scan3A_86 : i32 to index
      %swap3A_117 = arith.constant 96 : index
      %swap3A_118 = tpu.vector_load %arg18[%swap3A_116, %swap3A_117] {strides = array<i32>} : memref<40x128xf32, #tpu.memory_space<vmem>>, vector<1x16xf32>,
      %swap3A_119 = vector.shape_cast %swap3A_118 : vector<1x16xf32> to vector<16xf32>
      %swap3A_120 = vector.shape_cast %broadcast_in_dim3A_5 : vector<16xf32> to vector<1x16xf32>
      tpu.vector_store %arg18[%swap3A_116, %swap3A_117], %swap3A_120 {strides = array<i32>} : memref<40x128xf32, #tpu.memory_space<vmem>>, vector<1x16xf32>,
      %swap3A_121 = arith.index_cast %scan3A_86 : i32 to index
      %swap3A_122 = arith.constant 112 : index
      %swap3A_123 = tpu.vector_load %arg18[%swap3A_121, %swap3A_122] {strides = array<i32>} : memref<40x128xf32, #tpu.memory_space<vmem>>, vector<1x16xf32>,
      %swap3A_124 = vector.shape_cast %swap3A_123 : vector<1x16xf32> to vector<16xf32>
      %swap3A_125 = vector.shape_cast %broadcast_in_dim3A_5 : vector<16xf32> to vector<1x16xf32>
      tpu.vector_store %arg18[%swap3A_121, %swap3A_122], %swap3A_125 {strides = array<i32>} : memref<40x128xf32, #tpu.memory_space<vmem>>, vector<1x16xf32>,
    }
    %scan3A_10 = arith.constant 40 : i32
    %add3A_11 = arith.constant 0 : i32
    %add3A_12 = arith.addi %mul3A_4, %add3A_11 : i32
    "tpu.region"() ({
      %run_scoped3A = tpu.sem_alloc : memref<!tpu.dma_semaphore, #tpu.memory_space<semaphore_mem>>
      %dma_start3A_86 = arith.constant 0 : i32
      %dma_start3A_87 = tpu.memref_slice %arg20[%add3A_12, %dma_start3A_86] : memref<10240x128xf32, #tpu.memory_space<vmem_shared>> -> memref<40x128xf32, #tpu.memory_space<vmem_shared>>
      %dma_start3A_88 = arith.constant 0 : i32
      %dma_start3A_89 = tpu.memref_slice %arg20[%add3A_12, %dma_start3A_88] : memref<10240x128xf32, #tpu.memory_space<vmem_shared>> -> memref<40x128xf32, #tpu.memory_space<vmem_shared>>
      tpu.enqueue_dma source(%arg18 : memref<40x128xf32, #tpu.memory_space<vmem>>) target(%dma_start3A_89 : memref<40x128xf32, #tpu.memory_space<vmem_shared>>) target_semaphore(%run_scoped3A : memref<!tpu.dma_semaphore, #tpu.memory_space<semaphore_mem>>)
      %dma_wait3A_90 = arith.constant 0 : i32
      %dma_wait3A_91 = tpu.memref_slice %arg20[%add3A_12, %dma_wait3A_90] : memref<10240x128xf32, #tpu.memory_space<vmem_shared>> -> memref<40x128xf32, #tpu.memory_space<vmem_shared>>
      %dma_wait3A_92 = arith.constant 0 : i32
      %dma_wait3A_93 = tpu.memref_slice %arg20[%add3A_12, %dma_wait3A_92] : memref<10240x128xf32, #tpu.memory_space<vmem_shared>> -> memref<40x128xf32, #tpu.memory_space<vmem_shared>>
      tpu.wait_dma2 semaphore(%run_scoped3A : memref<!tpu.dma_semaphore, #tpu.memory_space<semaphore_mem>>) src(%arg18 : memref<40x128xf32, #tpu.memory_space<vmem>>) dst(%dma_wait3A_93 : memref<40x128xf32, #tpu.memory_space<vmem_shared>>)
      tpu.yield
    }) : () -> ()
    %add3A_13 = arith.constant 40 : i32
    %add3A_14 = arith.addi %mul3A_4, %add3A_13 : i32
    "tpu.region"() ({
      %run_scoped3A = tpu.sem_alloc : memref<!tpu.dma_semaphore, #tpu.memory_space<semaphore_mem>>
      %dma_start3A_86 = arith.constant 0 : i32
      %dma_start3A_87 = tpu.memref_slice %arg20[%add3A_14, %dma_start3A_86] : memref<10240x128xf32, #tpu.memory_space<vmem_shared>> -> memref<40x128xf32, #tpu.memory_space<vmem_shared>>
      %dma_start3A_88 = arith.constant 0 : i32
      %dma_start3A_89 = tpu.memref_slice %arg20[%add3A_14, %dma_start3A_88] : memref<10240x128xf32, #tpu.memory_space<vmem_shared>> -> memref<40x128xf32, #tpu.memory_space<vmem_shared>>
      tpu.enqueue_dma source(%arg18 : memref<40x128xf32, #tpu.memory_space<vmem>>) target(%dma_start3A_89 : memref<40x128xf32, #tpu.memory_space<vmem_shared>>) target_semaphore(%run_scoped3A : memref<!tpu.dma_semaphore, #tpu.memory_space<semaphore_mem>>)
      %dma_wait3A_90 = arith.constant 0 : i32
      %dma_wait3A_91 = tpu.memref_slice %arg20[%add3A_14, %dma_wait3A_90] : memref<10240x128xf32, #tpu.memory_space<vmem_shared>> -> memref<40x128xf32, #tpu.memory_space<vmem_shared>>
      %dma_wait3A_92 = arith.constant 0 : i32
      %dma_wait3A_93 = tpu.memref_slice %arg20[%add3A_14, %dma_wait3A_92] : memref<10240x128xf32, #tpu.memory_space<vmem_shared>> -> memref<40x128xf32, #tpu.memory_space<vmem_shared>>
      tpu.wait_dma2 semaphore(%run_scoped3A : memref<!tpu.dma_semaphore, #tpu.memory_space<semaphore_mem>>) src(%arg18 : memref<40x128xf32, #tpu.memory_space<vmem>>) dst(%dma_wait3A_93 : memref<40x128xf32, #tpu.memory_space<vmem_shared>>)
      tpu.yield
    }) : () -> ()
    %add3A_15 = arith.constant 80 : i32
    %add3A_16 = arith.addi %mul3A_4, %add3A_15 : i32
    "tpu.region"() ({
      %run_scoped3A = tpu.sem_alloc : memref<!tpu.dma_semaphore, #tpu.memory_space<semaphore_mem>>
      %dma_start3A_86 = arith.constant 0 : i32
      %dma_start3A_87 = tpu.memref_slice %arg20[%add3A_16, %dma_start3A_86] : memref<10240x128xf32, #tpu.memory_space<vmem_shared>> -> memref<40x128xf32, #tpu.memory_space<vmem_shared>>
      %dma_start3A_88 = arith.constant 0 : i32
      %dma_start3A_89 = tpu.memref_slice %arg20[%add3A_16, %dma_start3A_88] : memref<10240x128xf32, #tpu.memory_space<vmem_shared>> -> memref<40x128xf32, #tpu.memory_space<vmem_shared>>
      tpu.enqueue_dma source(%arg18 : memref<40x128xf32, #tpu.memory_space<vmem>>) target(%dma_start3A_89 : memref<40x128xf32, #tpu.memory_space<vmem_shared>>) target_semaphore(%run_scoped3A : memref<!tpu.dma_semaphore, #tpu.memory_space<semaphore_mem>>)
      %dma_wait3A_90 = arith.constant 0 : i32
      %dma_wait3A_91 = tpu.memref_slice %arg20[%add3A_16, %dma_wait3A_90] : memref<10240x128xf32, #tpu.memory_space<vmem_shared>> -> memref<40x128xf32, #tpu.memory_space<vmem_shared>>
      %dma_wait3A_92 = arith.constant 0 : i32
      %dma_wait3A_93 = tpu.memref_slice %arg20[%add3A_16, %dma_wait3A_92] : memref<10240x128xf32, #tpu.memory_space<vmem_shared>> -> memref<40x128xf32, #tpu.memory_space<vmem_shared>>
      tpu.wait_dma2 semaphore(%run_scoped3A : memref<!tpu.dma_semaphore, #tpu.memory_space<semaphore_mem>>) src(%arg18 : memref<40x128xf32, #tpu.memory_space<vmem>>) dst(%dma_wait3A_93 : memref<40x128xf32, #tpu.memory_space<vmem_shared>>)
      tpu.yield
    }) : () -> ()
    %add3A_17 = arith.constant 120 : i32
    %add3A_18 = arith.addi %mul3A_4, %add3A_17 : i32
    "tpu.region"() ({
      %run_scoped3A = tpu.sem_alloc : memref<!tpu.dma_semaphore, #tpu.memory_space<semaphore_mem>>
      %dma_start3A_86 = arith.constant 0 : i32
      %dma_start3A_87 = tpu.memref_slice %arg20[%add3A_18, %dma_start3A_86] : memref<10240x128xf32, #tpu.memory_space<vmem_shared>> -> memref<40x128xf32, #tpu.memory_space<vmem_shared>>
      %dma_start3A_88 = arith.constant 0 : i32
      %dma_start3A_89 = tpu.memref_slice %arg20[%add3A_18, %dma_start3A_88] : memref<10240x128xf32, #tpu.memory_space<vmem_shared>> -> memref<40x128xf32, #tpu.memory_space<vmem_shared>>
      tpu.enqueue_dma source(%arg18 : memref<40x128xf32, #tpu.memory_space<vmem>>) target(%dma_start3A_89 : memref<40x128xf32, #tpu.memory_space<vmem_shared>>) target_semaphore(%run_scoped3A : memref<!tpu.dma_semaphore, #tpu.memory_space<semaphore_mem>>)
      %dma_wait3A_90 = arith.constant 0 : i32
      %dma_wait3A_91 = tpu.memref_slice %arg20[%add3A_18, %dma_wait3A_90] : memref<10240x128xf32, #tpu.memory_space<vmem_shared>> -> memref<40x128xf32, #tpu.memory_space<vmem_shared>>
      %dma_wait3A_92 = arith.constant 0 : i32
      %dma_wait3A_93 = tpu.memref_slice %arg20[%add3A_18, %dma_wait3A_92] : memref<10240x128xf32, #tpu.memory_space<vmem_shared>> -> memref<40x128xf32, #tpu.memory_space<vmem_shared>>
      tpu.wait_dma2 semaphore(%run_scoped3A : memref<!tpu.dma_semaphore, #tpu.memory_space<semaphore_mem>>) src(%arg18 : memref<40x128xf32, #tpu.memory_space<vmem>>) dst(%dma_wait3A_93 : memref<40x128xf32, #tpu.memory_space<vmem_shared>>)
      tpu.yield
    }) : () -> ()
    %add3A_19 = arith.constant 160 : i32
    %add3A_20 = arith.addi %mul3A_4, %add3A_19 : i32
    "tpu.region"() ({
      %run_scoped3A = tpu.sem_alloc : memref<!tpu.dma_semaphore, #tpu.memory_space<semaphore_mem>>
      %dma_start3A_86 = arith.constant 0 : i32
      %dma_start3A_87 = tpu.memref_slice %arg20[%add3A_20, %dma_start3A_86] : memref<10240x128xf32, #tpu.memory_space<vmem_shared>> -> memref<40x128xf32, #tpu.memory_space<vmem_shared>>
      %dma_start3A_88 = arith.constant 0 : i32
      %dma_start3A_89 = tpu.memref_slice %arg20[%add3A_20, %dma_start3A_88] : memref<10240x128xf32, #tpu.memory_space<vmem_shared>> -> memref<40x128xf32, #tpu.memory_space<vmem_shared>>
      tpu.enqueue_dma source(%arg18 : memref<40x128xf32, #tpu.memory_space<vmem>>) target(%dma_start3A_89 : memref<40x128xf32, #tpu.memory_space<vmem_shared>>) target_semaphore(%run_scoped3A : memref<!tpu.dma_semaphore, #tpu.memory_space<semaphore_mem>>)
      %dma_wait3A_90 = arith.constant 0 : i32
      %dma_wait3A_91 = tpu.memref_slice %arg20[%add3A_20, %dma_wait3A_90] : memref<10240x128xf32, #tpu.memory_space<vmem_shared>> -> memref<40x128xf32, #tpu.memory_space<vmem_shared>>
      %dma_wait3A_92 = arith.constant 0 : i32
      %dma_wait3A_93 = tpu.memref_slice %arg20[%add3A_20, %dma_wait3A_92] : memref<10240x128xf32, #tpu.memory_space<vmem_shared>> -> memref<40x128xf32, #tpu.memory_space<vmem_shared>>
      tpu.wait_dma2 semaphore(%run_scoped3A : memref<!tpu.dma_semaphore, #tpu.memory_space<semaphore_mem>>) src(%arg18 : memref<40x128xf32, #tpu.memory_space<vmem>>) dst(%dma_wait3A_93 : memref<40x128xf32, #tpu.memory_space<vmem_shared>>)
      tpu.yield
    }) : () -> ()
    %add3A_21 = arith.constant 200 : i32
    %add3A_22 = arith.addi %mul3A_4, %add3A_21 : i32
    "tpu.region"() ({
      %run_scoped3A = tpu.sem_alloc : memref<!tpu.dma_semaphore, #tpu.memory_space<semaphore_mem>>
      %dma_start3A_86 = arith.constant 0 : i32
      %dma_start3A_87 = tpu.memref_slice %arg20[%add3A_22, %dma_start3A_86] : memref<10240x128xf32, #tpu.memory_space<vmem_shared>> -> memref<40x128xf32, #tpu.memory_space<vmem_shared>>
      %dma_start3A_88 = arith.constant 0 : i32
      %dma_start3A_89 = tpu.memref_slice %arg20[%add3A_22, %dma_start3A_88] : memref<10240x128xf32, #tpu.memory_space<vmem_shared>> -> memref<40x128xf32, #tpu.memory_space<vmem_shared>>
      tpu.enqueue_dma source(%arg18 : memref<40x128xf32, #tpu.memory_space<vmem>>) target(%dma_start3A_89 : memref<40x128xf32, #tpu.memory_space<vmem_shared>>) target_semaphore(%run_scoped3A : memref<!tpu.dma_semaphore, #tpu.memory_space<semaphore_mem>>)
      %dma_wait3A_90 = arith.constant 0 : i32
      %dma_wait3A_91 = tpu.memref_slice %arg20[%add3A_22, %dma_wait3A_90] : memref<10240x128xf32, #tpu.memory_space<vmem_shared>> -> memref<40x128xf32, #tpu.memory_space<vmem_shared>>
      %dma_wait3A_92 = arith.constant 0 : i32
      %dma_wait3A_93 = tpu.memref_slice %arg20[%add3A_22, %dma_wait3A_92] : memref<10240x128xf32, #tpu.memory_space<vmem_shared>> -> memref<40x128xf32, #tpu.memory_space<vmem_shared>>
      tpu.wait_dma2 semaphore(%run_scoped3A : memref<!tpu.dma_semaphore, #tpu.memory_space<semaphore_mem>>) src(%arg18 : memref<40x128xf32, #tpu.memory_space<vmem>>) dst(%dma_wait3A_93 : memref<40x128xf32, #tpu.memory_space<vmem_shared>>)
      tpu.yield
    }) : () -> ()
    %add3A_23 = arith.constant 240 : i32
    %add3A_24 = arith.addi %mul3A_4, %add3A_23 : i32
    "tpu.region"() ({
      %run_scoped3A = tpu.sem_alloc : memref<!tpu.dma_semaphore, #tpu.memory_space<semaphore_mem>>
      %dma_start3A_86 = arith.constant 0 : i32
      %dma_start3A_87 = tpu.memref_slice %arg20[%add3A_24, %dma_start3A_86] : memref<10240x128xf32, #tpu.memory_space<vmem_shared>> -> memref<40x128xf32, #tpu.memory_space<vmem_shared>>
      %dma_start3A_88 = arith.constant 0 : i32
      %dma_start3A_89 = tpu.memref_slice %arg20[%add3A_24, %dma_start3A_88] : memref<10240x128xf32, #tpu.memory_space<vmem_shared>> -> memref<40x128xf32, #tpu.memory_space<vmem_shared>>
      tpu.enqueue_dma source(%arg18 : memref<40x128xf32, #tpu.memory_space<vmem>>) target(%dma_start3A_89 : memref<40x128xf32, #tpu.memory_space<vmem_shared>>) target_semaphore(%run_scoped3A : memref<!tpu.dma_semaphore, #tpu.memory_space<semaphore_mem>>)
      %dma_wait3A_90 = arith.constant 0 : i32
      %dma_wait3A_91 = tpu.memref_slice %arg20[%add3A_24, %dma_wait3A_90] : memref<10240x128xf32, #tpu.memory_space<vmem_shared>> -> memref<40x128xf32, #tpu.memory_space<vmem_shared>>
      %dma_wait3A_92 = arith.constant 0 : i32
      %dma_wait3A_93 = tpu.memref_slice %arg20[%add3A_24, %dma_wait3A_92] : memref<10240x128xf32, #tpu.memory_space<vmem_shared>> -> memref<40x128xf32, #tpu.memory_space<vmem_shared>>
      tpu.wait_dma2 semaphore(%run_scoped3A : memref<!tpu.dma_semaphore, #tpu.memory_space<semaphore_mem>>) src(%arg18 : memref<40x128xf32, #tpu.memory_space<vmem>>) dst(%dma_wait3A_93 : memref<40x128xf32, #tpu.memory_space<vmem_shared>>)
      tpu.yield
    }) : () -> ()
    %add3A_25 = arith.constant 280 : i32
    %add3A_26 = arith.addi %mul3A_4, %add3A_25 : i32
    "tpu.region"() ({
      %run_scoped3A = tpu.sem_alloc : memref<!tpu.dma_semaphore, #tpu.memory_space<semaphore_mem>>
      %dma_start3A_86 = arith.constant 0 : i32
      %dma_start3A_87 = tpu.memref_slice %arg20[%add3A_26, %dma_start3A_86] : memref<10240x128xf32, #tpu.memory_space<vmem_shared>> -> memref<40x128xf32, #tpu.memory_space<vmem_shared>>
      %dma_start3A_88 = arith.constant 0 : i32
      %dma_start3A_89 = tpu.memref_slice %arg20[%add3A_26, %dma_start3A_88] : memref<10240x128xf32, #tpu.memory_space<vmem_shared>> -> memref<40x128xf32, #tpu.memory_space<vmem_shared>>
      tpu.enqueue_dma source(%arg18 : memref<40x128xf32, #tpu.memory_space<vmem>>) target(%dma_start3A_89 : memref<40x128xf32, #tpu.memory_space<vmem_shared>>) target_semaphore(%run_scoped3A : memref<!tpu.dma_semaphore, #tpu.memory_space<semaphore_mem>>)
      %dma_wait3A_90 = arith.constant 0 : i32
      %dma_wait3A_91 = tpu.memref_slice %arg20[%add3A_26, %dma_wait3A_90] : memref<10240x128xf32, #tpu.memory_space<vmem_shared>> -> memref<40x128xf32, #tpu.memory_space<vmem_shared>>
      %dma_wait3A_92 = arith.constant 0 : i32
      %dma_wait3A_93 = tpu.memref_slice %arg20[%add3A_26, %dma_wait3A_92] : memref<10240x128xf32, #tpu.memory_space<vmem_shared>> -> memref<40x128xf32, #tpu.memory_space<vmem_shared>>
      tpu.wait_dma2 semaphore(%run_scoped3A : memref<!tpu.dma_semaphore, #tpu.memory_space<semaphore_mem>>) src(%arg18 : memref<40x128xf32, #tpu.memory_space<vmem>>) dst(%dma_wait3A_93 : memref<40x128xf32, #tpu.memory_space<vmem_shared>>)
      tpu.yield
    }) : () -> ()
    %add3A_27 = arith.constant 320 : i32
    %add3A_28 = arith.addi %mul3A_4, %add3A_27 : i32
    "tpu.region"() ({
      %run_scoped3A = tpu.sem_alloc : memref<!tpu.dma_semaphore, #tpu.memory_space<semaphore_mem>>
      %dma_start3A_86 = arith.constant 0 : i32
      %dma_start3A_87 = tpu.memref_slice %arg20[%add3A_28, %dma_start3A_86] : memref<10240x128xf32, #tpu.memory_space<vmem_shared>> -> memref<40x128xf32, #tpu.memory_space<vmem_shared>>
      %dma_start3A_88 = arith.constant 0 : i32
      %dma_start3A_89 = tpu.memref_slice %arg20[%add3A_28, %dma_start3A_88] : memref<10240x128xf32, #tpu.memory_space<vmem_shared>> -> memref<40x128xf32, #tpu.memory_space<vmem_shared>>
      tpu.enqueue_dma source(%arg18 : memref<40x128xf32, #tpu.memory_space<vmem>>) target(%dma_start3A_89 : memref<40x128xf32, #tpu.memory_space<vmem_shared>>) target_semaphore(%run_scoped3A : memref<!tpu.dma_semaphore, #tpu.memory_space<semaphore_mem>>)
      %dma_wait3A_90 = arith.constant 0 : i32
      %dma_wait3A_91 = tpu.memref_slice %arg20[%add3A_28, %dma_wait3A_90] : memref<10240x128xf32, #tpu.memory_space<vmem_shared>> -> memref<40x128xf32, #tpu.memory_space<vmem_shared>>
      %dma_wait3A_92 = arith.constant 0 : i32
      %dma_wait3A_93 = tpu.memref_slice %arg20[%add3A_28, %dma_wait3A_92] : memref<10240x128xf32, #tpu.memory_space<vmem_shared>> -> memref<40x128xf32, #tpu.memory_space<vmem_shared>>
      tpu.wait_dma2 semaphore(%run_scoped3A : memref<!tpu.dma_semaphore, #tpu.memory_space<semaphore_mem>>) src(%arg18 : memref<40x128xf32, #tpu.memory_space<vmem>>) dst(%dma_wait3A_93 : memref<40x128xf32, #tpu.memory_space<vmem_shared>>)
      tpu.yield
    }) : () -> ()
    %add3A_29 = arith.constant 360 : i32
    %add3A_30 = arith.addi %mul3A_4, %add3A_29 : i32
    "tpu.region"() ({
      %run_scoped3A = tpu.sem_alloc : memref<!tpu.dma_semaphore, #tpu.memory_space<semaphore_mem>>
      %dma_start3A_86 = arith.constant 0 : i32
      %dma_start3A_87 = tpu.memref_slice %arg20[%add3A_30, %dma_start3A_86] : memref<10240x128xf32, #tpu.memory_space<vmem_shared>> -> memref<40x128xf32, #tpu.memory_space<vmem_shared>>
      %dma_start3A_88 = arith.constant 0 : i32
      %dma_start3A_89 = tpu.memref_slice %arg20[%add3A_30, %dma_start3A_88] : memref<10240x128xf32, #tpu.memory_space<vmem_shared>> -> memref<40x128xf32, #tpu.memory_space<vmem_shared>>
      tpu.enqueue_dma source(%arg18 : memref<40x128xf32, #tpu.memory_space<vmem>>) target(%dma_start3A_89 : memref<40x128xf32, #tpu.memory_space<vmem_shared>>) target_semaphore(%run_scoped3A : memref<!tpu.dma_semaphore, #tpu.memory_space<semaphore_mem>>)
      %dma_wait3A_90 = arith.constant 0 : i32
      %dma_wait3A_91 = tpu.memref_slice %arg20[%add3A_30, %dma_wait3A_90] : memref<10240x128xf32, #tpu.memory_space<vmem_shared>> -> memref<40x128xf32, #tpu.memory_space<vmem_shared>>
      %dma_wait3A_92 = arith.constant 0 : i32
      %dma_wait3A_93 = tpu.memref_slice %arg20[%add3A_30, %dma_wait3A_92] : memref<10240x128xf32, #tpu.memory_space<vmem_shared>> -> memref<40x128xf32, #tpu.memory_space<vmem_shared>>
      tpu.wait_dma2 semaphore(%run_scoped3A : memref<!tpu.dma_semaphore, #tpu.memory_space<semaphore_mem>>) src(%arg18 : memref<40x128xf32, #tpu.memory_space<vmem>>) dst(%dma_wait3A_93 : memref<40x128xf32, #tpu.memory_space<vmem_shared>>)
      tpu.yield
    }) : () -> ()
    %add3A_31 = arith.constant 400 : i32
    %add3A_32 = arith.addi %mul3A_4, %add3A_31 : i32
    "tpu.region"() ({
      %run_scoped3A = tpu.sem_alloc : memref<!tpu.dma_semaphore, #tpu.memory_space<semaphore_mem>>
      %dma_start3A_86 = arith.constant 0 : i32
      %dma_start3A_87 = tpu.memref_slice %arg20[%add3A_32, %dma_start3A_86] : memref<10240x128xf32, #tpu.memory_space<vmem_shared>> -> memref<40x128xf32, #tpu.memory_space<vmem_shared>>
      %dma_start3A_88 = arith.constant 0 : i32
      %dma_start3A_89 = tpu.memref_slice %arg20[%add3A_32, %dma_start3A_88] : memref<10240x128xf32, #tpu.memory_space<vmem_shared>> -> memref<40x128xf32, #tpu.memory_space<vmem_shared>>
      tpu.enqueue_dma source(%arg18 : memref<40x128xf32, #tpu.memory_space<vmem>>) target(%dma_start3A_89 : memref<40x128xf32, #tpu.memory_space<vmem_shared>>) target_semaphore(%run_scoped3A : memref<!tpu.dma_semaphore, #tpu.memory_space<semaphore_mem>>)
      %dma_wait3A_90 = arith.constant 0 : i32
      %dma_wait3A_91 = tpu.memref_slice %arg20[%add3A_32, %dma_wait3A_90] : memref<10240x128xf32, #tpu.memory_space<vmem_shared>> -> memref<40x128xf32, #tpu.memory_space<vmem_shared>>
      %dma_wait3A_92 = arith.constant 0 : i32
      %dma_wait3A_93 = tpu.memref_slice %arg20[%add3A_32, %dma_wait3A_92] : memref<10240x128xf32, #tpu.memory_space<vmem_shared>> -> memref<40x128xf32, #tpu.memory_space<vmem_shared>>
      tpu.wait_dma2 semaphore(%run_scoped3A : memref<!tpu.dma_semaphore, #tpu.memory_space<semaphore_mem>>) src(%arg18 : memref<40x128xf32, #tpu.memory_space<vmem>>) dst(%dma_wait3A_93 : memref<40x128xf32, #tpu.memory_space<vmem_shared>>)
      tpu.yield
    }) : () -> ()
    %add3A_33 = arith.constant 440 : i32
    %add3A_34 = arith.addi %mul3A_4, %add3A_33 : i32
    "tpu.region"() ({
      %run_scoped3A = tpu.sem_alloc : memref<!tpu.dma_semaphore, #tpu.memory_space<semaphore_mem>>
      %dma_start3A_86 = arith.constant 0 : i32
      %dma_start3A_87 = tpu.memref_slice %arg20[%add3A_34, %dma_start3A_86] : memref<10240x128xf32, #tpu.memory_space<vmem_shared>> -> memref<40x128xf32, #tpu.memory_space<vmem_shared>>
      %dma_start3A_88 = arith.constant 0 : i32
      %dma_start3A_89 = tpu.memref_slice %arg20[%add3A_34, %dma_start3A_88] : memref<10240x128xf32, #tpu.memory_space<vmem_shared>> -> memref<40x128xf32, #tpu.memory_space<vmem_shared>>
      tpu.enqueue_dma source(%arg18 : memref<40x128xf32, #tpu.memory_space<vmem>>) target(%dma_start3A_89 : memref<40x128xf32, #tpu.memory_space<vmem_shared>>) target_semaphore(%run_scoped3A : memref<!tpu.dma_semaphore, #tpu.memory_space<semaphore_mem>>)
      %dma_wait3A_90 = arith.constant 0 : i32
      %dma_wait3A_91 = tpu.memref_slice %arg20[%add3A_34, %dma_wait3A_90] : memref<10240x128xf32, #tpu.memory_space<vmem_shared>> -> memref<40x128xf32, #tpu.memory_space<vmem_shared>>
      %dma_wait3A_92 = arith.constant 0 : i32
      %dma_wait3A_93 = tpu.memref_slice %arg20[%add3A_34, %dma_wait3A_92] : memref<10240x128xf32, #tpu.memory_space<vmem_shared>> -> memref<40x128xf32, #tpu.memory_space<vmem_shared>>
      tpu.wait_dma2 semaphore(%run_scoped3A : memref<!tpu.dma_semaphore, #tpu.memory_space<semaphore_mem>>) src(%arg18 : memref<40x128xf32, #tpu.memory_space<vmem>>) dst(%dma_wait3A_93 : memref<40x128xf32, #tpu.memory_space<vmem_shared>>)
      tpu.yield
    }) : () -> ()
    %add3A_35 = arith.constant 480 : i32
    %add3A_36 = arith.addi %mul3A_4, %add3A_35 : i32
    "tpu.region"() ({
      %run_scoped3A = tpu.sem_alloc : memref<!tpu.dma_semaphore, #tpu.memory_space<semaphore_mem>>
      %dma_start3A_86 = arith.constant 0 : i32
      %dma_start3A_87 = tpu.memref_slice %arg20[%add3A_36, %dma_start3A_86] : memref<10240x128xf32, #tpu.memory_space<vmem_shared>> -> memref<40x128xf32, #tpu.memory_space<vmem_shared>>
      %dma_start3A_88 = arith.constant 0 : i32
      %dma_start3A_89 = tpu.memref_slice %arg20[%add3A_36, %dma_start3A_88] : memref<10240x128xf32, #tpu.memory_space<vmem_shared>> -> memref<40x128xf32, #tpu.memory_space<vmem_shared>>
      tpu.enqueue_dma source(%arg18 : memref<40x128xf32, #tpu.memory_space<vmem>>) target(%dma_start3A_89 : memref<40x128xf32, #tpu.memory_space<vmem_shared>>) target_semaphore(%run_scoped3A : memref<!tpu.dma_semaphore, #tpu.memory_space<semaphore_mem>>)
      %dma_wait3A_90 = arith.constant 0 : i32
      %dma_wait3A_91 = tpu.memref_slice %arg20[%add3A_36, %dma_wait3A_90] : memref<10240x128xf32, #tpu.memory_space<vmem_shared>> -> memref<40x128xf32, #tpu.memory_space<vmem_shared>>
      %dma_wait3A_92 = arith.constant 0 : i32
      %dma_wait3A_93 = tpu.memref_slice %arg20[%add3A_36, %dma_wait3A_92] : memref<10240x128xf32, #tpu.memory_space<vmem_shared>> -> memref<40x128xf32, #tpu.memory_space<vmem_shared>>
      tpu.wait_dma2 semaphore(%run_scoped3A : memref<!tpu.dma_semaphore, #tpu.memory_space<semaphore_mem>>) src(%arg18 : memref<40x128xf32, #tpu.memory_space<vmem>>) dst(%dma_wait3A_93 : memref<40x128xf32, #tpu.memory_space<vmem_shared>>)
      tpu.yield
    }) : () -> ()
    %add3A_37 = arith.constant 520 : i32
    %add3A_38 = arith.addi %mul3A_4, %add3A_37 : i32
    "tpu.region"() ({
      %run_scoped3A = tpu.sem_alloc : memref<!tpu.dma_semaphore, #tpu.memory_space<semaphore_mem>>
      %dma_start3A_86 = arith.constant 0 : i32
      %dma_start3A_87 = tpu.memref_slice %arg20[%add3A_38, %dma_start3A_86] : memref<10240x128xf32, #tpu.memory_space<vmem_shared>> -> memref<40x128xf32, #tpu.memory_space<vmem_shared>>
      %dma_start3A_88 = arith.constant 0 : i32
      %dma_start3A_89 = tpu.memref_slice %arg20[%add3A_38, %dma_start3A_88] : memref<10240x128xf32, #tpu.memory_space<vmem_shared>> -> memref<40x128xf32, #tpu.memory_space<vmem_shared>>
      tpu.enqueue_dma source(%arg18 : memref<40x128xf32, #tpu.memory_space<vmem>>) target(%dma_start3A_89 : memref<40x128xf32, #tpu.memory_space<vmem_shared>>) target_semaphore(%run_scoped3A : memref<!tpu.dma_semaphore, #tpu.memory_space<semaphore_mem>>)
      %dma_wait3A_90 = arith.constant 0 : i32
      %dma_wait3A_91 = tpu.memref_slice %arg20[%add3A_38, %dma_wait3A_90] : memref<10240x128xf32, #tpu.memory_space<vmem_shared>> -> memref<40x128xf32, #tpu.memory_space<vmem_shared>>
      %dma_wait3A_92 = arith.constant 0 : i32
      %dma_wait3A_93 = tpu.memref_slice %arg20[%add3A_38, %dma_wait3A_92] : memref<10240x128xf32, #tpu.memory_space<vmem_shared>> -> memref<40x128xf32, #tpu.memory_space<vmem_shared>>
      tpu.wait_dma2 semaphore(%run_scoped3A : memref<!tpu.dma_semaphore, #tpu.memory_space<semaphore_mem>>) src(%arg18 : memref<40x128xf32, #tpu.memory_space<vmem>>) dst(%dma_wait3A_93 : memref<40x128xf32, #tpu.memory_space<vmem_shared>>)
      tpu.yield
    }) : () -> ()
    %add3A_39 = arith.constant 560 : i32
    %add3A_40 = arith.addi %mul3A_4, %add3A_39 : i32
    "tpu.region"() ({
      %run_scoped3A = tpu.sem_alloc : memref<!tpu.dma_semaphore, #tpu.memory_space<semaphore_mem>>
      %dma_start3A_86 = arith.constant 0 : i32
      %dma_start3A_87 = tpu.memref_slice %arg20[%add3A_40, %dma_start3A_86] : memref<10240x128xf32, #tpu.memory_space<vmem_shared>> -> memref<40x128xf32, #tpu.memory_space<vmem_shared>>
      %dma_start3A_88 = arith.constant 0 : i32
      %dma_start3A_89 = tpu.memref_slice %arg20[%add3A_40, %dma_start3A_88] : memref<10240x128xf32, #tpu.memory_space<vmem_shared>> -> memref<40x128xf32, #tpu.memory_space<vmem_shared>>
      tpu.enqueue_dma source(%arg18 : memref<40x128xf32, #tpu.memory_space<vmem>>) target(%dma_start3A_89 : memref<40x128xf32, #tpu.memory_space<vmem_shared>>) target_semaphore(%run_scoped3A : memref<!tpu.dma_semaphore, #tpu.memory_space<semaphore_mem>>)
      %dma_wait3A_90 = arith.constant 0 : i32
      %dma_wait3A_91 = tpu.memref_slice %arg20[%add3A_40, %dma_wait3A_90] : memref<10240x128xf32, #tpu.memory_space<vmem_shared>> -> memref<40x128xf32, #tpu.memory_space<vmem_shared>>
      %dma_wait3A_92 = arith.constant 0 : i32
      %dma_wait3A_93 = tpu.memref_slice %arg20[%add3A_40, %dma_wait3A_92] : memref<10240x128xf32, #tpu.memory_space<vmem_shared>> -> memref<40x128xf32, #tpu.memory_space<vmem_shared>>
      tpu.wait_dma2 semaphore(%run_scoped3A : memref<!tpu.dma_semaphore, #tpu.memory_space<semaphore_mem>>) src(%arg18 : memref<40x128xf32, #tpu.memory_space<vmem>>) dst(%dma_wait3A_93 : memref<40x128xf32, #tpu.memory_space<vmem_shared>>)
      tpu.yield
    }) : () -> ()
    %add3A_41 = arith.constant 600 : i32
    %add3A_42 = arith.addi %mul3A_4, %add3A_41 : i32
    "tpu.region"() ({
      %run_scoped3A = tpu.sem_alloc : memref<!tpu.dma_semaphore, #tpu.memory_space<semaphore_mem>>
      %dma_start3A_86 = arith.constant 0 : i32
      %dma_start3A_87 = tpu.memref_slice %arg20[%add3A_42, %dma_start3A_86] : memref<10240x128xf32, #tpu.memory_space<vmem_shared>> -> memref<40x128xf32, #tpu.memory_space<vmem_shared>>
      %dma_start3A_88 = arith.constant 0 : i32
      %dma_start3A_89 = tpu.memref_slice %arg20[%add3A_42, %dma_start3A_88] : memref<10240x128xf32, #tpu.memory_space<vmem_shared>> -> memref<40x128xf32, #tpu.memory_space<vmem_shared>>
      tpu.enqueue_dma source(%arg18 : memref<40x128xf32, #tpu.memory_space<vmem>>) target(%dma_start3A_89 : memref<40x128xf32, #tpu.memory_space<vmem_shared>>) target_semaphore(%run_scoped3A : memref<!tpu.dma_semaphore, #tpu.memory_space<semaphore_mem>>)
      %dma_wait3A_90 = arith.constant 0 : i32
      %dma_wait3A_91 = tpu.memref_slice %arg20[%add3A_42, %dma_wait3A_90] : memref<10240x128xf32, #tpu.memory_space<vmem_shared>> -> memref<40x128xf32, #tpu.memory_space<vmem_shared>>
      %dma_wait3A_92 = arith.constant 0 : i32
      %dma_wait3A_93 = tpu.memref_slice %arg20[%add3A_42, %dma_wait3A_92] : memref<10240x128xf32, #tpu.memory_space<vmem_shared>> -> memref<40x128xf32, #tpu.memory_space<vmem_shared>>
      tpu.wait_dma2 semaphore(%run_scoped3A : memref<!tpu.dma_semaphore, #tpu.memory_space<semaphore_mem>>) src(%arg18 : memref<40x128xf32, #tpu.memory_space<vmem>>) dst(%dma_wait3A_93 : memref<40x128xf32, #tpu.memory_space<vmem_shared>>)
      tpu.yield
    }) : () -> ()
    %barrier3A = arith.constant 0 : index
    tpu.barrier barrier_id(%barrier3A)
    %add3A_43 = arith.constant 0 : i32
    %add3A_44 = arith.addi %mul3A_2, %add3A_43 : i32
    %dma_start3A = tpu.memref_slice %arg5[%add3A_44] : memref<320000xi32, #tpu.memory_space<hbm>> -> memref<40xi32, #tpu.memory_space<hbm>>
    %dma_start3A_45 = tpu.memref_slice %arg5[%add3A_44] : memref<320000xi32, #tpu.memory_space<hbm>> -> memref<40xi32, #tpu.memory_space<hbm>>
    tpu.enqueue_dma source(%dma_start3A_45 : memref<40xi32, #tpu.memory_space<hbm>>) target(%arg8 : memref<40xi32, #tpu.memory_space<vmem>>) target_semaphore(%arg21 : memref<!tpu.dma_semaphore, #tpu.memory_space<semaphore_mem>>)
    %dma_start3A_46 = tpu.memref_slice %arg6[%add3A_44] : memref<320000xi32, #tpu.memory_space<hbm>> -> memref<40xi32, #tpu.memory_space<hbm>>
    %dma_start3A_47 = tpu.memref_slice %arg6[%add3A_44] : memref<320000xi32, #tpu.memory_space<hbm>> -> memref<40xi32, #tpu.memory_space<hbm>>
    tpu.enqueue_dma source(%dma_start3A_47 : memref<40xi32, #tpu.memory_space<hbm>>) target(%arg9 : memref<40xi32, #tpu.memory_space<vmem>>) target_semaphore(%arg21 : memref<!tpu.dma_semaphore, #tpu.memory_space<semaphore_mem>>)
    %add3A_48 = arith.constant 40 : i32
    %add3A_49 = arith.addi %mul3A_2, %add3A_48 : i32
    %dma_start3A_50 = tpu.memref_slice %arg5[%add3A_49] : memref<320000xi32, #tpu.memory_space<hbm>> -> memref<40xi32, #tpu.memory_space<hbm>>
    %dma_start3A_51 = tpu.memref_slice %arg5[%add3A_49] : memref<320000xi32, #tpu.memory_space<hbm>> -> memref<40xi32, #tpu.memory_space<hbm>>
    tpu.enqueue_dma source(%dma_start3A_51 : memref<40xi32, #tpu.memory_space<hbm>>) target(%arg10 : memref<40xi32, #tpu.memory_space<vmem>>) target_semaphore(%arg22 : memref<!tpu.dma_semaphore, #tpu.memory_space<semaphore_mem>>)
    %dma_start3A_52 = tpu.memref_slice %arg6[%add3A_49] : memref<320000xi32, #tpu.memory_space<hbm>> -> memref<40xi32, #tpu.memory_space<hbm>>
    %dma_start3A_53 = tpu.memref_slice %arg6[%add3A_49] : memref<320000xi32, #tpu.memory_space<hbm>> -> memref<40xi32, #tpu.memory_space<hbm>>
    tpu.enqueue_dma source(%dma_start3A_53 : memref<40xi32, #tpu.memory_space<hbm>>) target(%arg11 : memref<40xi32, #tpu.memory_space<vmem>>) target_semaphore(%arg22 : memref<!tpu.dma_semaphore, #tpu.memory_space<semaphore_mem>>)
    %add3A_54 = arith.constant 0 : i32
    %add3A_55 = arith.addi %mul3A_2, %add3A_54 : i32
    %dma_start3A_56 = arith.constant 0 : i32
    %dma_start3A_57 = tpu.memref_slice %arg4[%add3A_55, %dma_start3A_56] : memref<320000x128xf32, #tpu.memory_space<hbm>> -> memref<40x128xf32, #tpu.memory_space<hbm>>
    %dma_start3A_58 = arith.constant 0 : i32
    %dma_start3A_59 = tpu.memref_slice %arg4[%add3A_55, %dma_start3A_58] : memref<320000x128xf32, #tpu.memory_space<hbm>> -> memref<40x128xf32, #tpu.memory_space<hbm>>
    tpu.enqueue_dma source(%dma_start3A_59 : memref<40x128xf32, #tpu.memory_space<hbm>>) target(%arg18 : memref<40x128xf32, #tpu.memory_space<vmem>>) target_semaphore(%arg23 : memref<!tpu.dma_semaphore, #tpu.memory_space<semaphore_mem>>)
    %dma_wait3A = arith.constant 0 : i32
    %dma_wait3A_60 = tpu.memref_slice %arg5[%dma_wait3A] : memref<320000xi32, #tpu.memory_space<hbm>> -> memref<40xi32, #tpu.memory_space<hbm>>
    %dma_wait3A_61 = arith.constant 0 : i32
    %dma_wait3A_62 = tpu.memref_slice %arg5[%dma_wait3A_61] : memref<320000xi32, #tpu.memory_space<hbm>> -> memref<40xi32, #tpu.memory_space<hbm>>
    tpu.wait_dma2 semaphore(%arg21 : memref<!tpu.dma_semaphore, #tpu.memory_space<semaphore_mem>>) src(%dma_wait3A_62 : memref<40xi32, #tpu.memory_space<hbm>>) dst(%arg8 : memref<40xi32, #tpu.memory_space<vmem>>)
    %dma_wait3A_63 = arith.constant 0 : i32
    %dma_wait3A_64 = tpu.memref_slice %arg6[%dma_wait3A_63] : memref<320000xi32, #tpu.memory_space<hbm>> -> memref<40xi32, #tpu.memory_space<hbm>>
    %dma_wait3A_65 = arith.constant 0 : i32
    %dma_wait3A_66 = tpu.memref_slice %arg6[%dma_wait3A_65] : memref<320000xi32, #tpu.memory_space<hbm>> -> memref<40xi32, #tpu.memory_space<hbm>>
    tpu.wait_dma2 semaphore(%arg21 : memref<!tpu.dma_semaphore, #tpu.memory_space<semaphore_mem>>) src(%dma_wait3A_66 : memref<40xi32, #tpu.memory_space<hbm>>) dst(%arg9 : memref<40xi32, #tpu.memory_space<vmem>>)
    %dma_start3A_67 = arith.constant 0 : i32
    %dma_start3A_68 = arith.constant 0 : i32
    %dma_start3A_69 = tpu.memref_slice %arg2[%dma_start3A_67, %dma_start3A_68] : memref<10000x256xf32, #tpu.memory_space<hbm>> -> memref<10000x256xf32, #tpu.memory_space<hbm>>
    tpu.enqueue_indirect_dma source(%dma_start3A_69 : memref<10000x256xf32, #tpu.memory_space<hbm>>) target(%arg14 : memref<40x256xf32, #tpu.memory_space<vmem>>) offsets(%arg8 : memref<40xi32, #tpu.memory_space<vmem>>) semaphore(%arg25 : memref<!tpu.dma_semaphore, #tpu.memory_space<semaphore_mem>>)
    %dma_start3A_70 = arith.constant 0 : i32
    %dma_start3A_71 = arith.constant 0 : i32
    %dma_start3A_72 = tpu.memref_slice %arg3[%dma_start3A_70, %dma_start3A_71] : memref<10000x128xf32, #tpu.memory_space<hbm>> -> memref<10000x128xf32, #tpu.memory_space<hbm>>
    tpu.enqueue_indirect_dma source(%dma_start3A_72 : memref<10000x128xf32, #tpu.memory_space<hbm>>) target(%arg16 : memref<40x128xf32, #tpu.memory_space<vmem>>) offsets(%arg9 : memref<40xi32, #tpu.memory_space<vmem>>) semaphore(%arg25 : memref<!tpu.dma_semaphore, #tpu.memory_space<semaphore_mem>>)
    %scan3A_73 = arith.constant 0 : i32
    %scan3A_74 = arith.constant 0 : i32
    %scan3A_75 = arith.constant 125 : i32
    %scan3A_76 = arith.addi %scan3A_74, %scan3A_75 : i32
    %scan3A_77 = arith.constant 1 : i32
    scf.for %scan3A_86 = %scan3A_74 to %scan3A_76 step %scan3A_77  : i32 {
      %mul3A_87 = arith.constant 2 : i32
      %mul3A_88 = arith.muli %mul3A_87, %scan3A_86 : i32
      %dma_wait3A_89 = arith.constant 0 : i32
      %dma_wait3A_90 = arith.constant 0 : i32
      %dma_wait3A_91 = tpu.memref_slice %arg2[%dma_wait3A_89, %dma_wait3A_90] : memref<10000x256xf32, #tpu.memory_space<hbm>> -> memref<40x256xf32, #tpu.memory_space<hbm>>
      %dma_wait3A_92 = arith.constant 0 : i32
      %dma_wait3A_93 = arith.constant 0 : i32
      %dma_wait3A_94 = tpu.memref_slice %arg2[%dma_wait3A_92, %dma_wait3A_93] : memref<10000x256xf32, #tpu.memory_space<hbm>> -> memref<40x256xf32, #tpu.memory_space<hbm>>
      tpu.wait_dma2 semaphore(%arg25 : memref<!tpu.dma_semaphore, #tpu.memory_space<semaphore_mem>>) src(%dma_wait3A_94 : memref<40x256xf32, #tpu.memory_space<hbm>>) dst(%arg14 : memref<40x256xf32, #tpu.memory_space<vmem>>)
      %dma_wait3A_95 = arith.constant 0 : i32
      %dma_wait3A_96 = arith.constant 0 : i32
      %dma_wait3A_97 = tpu.memref_slice %arg3[%dma_wait3A_95, %dma_wait3A_96] : memref<10000x128xf32, #tpu.memory_space<hbm>> -> memref<40x128xf32, #tpu.memory_space<hbm>>
      %dma_wait3A_98 = arith.constant 0 : i32
      %dma_wait3A_99 = arith.constant 0 : i32
      %dma_wait3A_100 = tpu.memref_slice %arg3[%dma_wait3A_98, %dma_wait3A_99] : memref<10000x128xf32, #tpu.memory_space<hbm>> -> memref<40x128xf32, #tpu.memory_space<hbm>>
      tpu.wait_dma2 semaphore(%arg25 : memref<!tpu.dma_semaphore, #tpu.memory_space<semaphore_mem>>) src(%dma_wait3A_100 : memref<40x128xf32, #tpu.memory_space<hbm>>) dst(%arg16 : memref<40x128xf32, #tpu.memory_space<vmem>>)
      %add3A_101 = arith.constant 1 : i32
      %add3A_102 = arith.addi %mul3A_88, %add3A_101 : i32
      %lt3A = arith.constant 250 : i32
      %lt3A_103 = arith.cmpi slt, %add3A_102, %lt3A : i32
      %convert_element_type3A = arith.extui %lt3A_103 : i1 to i32
      %cond3A = arith.constant 0 : i32
      %cond3A_104 = arith.cmpi ne, %convert_element_type3A, %cond3A : i32
      scf.if %cond3A_104 {
        %dma_wait3A_228 = arith.constant 0 : i32
        %dma_wait3A_229 = tpu.memref_slice %arg5[%dma_wait3A_228] : memref<320000xi32, #tpu.memory_space<hbm>> -> memref<40xi32, #tpu.memory_space<hbm>>
        %dma_wait3A_230 = arith.constant 0 : i32
        %dma_wait3A_231 = tpu.memref_slice %arg5[%dma_wait3A_230] : memref<320000xi32, #tpu.memory_space<hbm>> -> memref<40xi32, #tpu.memory_space<hbm>>
        tpu.wait_dma2 semaphore(%arg22 : memref<!tpu.dma_semaphore, #tpu.memory_space<semaphore_mem>>) src(%dma_wait3A_231 : memref<40xi32, #tpu.memory_space<hbm>>) dst(%arg10 : memref<40xi32, #tpu.memory_space<vmem>>)
        %dma_wait3A_232 = arith.constant 0 : i32
        %dma_wait3A_233 = tpu.memref_slice %arg6[%dma_wait3A_232] : memref<320000xi32, #tpu.memory_space<hbm>> -> memref<40xi32, #tpu.memory_space<hbm>>
        %dma_wait3A_234 = arith.constant 0 : i32
        %dma_wait3A_235 = tpu.memref_slice %arg6[%dma_wait3A_234] : memref<320000xi32, #tpu.memory_space<hbm>> -> memref<40xi32, #tpu.memory_space<hbm>>
        tpu.wait_dma2 semaphore(%arg22 : memref<!tpu.dma_semaphore, #tpu.memory_space<semaphore_mem>>) src(%dma_wait3A_235 : memref<40xi32, #tpu.memory_space<hbm>>) dst(%arg11 : memref<40xi32, #tpu.memory_space<vmem>>)
        %dma_start3A_236 = arith.constant 0 : i32
        %dma_start3A_237 = arith.constant 0 : i32
        %dma_start3A_238 = tpu.memref_slice %arg2[%dma_start3A_236, %dma_start3A_237] : memref<10000x256xf32, #tpu.memory_space<hbm>> -> memref<10000x256xf32, #tpu.memory_space<hbm>>
        tpu.enqueue_indirect_dma source(%dma_start3A_238 : memref<10000x256xf32, #tpu.memory_space<hbm>>) target(%arg15 : memref<40x256xf32, #tpu.memory_space<vmem>>) offsets(%arg10 : memref<40xi32, #tpu.memory_space<vmem>>) semaphore(%arg26 : memref<!tpu.dma_semaphore, #tpu.memory_space<semaphore_mem>>)
        %dma_start3A_239 = arith.constant 0 : i32
        %dma_start3A_240 = arith.constant 0 : i32
        %dma_start3A_241 = tpu.memref_slice %arg3[%dma_start3A_239, %dma_start3A_240] : memref<10000x128xf32, #tpu.memory_space<hbm>> -> memref<10000x128xf32, #tpu.memory_space<hbm>>
        tpu.enqueue_indirect_dma source(%dma_start3A_241 : memref<10000x128xf32, #tpu.memory_space<hbm>>) target(%arg17 : memref<40x128xf32, #tpu.memory_space<vmem>>) offsets(%arg11 : memref<40xi32, #tpu.memory_space<vmem>>) semaphore(%arg26 : memref<!tpu.dma_semaphore, #tpu.memory_space<semaphore_mem>>)
      } else {
      }
      %dma_wait3A_105 = arith.constant 0 : i32
      %dma_wait3A_106 = arith.constant 0 : i32
      %dma_wait3A_107 = tpu.memref_slice %arg4[%dma_wait3A_105, %dma_wait3A_106] : memref<320000x128xf32, #tpu.memory_space<hbm>> -> memref<40x128xf32, #tpu.memory_space<hbm>>
      %dma_wait3A_108 = arith.constant 0 : i32
      %dma_wait3A_109 = arith.constant 0 : i32
      %dma_wait3A_110 = tpu.memref_slice %arg4[%dma_wait3A_108, %dma_wait3A_109] : memref<320000x128xf32, #tpu.memory_space<hbm>> -> memref<40x128xf32, #tpu.memory_space<hbm>>
      tpu.wait_dma2 semaphore(%arg23 : memref<!tpu.dma_semaphore, #tpu.memory_space<semaphore_mem>>) src(%dma_wait3A_110 : memref<40x128xf32, #tpu.memory_space<hbm>>) dst(%arg18 : memref<40x128xf32, #tpu.memory_space<vmem>>)
      %ge3A = arith.constant 1 : i32
      %ge3A_111 = arith.cmpi sge, %mul3A_88, %ge3A : i32
      %convert_element_type3A_112 = arith.extui %ge3A_111 : i1 to i32
      %cond3A_113 = arith.constant 0 : i32
      %cond3A_114 = arith.cmpi ne, %convert_element_type3A_112, %cond3A_113 : i32
      scf.if %cond3A_114 {
        %dma_wait3A_228 = arith.constant 0 : i32
        %dma_wait3A_229 = arith.constant 0 : i32
        %dma_wait3A_230 = tpu.memref_slice %arg4[%dma_wait3A_228, %dma_wait3A_229] : memref<320000x128xf32, #tpu.memory_space<hbm>> -> memref<40x128xf32, #tpu.memory_space<hbm>>
        %dma_wait3A_231 = arith.constant 0 : i32
        %dma_wait3A_232 = arith.constant 0 : i32
        %dma_wait3A_233 = tpu.memref_slice %arg4[%dma_wait3A_231, %dma_wait3A_232] : memref<320000x128xf32, #tpu.memory_space<hbm>> -> memref<40x128xf32, #tpu.memory_space<hbm>>
        tpu.wait_dma2 semaphore(%arg28 : memref<!tpu.dma_semaphore, #tpu.memory_space<semaphore_mem>>) src(%dma_wait3A_233 : memref<40x128xf32, #tpu.memory_space<hbm>>) dst(%arg19 : memref<40x128xf32, #tpu.memory_space<vmem>>)
      } else {
      }
      %add3A_115 = arith.constant 1 : i32
      %add3A_116 = arith.addi %mul3A_88, %add3A_115 : i32
      %lt3A_117 = arith.constant 250 : i32
      %lt3A_118 = arith.cmpi slt, %add3A_116, %lt3A_117 : i32
      %convert_element_type3A_119 = arith.extui %lt3A_118 : i1 to i32
      %cond3A_120 = arith.constant 0 : i32
      %cond3A_121 = arith.cmpi ne, %convert_element_type3A_119, %cond3A_120 : i32
      scf.if %cond3A_121 {
        %add3A_228 = arith.constant 1 : i32
        %add3A_229 = arith.addi %mul3A_88, %add3A_228 : i32
        %mul3A_230 = arith.constant 40 : i32
        %mul3A_231 = arith.muli %add3A_229, %mul3A_230 : i32
        %add3A_232 = arith.addi %mul3A_2, %mul3A_231 : i32
        %dma_start3A_233 = arith.constant 0 : i32
        %dma_start3A_234 = tpu.memref_slice %arg4[%add3A_232, %dma_start3A_233] : memref<320000x128xf32, #tpu.memory_space<hbm>> -> memref<40x128xf32, #tpu.memory_space<hbm>>
        %dma_start3A_235 = arith.constant 0 : i32
        %dma_start3A_236 = tpu.memref_slice %arg4[%add3A_232, %dma_start3A_235] : memref<320000x128xf32, #tpu.memory_space<hbm>> -> memref<40x128xf32, #tpu.memory_space<hbm>>
        tpu.enqueue_dma source(%dma_start3A_236 : memref<40x128xf32, #tpu.memory_space<hbm>>) target(%arg19 : memref<40x128xf32, #tpu.memory_space<vmem>>) target_semaphore(%arg24 : memref<!tpu.dma_semaphore, #tpu.memory_space<semaphore_mem>>)
      } else {
      }
      %parallel_loop3A = arith.constant 0 : i32
      %parallel_loop3A_122 = arith.constant 40 : i32
      %parallel_loop3A_123 = arith.constant 1 : i32
      scf.for %parallel_loop3A_228 = %parallel_loop3A to %parallel_loop3A_122 step %parallel_loop3A_123  : i32 {
        %parallel_loop3A_229 = arith.index_cast %parallel_loop3A_228 : i32 to index
        %parallel_loop3A_230 = arith.constant 0 : index
        %parallel_loop3A_231 = tpu.vector_load %arg14[%parallel_loop3A_229, %parallel_loop3A_230] {strides = array<i32>} : memref<40x256xf32, #tpu.memory_space<vmem>>, vector<1x16xf32>,
        %parallel_loop3A_232 = vector.shape_cast %parallel_loop3A_231 : vector<1x16xf32> to vector<16xf32>
        %parallel_loop3A_233 = arith.index_cast %parallel_loop3A_228 : i32 to index
        %parallel_loop3A_234 = arith.constant 128 : index
        %parallel_loop3A_235 = tpu.vector_load %arg14[%parallel_loop3A_233, %parallel_loop3A_234] {strides = array<i32>} : memref<40x256xf32, #tpu.memory_space<vmem>>, vector<1x16xf32>,
        %parallel_loop3A_236 = vector.shape_cast %parallel_loop3A_235 : vector<1x16xf32> to vector<16xf32>
        %parallel_loop3A_237 = arith.index_cast %parallel_loop3A_228 : i32 to index
        %parallel_loop3A_238 = arith.constant 0 : index
        %parallel_loop3A_239 = tpu.vector_load %arg16[%parallel_loop3A_237, %parallel_loop3A_238] {strides = array<i32>} : memref<40x128xf32, #tpu.memory_space<vmem>>, vector<1x16xf32>,
        %parallel_loop3A_240 = vector.shape_cast %parallel_loop3A_239 : vector<1x16xf32> to vector<16xf32>
        %parallel_loop3A_241 = arith.index_cast %parallel_loop3A_228 : i32 to index
        %parallel_loop3A_242 = arith.constant 0 : index
        %parallel_loop3A_243 = tpu.vector_load %arg18[%parallel_loop3A_241, %parallel_loop3A_242] {strides = array<i32>} : memref<40x128xf32, #tpu.memory_space<vmem>>, vector<1x16xf32>,
        %parallel_loop3A_244 = vector.shape_cast %parallel_loop3A_243 : vector<1x16xf32> to vector<16xf32>
        %parallel_loop3A_245 = arith.addf %parallel_loop3A_232, %parallel_loop3A_240 : vector<16xf32>
        %parallel_loop3A_246 = arith.addf %parallel_loop3A_245, %parallel_loop3A_244 : vector<16xf32>
        %parallel_loop3A_247 = arith.constant 0.000000e+00 : f32
        %parallel_loop3A_248 = vector.broadcast %parallel_loop3A_247 : f32 to vector<16xf32>
        %parallel_loop3A_249 = arith.subf %parallel_loop3A_248, %parallel_loop3A_246 : vector<16xf32>
        %parallel_loop3A_250 = math.exp %parallel_loop3A_249 : vector<16xf32>
        %parallel_loop3A_251 = arith.constant 1.000000e+00 : f32
        %parallel_loop3A_252 = vector.broadcast %parallel_loop3A_251 : f32 to vector<16xf32>
        %parallel_loop3A_253 = arith.addf %parallel_loop3A_252, %parallel_loop3A_250 : vector<16xf32>
        %parallel_loop3A_254 = arith.constant 1.000000e+00 : f32
        %parallel_loop3A_255 = vector.broadcast %parallel_loop3A_254 : f32 to vector<16xf32>
        %parallel_loop3A_256 = arith.divf %parallel_loop3A_255, %parallel_loop3A_253 : vector<16xf32>
        %parallel_loop3A_257 = arith.mulf %parallel_loop3A_236, %parallel_loop3A_256 : vector<16xf32>
        %parallel_loop3A_258 = arith.index_cast %parallel_loop3A_228 : i32 to index
        %parallel_loop3A_259 = arith.constant 0 : index
        %parallel_loop3A_260 = tpu.vector_load %arg18[%parallel_loop3A_258, %parallel_loop3A_259] {strides = array<i32>} : memref<40x128xf32, #tpu.memory_space<vmem>>, vector<1x16xf32>,
        %parallel_loop3A_261 = vector.shape_cast %parallel_loop3A_260 : vector<1x16xf32> to vector<16xf32>
        %parallel_loop3A_262 = vector.shape_cast %parallel_loop3A_257 : vector<16xf32> to vector<1x16xf32>
        tpu.vector_store %arg18[%parallel_loop3A_258, %parallel_loop3A_259], %parallel_loop3A_262 {strides = array<i32>} : memref<40x128xf32, #tpu.memory_space<vmem>>, vector<1x16xf32>,
        %parallel_loop3A_263 = arith.index_cast %parallel_loop3A_228 : i32 to index
        %parallel_loop3A_264 = arith.constant 16 : index
        %parallel_loop3A_265 = tpu.vector_load %arg14[%parallel_loop3A_263, %parallel_loop3A_264] {strides = array<i32>} : memref<40x256xf32, #tpu.memory_space<vmem>>, vector<1x16xf32>,
        %parallel_loop3A_266 = vector.shape_cast %parallel_loop3A_265 : vector<1x16xf32> to vector<16xf32>
        %parallel_loop3A_267 = arith.index_cast %parallel_loop3A_228 : i32 to index
        %parallel_loop3A_268 = arith.constant 144 : index
        %parallel_loop3A_269 = tpu.vector_load %arg14[%parallel_loop3A_267, %parallel_loop3A_268] {strides = array<i32>} : memref<40x256xf32, #tpu.memory_space<vmem>>, vector<1x16xf32>,
        %parallel_loop3A_270 = vector.shape_cast %parallel_loop3A_269 : vector<1x16xf32> to vector<16xf32>
        %parallel_loop3A_271 = arith.index_cast %parallel_loop3A_228 : i32 to index
        %parallel_loop3A_272 = arith.constant 16 : index
        %parallel_loop3A_273 = tpu.vector_load %arg16[%parallel_loop3A_271, %parallel_loop3A_272] {strides = array<i32>} : memref<40x128xf32, #tpu.memory_space<vmem>>, vector<1x16xf32>,
        %parallel_loop3A_274 = vector.shape_cast %parallel_loop3A_273 : vector<1x16xf32> to vector<16xf32>
        %parallel_loop3A_275 = arith.index_cast %parallel_loop3A_228 : i32 to index
        %parallel_loop3A_276 = arith.constant 16 : index
        %parallel_loop3A_277 = tpu.vector_load %arg18[%parallel_loop3A_275, %parallel_loop3A_276] {strides = array<i32>} : memref<40x128xf32, #tpu.memory_space<vmem>>, vector<1x16xf32>,
        %parallel_loop3A_278 = vector.shape_cast %parallel_loop3A_277 : vector<1x16xf32> to vector<16xf32>
        %parallel_loop3A_279 = arith.addf %parallel_loop3A_266, %parallel_loop3A_274 : vector<16xf32>
        %parallel_loop3A_280 = arith.addf %parallel_loop3A_279, %parallel_loop3A_278 : vector<16xf32>
        %parallel_loop3A_281 = arith.constant 0.000000e+00 : f32
        %parallel_loop3A_282 = vector.broadcast %parallel_loop3A_281 : f32 to vector<16xf32>
        %parallel_loop3A_283 = arith.subf %parallel_loop3A_282, %parallel_loop3A_280 : vector<16xf32>
        %parallel_loop3A_284 = math.exp %parallel_loop3A_283 : vector<16xf32>
        %parallel_loop3A_285 = arith.constant 1.000000e+00 : f32
        %parallel_loop3A_286 = vector.broadcast %parallel_loop3A_285 : f32 to vector<16xf32>
        %parallel_loop3A_287 = arith.addf %parallel_loop3A_286, %parallel_loop3A_284 : vector<16xf32>
        %parallel_loop3A_288 = arith.constant 1.000000e+00 : f32
        %parallel_loop3A_289 = vector.broadcast %parallel_loop3A_288 : f32 to vector<16xf32>
        %parallel_loop3A_290 = arith.divf %parallel_loop3A_289, %parallel_loop3A_287 : vector<16xf32>
        %parallel_loop3A_291 = arith.mulf %parallel_loop3A_270, %parallel_loop3A_290 : vector<16xf32>
        %parallel_loop3A_292 = arith.index_cast %parallel_loop3A_228 : i32 to index
        %parallel_loop3A_293 = arith.constant 16 : index
        %parallel_loop3A_294 = tpu.vector_load %arg18[%parallel_loop3A_292, %parallel_loop3A_293] {strides = array<i32>} : memref<40x128xf32, #tpu.memory_space<vmem>>, vector<1x16xf32>,
        %parallel_loop3A_295 = vector.shape_cast %parallel_loop3A_294 : vector<1x16xf32> to vector<16xf32>
        %parallel_loop3A_296 = vector.shape_cast %parallel_loop3A_291 : vector<16xf32> to vector<1x16xf32>
        tpu.vector_store %arg18[%parallel_loop3A_292, %parallel_loop3A_293], %parallel_loop3A_296 {strides = array<i32>} : memref<40x128xf32, #tpu.memory_space<vmem>>, vector<1x16xf32>,
        %parallel_loop3A_297 = arith.index_cast %parallel_loop3A_228 : i32 to index
        %parallel_loop3A_298 = arith.constant 32 : index
        %parallel_loop3A_299 = tpu.vector_load %arg14[%parallel_loop3A_297, %parallel_loop3A_298] {strides = array<i32>} : memref<40x256xf32, #tpu.memory_space<vmem>>, vector<1x16xf32>,
        %parallel_loop3A_300 = vector.shape_cast %parallel_loop3A_299 : vector<1x16xf32> to vector<16xf32>
        %parallel_loop3A_301 = arith.index_cast %parallel_loop3A_228 : i32 to index
        %parallel_loop3A_302 = arith.constant 160 : index
        %parallel_loop3A_303 = tpu.vector_load %arg14[%parallel_loop3A_301, %parallel_loop3A_302] {strides = array<i32>} : memref<40x256xf32, #tpu.memory_space<vmem>>, vector<1x16xf32>,
        %parallel_loop3A_304 = vector.shape_cast %parallel_loop3A_303 : vector<1x16xf32> to vector<16xf32>
        %parallel_loop3A_305 = arith.index_cast %parallel_loop3A_228 : i32 to index
        %parallel_loop3A_306 = arith.constant 32 : index
        %parallel_loop3A_307 = tpu.vector_load %arg16[%parallel_loop3A_305, %parallel_loop3A_306] {strides = array<i32>} : memref<40x128xf32, #tpu.memory_space<vmem>>, vector<1x16xf32>,
        %parallel_loop3A_308 = vector.shape_cast %parallel_loop3A_307 : vector<1x16xf32> to vector<16xf32>
        %parallel_loop3A_309 = arith.index_cast %parallel_loop3A_228 : i32 to index
        %parallel_loop3A_310 = arith.constant 32 : index
        %parallel_loop3A_311 = tpu.vector_load %arg18[%parallel_loop3A_309, %parallel_loop3A_310] {strides = array<i32>} : memref<40x128xf32, #tpu.memory_space<vmem>>, vector<1x16xf32>,
        %parallel_loop3A_312 = vector.shape_cast %parallel_loop3A_311 : vector<1x16xf32> to vector<16xf32>
        %parallel_loop3A_313 = arith.addf %parallel_loop3A_300, %parallel_loop3A_308 : vector<16xf32>
        %parallel_loop3A_314 = arith.addf %parallel_loop3A_313, %parallel_loop3A_312 : vector<16xf32>
        %parallel_loop3A_315 = arith.constant 0.000000e+00 : f32
        %parallel_loop3A_316 = vector.broadcast %parallel_loop3A_315 : f32 to vector<16xf32>
        %parallel_loop3A_317 = arith.subf %parallel_loop3A_316, %parallel_loop3A_314 : vector<16xf32>
        %parallel_loop3A_318 = math.exp %parallel_loop3A_317 : vector<16xf32>
        %parallel_loop3A_319 = arith.constant 1.000000e+00 : f32
        %parallel_loop3A_320 = vector.broadcast %parallel_loop3A_319 : f32 to vector<16xf32>
        %parallel_loop3A_321 = arith.addf %parallel_loop3A_320, %parallel_loop3A_318 : vector<16xf32>
        %parallel_loop3A_322 = arith.constant 1.000000e+00 : f32
        %parallel_loop3A_323 = vector.broadcast %parallel_loop3A_322 : f32 to vector<16xf32>
        %parallel_loop3A_324 = arith.divf %parallel_loop3A_323, %parallel_loop3A_321 : vector<16xf32>
        %parallel_loop3A_325 = arith.mulf %parallel_loop3A_304, %parallel_loop3A_324 : vector<16xf32>
        %parallel_loop3A_326 = arith.index_cast %parallel_loop3A_228 : i32 to index
        %parallel_loop3A_327 = arith.constant 32 : index
        %parallel_loop3A_328 = tpu.vector_load %arg18[%parallel_loop3A_326, %parallel_loop3A_327] {strides = array<i32>} : memref<40x128xf32, #tpu.memory_space<vmem>>, vector<1x16xf32>,
        %parallel_loop3A_329 = vector.shape_cast %parallel_loop3A_328 : vector<1x16xf32> to vector<16xf32>
        %parallel_loop3A_330 = vector.shape_cast %parallel_loop3A_325 : vector<16xf32> to vector<1x16xf32>
        tpu.vector_store %arg18[%parallel_loop3A_326, %parallel_loop3A_327], %parallel_loop3A_330 {strides = array<i32>} : memref<40x128xf32, #tpu.memory_space<vmem>>, vector<1x16xf32>,
        %parallel_loop3A_331 = arith.index_cast %parallel_loop3A_228 : i32 to index
        %parallel_loop3A_332 = arith.constant 48 : index
        %parallel_loop3A_333 = tpu.vector_load %arg14[%parallel_loop3A_331, %parallel_loop3A_332] {strides = array<i32>} : memref<40x256xf32, #tpu.memory_space<vmem>>, vector<1x16xf32>,
        %parallel_loop3A_334 = vector.shape_cast %parallel_loop3A_333 : vector<1x16xf32> to vector<16xf32>
        %parallel_loop3A_335 = arith.index_cast %parallel_loop3A_228 : i32 to index
        %parallel_loop3A_336 = arith.constant 176 : index
        %parallel_loop3A_337 = tpu.vector_load %arg14[%parallel_loop3A_335, %parallel_loop3A_336] {strides = array<i32>} : memref<40x256xf32, #tpu.memory_space<vmem>>, vector<1x16xf32>,
        %parallel_loop3A_338 = vector.shape_cast %parallel_loop3A_337 : vector<1x16xf32> to vector<16xf32>
        %parallel_loop3A_339 = arith.index_cast %parallel_loop3A_228 : i32 to index
        %parallel_loop3A_340 = arith.constant 48 : index
        %parallel_loop3A_341 = tpu.vector_load %arg16[%parallel_loop3A_339, %parallel_loop3A_340] {strides = array<i32>} : memref<40x128xf32, #tpu.memory_space<vmem>>, vector<1x16xf32>,
        %parallel_loop3A_342 = vector.shape_cast %parallel_loop3A_341 : vector<1x16xf32> to vector<16xf32>
        %parallel_loop3A_343 = arith.index_cast %parallel_loop3A_228 : i32 to index
        %parallel_loop3A_344 = arith.constant 48 : index
        %parallel_loop3A_345 = tpu.vector_load %arg18[%parallel_loop3A_343, %parallel_loop3A_344] {strides = array<i32>} : memref<40x128xf32, #tpu.memory_space<vmem>>, vector<1x16xf32>,
        %parallel_loop3A_346 = vector.shape_cast %parallel_loop3A_345 : vector<1x16xf32> to vector<16xf32>
        %parallel_loop3A_347 = arith.addf %parallel_loop3A_334, %parallel_loop3A_342 : vector<16xf32>
        %parallel_loop3A_348 = arith.addf %parallel_loop3A_347, %parallel_loop3A_346 : vector<16xf32>
        %parallel_loop3A_349 = arith.constant 0.000000e+00 : f32
        %parallel_loop3A_350 = vector.broadcast %parallel_loop3A_349 : f32 to vector<16xf32>
        %parallel_loop3A_351 = arith.subf %parallel_loop3A_350, %parallel_loop3A_348 : vector<16xf32>
        %parallel_loop3A_352 = math.exp %parallel_loop3A_351 : vector<16xf32>
        %parallel_loop3A_353 = arith.constant 1.000000e+00 : f32
        %parallel_loop3A_354 = vector.broadcast %parallel_loop3A_353 : f32 to vector<16xf32>
        %parallel_loop3A_355 = arith.addf %parallel_loop3A_354, %parallel_loop3A_352 : vector<16xf32>
        %parallel_loop3A_356 = arith.constant 1.000000e+00 : f32
        %parallel_loop3A_357 = vector.broadcast %parallel_loop3A_356 : f32 to vector<16xf32>
        %parallel_loop3A_358 = arith.divf %parallel_loop3A_357, %parallel_loop3A_355 : vector<16xf32>
        %parallel_loop3A_359 = arith.mulf %parallel_loop3A_338, %parallel_loop3A_358 : vector<16xf32>
        %parallel_loop3A_360 = arith.index_cast %parallel_loop3A_228 : i32 to index
        %parallel_loop3A_361 = arith.constant 48 : index
        %parallel_loop3A_362 = tpu.vector_load %arg18[%parallel_loop3A_360, %parallel_loop3A_361] {strides = array<i32>} : memref<40x128xf32, #tpu.memory_space<vmem>>, vector<1x16xf32>,
        %parallel_loop3A_363 = vector.shape_cast %parallel_loop3A_362 : vector<1x16xf32> to vector<16xf32>
        %parallel_loop3A_364 = vector.shape_cast %parallel_loop3A_359 : vector<16xf32> to vector<1x16xf32>
        tpu.vector_store %arg18[%parallel_loop3A_360, %parallel_loop3A_361], %parallel_loop3A_364 {strides = array<i32>} : memref<40x128xf32, #tpu.memory_space<vmem>>, vector<1x16xf32>,
        %parallel_loop3A_365 = arith.index_cast %parallel_loop3A_228 : i32 to index
        %parallel_loop3A_366 = arith.constant 64 : index
        %parallel_loop3A_367 = tpu.vector_load %arg14[%parallel_loop3A_365, %parallel_loop3A_366] {strides = array<i32>} : memref<40x256xf32, #tpu.memory_space<vmem>>, vector<1x16xf32>,
        %parallel_loop3A_368 = vector.shape_cast %parallel_loop3A_367 : vector<1x16xf32> to vector<16xf32>
        %parallel_loop3A_369 = arith.index_cast %parallel_loop3A_228 : i32 to index
        %parallel_loop3A_370 = arith.constant 192 : index
        %parallel_loop3A_371 = tpu.vector_load %arg14[%parallel_loop3A_369, %parallel_loop3A_370] {strides = array<i32>} : memref<40x256xf32, #tpu.memory_space<vmem>>, vector<1x16xf32>,
        %parallel_loop3A_372 = vector.shape_cast %parallel_loop3A_371 : vector<1x16xf32> to vector<16xf32>
        %parallel_loop3A_373 = arith.index_cast %parallel_loop3A_228 : i32 to index
        %parallel_loop3A_374 = arith.constant 64 : index
        %parallel_loop3A_375 = tpu.vector_load %arg16[%parallel_loop3A_373, %parallel_loop3A_374] {strides = array<i32>} : memref<40x128xf32, #tpu.memory_space<vmem>>, vector<1x16xf32>,
        %parallel_loop3A_376 = vector.shape_cast %parallel_loop3A_375 : vector<1x16xf32> to vector<16xf32>
        %parallel_loop3A_377 = arith.index_cast %parallel_loop3A_228 : i32 to index
        %parallel_loop3A_378 = arith.constant 64 : index
        %parallel_loop3A_379 = tpu.vector_load %arg18[%parallel_loop3A_377, %parallel_loop3A_378] {strides = array<i32>} : memref<40x128xf32, #tpu.memory_space<vmem>>, vector<1x16xf32>,
        %parallel_loop3A_380 = vector.shape_cast %parallel_loop3A_379 : vector<1x16xf32> to vector<16xf32>
        %parallel_loop3A_381 = arith.addf %parallel_loop3A_368, %parallel_loop3A_376 : vector<16xf32>
        %parallel_loop3A_382 = arith.addf %parallel_loop3A_381, %parallel_loop3A_380 : vector<16xf32>
        %parallel_loop3A_383 = arith.constant 0.000000e+00 : f32
        %parallel_loop3A_384 = vector.broadcast %parallel_loop3A_383 : f32 to vector<16xf32>
        %parallel_loop3A_385 = arith.subf %parallel_loop3A_384, %parallel_loop3A_382 : vector<16xf32>
        %parallel_loop3A_386 = math.exp %parallel_loop3A_385 : vector<16xf32>
        %parallel_loop3A_387 = arith.constant 1.000000e+00 : f32
        %parallel_loop3A_388 = vector.broadcast %parallel_loop3A_387 : f32 to vector<16xf32>
        %parallel_loop3A_389 = arith.addf %parallel_loop3A_388, %parallel_loop3A_386 : vector<16xf32>
        %parallel_loop3A_390 = arith.constant 1.000000e+00 : f32
        %parallel_loop3A_391 = vector.broadcast %parallel_loop3A_390 : f32 to vector<16xf32>
        %parallel_loop3A_392 = arith.divf %parallel_loop3A_391, %parallel_loop3A_389 : vector<16xf32>
        %parallel_loop3A_393 = arith.mulf %parallel_loop3A_372, %parallel_loop3A_392 : vector<16xf32>
        %parallel_loop3A_394 = arith.index_cast %parallel_loop3A_228 : i32 to index
        %parallel_loop3A_395 = arith.constant 64 : index
        %parallel_loop3A_396 = tpu.vector_load %arg18[%parallel_loop3A_394, %parallel_loop3A_395] {strides = array<i32>} : memref<40x128xf32, #tpu.memory_space<vmem>>, vector<1x16xf32>,
        %parallel_loop3A_397 = vector.shape_cast %parallel_loop3A_396 : vector<1x16xf32> to vector<16xf32>
        %parallel_loop3A_398 = vector.shape_cast %parallel_loop3A_393 : vector<16xf32> to vector<1x16xf32>
        tpu.vector_store %arg18[%parallel_loop3A_394, %parallel_loop3A_395], %parallel_loop3A_398 {strides = array<i32>} : memref<40x128xf32, #tpu.memory_space<vmem>>, vector<1x16xf32>,
        %parallel_loop3A_399 = arith.index_cast %parallel_loop3A_228 : i32 to index
        %parallel_loop3A_400 = arith.constant 80 : index
        %parallel_loop3A_401 = tpu.vector_load %arg14[%parallel_loop3A_399, %parallel_loop3A_400] {strides = array<i32>} : memref<40x256xf32, #tpu.memory_space<vmem>>, vector<1x16xf32>,
        %parallel_loop3A_402 = vector.shape_cast %parallel_loop3A_401 : vector<1x16xf32> to vector<16xf32>
        %parallel_loop3A_403 = arith.index_cast %parallel_loop3A_228 : i32 to index
        %parallel_loop3A_404 = arith.constant 208 : index
        %parallel_loop3A_405 = tpu.vector_load %arg14[%parallel_loop3A_403, %parallel_loop3A_404] {strides = array<i32>} : memref<40x256xf32, #tpu.memory_space<vmem>>, vector<1x16xf32>,
        %parallel_loop3A_406 = vector.shape_cast %parallel_loop3A_405 : vector<1x16xf32> to vector<16xf32>
        %parallel_loop3A_407 = arith.index_cast %parallel_loop3A_228 : i32 to index
        %parallel_loop3A_408 = arith.constant 80 : index
        %parallel_loop3A_409 = tpu.vector_load %arg16[%parallel_loop3A_407, %parallel_loop3A_408] {strides = array<i32>} : memref<40x128xf32, #tpu.memory_space<vmem>>, vector<1x16xf32>,
        %parallel_loop3A_410 = vector.shape_cast %parallel_loop3A_409 : vector<1x16xf32> to vector<16xf32>
        %parallel_loop3A_411 = arith.index_cast %parallel_loop3A_228 : i32 to index
        %parallel_loop3A_412 = arith.constant 80 : index
        %parallel_loop3A_413 = tpu.vector_load %arg18[%parallel_loop3A_411, %parallel_loop3A_412] {strides = array<i32>} : memref<40x128xf32, #tpu.memory_space<vmem>>, vector<1x16xf32>,
        %parallel_loop3A_414 = vector.shape_cast %parallel_loop3A_413 : vector<1x16xf32> to vector<16xf32>
        %parallel_loop3A_415 = arith.addf %parallel_loop3A_402, %parallel_loop3A_410 : vector<16xf32>
        %parallel_loop3A_416 = arith.addf %parallel_loop3A_415, %parallel_loop3A_414 : vector<16xf32>
        %parallel_loop3A_417 = arith.constant 0.000000e+00 : f32
        %parallel_loop3A_418 = vector.broadcast %parallel_loop3A_417 : f32 to vector<16xf32>
        %parallel_loop3A_419 = arith.subf %parallel_loop3A_418, %parallel_loop3A_416 : vector<16xf32>
        %parallel_loop3A_420 = math.exp %parallel_loop3A_419 : vector<16xf32>
        %parallel_loop3A_421 = arith.constant 1.000000e+00 : f32
        %parallel_loop3A_422 = vector.broadcast %parallel_loop3A_421 : f32 to vector<16xf32>
        %parallel_loop3A_423 = arith.addf %parallel_loop3A_422, %parallel_loop3A_420 : vector<16xf32>
        %parallel_loop3A_424 = arith.constant 1.000000e+00 : f32
        %parallel_loop3A_425 = vector.broadcast %parallel_loop3A_424 : f32 to vector<16xf32>
        %parallel_loop3A_426 = arith.divf %parallel_loop3A_425, %parallel_loop3A_423 : vector<16xf32>
        %parallel_loop3A_427 = arith.mulf %parallel_loop3A_406, %parallel_loop3A_426 : vector<16xf32>
        %parallel_loop3A_428 = arith.index_cast %parallel_loop3A_228 : i32 to index
        %parallel_loop3A_429 = arith.constant 80 : index
        %parallel_loop3A_430 = tpu.vector_load %arg18[%parallel_loop3A_428, %parallel_loop3A_429] {strides = array<i32>} : memref<40x128xf32, #tpu.memory_space<vmem>>, vector<1x16xf32>,
        %parallel_loop3A_431 = vector.shape_cast %parallel_loop3A_430 : vector<1x16xf32> to vector<16xf32>
        %parallel_loop3A_432 = vector.shape_cast %parallel_loop3A_427 : vector<16xf32> to vector<1x16xf32>
        tpu.vector_store %arg18[%parallel_loop3A_428, %parallel_loop3A_429], %parallel_loop3A_432 {strides = array<i32>} : memref<40x128xf32, #tpu.memory_space<vmem>>, vector<1x16xf32>,
        %parallel_loop3A_433 = arith.index_cast %parallel_loop3A_228 : i32 to index
        %parallel_loop3A_434 = arith.constant 96 : index
        %parallel_loop3A_435 = tpu.vector_load %arg14[%parallel_loop3A_433, %parallel_loop3A_434] {strides = array<i32>} : memref<40x256xf32, #tpu.memory_space<vmem>>, vector<1x16xf32>,
        %parallel_loop3A_436 = vector.shape_cast %parallel_loop3A_435 : vector<1x16xf32> to vector<16xf32>
        %parallel_loop3A_437 = arith.index_cast %parallel_loop3A_228 : i32 to index
        %parallel_loop3A_438 = arith.constant 224 : index
        %parallel_loop3A_439 = tpu.vector_load %arg14[%parallel_loop3A_437, %parallel_loop3A_438] {strides = array<i32>} : memref<40x256xf32, #tpu.memory_space<vmem>>, vector<1x16xf32>,
        %parallel_loop3A_440 = vector.shape_cast %parallel_loop3A_439 : vector<1x16xf32> to vector<16xf32>
        %parallel_loop3A_441 = arith.index_cast %parallel_loop3A_228 : i32 to index
        %parallel_loop3A_442 = arith.constant 96 : index
        %parallel_loop3A_443 = tpu.vector_load %arg16[%parallel_loop3A_441, %parallel_loop3A_442] {strides = array<i32>} : memref<40x128xf32, #tpu.memory_space<vmem>>, vector<1x16xf32>,
        %parallel_loop3A_444 = vector.shape_cast %parallel_loop3A_443 : vector<1x16xf32> to vector<16xf32>
        %parallel_loop3A_445 = arith.index_cast %parallel_loop3A_228 : i32 to index
        %parallel_loop3A_446 = arith.constant 96 : index
        %parallel_loop3A_447 = tpu.vector_load %arg18[%parallel_loop3A_445, %parallel_loop3A_446] {strides = array<i32>} : memref<40x128xf32, #tpu.memory_space<vmem>>, vector<1x16xf32>,
        %parallel_loop3A_448 = vector.shape_cast %parallel_loop3A_447 : vector<1x16xf32> to vector<16xf32>
        %parallel_loop3A_449 = arith.addf %parallel_loop3A_436, %parallel_loop3A_444 : vector<16xf32>
        %parallel_loop3A_450 = arith.addf %parallel_loop3A_449, %parallel_loop3A_448 : vector<16xf32>
        %parallel_loop3A_451 = arith.constant 0.000000e+00 : f32
        %parallel_loop3A_452 = vector.broadcast %parallel_loop3A_451 : f32 to vector<16xf32>
        %parallel_loop3A_453 = arith.subf %parallel_loop3A_452, %parallel_loop3A_450 : vector<16xf32>
        %parallel_loop3A_454 = math.exp %parallel_loop3A_453 : vector<16xf32>
        %parallel_loop3A_455 = arith.constant 1.000000e+00 : f32
        %parallel_loop3A_456 = vector.broadcast %parallel_loop3A_455 : f32 to vector<16xf32>
        %parallel_loop3A_457 = arith.addf %parallel_loop3A_456, %parallel_loop3A_454 : vector<16xf32>
        %parallel_loop3A_458 = arith.constant 1.000000e+00 : f32
        %parallel_loop3A_459 = vector.broadcast %parallel_loop3A_458 : f32 to vector<16xf32>
        %parallel_loop3A_460 = arith.divf %parallel_loop3A_459, %parallel_loop3A_457 : vector<16xf32>
        %parallel_loop3A_461 = arith.mulf %parallel_loop3A_440, %parallel_loop3A_460 : vector<16xf32>
        %parallel_loop3A_462 = arith.index_cast %parallel_loop3A_228 : i32 to index
        %parallel_loop3A_463 = arith.constant 96 : index
        %parallel_loop3A_464 = tpu.vector_load %arg18[%parallel_loop3A_462, %parallel_loop3A_463] {strides = array<i32>} : memref<40x128xf32, #tpu.memory_space<vmem>>, vector<1x16xf32>,
        %parallel_loop3A_465 = vector.shape_cast %parallel_loop3A_464 : vector<1x16xf32> to vector<16xf32>
        %parallel_loop3A_466 = vector.shape_cast %parallel_loop3A_461 : vector<16xf32> to vector<1x16xf32>
        tpu.vector_store %arg18[%parallel_loop3A_462, %parallel_loop3A_463], %parallel_loop3A_466 {strides = array<i32>} : memref<40x128xf32, #tpu.memory_space<vmem>>, vector<1x16xf32>,
        %parallel_loop3A_467 = arith.index_cast %parallel_loop3A_228 : i32 to index
        %parallel_loop3A_468 = arith.constant 112 : index
        %parallel_loop3A_469 = tpu.vector_load %arg14[%parallel_loop3A_467, %parallel_loop3A_468] {strides = array<i32>} : memref<40x256xf32, #tpu.memory_space<vmem>>, vector<1x16xf32>,
        %parallel_loop3A_470 = vector.shape_cast %parallel_loop3A_469 : vector<1x16xf32> to vector<16xf32>
        %parallel_loop3A_471 = arith.index_cast %parallel_loop3A_228 : i32 to index
        %parallel_loop3A_472 = arith.constant 240 : index
        %parallel_loop3A_473 = tpu.vector_load %arg14[%parallel_loop3A_471, %parallel_loop3A_472] {strides = array<i32>} : memref<40x256xf32, #tpu.memory_space<vmem>>, vector<1x16xf32>,
        %parallel_loop3A_474 = vector.shape_cast %parallel_loop3A_473 : vector<1x16xf32> to vector<16xf32>
        %parallel_loop3A_475 = arith.index_cast %parallel_loop3A_228 : i32 to index
        %parallel_loop3A_476 = arith.constant 112 : index
        %parallel_loop3A_477 = tpu.vector_load %arg16[%parallel_loop3A_475, %parallel_loop3A_476] {strides = array<i32>} : memref<40x128xf32, #tpu.memory_space<vmem>>, vector<1x16xf32>,
        %parallel_loop3A_478 = vector.shape_cast %parallel_loop3A_477 : vector<1x16xf32> to vector<16xf32>
        %parallel_loop3A_479 = arith.index_cast %parallel_loop3A_228 : i32 to index
        %parallel_loop3A_480 = arith.constant 112 : index
        %parallel_loop3A_481 = tpu.vector_load %arg18[%parallel_loop3A_479, %parallel_loop3A_480] {strides = array<i32>} : memref<40x128xf32, #tpu.memory_space<vmem>>, vector<1x16xf32>,
        %parallel_loop3A_482 = vector.shape_cast %parallel_loop3A_481 : vector<1x16xf32> to vector<16xf32>
        %parallel_loop3A_483 = arith.addf %parallel_loop3A_470, %parallel_loop3A_478 : vector<16xf32>
        %parallel_loop3A_484 = arith.addf %parallel_loop3A_483, %parallel_loop3A_482 : vector<16xf32>
        %parallel_loop3A_485 = arith.constant 0.000000e+00 : f32
        %parallel_loop3A_486 = vector.broadcast %parallel_loop3A_485 : f32 to vector<16xf32>
        %parallel_loop3A_487 = arith.subf %parallel_loop3A_486, %parallel_loop3A_484 : vector<16xf32>
        %parallel_loop3A_488 = math.exp %parallel_loop3A_487 : vector<16xf32>
        %parallel_loop3A_489 = arith.constant 1.000000e+00 : f32
        %parallel_loop3A_490 = vector.broadcast %parallel_loop3A_489 : f32 to vector<16xf32>
        %parallel_loop3A_491 = arith.addf %parallel_loop3A_490, %parallel_loop3A_488 : vector<16xf32>
        %parallel_loop3A_492 = arith.constant 1.000000e+00 : f32
        %parallel_loop3A_493 = vector.broadcast %parallel_loop3A_492 : f32 to vector<16xf32>
        %parallel_loop3A_494 = arith.divf %parallel_loop3A_493, %parallel_loop3A_491 : vector<16xf32>
        %parallel_loop3A_495 = arith.mulf %parallel_loop3A_474, %parallel_loop3A_494 : vector<16xf32>
        %parallel_loop3A_496 = arith.index_cast %parallel_loop3A_228 : i32 to index
        %parallel_loop3A_497 = arith.constant 112 : index
        %parallel_loop3A_498 = tpu.vector_load %arg18[%parallel_loop3A_496, %parallel_loop3A_497] {strides = array<i32>} : memref<40x128xf32, #tpu.memory_space<vmem>>, vector<1x16xf32>,
        %parallel_loop3A_499 = vector.shape_cast %parallel_loop3A_498 : vector<1x16xf32> to vector<16xf32>
        %parallel_loop3A_500 = vector.shape_cast %parallel_loop3A_495 : vector<16xf32> to vector<1x16xf32>
        tpu.vector_store %arg18[%parallel_loop3A_496, %parallel_loop3A_497], %parallel_loop3A_500 {strides = array<i32>} : memref<40x128xf32, #tpu.memory_space<vmem>>, vector<1x16xf32>,
      } {sc.loop_unroll_factor = 4 : i64, sc.parallel_access}
      %get3A = arith.constant 0 : index
      %get3A_124 = tpu.vector_load %arg9[%get3A] {strides = array<i32>} : memref<40xi32, #tpu.memory_space<vmem>>, vector<16xi32>,
      %get3A_125 = vector.shape_cast %get3A_124 : vector<16xi32> to vector<16xi32>
      %swap3A = arith.constant 0 : index
      %swap3A_126 = tpu.vector_load %arg12[%swap3A] {strides = array<i32>} : memref<40xi32, #tpu.memory_space<vmem>>, vector<16xi32>,
      %swap3A_127 = vector.shape_cast %swap3A_126 : vector<16xi32> to vector<16xi32>
      %swap3A_128 = vector.shape_cast %get3A_125 : vector<16xi32> to vector<16xi32>
      tpu.vector_store %arg12[%swap3A], %swap3A_128 {strides = array<i32>} : memref<40xi32, #tpu.memory_space<vmem>>, vector<16xi32>,
      %get3A_129 = arith.constant 16 : index
      %get3A_130 = tpu.vector_load %arg9[%get3A_129] {strides = array<i32>} : memref<40xi32, #tpu.memory_space<vmem>>, vector<16xi32>,
      %get3A_131 = vector.shape_cast %get3A_130 : vector<16xi32> to vector<16xi32>
      %swap3A_132 = arith.constant 16 : index
      %swap3A_133 = tpu.vector_load %arg12[%swap3A_132] {strides = array<i32>} : memref<40xi32, #tpu.memory_space<vmem>>, vector<16xi32>,
      %swap3A_134 = vector.shape_cast %swap3A_133 : vector<16xi32> to vector<16xi32>
      %swap3A_135 = vector.shape_cast %get3A_131 : vector<16xi32> to vector<16xi32>
      tpu.vector_store %arg12[%swap3A_132], %swap3A_135 {strides = array<i32>} : memref<40xi32, #tpu.memory_space<vmem>>, vector<16xi32>,
      %get3A_136 = arith.constant 24 : index
      %get3A_137 = tpu.vector_load %arg9[%get3A_136] {strides = array<i32>} : memref<40xi32, #tpu.memory_space<vmem>>, vector<16xi32>,
      %get3A_138 = vector.shape_cast %get3A_137 : vector<16xi32> to vector<16xi32>
      %swap3A_139 = arith.constant 24 : index
      %swap3A_140 = tpu.vector_load %arg12[%swap3A_139] {strides = array<i32>} : memref<40xi32, #tpu.memory_space<vmem>>, vector<16xi32>,
      %swap3A_141 = vector.shape_cast %swap3A_140 : vector<16xi32> to vector<16xi32>
      %swap3A_142 = vector.shape_cast %get3A_138 : vector<16xi32> to vector<16xi32>
      tpu.vector_store %arg12[%swap3A_139], %swap3A_142 {strides = array<i32>} : memref<40xi32, #tpu.memory_space<vmem>>, vector<16xi32>,
      %dma_start3A_143 = arith.constant 0 : i32
      %dma_start3A_144 = arith.constant 0 : i32
      %dma_start3A_145 = tpu.memref_slice %arg20[%dma_start3A_143, %dma_start3A_144] : memref<10240x128xf32, #tpu.memory_space<vmem_shared>> -> memref<10240x128xf32, #tpu.memory_space<vmem_shared>>
      tpu.enqueue_indirect_dma source(%arg18 : memref<40x128xf32, #tpu.memory_space<vmem>>) target(%dma_start3A_145 : memref<10240x128xf32, #tpu.memory_space<vmem_shared>>) offsets(%arg12 : memref<40xi32, #tpu.memory_space<vmem>>) semaphore(%arg27 : memref<!tpu.dma_semaphore, #tpu.memory_space<semaphore_mem>>) {add = true}
      %add3A_146 = arith.constant 2 : i32
      %add3A_147 = arith.addi %mul3A_88, %add3A_146 : i32
      %lt3A_148 = arith.constant 250 : i32
      %lt3A_149 = arith.cmpi slt, %add3A_147, %lt3A_148 : i32
      %convert_element_type3A_150 = arith.extui %lt3A_149 : i1 to i32
      %cond3A_151 = arith.constant 0 : i32
      %cond3A_152 = arith.cmpi ne, %convert_element_type3A_150, %cond3A_151 : i32
      scf.if %cond3A_152 {
        %add3A_228 = arith.constant 2 : i32
        %add3A_229 = arith.addi %mul3A_88, %add3A_228 : i32
        %mul3A_230 = arith.constant 40 : i32
        %mul3A_231 = arith.muli %add3A_229, %mul3A_230 : i32
        %add3A_232 = arith.addi %mul3A_2, %mul3A_231 : i32
        %dma_start3A_233 = tpu.memref_slice %arg5[%add3A_232] : memref<320000xi32, #tpu.memory_space<hbm>> -> memref<40xi32, #tpu.memory_space<hbm>>
        %dma_start3A_234 = tpu.memref_slice %arg5[%add3A_232] : memref<320000xi32, #tpu.memory_space<hbm>> -> memref<40xi32, #tpu.memory_space<hbm>>
        tpu.enqueue_dma source(%dma_start3A_234 : memref<40xi32, #tpu.memory_space<hbm>>) target(%arg8 : memref<40xi32, #tpu.memory_space<vmem>>) target_semaphore(%arg21 : memref<!tpu.dma_semaphore, #tpu.memory_space<semaphore_mem>>)
        %dma_start3A_235 = tpu.memref_slice %arg6[%add3A_232] : memref<320000xi32, #tpu.memory_space<hbm>> -> memref<40xi32, #tpu.memory_space<hbm>>
        %dma_start3A_236 = tpu.memref_slice %arg6[%add3A_232] : memref<320000xi32, #tpu.memory_space<hbm>> -> memref<40xi32, #tpu.memory_space<hbm>>
        tpu.enqueue_dma source(%dma_start3A_236 : memref<40xi32, #tpu.memory_space<hbm>>) target(%arg9 : memref<40xi32, #tpu.memory_space<vmem>>) target_semaphore(%arg21 : memref<!tpu.dma_semaphore, #tpu.memory_space<semaphore_mem>>)
      } else {
      }
      %mul3A_153 = arith.constant 2 : i32
      %mul3A_154 = arith.muli %mul3A_153, %scan3A_86 : i32
      %add3A_155 = arith.constant 1 : i32
      %add3A_156 = arith.addi %mul3A_154, %add3A_155 : i32
      %dma_wait3A_157 = arith.constant 0 : i32
      %dma_wait3A_158 = arith.constant 0 : i32
      %dma_wait3A_159 = tpu.memref_slice %arg2[%dma_wait3A_157, %dma_wait3A_158] : memref<10000x256xf32, #tpu.memory_space<hbm>> -> memref<40x256xf32, #tpu.memory_space<hbm>>
      %dma_wait3A_160 = arith.constant 0 : i32
      %dma_wait3A_161 = arith.constant 0 : i32
      %dma_wait3A_162 = tpu.memref_slice %arg2[%dma_wait3A_160, %dma_wait3A_161] : memref<10000x256xf32, #tpu.memory_space<hbm>> -> memref<40x256xf32, #tpu.memory_space<hbm>>
      tpu.wait_dma2 semaphore(%arg26 : memref<!tpu.dma_semaphore, #tpu.memory_space<semaphore_mem>>) src(%dma_wait3A_162 : memref<40x256xf32, #tpu.memory_space<hbm>>) dst(%arg15 : memref<40x256xf32, #tpu.memory_space<vmem>>)
      %dma_wait3A_163 = arith.constant 0 : i32
      %dma_wait3A_164 = arith.constant 0 : i32
      %dma_wait3A_165 = tpu.memref_slice %arg3[%dma_wait3A_163, %dma_wait3A_164] : memref<10000x128xf32, #tpu.memory_space<hbm>> -> memref<40x128xf32, #tpu.memory_space<hbm>>
      %dma_wait3A_166 = arith.constant 0 : i32
      %dma_wait3A_167 = arith.constant 0 : i32
      %dma_wait3A_168 = tpu.memref_slice %arg3[%dma_wait3A_166, %dma_wait3A_167] : memref<10000x128xf32, #tpu.memory_space<hbm>> -> memref<40x128xf32, #tpu.memory_space<hbm>>
      tpu.wait_dma2 semaphore(%arg26 : memref<!tpu.dma_semaphore, #tpu.memory_space<semaphore_mem>>) src(%dma_wait3A_168 : memref<40x128xf32, #tpu.memory_space<hbm>>) dst(%arg17 : memref<40x128xf32, #tpu.memory_space<vmem>>)
      %add3A_169 = arith.constant 1 : i32
      %add3A_170 = arith.addi %add3A_156, %add3A_169 : i32
      %lt3A_171 = arith.constant 250 : i32
      %lt3A_172 = arith.cmpi slt, %add3A_170, %lt3A_171 : i32
      %convert_element_type3A_173 = arith.extui %lt3A_172 : i1 to i32
      %cond3A_174 = arith.constant 0 : i32
      %cond3A_175 = arith.cmpi ne, %convert_element_type3A_173, %cond3A_174 : i32
      scf.if %cond3A_175 {
        %dma_wait3A_228 = arith.constant 0 : i32
        %dma_wait3A_229 = tpu.memref_slice %arg5[%dma_wait3A_228] : memref<320000xi32, #tpu.memory_space<hbm>> -> memref<40xi32, #tpu.memory_space<hbm>>
        %dma_wait3A_230 = arith.constant 0 : i32
        %dma_wait3A_231 = tpu.memref_slice %arg5[%dma_wait3A_230] : memref<320000xi32, #tpu.memory_space<hbm>> -> memref<40xi32, #tpu.memory_space<hbm>>
        tpu.wait_dma2 semaphore(%arg21 : memref<!tpu.dma_semaphore, #tpu.memory_space<semaphore_mem>>) src(%dma_wait3A_231 : memref<40xi32, #tpu.memory_space<hbm>>) dst(%arg8 : memref<40xi32, #tpu.memory_space<vmem>>)
        %dma_wait3A_232 = arith.constant 0 : i32
        %dma_wait3A_233 = tpu.memref_slice %arg6[%dma_wait3A_232] : memref<320000xi32, #tpu.memory_space<hbm>> -> memref<40xi32, #tpu.memory_space<hbm>>
        %dma_wait3A_234 = arith.constant 0 : i32
        %dma_wait3A_235 = tpu.memref_slice %arg6[%dma_wait3A_234] : memref<320000xi32, #tpu.memory_space<hbm>> -> memref<40xi32, #tpu.memory_space<hbm>>
        tpu.wait_dma2 semaphore(%arg21 : memref<!tpu.dma_semaphore, #tpu.memory_space<semaphore_mem>>) src(%dma_wait3A_235 : memref<40xi32, #tpu.memory_space<hbm>>) dst(%arg9 : memref<40xi32, #tpu.memory_space<vmem>>)
        %dma_start3A_236 = arith.constant 0 : i32
        %dma_start3A_237 = arith.constant 0 : i32
        %dma_start3A_238 = tpu.memref_slice %arg2[%dma_start3A_236, %dma_start3A_237] : memref<10000x256xf32, #tpu.memory_space<hbm>> -> memref<10000x256xf32, #tpu.memory_space<hbm>>
        tpu.enqueue_indirect_dma source(%dma_start3A_238 : memref<10000x256xf32, #tpu.memory_space<hbm>>) target(%arg14 : memref<40x256xf32, #tpu.memory_space<vmem>>) offsets(%arg8 : memref<40xi32, #tpu.memory_space<vmem>>) semaphore(%arg25 : memref<!tpu.dma_semaphore, #tpu.memory_space<semaphore_mem>>)
        %dma_start3A_239 = arith.constant 0 : i32
        %dma_start3A_240 = arith.constant 0 : i32
        %dma_start3A_241 = tpu.memref_slice %arg3[%dma_start3A_239, %dma_start3A_240] : memref<10000x128xf32, #tpu.memory_space<hbm>> -> memref<10000x128xf32, #tpu.memory_space<hbm>>
        tpu.enqueue_indirect_dma source(%dma_start3A_241 : memref<10000x128xf32, #tpu.memory_space<hbm>>) target(%arg16 : memref<40x128xf32, #tpu.memory_space<vmem>>) offsets(%arg9 : memref<40xi32, #tpu.memory_space<vmem>>) semaphore(%arg25 : memref<!tpu.dma_semaphore, #tpu.memory_space<semaphore_mem>>)
      } else {
      }
      %dma_wait3A_176 = arith.constant 0 : i32
      %dma_wait3A_177 = arith.constant 0 : i32
      %dma_wait3A_178 = tpu.memref_slice %arg4[%dma_wait3A_176, %dma_wait3A_177] : memref<320000x128xf32, #tpu.memory_space<hbm>> -> memref<40x128xf32, #tpu.memory_space<hbm>>
      %dma_wait3A_179 = arith.constant 0 : i32
      %dma_wait3A_180 = arith.constant 0 : i32
      %dma_wait3A_181 = tpu.memref_slice %arg4[%dma_wait3A_179, %dma_wait3A_180] : memref<320000x128xf32, #tpu.memory_space<hbm>> -> memref<40x128xf32, #tpu.memory_space<hbm>>
      tpu.wait_dma2 semaphore(%arg24 : memref<!tpu.dma_semaphore, #tpu.memory_space<semaphore_mem>>) src(%dma_wait3A_181 : memref<40x128xf32, #tpu.memory_space<hbm>>) dst(%arg19 : memref<40x128xf32, #tpu.memory_space<vmem>>)
      %ge3A_182 = arith.constant 1 : i32
      %ge3A_183 = arith.cmpi sge, %add3A_156, %ge3A_182 : i32
      %convert_element_type3A_184 = arith.extui %ge3A_183 : i1 to i32
      %cond3A_185 = arith.constant 0 : i32
      %cond3A_186 = arith.cmpi ne, %convert_element_type3A_184, %cond3A_185 : i32
      scf.if %cond3A_186 {
        %dma_wait3A_228 = arith.constant 0 : i32
        %dma_wait3A_229 = arith.constant 0 : i32
        %dma_wait3A_230 = tpu.memref_slice %arg4[%dma_wait3A_228, %dma_wait3A_229] : memref<320000x128xf32, #tpu.memory_space<hbm>> -> memref<40x128xf32, #tpu.memory_space<hbm>>
        %dma_wait3A_231 = arith.constant 0 : i32
        %dma_wait3A_232 = arith.constant 0 : i32
        %dma_wait3A_233 = tpu.memref_slice %arg4[%dma_wait3A_231, %dma_wait3A_232] : memref<320000x128xf32, #tpu.memory_space<hbm>> -> memref<40x128xf32, #tpu.memory_space<hbm>>
        tpu.wait_dma2 semaphore(%arg27 : memref<!tpu.dma_semaphore, #tpu.memory_space<semaphore_mem>>) src(%dma_wait3A_233 : memref<40x128xf32, #tpu.memory_space<hbm>>) dst(%arg18 : memref<40x128xf32, #tpu.memory_space<vmem>>)
      } else {
      }
      %add3A_187 = arith.constant 1 : i32
      %add3A_188 = arith.addi %add3A_156, %add3A_187 : i32
      %lt3A_189 = arith.constant 250 : i32
      %lt3A_190 = arith.cmpi slt, %add3A_188, %lt3A_189 : i32
      %convert_element_type3A_191 = arith.extui %lt3A_190 : i1 to i32
      %cond3A_192 = arith.constant 0 : i32
      %cond3A_193 = arith.cmpi ne, %convert_element_type3A_191, %cond3A_192 : i32
      scf.if %cond3A_193 {
        %add3A_228 = arith.constant 1 : i32
        %add3A_229 = arith.addi %add3A_156, %add3A_228 : i32
        %mul3A_230 = arith.constant 40 : i32
        %mul3A_231 = arith.muli %add3A_229, %mul3A_230 : i32
        %add3A_232 = arith.addi %mul3A_2, %mul3A_231 : i32
        %dma_start3A_233 = arith.constant 0 : i32
        %dma_start3A_234 = tpu.memref_slice %arg4[%add3A_232, %dma_start3A_233] : memref<320000x128xf32, #tpu.memory_space<hbm>> -> memref<40x128xf32, #tpu.memory_space<hbm>>
        %dma_start3A_235 = arith.constant 0 : i32
        %dma_start3A_236 = tpu.memref_slice %arg4[%add3A_232, %dma_start3A_235] : memref<320000x128xf32, #tpu.memory_space<hbm>> -> memref<40x128xf32, #tpu.memory_space<hbm>>
        tpu.enqueue_dma source(%dma_start3A_236 : memref<40x128xf32, #tpu.memory_space<hbm>>) target(%arg18 : memref<40x128xf32, #tpu.memory_space<vmem>>) target_semaphore(%arg23 : memref<!tpu.dma_semaphore, #tpu.memory_space<semaphore_mem>>)
      } else {
      }
      %parallel_loop3A_194 = arith.constant 0 : i32
      %parallel_loop3A_195 = arith.constant 40 : i32
      %parallel_loop3A_196 = arith.constant 1 : i32
      scf.for %parallel_loop3A_228 = %parallel_loop3A_194 to %parallel_loop3A_195 step %parallel_loop3A_196  : i32 {
        %parallel_loop3A_229 = arith.index_cast %parallel_loop3A_228 : i32 to index
        %parallel_loop3A_230 = arith.constant 0 : index
        %parallel_loop3A_231 = tpu.vector_load %arg15[%parallel_loop3A_229, %parallel_loop3A_230] {strides = array<i32>} : memref<40x256xf32, #tpu.memory_space<vmem>>, vector<1x16xf32>,
        %parallel_loop3A_232 = vector.shape_cast %parallel_loop3A_231 : vector<1x16xf32> to vector<16xf32>
        %parallel_loop3A_233 = arith.index_cast %parallel_loop3A_228 : i32 to index
        %parallel_loop3A_234 = arith.constant 128 : index
        %parallel_loop3A_235 = tpu.vector_load %arg15[%parallel_loop3A_233, %parallel_loop3A_234] {strides = array<i32>} : memref<40x256xf32, #tpu.memory_space<vmem>>, vector<1x16xf32>,
        %parallel_loop3A_236 = vector.shape_cast %parallel_loop3A_235 : vector<1x16xf32> to vector<16xf32>
        %parallel_loop3A_237 = arith.index_cast %parallel_loop3A_228 : i32 to index
        %parallel_loop3A_238 = arith.constant 0 : index
        %parallel_loop3A_239 = tpu.vector_load %arg17[%parallel_loop3A_237, %parallel_loop3A_238] {strides = array<i32>} : memref<40x128xf32, #tpu.memory_space<vmem>>, vector<1x16xf32>,
        %parallel_loop3A_240 = vector.shape_cast %parallel_loop3A_239 : vector<1x16xf32> to vector<16xf32>
        %parallel_loop3A_241 = arith.index_cast %parallel_loop3A_228 : i32 to index
        %parallel_loop3A_242 = arith.constant 0 : index
        %parallel_loop3A_243 = tpu.vector_load %arg19[%parallel_loop3A_241, %parallel_loop3A_242] {strides = array<i32>} : memref<40x128xf32, #tpu.memory_space<vmem>>, vector<1x16xf32>,
        %parallel_loop3A_244 = vector.shape_cast %parallel_loop3A_243 : vector<1x16xf32> to vector<16xf32>
        %parallel_loop3A_245 = arith.addf %parallel_loop3A_232, %parallel_loop3A_240 : vector<16xf32>
        %parallel_loop3A_246 = arith.addf %parallel_loop3A_245, %parallel_loop3A_244 : vector<16xf32>
        %parallel_loop3A_247 = arith.constant 0.000000e+00 : f32
        %parallel_loop3A_248 = vector.broadcast %parallel_loop3A_247 : f32 to vector<16xf32>
        %parallel_loop3A_249 = arith.subf %parallel_loop3A_248, %parallel_loop3A_246 : vector<16xf32>
        %parallel_loop3A_250 = math.exp %parallel_loop3A_249 : vector<16xf32>
        %parallel_loop3A_251 = arith.constant 1.000000e+00 : f32
        %parallel_loop3A_252 = vector.broadcast %parallel_loop3A_251 : f32 to vector<16xf32>
        %parallel_loop3A_253 = arith.addf %parallel_loop3A_252, %parallel_loop3A_250 : vector<16xf32>
        %parallel_loop3A_254 = arith.constant 1.000000e+00 : f32
        %parallel_loop3A_255 = vector.broadcast %parallel_loop3A_254 : f32 to vector<16xf32>
        %parallel_loop3A_256 = arith.divf %parallel_loop3A_255, %parallel_loop3A_253 : vector<16xf32>
        %parallel_loop3A_257 = arith.mulf %parallel_loop3A_236, %parallel_loop3A_256 : vector<16xf32>
        %parallel_loop3A_258 = arith.index_cast %parallel_loop3A_228 : i32 to index
        %parallel_loop3A_259 = arith.constant 0 : index
        %parallel_loop3A_260 = tpu.vector_load %arg19[%parallel_loop3A_258, %parallel_loop3A_259] {strides = array<i32>} : memref<40x128xf32, #tpu.memory_space<vmem>>, vector<1x16xf32>,
        %parallel_loop3A_261 = vector.shape_cast %parallel_loop3A_260 : vector<1x16xf32> to vector<16xf32>
        %parallel_loop3A_262 = vector.shape_cast %parallel_loop3A_257 : vector<16xf32> to vector<1x16xf32>
        tpu.vector_store %arg19[%parallel_loop3A_258, %parallel_loop3A_259], %parallel_loop3A_262 {strides = array<i32>} : memref<40x128xf32, #tpu.memory_space<vmem>>, vector<1x16xf32>,
        %parallel_loop3A_263 = arith.index_cast %parallel_loop3A_228 : i32 to index
        %parallel_loop3A_264 = arith.constant 16 : index
        %parallel_loop3A_265 = tpu.vector_load %arg15[%parallel_loop3A_263, %parallel_loop3A_264] {strides = array<i32>} : memref<40x256xf32, #tpu.memory_space<vmem>>, vector<1x16xf32>,
        %parallel_loop3A_266 = vector.shape_cast %parallel_loop3A_265 : vector<1x16xf32> to vector<16xf32>
        %parallel_loop3A_267 = arith.index_cast %parallel_loop3A_228 : i32 to index
        %parallel_loop3A_268 = arith.constant 144 : index
        %parallel_loop3A_269 = tpu.vector_load %arg15[%parallel_loop3A_267, %parallel_loop3A_268] {strides = array<i32>} : memref<40x256xf32, #tpu.memory_space<vmem>>, vector<1x16xf32>,
        %parallel_loop3A_270 = vector.shape_cast %parallel_loop3A_269 : vector<1x16xf32> to vector<16xf32>
        %parallel_loop3A_271 = arith.index_cast %parallel_loop3A_228 : i32 to index
        %parallel_loop3A_272 = arith.constant 16 : index
        %parallel_loop3A_273 = tpu.vector_load %arg17[%parallel_loop3A_271, %parallel_loop3A_272] {strides = array<i32>} : memref<40x128xf32, #tpu.memory_space<vmem>>, vector<1x16xf32>,
        %parallel_loop3A_274 = vector.shape_cast %parallel_loop3A_273 : vector<1x16xf32> to vector<16xf32>
        %parallel_loop3A_275 = arith.index_cast %parallel_loop3A_228 : i32 to index
        %parallel_loop3A_276 = arith.constant 16 : index
        %parallel_loop3A_277 = tpu.vector_load %arg19[%parallel_loop3A_275, %parallel_loop3A_276] {strides = array<i32>} : memref<40x128xf32, #tpu.memory_space<vmem>>, vector<1x16xf32>,
        %parallel_loop3A_278 = vector.shape_cast %parallel_loop3A_277 : vector<1x16xf32> to vector<16xf32>
        %parallel_loop3A_279 = arith.addf %parallel_loop3A_266, %parallel_loop3A_274 : vector<16xf32>
        %parallel_loop3A_280 = arith.addf %parallel_loop3A_279, %parallel_loop3A_278 : vector<16xf32>
        %parallel_loop3A_281 = arith.constant 0.000000e+00 : f32
        %parallel_loop3A_282 = vector.broadcast %parallel_loop3A_281 : f32 to vector<16xf32>
        %parallel_loop3A_283 = arith.subf %parallel_loop3A_282, %parallel_loop3A_280 : vector<16xf32>
        %parallel_loop3A_284 = math.exp %parallel_loop3A_283 : vector<16xf32>
        %parallel_loop3A_285 = arith.constant 1.000000e+00 : f32
        %parallel_loop3A_286 = vector.broadcast %parallel_loop3A_285 : f32 to vector<16xf32>
        %parallel_loop3A_287 = arith.addf %parallel_loop3A_286, %parallel_loop3A_284 : vector<16xf32>
        %parallel_loop3A_288 = arith.constant 1.000000e+00 : f32
        %parallel_loop3A_289 = vector.broadcast %parallel_loop3A_288 : f32 to vector<16xf32>
        %parallel_loop3A_290 = arith.divf %parallel_loop3A_289, %parallel_loop3A_287 : vector<16xf32>
        %parallel_loop3A_291 = arith.mulf %parallel_loop3A_270, %parallel_loop3A_290 : vector<16xf32>
        %parallel_loop3A_292 = arith.index_cast %parallel_loop3A_228 : i32 to index
        %parallel_loop3A_293 = arith.constant 16 : index
        %parallel_loop3A_294 = tpu.vector_load %arg19[%parallel_loop3A_292, %parallel_loop3A_293] {strides = array<i32>} : memref<40x128xf32, #tpu.memory_space<vmem>>, vector<1x16xf32>,
        %parallel_loop3A_295 = vector.shape_cast %parallel_loop3A_294 : vector<1x16xf32> to vector<16xf32>
        %parallel_loop3A_296 = vector.shape_cast %parallel_loop3A_291 : vector<16xf32> to vector<1x16xf32>
        tpu.vector_store %arg19[%parallel_loop3A_292, %parallel_loop3A_293], %parallel_loop3A_296 {strides = array<i32>} : memref<40x128xf32, #tpu.memory_space<vmem>>, vector<1x16xf32>,
        %parallel_loop3A_297 = arith.index_cast %parallel_loop3A_228 : i32 to index
        %parallel_loop3A_298 = arith.constant 32 : index
        %parallel_loop3A_299 = tpu.vector_load %arg15[%parallel_loop3A_297, %parallel_loop3A_298] {strides = array<i32>} : memref<40x256xf32, #tpu.memory_space<vmem>>, vector<1x16xf32>,
        %parallel_loop3A_300 = vector.shape_cast %parallel_loop3A_299 : vector<1x16xf32> to vector<16xf32>
        %parallel_loop3A_301 = arith.index_cast %parallel_loop3A_228 : i32 to index
        %parallel_loop3A_302 = arith.constant 160 : index
        %parallel_loop3A_303 = tpu.vector_load %arg15[%parallel_loop3A_301, %parallel_loop3A_302] {strides = array<i32>} : memref<40x256xf32, #tpu.memory_space<vmem>>, vector<1x16xf32>,
        %parallel_loop3A_304 = vector.shape_cast %parallel_loop3A_303 : vector<1x16xf32> to vector<16xf32>
        %parallel_loop3A_305 = arith.index_cast %parallel_loop3A_228 : i32 to index
        %parallel_loop3A_306 = arith.constant 32 : index
        %parallel_loop3A_307 = tpu.vector_load %arg17[%parallel_loop3A_305, %parallel_loop3A_306] {strides = array<i32>} : memref<40x128xf32, #tpu.memory_space<vmem>>, vector<1x16xf32>,
        %parallel_loop3A_308 = vector.shape_cast %parallel_loop3A_307 : vector<1x16xf32> to vector<16xf32>
        %parallel_loop3A_309 = arith.index_cast %parallel_loop3A_228 : i32 to index
        %parallel_loop3A_310 = arith.constant 32 : index
        %parallel_loop3A_311 = tpu.vector_load %arg19[%parallel_loop3A_309, %parallel_loop3A_310] {strides = array<i32>} : memref<40x128xf32, #tpu.memory_space<vmem>>, vector<1x16xf32>,
        %parallel_loop3A_312 = vector.shape_cast %parallel_loop3A_311 : vector<1x16xf32> to vector<16xf32>
        %parallel_loop3A_313 = arith.addf %parallel_loop3A_300, %parallel_loop3A_308 : vector<16xf32>
        %parallel_loop3A_314 = arith.addf %parallel_loop3A_313, %parallel_loop3A_312 : vector<16xf32>
        %parallel_loop3A_315 = arith.constant 0.000000e+00 : f32
        %parallel_loop3A_316 = vector.broadcast %parallel_loop3A_315 : f32 to vector<16xf32>
        %parallel_loop3A_317 = arith.subf %parallel_loop3A_316, %parallel_loop3A_314 : vector<16xf32>
        %parallel_loop3A_318 = math.exp %parallel_loop3A_317 : vector<16xf32>
        %parallel_loop3A_319 = arith.constant 1.000000e+00 : f32
        %parallel_loop3A_320 = vector.broadcast %parallel_loop3A_319 : f32 to vector<16xf32>
        %parallel_loop3A_321 = arith.addf %parallel_loop3A_320, %parallel_loop3A_318 : vector<16xf32>
        %parallel_loop3A_322 = arith.constant 1.000000e+00 : f32
        %parallel_loop3A_323 = vector.broadcast %parallel_loop3A_322 : f32 to vector<16xf32>
        %parallel_loop3A_324 = arith.divf %parallel_loop3A_323, %parallel_loop3A_321 : vector<16xf32>
        %parallel_loop3A_325 = arith.mulf %parallel_loop3A_304, %parallel_loop3A_324 : vector<16xf32>
        %parallel_loop3A_326 = arith.index_cast %parallel_loop3A_228 : i32 to index
        %parallel_loop3A_327 = arith.constant 32 : index
        %parallel_loop3A_328 = tpu.vector_load %arg19[%parallel_loop3A_326, %parallel_loop3A_327] {strides = array<i32>} : memref<40x128xf32, #tpu.memory_space<vmem>>, vector<1x16xf32>,
        %parallel_loop3A_329 = vector.shape_cast %parallel_loop3A_328 : vector<1x16xf32> to vector<16xf32>
        %parallel_loop3A_330 = vector.shape_cast %parallel_loop3A_325 : vector<16xf32> to vector<1x16xf32>
        tpu.vector_store %arg19[%parallel_loop3A_326, %parallel_loop3A_327], %parallel_loop3A_330 {strides = array<i32>} : memref<40x128xf32, #tpu.memory_space<vmem>>, vector<1x16xf32>,
        %parallel_loop3A_331 = arith.index_cast %parallel_loop3A_228 : i32 to index
        %parallel_loop3A_332 = arith.constant 48 : index
        %parallel_loop3A_333 = tpu.vector_load %arg15[%parallel_loop3A_331, %parallel_loop3A_332] {strides = array<i32>} : memref<40x256xf32, #tpu.memory_space<vmem>>, vector<1x16xf32>,
        %parallel_loop3A_334 = vector.shape_cast %parallel_loop3A_333 : vector<1x16xf32> to vector<16xf32>
        %parallel_loop3A_335 = arith.index_cast %parallel_loop3A_228 : i32 to index
        %parallel_loop3A_336 = arith.constant 176 : index
        %parallel_loop3A_337 = tpu.vector_load %arg15[%parallel_loop3A_335, %parallel_loop3A_336] {strides = array<i32>} : memref<40x256xf32, #tpu.memory_space<vmem>>, vector<1x16xf32>,
        %parallel_loop3A_338 = vector.shape_cast %parallel_loop3A_337 : vector<1x16xf32> to vector<16xf32>
        %parallel_loop3A_339 = arith.index_cast %parallel_loop3A_228 : i32 to index
        %parallel_loop3A_340 = arith.constant 48 : index
        %parallel_loop3A_341 = tpu.vector_load %arg17[%parallel_loop3A_339, %parallel_loop3A_340] {strides = array<i32>} : memref<40x128xf32, #tpu.memory_space<vmem>>, vector<1x16xf32>,
        %parallel_loop3A_342 = vector.shape_cast %parallel_loop3A_341 : vector<1x16xf32> to vector<16xf32>
        %parallel_loop3A_343 = arith.index_cast %parallel_loop3A_228 : i32 to index
        %parallel_loop3A_344 = arith.constant 48 : index
        %parallel_loop3A_345 = tpu.vector_load %arg19[%parallel_loop3A_343, %parallel_loop3A_344] {strides = array<i32>} : memref<40x128xf32, #tpu.memory_space<vmem>>, vector<1x16xf32>,
        %parallel_loop3A_346 = vector.shape_cast %parallel_loop3A_345 : vector<1x16xf32> to vector<16xf32>
        %parallel_loop3A_347 = arith.addf %parallel_loop3A_334, %parallel_loop3A_342 : vector<16xf32>
        %parallel_loop3A_348 = arith.addf %parallel_loop3A_347, %parallel_loop3A_346 : vector<16xf32>
        %parallel_loop3A_349 = arith.constant 0.000000e+00 : f32
        %parallel_loop3A_350 = vector.broadcast %parallel_loop3A_349 : f32 to vector<16xf32>
        %parallel_loop3A_351 = arith.subf %parallel_loop3A_350, %parallel_loop3A_348 : vector<16xf32>
        %parallel_loop3A_352 = math.exp %parallel_loop3A_351 : vector<16xf32>
        %parallel_loop3A_353 = arith.constant 1.000000e+00 : f32
        %parallel_loop3A_354 = vector.broadcast %parallel_loop3A_353 : f32 to vector<16xf32>
        %parallel_loop3A_355 = arith.addf %parallel_loop3A_354, %parallel_loop3A_352 : vector<16xf32>
        %parallel_loop3A_356 = arith.constant 1.000000e+00 : f32
        %parallel_loop3A_357 = vector.broadcast %parallel_loop3A_356 : f32 to vector<16xf32>
        %parallel_loop3A_358 = arith.divf %parallel_loop3A_357, %parallel_loop3A_355 : vector<16xf32>
        %parallel_loop3A_359 = arith.mulf %parallel_loop3A_338, %parallel_loop3A_358 : vector<16xf32>
        %parallel_loop3A_360 = arith.index_cast %parallel_loop3A_228 : i32 to index
        %parallel_loop3A_361 = arith.constant 48 : index
        %parallel_loop3A_362 = tpu.vector_load %arg19[%parallel_loop3A_360, %parallel_loop3A_361] {strides = array<i32>} : memref<40x128xf32, #tpu.memory_space<vmem>>, vector<1x16xf32>,
        %parallel_loop3A_363 = vector.shape_cast %parallel_loop3A_362 : vector<1x16xf32> to vector<16xf32>
        %parallel_loop3A_364 = vector.shape_cast %parallel_loop3A_359 : vector<16xf32> to vector<1x16xf32>
        tpu.vector_store %arg19[%parallel_loop3A_360, %parallel_loop3A_361], %parallel_loop3A_364 {strides = array<i32>} : memref<40x128xf32, #tpu.memory_space<vmem>>, vector<1x16xf32>,
        %parallel_loop3A_365 = arith.index_cast %parallel_loop3A_228 : i32 to index
        %parallel_loop3A_366 = arith.constant 64 : index
        %parallel_loop3A_367 = tpu.vector_load %arg15[%parallel_loop3A_365, %parallel_loop3A_366] {strides = array<i32>} : memref<40x256xf32, #tpu.memory_space<vmem>>, vector<1x16xf32>,
        %parallel_loop3A_368 = vector.shape_cast %parallel_loop3A_367 : vector<1x16xf32> to vector<16xf32>
        %parallel_loop3A_369 = arith.index_cast %parallel_loop3A_228 : i32 to index
        %parallel_loop3A_370 = arith.constant 192 : index
        %parallel_loop3A_371 = tpu.vector_load %arg15[%parallel_loop3A_369, %parallel_loop3A_370] {strides = array<i32>} : memref<40x256xf32, #tpu.memory_space<vmem>>, vector<1x16xf32>,
        %parallel_loop3A_372 = vector.shape_cast %parallel_loop3A_371 : vector<1x16xf32> to vector<16xf32>
        %parallel_loop3A_373 = arith.index_cast %parallel_loop3A_228 : i32 to index
        %parallel_loop3A_374 = arith.constant 64 : index
        %parallel_loop3A_375 = tpu.vector_load %arg17[%parallel_loop3A_373, %parallel_loop3A_374] {strides = array<i32>} : memref<40x128xf32, #tpu.memory_space<vmem>>, vector<1x16xf32>,
        %parallel_loop3A_376 = vector.shape_cast %parallel_loop3A_375 : vector<1x16xf32> to vector<16xf32>
        %parallel_loop3A_377 = arith.index_cast %parallel_loop3A_228 : i32 to index
        %parallel_loop3A_378 = arith.constant 64 : index
        %parallel_loop3A_379 = tpu.vector_load %arg19[%parallel_loop3A_377, %parallel_loop3A_378] {strides = array<i32>} : memref<40x128xf32, #tpu.memory_space<vmem>>, vector<1x16xf32>,
        %parallel_loop3A_380 = vector.shape_cast %parallel_loop3A_379 : vector<1x16xf32> to vector<16xf32>
        %parallel_loop3A_381 = arith.addf %parallel_loop3A_368, %parallel_loop3A_376 : vector<16xf32>
        %parallel_loop3A_382 = arith.addf %parallel_loop3A_381, %parallel_loop3A_380 : vector<16xf32>
        %parallel_loop3A_383 = arith.constant 0.000000e+00 : f32
        %parallel_loop3A_384 = vector.broadcast %parallel_loop3A_383 : f32 to vector<16xf32>
        %parallel_loop3A_385 = arith.subf %parallel_loop3A_384, %parallel_loop3A_382 : vector<16xf32>
        %parallel_loop3A_386 = math.exp %parallel_loop3A_385 : vector<16xf32>
        %parallel_loop3A_387 = arith.constant 1.000000e+00 : f32
        %parallel_loop3A_388 = vector.broadcast %parallel_loop3A_387 : f32 to vector<16xf32>
        %parallel_loop3A_389 = arith.addf %parallel_loop3A_388, %parallel_loop3A_386 : vector<16xf32>
        %parallel_loop3A_390 = arith.constant 1.000000e+00 : f32
        %parallel_loop3A_391 = vector.broadcast %parallel_loop3A_390 : f32 to vector<16xf32>
        %parallel_loop3A_392 = arith.divf %parallel_loop3A_391, %parallel_loop3A_389 : vector<16xf32>
        %parallel_loop3A_393 = arith.mulf %parallel_loop3A_372, %parallel_loop3A_392 : vector<16xf32>
        %parallel_loop3A_394 = arith.index_cast %parallel_loop3A_228 : i32 to index
        %parallel_loop3A_395 = arith.constant 64 : index
        %parallel_loop3A_396 = tpu.vector_load %arg19[%parallel_loop3A_394, %parallel_loop3A_395] {strides = array<i32>} : memref<40x128xf32, #tpu.memory_space<vmem>>, vector<1x16xf32>,
        %parallel_loop3A_397 = vector.shape_cast %parallel_loop3A_396 : vector<1x16xf32> to vector<16xf32>
        %parallel_loop3A_398 = vector.shape_cast %parallel_loop3A_393 : vector<16xf32> to vector<1x16xf32>
        tpu.vector_store %arg19[%parallel_loop3A_394, %parallel_loop3A_395], %parallel_loop3A_398 {strides = array<i32>} : memref<40x128xf32, #tpu.memory_space<vmem>>, vector<1x16xf32>,
        %parallel_loop3A_399 = arith.index_cast %parallel_loop3A_228 : i32 to index
        %parallel_loop3A_400 = arith.constant 80 : index
        %parallel_loop3A_401 = tpu.vector_load %arg15[%parallel_loop3A_399, %parallel_loop3A_400] {strides = array<i32>} : memref<40x256xf32, #tpu.memory_space<vmem>>, vector<1x16xf32>,
        %parallel_loop3A_402 = vector.shape_cast %parallel_loop3A_401 : vector<1x16xf32> to vector<16xf32>
        %parallel_loop3A_403 = arith.index_cast %parallel_loop3A_228 : i32 to index
        %parallel_loop3A_404 = arith.constant 208 : index
        %parallel_loop3A_405 = tpu.vector_load %arg15[%parallel_loop3A_403, %parallel_loop3A_404] {strides = array<i32>} : memref<40x256xf32, #tpu.memory_space<vmem>>, vector<1x16xf32>,
        %parallel_loop3A_406 = vector.shape_cast %parallel_loop3A_405 : vector<1x16xf32> to vector<16xf32>
        %parallel_loop3A_407 = arith.index_cast %parallel_loop3A_228 : i32 to index
        %parallel_loop3A_408 = arith.constant 80 : index
        %parallel_loop3A_409 = tpu.vector_load %arg17[%parallel_loop3A_407, %parallel_loop3A_408] {strides = array<i32>} : memref<40x128xf32, #tpu.memory_space<vmem>>, vector<1x16xf32>,
        %parallel_loop3A_410 = vector.shape_cast %parallel_loop3A_409 : vector<1x16xf32> to vector<16xf32>
        %parallel_loop3A_411 = arith.index_cast %parallel_loop3A_228 : i32 to index
        %parallel_loop3A_412 = arith.constant 80 : index
        %parallel_loop3A_413 = tpu.vector_load %arg19[%parallel_loop3A_411, %parallel_loop3A_412] {strides = array<i32>} : memref<40x128xf32, #tpu.memory_space<vmem>>, vector<1x16xf32>,
        %parallel_loop3A_414 = vector.shape_cast %parallel_loop3A_413 : vector<1x16xf32> to vector<16xf32>
        %parallel_loop3A_415 = arith.addf %parallel_loop3A_402, %parallel_loop3A_410 : vector<16xf32>
        %parallel_loop3A_416 = arith.addf %parallel_loop3A_415, %parallel_loop3A_414 : vector<16xf32>
        %parallel_loop3A_417 = arith.constant 0.000000e+00 : f32
        %parallel_loop3A_418 = vector.broadcast %parallel_loop3A_417 : f32 to vector<16xf32>
        %parallel_loop3A_419 = arith.subf %parallel_loop3A_418, %parallel_loop3A_416 : vector<16xf32>
        %parallel_loop3A_420 = math.exp %parallel_loop3A_419 : vector<16xf32>
        %parallel_loop3A_421 = arith.constant 1.000000e+00 : f32
        %parallel_loop3A_422 = vector.broadcast %parallel_loop3A_421 : f32 to vector<16xf32>
        %parallel_loop3A_423 = arith.addf %parallel_loop3A_422, %parallel_loop3A_420 : vector<16xf32>
        %parallel_loop3A_424 = arith.constant 1.000000e+00 : f32
        %parallel_loop3A_425 = vector.broadcast %parallel_loop3A_424 : f32 to vector<16xf32>
        %parallel_loop3A_426 = arith.divf %parallel_loop3A_425, %parallel_loop3A_423 : vector<16xf32>
        %parallel_loop3A_427 = arith.mulf %parallel_loop3A_406, %parallel_loop3A_426 : vector<16xf32>
        %parallel_loop3A_428 = arith.index_cast %parallel_loop3A_228 : i32 to index
        %parallel_loop3A_429 = arith.constant 80 : index
        %parallel_loop3A_430 = tpu.vector_load %arg19[%parallel_loop3A_428, %parallel_loop3A_429] {strides = array<i32>} : memref<40x128xf32, #tpu.memory_space<vmem>>, vector<1x16xf32>,
        %parallel_loop3A_431 = vector.shape_cast %parallel_loop3A_430 : vector<1x16xf32> to vector<16xf32>
        %parallel_loop3A_432 = vector.shape_cast %parallel_loop3A_427 : vector<16xf32> to vector<1x16xf32>
        tpu.vector_store %arg19[%parallel_loop3A_428, %parallel_loop3A_429], %parallel_loop3A_432 {strides = array<i32>} : memref<40x128xf32, #tpu.memory_space<vmem>>, vector<1x16xf32>,
        %parallel_loop3A_433 = arith.index_cast %parallel_loop3A_228 : i32 to index
        %parallel_loop3A_434 = arith.constant 96 : index
        %parallel_loop3A_435 = tpu.vector_load %arg15[%parallel_loop3A_433, %parallel_loop3A_434] {strides = array<i32>} : memref<40x256xf32, #tpu.memory_space<vmem>>, vector<1x16xf32>,
        %parallel_loop3A_436 = vector.shape_cast %parallel_loop3A_435 : vector<1x16xf32> to vector<16xf32>
        %parallel_loop3A_437 = arith.index_cast %parallel_loop3A_228 : i32 to index
        %parallel_loop3A_438 = arith.constant 224 : index
        %parallel_loop3A_439 = tpu.vector_load %arg15[%parallel_loop3A_437, %parallel_loop3A_438] {strides = array<i32>} : memref<40x256xf32, #tpu.memory_space<vmem>>, vector<1x16xf32>,
        %parallel_loop3A_440 = vector.shape_cast %parallel_loop3A_439 : vector<1x16xf32> to vector<16xf32>
        %parallel_loop3A_441 = arith.index_cast %parallel_loop3A_228 : i32 to index
        %parallel_loop3A_442 = arith.constant 96 : index
        %parallel_loop3A_443 = tpu.vector_load %arg17[%parallel_loop3A_441, %parallel_loop3A_442] {strides = array<i32>} : memref<40x128xf32, #tpu.memory_space<vmem>>, vector<1x16xf32>,
        %parallel_loop3A_444 = vector.shape_cast %parallel_loop3A_443 : vector<1x16xf32> to vector<16xf32>
        %parallel_loop3A_445 = arith.index_cast %parallel_loop3A_228 : i32 to index
        %parallel_loop3A_446 = arith.constant 96 : index
        %parallel_loop3A_447 = tpu.vector_load %arg19[%parallel_loop3A_445, %parallel_loop3A_446] {strides = array<i32>} : memref<40x128xf32, #tpu.memory_space<vmem>>, vector<1x16xf32>,
        %parallel_loop3A_448 = vector.shape_cast %parallel_loop3A_447 : vector<1x16xf32> to vector<16xf32>
        %parallel_loop3A_449 = arith.addf %parallel_loop3A_436, %parallel_loop3A_444 : vector<16xf32>
        %parallel_loop3A_450 = arith.addf %parallel_loop3A_449, %parallel_loop3A_448 : vector<16xf32>
        %parallel_loop3A_451 = arith.constant 0.000000e+00 : f32
        %parallel_loop3A_452 = vector.broadcast %parallel_loop3A_451 : f32 to vector<16xf32>
        %parallel_loop3A_453 = arith.subf %parallel_loop3A_452, %parallel_loop3A_450 : vector<16xf32>
        %parallel_loop3A_454 = math.exp %parallel_loop3A_453 : vector<16xf32>
        %parallel_loop3A_455 = arith.constant 1.000000e+00 : f32
        %parallel_loop3A_456 = vector.broadcast %parallel_loop3A_455 : f32 to vector<16xf32>
        %parallel_loop3A_457 = arith.addf %parallel_loop3A_456, %parallel_loop3A_454 : vector<16xf32>
        %parallel_loop3A_458 = arith.constant 1.000000e+00 : f32
        %parallel_loop3A_459 = vector.broadcast %parallel_loop3A_458 : f32 to vector<16xf32>
        %parallel_loop3A_460 = arith.divf %parallel_loop3A_459, %parallel_loop3A_457 : vector<16xf32>
        %parallel_loop3A_461 = arith.mulf %parallel_loop3A_440, %parallel_loop3A_460 : vector<16xf32>
        %parallel_loop3A_462 = arith.index_cast %parallel_loop3A_228 : i32 to index
        %parallel_loop3A_463 = arith.constant 96 : index
        %parallel_loop3A_464 = tpu.vector_load %arg19[%parallel_loop3A_462, %parallel_loop3A_463] {strides = array<i32>} : memref<40x128xf32, #tpu.memory_space<vmem>>, vector<1x16xf32>,
        %parallel_loop3A_465 = vector.shape_cast %parallel_loop3A_464 : vector<1x16xf32> to vector<16xf32>
        %parallel_loop3A_466 = vector.shape_cast %parallel_loop3A_461 : vector<16xf32> to vector<1x16xf32>
        tpu.vector_store %arg19[%parallel_loop3A_462, %parallel_loop3A_463], %parallel_loop3A_466 {strides = array<i32>} : memref<40x128xf32, #tpu.memory_space<vmem>>, vector<1x16xf32>,
        %parallel_loop3A_467 = arith.index_cast %parallel_loop3A_228 : i32 to index
        %parallel_loop3A_468 = arith.constant 112 : index
        %parallel_loop3A_469 = tpu.vector_load %arg15[%parallel_loop3A_467, %parallel_loop3A_468] {strides = array<i32>} : memref<40x256xf32, #tpu.memory_space<vmem>>, vector<1x16xf32>,
        %parallel_loop3A_470 = vector.shape_cast %parallel_loop3A_469 : vector<1x16xf32> to vector<16xf32>
        %parallel_loop3A_471 = arith.index_cast %parallel_loop3A_228 : i32 to index
        %parallel_loop3A_472 = arith.constant 240 : index
        %parallel_loop3A_473 = tpu.vector_load %arg15[%parallel_loop3A_471, %parallel_loop3A_472] {strides = array<i32>} : memref<40x256xf32, #tpu.memory_space<vmem>>, vector<1x16xf32>,
        %parallel_loop3A_474 = vector.shape_cast %parallel_loop3A_473 : vector<1x16xf32> to vector<16xf32>
        %parallel_loop3A_475 = arith.index_cast %parallel_loop3A_228 : i32 to index
        %parallel_loop3A_476 = arith.constant 112 : index
        %parallel_loop3A_477 = tpu.vector_load %arg17[%parallel_loop3A_475, %parallel_loop3A_476] {strides = array<i32>} : memref<40x128xf32, #tpu.memory_space<vmem>>, vector<1x16xf32>,
        %parallel_loop3A_478 = vector.shape_cast %parallel_loop3A_477 : vector<1x16xf32> to vector<16xf32>
        %parallel_loop3A_479 = arith.index_cast %parallel_loop3A_228 : i32 to index
        %parallel_loop3A_480 = arith.constant 112 : index
        %parallel_loop3A_481 = tpu.vector_load %arg19[%parallel_loop3A_479, %parallel_loop3A_480] {strides = array<i32>} : memref<40x128xf32, #tpu.memory_space<vmem>>, vector<1x16xf32>,
        %parallel_loop3A_482 = vector.shape_cast %parallel_loop3A_481 : vector<1x16xf32> to vector<16xf32>
        %parallel_loop3A_483 = arith.addf %parallel_loop3A_470, %parallel_loop3A_478 : vector<16xf32>
        %parallel_loop3A_484 = arith.addf %parallel_loop3A_483, %parallel_loop3A_482 : vector<16xf32>
        %parallel_loop3A_485 = arith.constant 0.000000e+00 : f32
        %parallel_loop3A_486 = vector.broadcast %parallel_loop3A_485 : f32 to vector<16xf32>
        %parallel_loop3A_487 = arith.subf %parallel_loop3A_486, %parallel_loop3A_484 : vector<16xf32>
        %parallel_loop3A_488 = math.exp %parallel_loop3A_487 : vector<16xf32>
        %parallel_loop3A_489 = arith.constant 1.000000e+00 : f32
        %parallel_loop3A_490 = vector.broadcast %parallel_loop3A_489 : f32 to vector<16xf32>
        %parallel_loop3A_491 = arith.addf %parallel_loop3A_490, %parallel_loop3A_488 : vector<16xf32>
        %parallel_loop3A_492 = arith.constant 1.000000e+00 : f32
        %parallel_loop3A_493 = vector.broadcast %parallel_loop3A_492 : f32 to vector<16xf32>
        %parallel_loop3A_494 = arith.divf %parallel_loop3A_493, %parallel_loop3A_491 : vector<16xf32>
        %parallel_loop3A_495 = arith.mulf %parallel_loop3A_474, %parallel_loop3A_494 : vector<16xf32>
        %parallel_loop3A_496 = arith.index_cast %parallel_loop3A_228 : i32 to index
        %parallel_loop3A_497 = arith.constant 112 : index
        %parallel_loop3A_498 = tpu.vector_load %arg19[%parallel_loop3A_496, %parallel_loop3A_497] {strides = array<i32>} : memref<40x128xf32, #tpu.memory_space<vmem>>, vector<1x16xf32>,
        %parallel_loop3A_499 = vector.shape_cast %parallel_loop3A_498 : vector<1x16xf32> to vector<16xf32>
        %parallel_loop3A_500 = vector.shape_cast %parallel_loop3A_495 : vector<16xf32> to vector<1x16xf32>
        tpu.vector_store %arg19[%parallel_loop3A_496, %parallel_loop3A_497], %parallel_loop3A_500 {strides = array<i32>} : memref<40x128xf32, #tpu.memory_space<vmem>>, vector<1x16xf32>,
      } {sc.loop_unroll_factor = 4 : i64, sc.parallel_access}
      %get3A_197 = arith.constant 0 : index
      %get3A_198 = tpu.vector_load %arg11[%get3A_197] {strides = array<i32>} : memref<40xi32, #tpu.memory_space<vmem>>, vector<16xi32>,
      %get3A_199 = vector.shape_cast %get3A_198 : vector<16xi32> to vector<16xi32>
      %swap3A_200 = arith.constant 0 : index
      %swap3A_201 = tpu.vector_load %arg13[%swap3A_200] {strides = array<i32>} : memref<40xi32, #tpu.memory_space<vmem>>, vector<16xi32>,
      %swap3A_202 = vector.shape_cast %swap3A_201 : vector<16xi32> to vector<16xi32>
      %swap3A_203 = vector.shape_cast %get3A_199 : vector<16xi32> to vector<16xi32>
      tpu.vector_store %arg13[%swap3A_200], %swap3A_203 {strides = array<i32>} : memref<40xi32, #tpu.memory_space<vmem>>, vector<16xi32>,
      %get3A_204 = arith.constant 16 : index
      %get3A_205 = tpu.vector_load %arg11[%get3A_204] {strides = array<i32>} : memref<40xi32, #tpu.memory_space<vmem>>, vector<16xi32>,
      %get3A_206 = vector.shape_cast %get3A_205 : vector<16xi32> to vector<16xi32>
      %swap3A_207 = arith.constant 16 : index
      %swap3A_208 = tpu.vector_load %arg13[%swap3A_207] {strides = array<i32>} : memref<40xi32, #tpu.memory_space<vmem>>, vector<16xi32>,
      %swap3A_209 = vector.shape_cast %swap3A_208 : vector<16xi32> to vector<16xi32>
      %swap3A_210 = vector.shape_cast %get3A_206 : vector<16xi32> to vector<16xi32>
      tpu.vector_store %arg13[%swap3A_207], %swap3A_210 {strides = array<i32>} : memref<40xi32, #tpu.memory_space<vmem>>, vector<16xi32>,
      %get3A_211 = arith.constant 24 : index
      %get3A_212 = tpu.vector_load %arg11[%get3A_211] {strides = array<i32>} : memref<40xi32, #tpu.memory_space<vmem>>, vector<16xi32>,
      %get3A_213 = vector.shape_cast %get3A_212 : vector<16xi32> to vector<16xi32>
      %swap3A_214 = arith.constant 24 : index
      %swap3A_215 = tpu.vector_load %arg13[%swap3A_214] {strides = array<i32>} : memref<40xi32, #tpu.memory_space<vmem>>, vector<16xi32>,
      %swap3A_216 = vector.shape_cast %swap3A_215 : vector<16xi32> to vector<16xi32>
      %swap3A_217 = vector.shape_cast %get3A_213 : vector<16xi32> to vector<16xi32>
      tpu.vector_store %arg13[%swap3A_214], %swap3A_217 {strides = array<i32>} : memref<40xi32, #tpu.memory_space<vmem>>, vector<16xi32>,
      %dma_start3A_218 = arith.constant 0 : i32
      %dma_start3A_219 = arith.constant 0 : i32
      %dma_start3A_220 = tpu.memref_slice %arg20[%dma_start3A_218, %dma_start3A_219] : memref<10240x128xf32, #tpu.memory_space<vmem_shared>> -> memref<10240x128xf32, #tpu.memory_space<vmem_shared>>
      tpu.enqueue_indirect_dma source(%arg19 : memref<40x128xf32, #tpu.memory_space<vmem>>) target(%dma_start3A_220 : memref<10240x128xf32, #tpu.memory_space<vmem_shared>>) offsets(%arg13 : memref<40xi32, #tpu.memory_space<vmem>>) semaphore(%arg28 : memref<!tpu.dma_semaphore, #tpu.memory_space<semaphore_mem>>) {add = true}
      %add3A_221 = arith.constant 2 : i32
      %add3A_222 = arith.addi %add3A_156, %add3A_221 : i32
      %lt3A_223 = arith.constant 250 : i32
      %lt3A_224 = arith.cmpi slt, %add3A_222, %lt3A_223 : i32
      %convert_element_type3A_225 = arith.extui %lt3A_224 : i1 to i32
      %cond3A_226 = arith.constant 0 : i32
      %cond3A_227 = arith.cmpi ne, %convert_element_type3A_225, %cond3A_226 : i32
      scf.if %cond3A_227 {
        %add3A_228 = arith.constant 2 : i32
        %add3A_229 = arith.addi %add3A_156, %add3A_228 : i32
        %mul3A_230 = arith.constant 40 : i32
        %mul3A_231 = arith.muli %add3A_229, %mul3A_230 : i32
        %add3A_232 = arith.addi %mul3A_2, %mul3A_231 : i32
        %dma_start3A_233 = tpu.memref_slice %arg5[%add3A_232] : memref<320000xi32, #tpu.memory_space<hbm>> -> memref<40xi32, #tpu.memory_space<hbm>>
        %dma_start3A_234 = tpu.memref_slice %arg5[%add3A_232] : memref<320000xi32, #tpu.memory_space<hbm>> -> memref<40xi32, #tpu.memory_space<hbm>>
        tpu.enqueue_dma source(%dma_start3A_234 : memref<40xi32, #tpu.memory_space<hbm>>) target(%arg10 : memref<40xi32, #tpu.memory_space<vmem>>) target_semaphore(%arg22 : memref<!tpu.dma_semaphore, #tpu.memory_space<semaphore_mem>>)
        %dma_start3A_235 = tpu.memref_slice %arg6[%add3A_232] : memref<320000xi32, #tpu.memory_space<hbm>> -> memref<40xi32, #tpu.memory_space<hbm>>
        %dma_start3A_236 = tpu.memref_slice %arg6[%add3A_232] : memref<320000xi32, #tpu.memory_space<hbm>> -> memref<40xi32, #tpu.memory_space<hbm>>
        tpu.enqueue_dma source(%dma_start3A_236 : memref<40xi32, #tpu.memory_space<hbm>>) target(%arg11 : memref<40xi32, #tpu.memory_space<vmem>>) target_semaphore(%arg22 : memref<!tpu.dma_semaphore, #tpu.memory_space<semaphore_mem>>)
      } else {
      }
    }
    %scan3A_78 = arith.constant 125 : i32
    %dma_wait3A_79 = arith.constant 0 : i32
    %dma_wait3A_80 = arith.constant 0 : i32
    %dma_wait3A_81 = tpu.memref_slice %arg4[%dma_wait3A_79, %dma_wait3A_80] : memref<320000x128xf32, #tpu.memory_space<hbm>> -> memref<40x128xf32, #tpu.memory_space<hbm>>
    %dma_wait3A_82 = arith.constant 0 : i32
    %dma_wait3A_83 = arith.constant 0 : i32
    %dma_wait3A_84 = tpu.memref_slice %arg4[%dma_wait3A_82, %dma_wait3A_83] : memref<320000x128xf32, #tpu.memory_space<hbm>> -> memref<40x128xf32, #tpu.memory_space<hbm>>
    tpu.wait_dma2 semaphore(%arg28 : memref<!tpu.dma_semaphore, #tpu.memory_space<semaphore_mem>>) src(%dma_wait3A_84 : memref<40x128xf32, #tpu.memory_space<hbm>>) dst(%arg19 : memref<40x128xf32, #tpu.memory_space<vmem>>)
    %barrier3A_85 = arith.constant 0 : index
    tpu.barrier barrier_id(%barrier3A_85)
    "tpu.region"() ({
      %run_scoped3A = tpu.sem_alloc : memref<!tpu.dma_semaphore, #tpu.memory_space<semaphore_mem>>
      %dma_start3A_86 = arith.constant 0 : i32
      %dma_start3A_87 = tpu.memref_slice %arg7[%arg0, %mul3A_4, %dma_start3A_86] : memref<2x10240x128xf32, #tpu.memory_space<hbm>> -> memref<1x640x128xf32, #tpu.memory_space<hbm>>
      %dma_start3A_88 = tpu.memref_squeeze %dma_start3A_87 : memref<1x640x128xf32, #tpu.memory_space<hbm>> -> memref<640x128xf32, #tpu.memory_space<hbm>>
      %dma_start3A_89 = arith.constant 0 : i32
      %dma_start3A_90 = tpu.memref_slice %arg20[%mul3A_4, %dma_start3A_89] : memref<10240x128xf32, #tpu.memory_space<vmem_shared>> -> memref<640x128xf32, #tpu.memory_space<vmem_shared>>
      tpu.enqueue_dma source(%dma_start3A_90 : memref<640x128xf32, #tpu.memory_space<vmem_shared>>) target(%dma_start3A_88 : memref<640x128xf32, #tpu.memory_space<hbm>>) target_semaphore(%run_scoped3A : memref<!tpu.dma_semaphore, #tpu.memory_space<semaphore_mem>>)
      %dma_wait3A_91 = arith.constant 0 : i32
      %dma_wait3A_92 = tpu.memref_slice %arg7[%arg0, %mul3A_4, %dma_wait3A_91] : memref<2x10240x128xf32, #tpu.memory_space<hbm>> -> memref<1x640x128xf32, #tpu.memory_space<hbm>>
      %dma_wait3A_93 = tpu.memref_squeeze %dma_wait3A_92 : memref<1x640x128xf32, #tpu.memory_space<hbm>> -> memref<640x128xf32, #tpu.memory_space<hbm>>
      %dma_wait3A_94 = arith.constant 0 : i32
      %dma_wait3A_95 = tpu.memref_slice %arg20[%mul3A_4, %dma_wait3A_94] : memref<10240x128xf32, #tpu.memory_space<vmem_shared>> -> memref<640x128xf32, #tpu.memory_space<vmem_shared>>
      tpu.wait_dma2 semaphore(%run_scoped3A : memref<!tpu.dma_semaphore, #tpu.memory_space<semaphore_mem>>) src(%dma_wait3A_95 : memref<640x128xf32, #tpu.memory_space<vmem_shared>>) dst(%dma_wait3A_93 : memref<640x128xf32, #tpu.memory_space<hbm>>)
      tpu.yield
    }) : () -> ()
    return
  }
}

module attributes {stable_mosaic.version = 14 : i64} {
  func.func @_proj_body(%arg0: i32, %arg1: memref<2000x128xf32, #tpu.memory_space<vmem>>, %arg2: memref<128x128xf32, #tpu.memory_space<vmem>>, %arg3: memref<2000x128xf32, #tpu.memory_space<vmem>>, %arg4: memref<128x256xf32, #tpu.memory_space<vmem>>, %arg5: memref<128x128xf32, #tpu.memory_space<vmem>>, %arg6: memref<2000x128xf32, #tpu.memory_space<vmem>>, %arg7: memref<2000x256xf32, #tpu.memory_space<vmem>>, %arg8: memref<2000x128xf32, #tpu.memory_space<vmem>>) attributes {dimension_semantics = [#tpu.dimension_semantics<arbitrary>], iteration_bounds = array<i64: 160>, scalar_prefetch = 0 : i64, scratch_operands = 0 : i64, tpu.core_type = #tpu.core_type<tc>, window_params = [{transform_indices = @transform_0, window_bounds = array<i64: 2000, 128>}, {pipeline_mode = #tpu.pipeline_mode<synchronous>, transform_indices = @transform_1, window_bounds = array<i64: 128, 128>}, {transform_indices = @transform_2, window_bounds = array<i64: 2000, 128>}, {pipeline_mode = #tpu.pipeline_mode<synchronous>, transform_indices = @transform_3, window_bounds = array<i64: 128, 256>}, {pipeline_mode = #tpu.pipeline_mode<synchronous>, transform_indices = @transform_4, window_bounds = array<i64: 128, 128>}, {transform_indices = @transform_5, window_bounds = array<i64: 2000, 128>}, {transform_indices = @transform_6, window_bounds = array<i64: 2000, 256>}, {transform_indices = @transform_7, window_bounds = array<i64: 2000, 128>}]} {
    %get3A = arith.constant 0 : index
    %get3A_0 = arith.constant 0 : index
    %get3A_1 = vector.load %arg1[%get3A, %get3A_0] : memref<2000x128xf32, #tpu.memory_space<vmem>>, vector<2000x128xf32>
    %get3A_2 = arith.constant 0 : index
    %get3A_3 = arith.constant 0 : index
    %get3A_4 = vector.load %arg2[%get3A_2, %get3A_3] : memref<128x128xf32, #tpu.memory_space<vmem>>, vector<128x128xf32>
    %dot_general3A = arith.constant dense<0.000000e+00> : vector<2000x128xf32>
    %dot_general3A_5 = tpu.matmul %get3A_1, %get3A_4, %dot_general3A {dimension_numbers = #tpu.dot_dimension_numbers<[1], [0], [0], [1], [0, 0, 1, 1], [], []>, transpose_lhs_hint = false} : vector<2000x128xf32>, vector<128x128xf32>, vector<2000x128xf32> -> vector<2000x128xf32>
    %swap3A = arith.constant 0 : index
    %swap3A_6 = arith.constant 0 : index
    %swap3A_7 = vector.load %arg6[%swap3A, %swap3A_6] : memref<2000x128xf32, #tpu.memory_space<vmem>>, vector<2000x128xf32>
    tpu.vector_store %arg6[%swap3A, %swap3A_6], %dot_general3A_5 {strides = array<i32>} : memref<2000x128xf32, #tpu.memory_space<vmem>>, vector<2000x128xf32>,
    %lt3A = arith.constant 5 : i32
    %lt3A_8 = arith.cmpi slt, %arg0, %lt3A : i32
    %convert_element_type3A = arith.extui %lt3A_8 : i1 to i32
    %cond3A = arith.constant 0 : i32
    %cond3A_9 = arith.cmpi ne, %convert_element_type3A, %cond3A : i32
    scf.if %cond3A_9 {
      %get3A_10 = arith.constant 0 : index
      %get3A_11 = arith.constant 0 : index
      %get3A_12 = vector.load %arg3[%get3A_10, %get3A_11] : memref<2000x128xf32, #tpu.memory_space<vmem>>, vector<2000x128xf32>
      %get3A_13 = arith.constant 0 : index
      %get3A_14 = arith.constant 0 : index
      %get3A_15 = vector.load %arg4[%get3A_13, %get3A_14] : memref<128x256xf32, #tpu.memory_space<vmem>>, vector<128x256xf32>
      %dot_general3A_16 = arith.constant dense<0.000000e+00> : vector<2000x256xf32>
      %dot_general3A_17 = tpu.matmul %get3A_12, %get3A_15, %dot_general3A_16 {dimension_numbers = #tpu.dot_dimension_numbers<[1], [0], [0], [1], [0, 0, 1, 1], [], []>, transpose_lhs_hint = false} : vector<2000x128xf32>, vector<128x256xf32>, vector<2000x256xf32> -> vector<2000x256xf32>
      %swap3A_18 = arith.constant 0 : index
      %swap3A_19 = arith.constant 0 : index
      %swap3A_20 = vector.load %arg7[%swap3A_18, %swap3A_19] : memref<2000x256xf32, #tpu.memory_space<vmem>>, vector<2000x256xf32>
      tpu.vector_store %arg7[%swap3A_18, %swap3A_19], %dot_general3A_17 {strides = array<i32>} : memref<2000x256xf32, #tpu.memory_space<vmem>>, vector<2000x256xf32>,
      %get3A_21 = arith.constant 0 : index
      %get3A_22 = arith.constant 0 : index
      %get3A_23 = vector.load %arg5[%get3A_21, %get3A_22] : memref<128x128xf32, #tpu.memory_space<vmem>>, vector<128x128xf32>
      %dot_general3A_24 = arith.constant dense<0.000000e+00> : vector<2000x128xf32>
      %dot_general3A_25 = tpu.matmul %get3A_12, %get3A_23, %dot_general3A_24 {dimension_numbers = #tpu.dot_dimension_numbers<[1], [0], [0], [1], [0, 0, 1, 1], [], []>, transpose_lhs_hint = false} : vector<2000x128xf32>, vector<128x128xf32>, vector<2000x128xf32> -> vector<2000x128xf32>
      %swap3A_26 = arith.constant 0 : index
      %swap3A_27 = arith.constant 0 : index
      %swap3A_28 = vector.load %arg8[%swap3A_26, %swap3A_27] : memref<2000x128xf32, #tpu.memory_space<vmem>>, vector<2000x128xf32>
      tpu.vector_store %arg8[%swap3A_26, %swap3A_27], %dot_general3A_25 {strides = array<i32>} : memref<2000x128xf32, #tpu.memory_space<vmem>>, vector<2000x128xf32>,
    } else {
    }
    return
  }
  func.func @transform_0(%arg0: i32) -> (i32, i32) {
    %c0_i32 = arith.constant 0 : i32
    %c0_i32_0 = arith.constant 0 : i32
    return %arg0, %c0_i32 : i32, i32
  }
  func.func @transform_1(%arg0: i32) -> (i32, i32) {
    %c0_i32 = arith.constant 0 : i32
    %c0_i32_0 = arith.constant 0 : i32
    %c0_i32_1 = arith.constant 0 : i32
    return %c0_i32, %c0_i32_0 : i32, i32
  }
  func.func @transform_2(%arg0: i32) -> (i32, i32) {
    %min3A = arith.constant 4 : i32
    %min3A_0 = arith.minsi %arg0, %min3A : i32
    %c0_i32 = arith.constant 0 : i32
    %c0_i32_1 = arith.constant 0 : i32
    return %min3A_0, %c0_i32 : i32, i32
  }
  func.func @transform_3(%arg0: i32) -> (i32, i32) {
    %c0_i32 = arith.constant 0 : i32
    %c0_i32_0 = arith.constant 0 : i32
    %c0_i32_1 = arith.constant 0 : i32
    return %c0_i32, %c0_i32_0 : i32, i32
  }
  func.func @transform_4(%arg0: i32) -> (i32, i32) {
    %c0_i32 = arith.constant 0 : i32
    %c0_i32_0 = arith.constant 0 : i32
    %c0_i32_1 = arith.constant 0 : i32
    return %c0_i32, %c0_i32_0 : i32, i32
  }
  func.func @transform_5(%arg0: i32) -> (i32, i32) {
    %c0_i32 = arith.constant 0 : i32
    %c0_i32_0 = arith.constant 0 : i32
    return %arg0, %c0_i32 : i32, i32
  }
  func.func @transform_6(%arg0: i32) -> (i32, i32) {
    %min3A = arith.constant 4 : i32
    %min3A_0 = arith.minsi %arg0, %min3A : i32
    %c0_i32 = arith.constant 0 : i32
    %c0_i32_1 = arith.constant 0 : i32
    return %min3A_0, %c0_i32 : i32, i32
  }
  func.func @transform_7(%arg0: i32) -> (i32, i32) {
    %min3A = arith.constant 4 : i32
    %min3A_0 = arith.minsi %arg0, %min3A : i32
    %c0_i32 = arith.constant 0 : i32
    %c0_i32_1 = arith.constant 0 : i32
    return %min3A_0, %c0_i32 : i32, i32
  }
}

module attributes {stable_mosaic.version = 14 : i64} {
  func.func @_final_body(%arg0: memref<10000x128xf32, #tpu.memory_space<vmem>>, %arg1: memref<128x128xf32, #tpu.memory_space<vmem>>, %arg2: memref<2x10240x128xf32, #tpu.memory_space<vmem>>, %arg3: memref<1x128xf32, #tpu.memory_space<vmem>>, %arg4: memref<1x128xf32, #tpu.memory_space<vmem>>, %arg5: memref<10000x128xf32, #tpu.memory_space<vmem>>) attributes {dimension_semantics = [], scalar_prefetch = 0 : i64, scratch_operands = 0 : i64, tpu.core_type = #tpu.core_type<tc>} {
    %get3A = arith.constant 0 : index
    %get3A_0 = arith.constant 0 : index
    %get3A_1 = vector.load %arg0[%get3A, %get3A_0] : memref<10000x128xf32, #tpu.memory_space<vmem>>, vector<10000x128xf32>
    %get3A_2 = arith.constant 0 : index
    %get3A_3 = arith.constant 0 : index
    %get3A_4 = vector.load %arg1[%get3A_2, %get3A_3] : memref<128x128xf32, #tpu.memory_space<vmem>>, vector<128x128xf32>
    %dot_general3A = arith.constant dense<0.000000e+00> : vector<10000x128xf32>
    %dot_general3A_5 = tpu.matmul %get3A_1, %get3A_4, %dot_general3A {dimension_numbers = #tpu.dot_dimension_numbers<[1], [0], [0], [1], [0, 0, 1, 1], [], []>, transpose_lhs_hint = false} : vector<10000x128xf32>, vector<128x128xf32>, vector<10000x128xf32> -> vector<10000x128xf32>
    %get3A_6 = arith.constant 0 : index
    %get3A_7 = arith.constant 0 : index
    %get3A_8 = arith.constant 0 : index
    %get3A_9 = vector.load %arg2[%get3A_6, %get3A_7, %get3A_8] : memref<2x10240x128xf32, #tpu.memory_space<vmem>>, vector<2x10240x128xf32>
    %slice3A = vector.extract_strided_slice %get3A_9 {offsets = [0, 0, 0], sizes = [1, 10000, 128], strides = [1, 1, 1]} : vector<2x10240x128xf32> to vector<1x10000x128xf32>
    %squeeze3A = vector.shape_cast %slice3A : vector<1x10000x128xf32> to vector<10000x128xf32>
    %add3A = arith.addf %dot_general3A_5, %squeeze3A : vector<10000x128xf32>
    %slice3A_10 = vector.extract_strided_slice %get3A_9 {offsets = [1, 0, 0], sizes = [1, 10000, 128], strides = [1, 1, 1]} : vector<2x10240x128xf32> to vector<1x10000x128xf32>
    %squeeze3A_11 = vector.shape_cast %slice3A_10 : vector<1x10000x128xf32> to vector<10000x128xf32>
    %add3A_12 = arith.addf %add3A, %squeeze3A_11 : vector<10000x128xf32>
    %reduce_sum3A = arith.constant dense<0.000000e+00> : vector<128xf32>
    %reduce_sum3A_13 = vector.multi_reduction <add>, %add3A_12, %reduce_sum3A [0] : vector<10000x128xf32> to vector<128xf32>
    %broadcast_in_dim3A = vector.shape_cast %reduce_sum3A_13 : vector<128xf32> to vector<1x128xf32>
    %div3A = arith.constant 1.000000e+04 : f32
    %div3A_14 = vector.broadcast %div3A : f32 to vector<1x128xf32>
    %div3A_15 = arith.divf %broadcast_in_dim3A, %div3A_14 : vector<1x128xf32>
    %sub3A = vector.broadcast %div3A_15 : vector<1x128xf32> to vector<10000x128xf32>
    %sub3A_16 = arith.subf %add3A_12, %sub3A : vector<10000x128xf32>
    %mul3A = arith.mulf %sub3A_16, %sub3A_16 : vector<10000x128xf32>
    %reduce_sum3A_17 = arith.constant dense<0.000000e+00> : vector<128xf32>
    %reduce_sum3A_18 = vector.multi_reduction <add>, %mul3A, %reduce_sum3A_17 [0] : vector<10000x128xf32> to vector<128xf32>
    %broadcast_in_dim3A_19 = vector.shape_cast %reduce_sum3A_18 : vector<128xf32> to vector<1x128xf32>
    %div3A_20 = arith.constant 1.000000e+04 : f32
    %div3A_21 = vector.broadcast %div3A_20 : f32 to vector<1x128xf32>
    %div3A_22 = arith.divf %broadcast_in_dim3A_19, %div3A_21 : vector<1x128xf32>
    %add3A_23 = arith.constant 9.99999974E-6 : f32
    %add3A_24 = vector.broadcast %add3A_23 : f32 to vector<1x128xf32>
    %add3A_25 = arith.addf %div3A_22, %add3A_24 : vector<1x128xf32>
    %rsqrt3A = math.rsqrt %add3A_25 : vector<1x128xf32>
    %mul3A_26 = vector.broadcast %rsqrt3A : vector<1x128xf32> to vector<10000x128xf32>
    %mul3A_27 = arith.mulf %sub3A_16, %mul3A_26 : vector<10000x128xf32>
    %get3A_28 = arith.constant 0 : index
    %get3A_29 = arith.constant 0 : index
    %get3A_30 = vector.load %arg3[%get3A_28, %get3A_29] : memref<1x128xf32, #tpu.memory_space<vmem>>, vector<1x128xf32>
    %mul3A_31 = vector.broadcast %get3A_30 : vector<1x128xf32> to vector<10000x128xf32>
    %mul3A_32 = arith.mulf %mul3A_27, %mul3A_31 : vector<10000x128xf32>
    %get3A_33 = arith.constant 0 : index
    %get3A_34 = arith.constant 0 : index
    %get3A_35 = vector.load %arg4[%get3A_33, %get3A_34] : memref<1x128xf32, #tpu.memory_space<vmem>>, vector<1x128xf32>
    %add3A_36 = vector.broadcast %get3A_35 : vector<1x128xf32> to vector<10000x128xf32>
    %add3A_37 = arith.addf %mul3A_32, %add3A_36 : vector<10000x128xf32>
    %max3A = arith.constant 0.000000e+00 : f32
    %max3A_38 = vector.broadcast %max3A : f32 to vector<10000x128xf32>
    %max3A_39 = arith.maximumf %add3A_37, %max3A_38 : vector<10000x128xf32>
    %swap3A = arith.constant 0 : index
    %swap3A_40 = arith.constant 0 : index
    %swap3A_41 = vector.load %arg5[%swap3A, %swap3A_40] : memref<10000x128xf32, #tpu.memory_space<vmem>>, vector<10000x128xf32>
    tpu.vector_store %arg5[%swap3A, %swap3A_40], %max3A_39 {strides = array<i32>} : memref<10000x128xf32, #tpu.memory_space<vmem>>, vector<10000x128xf32>,
    return
  }
}

</mosaic_0001>

<sc_bundles>
// kernel: kernel.5.cloned.1.call-start
scs
__scs_entry_jumppad:
0x0: {  	(pc) =	sbr.rel $0x88, $3  }
0x1: {  	(tag) =	ssettag $0x0;
	lr =	simm.s32 $0x1  }
0x2: {  	[smem:$0x3F97] =	sst lr;
	_ =	strace $0xD0000000  }
0x3: {  	_ = 	snop  }
0x4: {  	_ = 	snop  }
0x5: {  	_ = 	snop  }
0x6: {  	_ = 	snop  }
0x7: {  	_ = 	snop  }
__scs_overlays_trampoline_lowered:
0x8: {  	[smem:$0x3FA6] =	sst s0  }
0x9: {  	[smem:$0x3FA7] =	sst s1  }
0xa: {  	[smem:$0x3FA8] =	sst s2  }
0xb: {  	[smem:$0x3FA9] =	sst s3  }
0xc: {  	[smem:$0x3FAA] =	sst s4  }
0xd: {  	[smem:$0x3FAB] =	sst s5  }
0xe: {  	[smem:$0x3FAC] =	sst s6  }
0xf: {  	[smem:$0x3FAD] =	sst s7  }
0x10: {  	[smem:$0x3FAE] =	sst s8  }
0x11: {  	[smem:$0x3FAF] =	sst s9;
	s0 =	simm.s32 @!p0 $0x0  }
0x12: {  	s1 =	sld [smem:$0x3F95];
	s0 =	simm.s32 @p0 $0x1  }
0x13: {  	[smem:$0x3FB0] =	sst s0;
	s0 =	simm.s32 @!p1 $0x0  }
0x14: {  	s2 =	sld [smem:$0x3F94];
	s0 =	simm.s32 @p1 $0x1  }
0x15: {  	[smem:$0x3FB1] =	sst s0;
	s0 =	simm.s32 @!p2 $0x0  }
0x16: {  	s3 =	sld [smem:$0x3FDB];
	s0 =	simm.s32 @p2 $0x1  }
0x17: {  	s4 =	simm.s32 $0x1BF5;
	[smem:$0x3FB3] =	sst s0  }
0x18: {  	s0 =	sld [smem:$0x3F96];
	_ =	swait.ge [sflag:s4], $0x0  }
0x19: {  	s7 =	sld [smem:$0x3F97]  }
0x1a: {  	s8 =	sadd.s32 $0xFFFFE003, lr  }
0x1b: {  	s9 =	sadd.s32 $0xFFFFFEF7, lr;
	s5 =	simm.s32 $0xFFFFFFFF;
	p2 =	slt.u32 s8, $0xFFFFF086  }
0x1c: {  	p1 =	slt.u32 s9, $0xF7A;
	s5 =	simm.s32 @!p2 $0x0  }
0x1d: {  	s5 =	simm.s32 @p1 $0x1;
	p0 =	seq.s32 s7, s2  }
0x1e: {  	s7 =	smul.u32 @!p0 $0xF7A, s2;
	p2 =	seq.s32 @!p0 s5, $0x0  }
0x1f: {  	s9 =	smul.u32 $0xF7A, s1;
	s8 =	simm.s32 @!p0 $0x1BF5;
	p2 =	por !p2, p0  }
0x20: {  	[sflag:s8] =	ssyncset.s32 @!p0 $0xFFFFF086;
	s6 =	sadd.s32 @!p0 s3, s7;
	s7 =	simm.s32 @!p0 $0x108  }
0x21: {  	s3 =	sadd.s32 s3, s9;
	s6 =	sadd.s32 @!p0 $0x88, s6;
	s7 =	simm.s32 @p2 $0x1082  }
0x22: {  	[simem:s7], [sflag:s8] =	dma.local @!p0 [hbm:s6], $0xF7A  }
0x23: {  	s9 =	sor.u32 $0xD0000000, s2;
	s6 =	simm.s32 $0x108;
	_ =	swait.ge @!p0 [sflag:s8], $0x0  }
0x24: {  	s3 =	sadd.s32 $0x88, s3;
	s6 =	simm.s32 @!p1 $0x1082;
	[sflag:s4] =	ssyncset.s32 $0xFFFFF086  }
0x25: {  	[simem:s6], [sflag:s4] =	dma.local [hbm:s3], $0xF7A  }
0x26: {  	[smem:$0x3F97] =	sst s1;
	(tag) =	ssettag s2;
	_ =	strace s9  }
0x27: {  	s1 =	sld [smem:$0x3FA7]  }
0x28: {  	s2 =	sld [smem:$0x3FA8]  }
0x29: {  	s4 =	sld [smem:$0x3FAA]  }
0x2a: {  	p0 =	seq.s32 s5, $0x0;
	s5 =	sld [smem:$0x3FAB]  }
0x2b: {  	s6 =	sld [smem:$0x3FAC]  }
0x2c: {  	s7 =	sld [smem:$0x3FAD]  }
0x2d: {  	s3 =	simm.s32 $0x108;
	s8 =	sld [smem:$0x3FAE]  }
0x2e: {  	s3 =	simm.s32 @!p0 $0x1082;
	s9 =	sld [smem:$0x3FAF]  }
0x2f: {  	lr =	sadd.s32 s0, s3;
	s0 =	sld [smem:$0x3FA6]  }
0x30: {  	s3 =	sld [smem:$0x3FA9]  }
0x31: {  	[smem:$0x3FB2] =	sst s10  }
0x32: {  	s10 =	sld [smem:$0x3FB0];
	_ =	sdelay $0x3  }
0x33: {  	p0 =	seq.s32 s10, $0x1;
	s10 =	sld [smem:$0x3FB2];
	_ =	sdelay $0x3  }
0x34: {  	[smem:$0x3FB2] =	sst s10  }
0x35: {  	s10 =	sld [smem:$0x3FB1];
	_ =	sdelay $0x3  }
0x36: {  	p1 =	seq.s32 s10, $0x1;
	s10 =	sld [smem:$0x3FB2];
	_ =	sdelay $0x3  }
0x37: {  	[smem:$0x3FB2] =	sst s10  }
0x38: {  	s10 =	sld [smem:$0x3FB3]  }
0x39: {  	_ = 	snop;
	(pc) =	sbr.ind lr, $3  }
0x3a: {  	_ = 	snop  }
0x3b: {  	_ = 	snop  }
0x3c: {  	p2 =	seq.s32 s10, $0x1;
	s10 =	sld [smem:$0x3FB2]  }
0x3d: {  	_ =	shalt  }
0x3e: {  	_ =	shalt  }
0x3f: {  	_ =	shalt  }
0x40: {  	_ =	shalt  }
0x41: {  	_ =	shalt  }
0x42: {  	_ =	shalt  }
0x43: {  	_ =	shalt  }
0x44: {  	_ =	shalt  }
0x45: {  	_ =	shalt  }
0x46: {  	_ =	shalt  }
0x47: {  	_ =	shalt  }
0x48: {  	_ =	shalt  }
0x49: {  	_ =	shalt  }
0x4a: {  	_ =	shalt  }
0x4b: {  	_ =	shalt  }
0x4c: {  	_ =	shalt  }
0x4d: {  	_ =	shalt  }
0x4e: {  	_ =	shalt  }
0x4f: {  	_ =	shalt  }
0x50: {  	_ =	shalt  }
0x51: {  	_ =	shalt  }
0x52: {  	_ =	shalt  }
0x53: {  	_ =	shalt  }
0x54: {  	_ =	shalt  }
0x55: {  	_ =	shalt  }
0x56: {  	_ =	shalt  }
0x57: {  	_ =	shalt  }
0x58: {  	_ =	shalt  }
0x59: {  	_ =	shalt  }
0x5a: {  	_ =	shalt  }
0x5b: {  	_ =	shalt  }
0x5c: {  	_ =	shalt  }
0x5d: {  	_ =	shalt  }
0x5e: {  	_ =	shalt  }
0x5f: {  	_ =	shalt  }
0x60: {  	_ =	shalt  }
0x61: {  	_ =	shalt  }
0x62: {  	_ =	shalt  }
0x63: {  	_ =	shalt  }
0x64: {  	_ =	shalt  }
0x65: {  	_ =	shalt  }
0x66: {  	_ =	shalt  }
0x67: {  	_ =	shalt  }
0x68: {  	_ =	shalt  }
0x69: {  	_ =	shalt  }
0x6a: {  	_ =	shalt  }
0x6b: {  	_ =	shalt  }
0x6c: {  	_ =	shalt  }
0x6d: {  	_ =	shalt  }
0x6e: {  	_ =	shalt  }
0x6f: {  	_ =	shalt  }
0x70: {  	_ =	shalt  }
0x71: {  	_ =	shalt  }
0x72: {  	_ =	shalt  }
0x73: {  	_ =	shalt  }
0x74: {  	_ =	shalt  }
0x75: {  	_ =	shalt  }
0x76: {  	_ =	shalt  }
0x77: {  	_ =	shalt  }
0x78: {  	_ =	shalt  }
0x79: {  	_ =	shalt  }
0x7a: {  	_ =	shalt  }
0x7b: {  	_ =	shalt  }
0x7c: {  	_ =	shalt  }
0x7d: {  	_ =	shalt  }
0x7e: {  	_ =	shalt  }
0x7f: {  	_ =	shalt  }
0x80: {  	_ =	shalt  }
0x81: {  	_ =	shalt  }
0x82: {  	_ =	shalt  }
0x83: {  	_ =	shalt  }
0x84: {  	_ =	shalt  }
0x85: {  	_ =	shalt  }
0x86: {  	_ =	shalt  }
0x87: {  	_ =	shalt  }
.Lfunc_end0:
.L_simem_size_0:
called_computation_lowered:
.L_overlay_start_0:
0x88: {  	s2 =	sld [smem:$0x3FD9]  }
0x89: {  	s3 =	sld [smem:$0x3FFE];
	_ =	sdelay $0x1  }
0x8a: {  	s1 =	srdreg.scid  }
0x8b: {  	s0 =	sand.u32 $0x1, s1  }
0x8c: {  	s14 =	sshll.u32 s0, $0xA;
	s2 =	sadd.s32 s3, s2  }
0x8d: {  	s2 =	sadd.s32 s2, s14  }
0x8e: {  	[smem:$0x3FBE] =	sst s2  }
0x8f: {  	_ = 	snop  }
0x90: {  	s2 =	sld [smem:$0x3FD0];
	_ =	sdelay $0x2  }
0x91: {  	s15 =	simm.s32 $0xA;
	s4 =	simm.s32 $0x10  }
0x92: {  	[smem:s4], [sflag:s15] =	dma.local [hbm:s2], $0x1  }
0x93: {  	_ =	swait.eq [sflag:s15], $0x1  }
0x94: {  	[sflag:s15] =	ssyncset.done $0x0  }
0x95: {  	s16 =	sld [smem:$0x10];
	[sflag:s15] =	ssyncadd.s32 $0xFFFFFFFF  }
0x96: {  	s17 =	sld [smem:$0x11];
	(tm) =	ssettm $0x1  }
0x97: {  	s18 =	sld [smem:$0x3FFB];
	_ =	sdelay $0x3  }
0x98: {  	_ =	strace s18  }
0x99: {  	s4 =	sld [smem:$0x3FFC];
	_ =	sdelay $0x3  }
0x9a: {  	_ =	strace s4  }
0x9b: {  	s4 =	sld [smem:$0x3FFD];
	_ =	sdelay $0x3  }
0x9c: {  	_ =	strace s4  }
0x9d: {  	_ =	strace $0x8FFFFFFF  }
0x9e: {  	s19 =	sld [smem:$0x3FDB];
	_ =	sdelay $0x1  }
0x9f: {  	s5 =	simm.s32 $_scs_section_size  }
0xa0: {  	s6 =	simm.s32 $_size__tile_overlayer_lowered;
	s7 =	simm.s32 $_tile_overlayer_lowered  }
0xa1: {  	s22 =	simm.s32 $0x1BFF;
	s21 =	sshll.u32 s7, $0x1;
	s4 =	sadd.s32 s5, s19  }
0xa2: {  	s8 =	simm.s32 $0x0;
	s20 =	sshll.u32 s6, $0x1;
	s6 =	sadd.s32 s21, s4  }
0xa3: {  	[timem:s8], [sflag:s22] =	dma.local [hbm:s6], s20  }
0xa4: {  	_ =	swait.ge [sflag:s22], s20  }
0xa5: {  	s5 =	ssub.s32 $0x0, s20;
	[sflag:s22] =	ssyncset.done $0x0  }
0xa6: {  	[sflag:s22] =	ssyncadd.s32 s5;
	_ =	sdelay $0x1  }
0xa7: {  	s23 =	simm.s32 $0x1B8B  }
0xa8: {  	_ =	swait.ge [sflag:s23], $0x1  }
0xa9: {  	[sflag:s23] =	ssyncset.done $0x0  }
0xaa: {  	s25 =	simm.s32 $0x1B8E;
	s24 =	sld [smem:$0x3FFE];
	[sflag:s23] =	ssyncadd.s32 $0xFFFFFFFF  }
0xab: {  	s26 =	simm.s32 $execute0_lowered;
	[smem:$0x3FD2] =	sst s25  }
0xac: {  	s6 =	sshll.u32 s26, $0x1;
	_ =	strace $0x80000046;
	[dreg:$0x1] =	wrdreg $0xFFFFFFFF  }
0xad: {  	s28 =	simm.s32 $_size_execute0_lowered;
	s4 =	sadd.s32 s4, s6;
	[dreg:$0x0] =	wrdreg $0x0  }
0xae: {  	s6 =	sshll.u32 s28, $0x1;
	[dreg:$0x2] =	wrdreg s4  }
0xaf: {  	[dreg:$0x3] =	wrdreg s6  }
0xb0: {  	[dreg:$0x4] =	wrdreg $0xC0  }
0xb1: {  	_ =	task [dreg:s8], $0x5FFFF  }
0xb2: {  	[dreg:$0x1] =	wrdreg $0xFFFFFFFF  }
0xb3: {  	[dreg:$0x0] =	wrdreg $0x60  }
0xb4: {  	[dreg:$0x2] =	wrdreg s24  }
0xb5: {  	[dreg:$0x3] =	wrdreg s16  }
0xb6: {  	[dreg:$0x4] =	wrdreg s17  }
0xb7: {  	[dreg:$0x5] =	wrdreg $0xA3000  }
0xb8: {  	[dreg:$0x6] =	wrdreg $0x9  }
0xb9: {  	_ =	task.clear_ibuf [dreg:s8], $0x7FFFF;
	_ =	strace $0x90000046  }
0xba: {  	s29 =	simm.s32 $0x9;
	_ =	strace $0x80000048  }
0xbb: {  	_ =	swait.ge [sflag:s29], $0x1  }
0xbc: {  	[sflag:s29] =	ssyncadd.s32 $0xFFFFFFFF  }
0xbd: {  	_ =	strace $0x90000048  }
0xbe: {  	_ =	sfence  }
0xbf: {  	s30 =	sld [smem:$0x0];
	_ =	sdelay $0x2  }
0xc0: {  	s31 =	sshll.u32 s1, $0xD;
	s1 =	sshrl.u32 s1, $0x2  }
0xc1: {  	s3 =	sand.u32 $0x4000, s31;
	s1 =	sadd.s32 s1, s30  }
0xc2: {  	s0 =	sor.u32 s3, s0;
	s1 =	sshll.u32 s1, $0x11  }
0xc3: {  	s0 =	sor.u32 s1, s0  }
0xc4: {  	s0 =	sadd.s32 $0x8F2B, s0  }
0xc5: {  	[sflag:s0] =	ssyncadd.remote.s32 $0x1  }
0xc6: {  	_ =	sfence.sel $0xFFFF  }
0xc7: {  	[dreg:$0x0] =	wrdreg $0xFFFFFFFF;
	(pc) =	sbr.abs _section_cstart, $3  }
0xc8: {  	[dreg:$0x1] =	wrdreg $0xFFFFFFFF  }
0xc9: {  	_ =	task.clear_ibuf [dreg:s8], $0x2FFFF;
	_ =	strace $0x9FFFFFFF  }
0xca: {  	(tm) =	ssettm $0x7FFFFFFF  }
0xcb: {  	_ =	shalt  }
tec
execute0_lowered:
.L_overlay_start_1:
0x0: {  	(tag) =	ssettag $0x1  }
0x1: {  	s0 =	rddreg [dreg:$0x0]  }
0x2: {  	s6 =	rddreg [dreg:$0x2]  }
0x3: {  	s7 =	rddreg [dreg:$0x3]  }
0x4: {  	s1 =	srdreg.scid;
	s8 =	simm.s32 $0x0;
	s4 =	stileid.u32  }
0x5: {  	s1 =	sand.u32 $0x1, s1;
	[smem:$0x7FF] =	sst s8;
	s3 =	smul.u32 $0x14000, s4  }
0x6: {  	s5 =	sadd.s32 $0x14A00, s0;
	s9 =	sadd.s32 $0xAC00, s0;
	s28 =	smul.u32 $0x50000, s4  }
0x7: {  	s4 =	sshll.u32 s4, $0x1;
	s2 =	smul.u32 $0x140000, s1;
	_ =	strace $0x80000047  }
0x8: {  	[smem:$0x7E1] =	sst s5;
	s29 =	ssub.s32 $0x2, s1;
	s1 =	sor.u32 s1, s4  }
0x9: {  	s10 =	sadd.s32 $0xE00, s0;
	[smem:$0x7EC] =	sst s9;
	s31 =	smul.u32 $0x2710, s1  }
0xa: {  	[smem:$0x7EE] =	sst s10;
	s1 =	smul.u32 $0x27100, s1  }
0xb: {  	s2 =	sadd.s32 s3, s2;
	s18 =	sadd.s32 $0x28, s31;
	[smem:$0x7FB] =	sst s31  }
0xc: {  	s3 =	sshrl.u32 s28, $0x2;
	s1 =	sadd.s32 s6, s1;
	[smem:$0x7EA] =	sst s18  }
0xd: {  	s17 =	sshrl.u32 s31, $0x3;
	s31 =	sadd.s32 $0x78, s31;
	[smem:$0x7F0] =	sst s1  }
0xe: {  	s7 =	sadd.s32 s3, s7;
	[smem:$0x7FC] =	sst s31  }
0xf: {  	s3 =	sadd.s32 $0x1400, s7;
	[smem:$0x7FD] =	sst s7  }
0x10: {  	s11 =	sadd.s32 $0x2800, s7;
	[smem:$0x7E2] =	sst s3  }
0x11: {  	s12 =	sadd.s32 $0x3C00, s7;
	[smem:$0x7E3] =	sst s11  }
0x12: {  	s13 =	sadd.s32 $0x5000, s7;
	[smem:$0x7E4] =	sst s12  }
0x13: {  	s14 =	sadd.s32 $0x6400, s7;
	[smem:$0x7E5] =	sst s13  }
0x14: {  	s15 =	sadd.s32 $0x7800, s7;
	[smem:$0x7E6] =	sst s14  }
0x15: {  	s16 =	sadd.s32 $0x8C00, s7;
	[smem:$0x7E7] =	sst s15  }
0x16: {  	s22 =	sadd.s32 $0xA000, s7;
	[smem:$0x7E8] =	sst s16  }
0x17: {  	s23 =	sadd.s32 $0xB400, s7;
	[smem:$0x7F3] =	sst s22  }
0x18: {  	s24 =	sadd.s32 $0xC800, s7;
	[smem:$0x7F4] =	sst s23  }
0x19: {  	s30 =	sshrl.u32 s29, $0x1;
	s25 =	sadd.s32 $0xDC00, s7;
	[smem:$0x7F5] =	sst s24  }
0x1a: {  	s2 =	sshrl.u32 s2, $0x3;
	s26 =	sadd.s32 $0xF000, s7;
	[smem:$0x7F6] =	sst s25  }
0x1b: {  	s0 =	sadd.s32 s2, s0;
	s28 =	sadd.s32 $0x10400, s7;
	[smem:$0x7F7] =	sst s26  }
0x1c: {  	s2 =	ssub.s32 s29, s30;
	s29 =	sadd.s32 $0x11800, s7;
	[smem:$0x7F8] =	sst s28  }
0x1d: {  	s30 =	sadd.s32 $0x12C00, s7;
	[smem:$0x7F9] =	sst s29  }
0x1e: {  	s11 =	sadd.s32 s9, s17;
	[smem:$0x7FA] =	sst s30  }
0x1f: {  	s4 =	sshrl.u32 s18, $0x3;
	s3 =	sadd.s32 s10, s17;
	[smem:$0x7E9] =	sst s11  }
.Ltmp0:
0x20: {  	s19 =	sadd.s32 s9, s4;
	[smem:$0x7EB] =	sst s3;
	(pc) =	sbr.rel .LBB2_1-.Ltmp0, $4  }
0x21: {  	s5 =	simm.s32 $0x28;
	s20 =	sadd.s32 s10, s4;
	[smem:$0x7ED] =	sst s19  }
0x22: {  	v3 =	vlaneseq.u32;
	s6 =	simm.s32 $0x8F00;
	s0 =	sadd.s32 $0x62C00, s0;
	[smem:$0x7EF] =	sst s20  }
0x23: {  	v0 =	vimm.f32 $0.0e+00;
	vm0 =	vmmov $0xffff;
	v2 =	vshrl.u32 v3, $0x3;
	s1 =	simm.s32 $0x0;
	s21 =	smax.u32 s2, $0x1;
	[smem:$0x7F1] =	sst s0  }
0x24: {  	v1 =	vand.u32 $0x7, v3;
	v3 =	vor.u32 $0x8, v3;
	v2 =	vmul.u32 $0x8, v2;
	s2 =	simm.s32 $0x9;
	s4 =	simm.s32 $0x180;
	[smem:$0x7F2] =	sst s21  }
.LBB2_13:
0x25: {  	s0 =	simm.s32 $0x8  }
0x26: {  	_ =	swait.ge [sflag:s0], $0x1400  }
0x27: {  	[sflag:s0] =	ssyncset.done $0x0  }
0x28: {  	[sflag:s0] =	ssyncadd.s32 $0xFFFFEC00  }
0x29: {  	[bflag:$0x0] =	sbarrier.arrive $0xFFFF  }
0x2a: {  	s7 =	sld [smem:$0x7FD]  }
0x2b: {  	s29 =	stileid.u32;
	s2 =	sld [smem:$0x7F1]  }
0x2c: {  	s0 =	sshll.u32 s29, $0x6  }
0x2d: {  	s0 =	sor.u32 $0x1C09, s0;
	s1 =	sshrl.u32 s7, $0x3  }
0x2e: {  	[hbm:s2], [sflag:s0] =	dma.local [spmem:s1], $0x2800  }
0x2f: {  	s2 =	simm.s32 $0x9  }
0x30: {  	_ =	swait.ge [sflag:s2], $0x2800  }
0x31: {  	s30 =	sld [smem:$0x7E0]  }
0x32: {  	s31 =	sld [smem:$0x7F2];
	_ =	sdelay $0x1  }
0x33: {  	s1 =	sadd.s32 $0x1, s30  }
0x34: {  	p0 =	sne.s32 s1, s31  }
.Ltmp1:
0x35: {  	_ = 	snop;
	(pc) =	sbr.rel @!p0 .LBB2_14-.Ltmp1, $3  }
0x36: {  	_ =	sdelay $0x1  }
0x37: {  	[sflag:s2] =	ssyncset.done $0x0  }
0x38: {  	s8 =	simm.s32 $0x0;
	s4 =	simm.s32 $0x180;
	[sflag:s2] =	ssyncadd.s32 $0xFFFFD800  }
.LBB2_1:
0x39: {  	[smem:$0x7E0] =	sst s1;
	s0 =	simm.s32 $0x0;
	s1 =	simm.s32 $0x200  }
.LBB2_2:
0x3a: {  	p0 =	sne.s32 s1, $0x4E00;
	[tilespmem:s0+$0x7B70] =	vst v0  }
0x3b: {  	[tilespmem:s0+$0x7B00] =	vst v0  }
0x3c: {  	[tilespmem:s0+$0x7B10] =	vst v0  }
.Ltmp2:
0x3d: {  	[tilespmem:s0+$0x7B20] =	vst v0;
	(pc) =	sbr.rel @p0 .LBB2_2-.Ltmp2, $4  }
0x3e: {  	[tilespmem:s0+$0x7B30] =	vst v0  }
0x3f: {  	[tilespmem:s0+$0x7B40] =	vst v0  }
0x40: {  	[tilespmem:s0+$0x7B50] =	vst v0  }
0x41: {  	[tilespmem:s0+$0x7B60] =	vst v0;
	s0 =	sshra.s32 s1, $0x2;
	s1 =	sadd.s32 $0x200, s1  }
0x42: {  	[tilespmem:s0+$0x7B70] =	vst v0  }
0x43: {  	[tilespmem:s0+$0x7B00] =	vst v0  }
0x44: {  	[tilespmem:s0+$0x7B10] =	vst v0  }
0x45: {  	[tilespmem:s0+$0x7B20] =	vst v0  }
0x46: {  	[tilespmem:s0+$0x7B30] =	vst v0  }
0x47: {  	[tilespmem:s0+$0x7B40] =	vst v0  }
0x48: {  	[tilespmem:s0+$0x7B50] =	vst v0  }
0x49: {  	[tilespmem:s0+$0x7B60] =	vst v0;
	s1 =	simm.s32 $0x7B00  }
0x4a: {  	[spmem:s7] =	stream.linear.scatter [tilespmem:s1], [sflag:$0x9], $0x1400, $0x38;
	[tilespmem:$0x1E300] =	vst v63  }
0x4b: {  	_ =	swait.ge [sflag:s2], $0x1400  }
0x4c: {  	s24 =	sld [smem:$0x7E2]  }
0x4d: {  	[sflag:s2] =	ssyncset.done $0x0  }
0x4e: {  	[sflag:s2] =	ssyncadd.s32 $0xFFFFEC00  }
0x4f: {  	[spmem:s24] =	stream.linear.scatter [tilespmem:s1], [sflag:$0x9], $0x1400, $0x38;
	[tilespmem:$0x1E300] =	vst v63  }
0x50: {  	_ =	swait.ge [sflag:s2], $0x1400  }
0x51: {  	s25 =	sld [smem:$0x7E3]  }
0x52: {  	[sflag:s2] =	ssyncset.done $0x0  }
0x53: {  	[sflag:s2] =	ssyncadd.s32 $0xFFFFEC00  }
0x54: {  	[spmem:s25] =	stream.linear.scatter [tilespmem:s1], [sflag:$0x9], $0x1400, $0x38;
	[tilespmem:$0x1E300] =	vst v63  }
0x55: {  	_ =	swait.ge [sflag:s2], $0x1400  }
0x56: {  	s26 =	sld [smem:$0x7E4]  }
0x57: {  	[sflag:s2] =	ssyncset.done $0x0  }
0x58: {  	[sflag:s2] =	ssyncadd.s32 $0xFFFFEC00  }
0x59: {  	[spmem:s26] =	stream.linear.scatter [tilespmem:s1], [sflag:$0x9], $0x1400, $0x38;
	[tilespmem:$0x1E300] =	vst v63  }
0x5a: {  	_ =	swait.ge [sflag:s2], $0x1400  }
0x5b: {  	s28 =	sld [smem:$0x7E5]  }
0x5c: {  	[sflag:s2] =	ssyncset.done $0x0  }
0x5d: {  	[sflag:s2] =	ssyncadd.s32 $0xFFFFEC00  }
0x5e: {  	[spmem:s28] =	stream.linear.scatter [tilespmem:s1], [sflag:$0x9], $0x1400, $0x38;
	[tilespmem:$0x1E300] =	vst v63  }
0x5f: {  	_ =	swait.ge [sflag:s2], $0x1400  }
0x60: {  	s29 =	sld [smem:$0x7E6]  }
0x61: {  	[sflag:s2] =	ssyncset.done $0x0  }
0x62: {  	[sflag:s2] =	ssyncadd.s32 $0xFFFFEC00  }
0x63: {  	[spmem:s29] =	stream.linear.scatter [tilespmem:s1], [sflag:$0x9], $0x1400, $0x38;
	[tilespmem:$0x1E300] =	vst v63  }
0x64: {  	_ =	swait.ge [sflag:s2], $0x1400  }
0x65: {  	s30 =	sld [smem:$0x7E7]  }
0x66: {  	[sflag:s2] =	ssyncset.done $0x0  }
0x67: {  	[sflag:s2] =	ssyncadd.s32 $0xFFFFEC00  }
0x68: {  	[spmem:s30] =	stream.linear.scatter [tilespmem:s1], [sflag:$0x9], $0x1400, $0x38;
	[tilespmem:$0x1E300] =	vst v63  }
0x69: {  	_ =	swait.ge [sflag:s2], $0x1400  }
0x6a: {  	s31 =	sld [smem:$0x7E8]  }
0x6b: {  	[sflag:s2] =	ssyncset.done $0x0  }
0x6c: {  	[sflag:s2] =	ssyncadd.s32 $0xFFFFEC00  }
0x6d: {  	[spmem:s31] =	stream.linear.scatter [tilespmem:s1], [sflag:$0x9], $0x1400, $0x38;
	[tilespmem:$0x1E300] =	vst v63  }
0x6e: {  	_ =	swait.ge [sflag:s2], $0x1400  }
0x6f: {  	s3 =	sld [smem:$0x7F3]  }
0x70: {  	[sflag:s2] =	ssyncset.done $0x0  }
0x71: {  	[sflag:s2] =	ssyncadd.s32 $0xFFFFEC00  }
0x72: {  	[spmem:s3] =	stream.linear.scatter [tilespmem:s1], [sflag:$0x9], $0x1400, $0x38;
	[tilespmem:$0x1E300] =	vst v63  }
0x73: {  	_ =	swait.ge [sflag:s2], $0x1400  }
0x74: {  	s7 =	sld [smem:$0x7F4]  }
0x75: {  	[sflag:s2] =	ssyncset.done $0x0  }
0x76: {  	[sflag:s2] =	ssyncadd.s32 $0xFFFFEC00  }
0x77: {  	[spmem:s7] =	stream.linear.scatter [tilespmem:s1], [sflag:$0x9], $0x1400, $0x38;
	[tilespmem:$0x1E300] =	vst v63  }
0x78: {  	_ =	swait.ge [sflag:s2], $0x1400  }
0x79: {  	s9 =	sld [smem:$0x7F5]  }
0x7a: {  	[sflag:s2] =	ssyncset.done $0x0  }
0x7b: {  	[sflag:s2] =	ssyncadd.s32 $0xFFFFEC00  }
0x7c: {  	[spmem:s9] =	stream.linear.scatter [tilespmem:s1], [sflag:$0x9], $0x1400, $0x38;
	[tilespmem:$0x1E300] =	vst v63  }
0x7d: {  	_ =	swait.ge [sflag:s2], $0x1400  }
0x7e: {  	s10 =	sld [smem:$0x7F6]  }
0x7f: {  	[sflag:s2] =	ssyncset.done $0x0  }
0x80: {  	[sflag:s2] =	ssyncadd.s32 $0xFFFFEC00  }
0x81: {  	[spmem:s10] =	stream.linear.scatter [tilespmem:s1], [sflag:$0x9], $0x1400, $0x38;
	[tilespmem:$0x1E300] =	vst v63  }
0x82: {  	_ =	swait.ge [sflag:s2], $0x1400  }
0x83: {  	s11 =	sld [smem:$0x7F7]  }
0x84: {  	[sflag:s2] =	ssyncset.done $0x0  }
0x85: {  	[sflag:s2] =	ssyncadd.s32 $0xFFFFEC00  }
0x86: {  	[spmem:s11] =	stream.linear.scatter [tilespmem:s1], [sflag:$0x9], $0x1400, $0x38;
	[tilespmem:$0x1E300] =	vst v63  }
0x87: {  	_ =	swait.ge [sflag:s2], $0x1400  }
0x88: {  	s12 =	sld [smem:$0x7F8]  }
0x89: {  	[sflag:s2] =	ssyncset.done $0x0  }
0x8a: {  	[sflag:s2] =	ssyncadd.s32 $0xFFFFEC00  }
0x8b: {  	[spmem:s12] =	stream.linear.scatter [tilespmem:s1], [sflag:$0x9], $0x1400, $0x38;
	[tilespmem:$0x1E300] =	vst v63  }
0x8c: {  	_ =	swait.ge [sflag:s2], $0x1400  }
0x8d: {  	s13 =	sld [smem:$0x7F9]  }
0x8e: {  	[sflag:s2] =	ssyncset.done $0x0  }
0x8f: {  	[sflag:s2] =	ssyncadd.s32 $0xFFFFEC00  }
0x90: {  	[spmem:s13] =	stream.linear.scatter [tilespmem:s1], [sflag:$0x9], $0x1400, $0x38;
	[tilespmem:$0x1E300] =	vst v63  }
0x91: {  	_ =	swait.ge [sflag:s2], $0x1400  }
0x92: {  	s14 =	sld [smem:$0x7FA]  }
0x93: {  	[sflag:s2] =	ssyncset.done $0x0  }
0x94: {  	[sflag:s2] =	ssyncadd.s32 $0xFFFFEC00  }
0x95: {  	[spmem:s14] =	stream.linear.scatter [tilespmem:s1], [sflag:$0x9], $0x1400, $0x38;
	[tilespmem:$0x1E300] =	vst v63  }
0x96: {  	_ =	swait.ge [sflag:s2], $0x1400  }
0x97: {  	[sflag:s2] =	ssyncset.done $0x0  }
0x98: {  	[sflag:s2] =	ssyncadd.s32 $0xFFFFEC00  }
0x99: {  	[bflag:$0x0] =	sbarrier.arrive $0xFFFF  }
0x9a: {  	s16 =	sld [smem:$0x7E9];
	_ =	sdelay $0x1  }
0x9b: {  	s15 =	simm.s32 $0x0;
	s17 =	sld [smem:$0x7EB]  }
0x9c: {  	[tilespmem:s15], [sflag:$0x1] =	stream.linear.gather [hbm4b:s16+s15], $0x28, $0x38;
	[tilespmem:$0x1E300] =	vst v63  }
0x9d: {  	s18 =	simm.s32 $0x80;
	s19 =	sld [smem:$0x7ED]  }
0x9e: {  	[tilespmem:s18], [sflag:$0x1] =	stream.linear.gather [hbm4b:s17+s15], $0x28, $0x38;
	[tilespmem:$0x1E300] =	vst v63  }
0x9f: {  	s3 =	simm.s32 $0x100;
	s20 =	sld [smem:$0x7EF]  }
0xa0: {  	[tilespmem:s3], [sflag:$0x2] =	stream.linear.gather [hbm4b:s19+s15], $0x28, $0x38;
	[tilespmem:$0x1E300] =	vst v63  }
0xa1: {  	s21 =	sld [smem:$0x7F0]  }
0xa2: {  	[tilespmem:s4], [sflag:$0x2] =	stream.linear.gather [hbm4b:s20+s15], $0x28, $0x38;
	[tilespmem:$0x1E300] =	vst v63  }
0xa3: {  	s22 =	simm.s32 $0x1  }
0xa4: {  	[tilespmem:s1], [sflag:$0x3] =	stream.linear.gather [hbm4b:s21+s15], $0x1400, $0x38;
	[tilespmem:$0x1E300] =	vst v63  }
0xa5: {  	_ =	swait.ge [sflag:s22], $0x28  }
0xa6: {  	[sflag:s22] =	ssyncset.done $0x0  }
0xa7: {  	[sflag:s22] =	ssyncadd.s32 $0xFFFFFFD8  }
0xa8: {  	_ =	swait.ge [sflag:s22], $0x28  }
0xa9: {  	[sflag:s22] =	ssyncset.done $0x0  }
0xaa: {  	[sflag:s22] =	ssyncadd.s32 $0xFFFFFFD8  }
0xab: {  	v4 =	vld [tilespmem:$0x0];
	_ =	sdelay $0x4  }
0xac: {  	v5 =	vshll.u32 v4, $0x1  }
0xad: {  	v4 =	vand.u32 $0x7, v4;
	v5 =	vand.u32 $0xFFFFFFF0, v5  }
0xae: {  	v4 =	vor.u32 v4, v5  }
0xaf: {  	v5 =	vperm.xlane v4, v1;
	_ =	sdelay $0x1  }
0xb0: {  	v4 =	vperm.xlane v4, v3;
	v5 =	vadd.s32 v2, v5;
	_ =	sdelay $0x1  }
0xb1: {  	s23 =	sld [smem:$0x7E1];
	v4 =	vadd.s32 v2, v4;
	_ =	sdelay $0x1  }
0xb2: {  	s24 =	simm.s32 $0x300  }
0xb3: {  	[tilespmem:s24], [sflag:$0x5] =	stream.indirect_vreg.gather [hbm4b:s23+s15], $0x80, v5, vm0, $0xb8;
	[tilespmem:$0x1E300] =	vst v63  }
0xb4: {  	s25 =	simm.s32 $0xB00  }
0xb5: {  	[tilespmem:s25], [sflag:$0x5] =	stream.indirect_vreg.gather [hbm4b:s23+s15], $0x80, v4, vm0, $0xb8;
	[tilespmem:$0x1E300] =	vst v63  }
0xb6: {  	v4 =	vld [tilespmem:$0x10];
	_ =	sdelay $0x4  }
0xb7: {  	v5 =	vshll.u32 v4, $0x1  }
0xb8: {  	v4 =	vand.u32 $0x7, v4;
	v5 =	vand.u32 $0xFFFFFFF0, v5  }
0xb9: {  	v4 =	vor.u32 v4, v5  }
0xba: {  	v5 =	vperm.xlane v4, v1;
	_ =	sdelay $0x1  }
0xbb: {  	v4 =	vperm.xlane v4, v3;
	v5 =	vadd.s32 v2, v5;
	_ =	sdelay $0x1  }
0xbc: {  	v4 =	vadd.s32 v2, v4;
	_ =	sdelay $0x1  }
0xbd: {  	s26 =	simm.s32 $0x1300  }
0xbe: {  	[tilespmem:s26], [sflag:$0x5] =	stream.indirect_vreg.gather [hbm4b:s23+s15], $0x80, v5, vm0, $0xb8;
	[tilespmem:$0x1E300] =	vst v63  }
0xbf: {  	s28 =	simm.s32 $0x1B00  }
0xc0: {  	[tilespmem:s28], [sflag:$0x5] =	stream.indirect_vreg.gather [hbm4b:s23+s15], $0x80, v4, vm0, $0xb8;
	[tilespmem:$0x1E300] =	vst v63  }
0xc1: {  	v4 =	vld.msk [tilespmem:$0x20], $0xff;
	_ =	sdelay $0x4  }
0xc2: {  	v5 =	vshll.u32 v4, $0x1  }
0xc3: {  	v4 =	vand.u32 $0x7, v4;
	v5 =	vand.u32 $0xFFFFFFF0, v5  }
0xc4: {  	v4 =	vor.u32 v4, v5  }
0xc5: {  	v4 =	vperm.xlane v4, v1;
	_ =	sdelay $0x1  }
0xc6: {  	v4 =	vadd.s32 v2, v4;
	_ =	sdelay $0x3  }
0xc7: {  	s29 =	simm.s32 $0x2300  }
0xc8: {  	[tilespmem:s29], [sflag:$0x5] =	stream.indirect_vreg.gather [hbm4b:s23+s15], $0x80, v4, vm0, $0xb8;
	[tilespmem:$0x1E300] =	vst v63  }
0xc9: {  	s31 =	simm.s32 $0x5300;
	s2 =	simm.s32 $0x0;
	s30 =	rddreg [dreg:$0x1]  }
0xca: {  	[tilespmem:s31], [sflag:$0x5] =	stream.indirect.gather [hbm4b:s30+s5], $0x80, s18, s5, $0xb8;
	[tilespmem:$0x1E300] =	vst v63  }
.LBB2_4:
0xcb: {  	s0 =	simm.s32 $0x5  }
0xcc: {  	_ =	swait.ge [sflag:s0], $0x2800  }
0xcd: {  	[sflag:s0] =	ssyncset.done $0x0  }
0xce: {  	[sflag:s0] =	ssyncadd.s32 $0xFFFFD800  }
0xcf: {  	_ =	swait.ge [sflag:s0], $0x1400  }
0xd0: {  	[sflag:s0] =	ssyncset.done $0x0  }
0xd1: {  	s22 =	simm.s32 $0x2;
	[sflag:s0] =	ssyncadd.s32 $0xFFFFEC00  }
0xd2: {  	_ =	swait.ge [sflag:s22], $0x28  }
0xd3: {  	[sflag:s22] =	ssyncset.done $0x0  }
0xd4: {  	[sflag:s22] =	ssyncadd.s32 $0xFFFFFFD8  }
0xd5: {  	_ =	swait.ge [sflag:s22], $0x28  }
0xd6: {  	[sflag:s22] =	ssyncset.done $0x0  }
0xd7: {  	[sflag:s22] =	ssyncadd.s32 $0xFFFFFFD8  }
0xd8: {  	v4 =	vld [tilespmem:$0x100];
	_ =	sdelay $0x4  }
0xd9: {  	v5 =	vshll.u32 v4, $0x1  }
0xda: {  	v4 =	vand.u32 $0x7, v4;
	v5 =	vand.u32 $0xFFFFFFF0, v5  }
0xdb: {  	v4 =	vor.u32 v4, v5  }
0xdc: {  	v5 =	vperm.xlane v4, v1;
	_ =	sdelay $0x1  }
0xdd: {  	v4 =	vperm.xlane v4, v3;
	v5 =	vadd.s32 v2, v5;
	_ =	sdelay $0x1  }
0xde: {  	s23 =	sld [smem:$0x7E1];
	v4 =	vadd.s32 v2, v4;
	_ =	sdelay $0x1  }
0xdf: {  	s1 =	simm.s32 $0x2B00  }
0xe0: {  	[tilespmem:s1], [sflag:$0x6] =	stream.indirect_vreg.gather [hbm4b:s23+s8], $0x80, v5, vm0, $0xb8;
	[tilespmem:$0x1E300] =	vst v63  }
0xe1: {  	s24 =	simm.s32 $0x3300  }
0xe2: {  	[tilespmem:s24], [sflag:$0x6] =	stream.indirect_vreg.gather [hbm4b:s23+s8], $0x80, v4, vm0, $0xb8;
	[tilespmem:$0x1E300] =	vst v63  }
0xe3: {  	v4 =	vld [tilespmem:$0x110];
	_ =	sdelay $0x4  }
0xe4: {  	v5 =	vshll.u32 v4, $0x1  }
0xe5: {  	v4 =	vand.u32 $0x7, v4;
	v5 =	vand.u32 $0xFFFFFFF0, v5  }
0xe6: {  	v4 =	vor.u32 v4, v5  }
0xe7: {  	v5 =	vperm.xlane v4, v1;
	_ =	sdelay $0x1  }
0xe8: {  	v4 =	vperm.xlane v4, v3;
	v5 =	vadd.s32 v2, v5;
	_ =	sdelay $0x1  }
0xe9: {  	v4 =	vadd.s32 v2, v4;
	_ =	sdelay $0x1  }
0xea: {  	s25 =	simm.s32 $0x3B00  }
0xeb: {  	[tilespmem:s25], [sflag:$0x6] =	stream.indirect_vreg.gather [hbm4b:s23+s8], $0x80, v5, vm0, $0xb8;
	[tilespmem:$0x1E300] =	vst v63  }
0xec: {  	s26 =	simm.s32 $0x4300  }
0xed: {  	[tilespmem:s26], [sflag:$0x6] =	stream.indirect_vreg.gather [hbm4b:s23+s8], $0x80, v4, vm0, $0xb8;
	[tilespmem:$0x1E300] =	vst v63  }
0xee: {  	v4 =	vld.msk [tilespmem:$0x120], $0xff;
	_ =	sdelay $0x4  }
0xef: {  	v5 =	vshll.u32 v4, $0x1  }
0xf0: {  	v4 =	vand.u32 $0x7, v4;
	v5 =	vand.u32 $0xFFFFFFF0, v5  }
0xf1: {  	v4 =	vor.u32 v4, v5  }
0xf2: {  	v4 =	vperm.xlane v4, v1;
	_ =	sdelay $0x1  }
0xf3: {  	v4 =	vadd.s32 v2, v4;
	_ =	sdelay $0x3  }
0xf4: {  	s30 =	simm.s32 $0x4B00  }
0xf5: {  	[tilespmem:s30], [sflag:$0x6] =	stream.indirect_vreg.gather [hbm4b:s23+s8], $0x80, v4, vm0, $0xb8;
	[tilespmem:$0x1E300] =	vst v63  }
0xf6: {  	s3 =	simm.s32 $0x6700;
	s7 =	simm.s32 $0x3;
	s1 =	rddreg [dreg:$0x1]  }
0xf7: {  	[tilespmem:s3], [sflag:$0x6] =	stream.indirect.gather [hbm4b:s1+s5], $0x80, s4, s5, $0xb8;
	[tilespmem:$0x1E300] =	vst v63  }
0xf8: {  	_ =	swait.ge [sflag:s7], $0x1400  }
0xf9: {  	p0 =	seq.s32 s2, $0x0;
	[sflag:s7] =	ssyncset.done $0x0  }
0xfa: {  	s0 =	simm.s32 @!p0 $0x8;
	[smem:$0x7DE] =	sst s2;
	[sflag:s7] =	ssyncadd.s32 $0xFFFFEC00  }
0xfb: {  	_ =	swait.ge @!p0 [sflag:s0], $0x1400  }
0xfc: {  	s9 =	sld [smem:$0x7EA]  }
0xfd: {  	s10 =	simm.s32 $0x180;
	s8 =	smul.u32 $0x50, s2  }
0xfe: {  	s15 =	simm.s32 $0x5400;
	s7 =	simm.s32 $0x0;
	[sflag:s0] =	ssyncset.done @!p0 $0x0  }
0xff: {  	[smem:$0x7D6] =	sst s8;
	[sflag:s0] =	ssyncadd.s32 @!p0 $0xFFFFEC00;
	s1 =	sadd.s32 s8, s9  }
0x100: {  	s11 =	sand.u32 $0x3800, s7;
	s0 =	rddreg [dreg:$0x2];
	s1 =	sshll.u32 s1, $0x4  }
0x101: {  	s2 =	sor.u32 $0x300, s11;
	s0 =	sadd.s32 s0, s1;
	s1 =	sand.u32 $0x380, s10  }
0x102: {  	[tilespmem:s6], [sflag:$0x4] =	stream.linear.gather [hbm4b:s0+s7], $0x1400, $0x38;
	[tilespmem:$0x1E300] =	vst v63  }
0x103: {  	s3 =	sadd.s32 s1, s2;
	v4 =	vld [tilespmem:s15+$0x80]  }
0x104: {  	v5 =	vld [tilespmem:s3+$0x0]  }
0x105: {  	s18 =	simm.s32 $0x7C00;
	s13 =	simm.s32 $0x80  }
0x106: {  	s4 =	sand.u32 $0x280, s13;
	v6 =	vld [tilespmem:s18+$0x80]  }
0x107: {  	s12 =	simm.s32 $0x0;
	s0 =	sadd.s32 s4, s2;
	v7 =	vld [tilespmem:s15+$0xFFFFFF00]  }
0x108: {  	s1 =	sand.u32 $0x200, s12;
	v8 =	vld [tilespmem:s0+$0x0]  }
0x109: {  	s29 =	sadd.s32 s1, s2;
	v9 =	vld [tilespmem:s15+$0xFFFFFF80];
	v4 =	vadd.f32 v4, v5  }
0x10a: {  	s14 =	simm.s32 $0x100;
	v5 =	vld [tilespmem:s29+$0x0]  }
0x10b: {  	s16 =	sand.u32 $0x300, s14;
	v10 =	vld [tilespmem:s18+$0xFFFFFF00];
	v4 =	vadd.f32 v6, v4  }
0x10c: {  	s6 =	sadd.s32 s16, s2;
	v11 =	vld [tilespmem:s15+$0x0]  }
0x10d: {  	v6 =	vld [tilespmem:s6+$0x0];
	v4 =	vsub.f32 $0.0e+00, v4  }
0x10e: {  	v12 =	vld [tilespmem:s18+$0xFFFFFF80]  }
0x10f: {  	v5 =	vadd.f32 v7, v5;
	v7 =	vld [tilespmem:s18+$0x0];
	v4 =	vmul.f32 $1.442695020e+00, v4;
	_ =	sdelay $0x1  }
0x110: {  	v5 =	vadd.f32 v10, v5;
	(erf) = vpow2.f32 v4  }
0x111: {  	v6 =	vadd.f32 v11, v6;
	v4 =	vadd.f32 v9, v8  }
0x112: {  	v5 =	vsub.f32 $0.0e+00, v5  }
0x113: {  	v4 =	vadd.f32 v12, v4;
	v6 =	vadd.f32 v7, v6;
	_ =	sdelay $0x1  }
0x114: {  	v5 =	vmul.f32 $1.442695020e+00, v5;
	v4 =	vsub.f32 $0.0e+00, v4;
	v6 =	vsub.f32 $0.0e+00, v6;
	_ =	sdelay $0x1  }
0x115: {  	(erf) = vpow2.f32 v5;
	v4 =	vmul.f32 $1.442695020e+00, v4  }
0x116: {  	v5 =	vmul.f32 $1.442695020e+00, v6  }
0x117: {  	(erf) = vpow2.f32 v4;
	v6 =	vpop (erf)  }
0x118: {  	(erf) = vpow2.f32 v5;
	v4 =	vadd.f32 $1.000000000e+00, v6;
	_ =	sdelay $0x1  }
0x119: {  	s19 =	sand.u32 $0x7, s7;
	(erf) = vrcp.f32 v4  }
0x11a: {  	s21 =	sshll.u32 s19, $0x7  }
0x11b: {  	s4 =	sadd.s32 $0x0, s21  }
0x11c: {  	s16 =	sadd.s32 $0x180, s4  }
0x11d: {  	s24 =	sor.u32 $0x400, s16;
	v6 =	vpop (erf)  }
0x11e: {  	v7 =	vld [tilespmem:s24+$0x300];
	v6 =	vadd.f32 $1.000000000e+00, v6  }
0x11f: {  	v10 =	vpop (erf)  }
0x120: {  	p0 =	por $0x0, $0x0;
	s2 =	simm.s32 $0x1;
	v11 =	vpop (erf);
	(erf) = vrcp.f32 v6  }
0x121: {  	s2 =	simm.s32 @!p0 $0x0;
	v6 =	vadd.f32 $1.000000000e+00, v10  }
0x122: {  	s2 =	sshll.u32 s2, $0x9;
	v10 =	vpop (erf)  }
0x123: {  	s9 =	sadd.s32 $0x0, s2;
	(erf) = vrcp.f32 v6;
	v7 =	vmul.f32 v10, v7;
	v10 =	vadd.f32 $1.000000000e+00, v11  }
0x124: {  	s23 =	sor.u32 $0x400, s9  }
0x125: {  	s17 =	sand.u32 $0x3, s7;
	v5 =	vld [tilespmem:s23+$0x300];
	[tilespmem:s18+$0x80] =	vst v7;
	(erf) = vrcp.f32 v10  }
0x126: {  	s1 =	sshll.u32 s17, $0x8;
	s13 =	sadd.s32 $0x80, s4;
	v13 =	vld [tilespmem:s3+$0x10]  }
0x127: {  	s1 =	sadd.s32 $0x0, s1;
	s25 =	sor.u32 $0x400, s13;
	v14 =	vld [tilespmem:s15+$0x90]  }
0x128: {  	s20 =	sadd.s32 $0x100, s1;
	v6 =	vld [tilespmem:s25+$0x300]  }
0x129: {  	v19 =	vld [tilespmem:s18+$0x90];
	s22 =	sor.u32 $0x400, s20;
	v7 =	vpop (erf)  }
0x12a: {  	v4 =	vld [tilespmem:s22+$0x300];
	v20 =	vmul.f32 v7, v5;
	_ =	sdelay $0x1  }
0x12b: {  	v8 =	vld [tilespmem:s18+$0xFFFFFF10];
	v13 =	vadd.f32 v14, v13;
	v14 =	vpop (erf);
	[tilespmem:s18+$0xFFFFFF00] =	vst v20  }
0x12c: {  	v6 =	vmul.f32 v14, v6;
	v14 =	vld [tilespmem:s29+$0x10]  }
0x12d: {  	v20 =	vld [tilespmem:s15+$0xFFFFFF10];
	v13 =	vadd.f32 v19, v13;
	v19 =	vpop (erf)  }
0x12e: {  	v9 =	vld [tilespmem:s18+$0xFFFFFF90];
	[tilespmem:s18+$0xFFFFFF80] =	vst v6;
	v19 =	vmul.f32 v19, v4  }
0x12f: {  	v6 =	vsub.f32 $0.0e+00, v13;
	v13 =	vld [tilespmem:s0+$0x10]  }
0x130: {  	[tilespmem:s18+$0x0] =	vst v19;
	v19 =	vld [tilespmem:s15+$0xFFFFFF90]  }
0x131: {  	v21 =	vld [tilespmem:s6+$0x10]  }
0x132: {  	v6 =	vmul.f32 $1.442695020e+00, v6;
	v14 =	vadd.f32 v20, v14;
	v20 =	vld [tilespmem:s15+$0x10];
	_ =	sdelay $0x1  }
0x133: {  	v12 =	vld [tilespmem:s18+$0x10];
	(erf) = vpow2.f32 v6;
	v6 =	vadd.f32 v8, v14  }
0x134: {  	v8 =	vadd.f32 v19, v13  }
0x135: {  	v6 =	vsub.f32 $0.0e+00, v6  }
0x136: {  	v8 =	vadd.f32 v9, v8;
	v9 =	vadd.f32 v20, v21  }
0x137: {  	v6 =	vmul.f32 $1.442695020e+00, v6  }
0x138: {  	v9 =	vadd.f32 v12, v9  }
0x139: {  	(erf) = vpow2.f32 v6  }
0x13a: {  	v8 =	vsub.f32 $0.0e+00, v8;
	_ =	sdelay $0x1  }
0x13b: {  	v6 =	vmul.f32 $1.442695020e+00, v8;
	v8 =	vsub.f32 $0.0e+00, v9;
	v9 =	vpop (erf)  }
0x13c: {  	v9 =	vadd.f32 $1.000000000e+00, v9  }
0x13d: {  	v8 =	vmul.f32 $1.442695020e+00, v8;
	(erf) = vpow2.f32 v6  }
0x13e: {  	(erf) = vrcp.f32 v9  }
0x13f: {  	(erf) = vpow2.f32 v8;
	_ =	sdelay $0x1  }
0x140: {  	v6 =	vpop (erf)  }
0x141: {  	s26 =	sor.u32 $0x410, s16;
	v6 =	vadd.f32 $1.000000000e+00, v6  }
0x142: {  	v8 =	vld [tilespmem:s26+$0x300]  }
0x143: {  	(erf) = vrcp.f32 v6;
	_ =	sdelay $0x1  }
0x144: {  	v6 =	vpop (erf)  }
0x145: {  	v6 =	vadd.f32 $1.000000000e+00, v6;
	v9 =	vpop (erf)  }
0x146: {  	s30 =	sor.u32 $0x410, s9;
	v8 =	vmul.f32 v9, v8;
	v9 =	vpop (erf)  }
0x147: {  	v12 =	vld [tilespmem:s30+$0x300];
	(erf) = vrcp.f32 v6;
	v6 =	vadd.f32 $1.000000000e+00, v9;
	_ =	sdelay $0x1  }
0x148: {  	[tilespmem:s18+$0x90] =	vst v8;
	(erf) = vrcp.f32 v6  }
0x149: {  	v14 =	vld [tilespmem:s3+$0x20]  }
0x14a: {  	s4 =	sor.u32 $0x410, s13;
	v21 =	vld [tilespmem:s15+$0xA0];
	v8 =	vpop (erf)  }
0x14b: {  	v19 =	vld [tilespmem:s4+$0x300];
	v12 =	vmul.f32 v8, v12  }
0x14c: {  	v22 =	vld [tilespmem:s18+$0xA0];
	s1 =	sor.u32 $0x410, s20  }
0x14d: {  	v20 =	vld [tilespmem:s1+$0x300];
	_ =	sdelay $0x1  }
0x14e: {  	v16 =	vld [tilespmem:s18+$0xFFFFFF20];
	[tilespmem:s18+$0xFFFFFF10] =	vst v12;
	v21 =	vadd.f32 v21, v14;
	v12 =	vpop (erf)  }
0x14f: {  	v23 =	vld [tilespmem:s29+$0x20];
	v19 =	vmul.f32 v12, v19  }
0x150: {  	v21 =	vadd.f32 v22, v21;
	v22 =	vld [tilespmem:s15+$0xFFFFFF20];
	v24 =	vpop (erf)  }
0x151: {  	v17 =	vld [tilespmem:s18+$0xFFFFFFA0];
	[tilespmem:s18+$0xFFFFFF90] =	vst v19;
	v19 =	vmul.f32 v24, v20  }
0x152: {  	v20 =	vsub.f32 $0.0e+00, v21;
	v21 =	vld [tilespmem:s0+$0x20]  }
0x153: {  	v24 =	vld [tilespmem:s15+$0xFFFFFFA0];
	[tilespmem:s18+$0x10] =	vst v19  }
0x154: {  	v19 =	vmul.f32 $1.442695020e+00, v20;
	v20 =	vld [tilespmem:s6+$0x20]  }
0x155: {  	v22 =	vadd.f32 v22, v23;
	v23 =	vld [tilespmem:s15+$0x20];
	_ =	sdelay $0x1  }
0x156: {  	v18 =	vld [tilespmem:s18+$0x20];
	(erf) = vpow2.f32 v19;
	v16 =	vadd.f32 v16, v22  }
0x157: {  	v19 =	vadd.f32 v24, v21  }
0x158: {  	v16 =	vsub.f32 $0.0e+00, v16  }
0x159: {  	v17 =	vadd.f32 v17, v19;
	v19 =	vadd.f32 v23, v20;
	_ =	sdelay $0x1  }
0x15a: {  	v16 =	vmul.f32 $1.442695020e+00, v16;
	v18 =	vadd.f32 v18, v19;
	_ =	sdelay $0x1  }
0x15b: {  	v17 =	vsub.f32 $0.0e+00, v17;
	(erf) = vpow2.f32 v16;
	_ =	sdelay $0x1  }
0x15c: {  	v16 =	vmul.f32 $1.442695020e+00, v17;
	v17 =	vsub.f32 $0.0e+00, v18;
	v18 =	vpop (erf)  }
0x15d: {  	v18 =	vadd.f32 $1.000000000e+00, v18  }
0x15e: {  	(erf) = vpow2.f32 v16  }
0x15f: {  	v16 =	vmul.f32 $1.442695020e+00, v17;
	(erf) = vrcp.f32 v18;
	_ =	sdelay $0x1  }
0x160: {  	(erf) = vpow2.f32 v16;
	_ =	sdelay $0x1  }
0x161: {  	s5 =	sor.u32 $0x420, s16;
	v17 =	vpop (erf)  }
0x162: {  	v16 =	vld [tilespmem:s5+$0x300];
	v17 =	vadd.f32 $1.000000000e+00, v17  }
0x163: {  	v15 =	vld [tilespmem:s18+$0xFFFFFF30]  }
0x164: {  	v11 =	vld [tilespmem:s18+$0xFFFFFFB0]  }
0x165: {  	v10 =	vld [tilespmem:s18+$0x30];
	v19 =	vpop (erf)  }
0x166: {  	v7 =	vld [tilespmem:s18+$0xFFFFFF40];
	(erf) = vrcp.f32 v17;
	v17 =	vpop (erf)  }
0x167: {  	v5 =	vld [tilespmem:s18+$0xFFFFFFC0];
	v16 =	vmul.f32 v17, v16  }
0x168: {  	v4 =	vld [tilespmem:s18+$0x40];
	v24 =	vadd.f32 $1.000000000e+00, v19;
	v17 =	vpop (erf)  }
0x169: {  	v13 =	vld [tilespmem:s18+$0xFFFFFF50];
	v17 =	vadd.f32 $1.000000000e+00, v17;
	[tilespmem:s18+$0xA0] =	vst v16  }
0x16a: {  	(erf) = vrcp.f32 v24;
	v16 =	vld [tilespmem:s3+$0x30]  }
0x16b: {  	s7 =	sor.u32 $0x420, s9;
	(erf) = vrcp.f32 v17;
	v17 =	vld [tilespmem:s15+$0xB0]  }
0x16c: {  	v18 =	vld [tilespmem:s7+$0x300]  }
0x16d: {  	s12 =	sor.u32 $0x420, s20;
	s1 =	smov.u32 s20;
	s20 =	simm.s32 $0x5600;
	v24 =	vld [tilespmem:s18+$0xB0]  }
0x16e: {  	v28 =	vld [tilespmem:s20+$0x0]  }
0x16f: {  	s14 =	simm.s32 $0x400;
	v9 =	vld [tilespmem:s18+$0xFFFFFFD0]  }
0x170: {  	s17 =	simm.s32 $0x380;
	s2 =	sand.u32 $0x3800, s14;
	v6 =	vld [tilespmem:s18+$0x50];
	v25 =	vpop (erf);
	v16 =	vadd.f32 v17, v16  }
0x171: {  	s2 =	sor.u32 $0x300, s2;
	s4 =	sand.u32 $0x380, s17;
	v8 =	vld [tilespmem:s18+$0xFFFFFF60];
	v18 =	vmul.f32 v25, v18  }
0x172: {  	v22 =	vld [tilespmem:s12+$0x300];
	s12 =	sadd.s32 s4, s2;
	v16 =	vadd.f32 v24, v16  }
0x173: {  	v25 =	vld [tilespmem:s12+$0x0];
	[tilespmem:s18+$0xFFFFFF20] =	vst v18  }
0x174: {  	v17 =	vld [tilespmem:s29+$0x30];
	v16 =	vsub.f32 $0.0e+00, v16  }
0x175: {  	v18 =	vld [tilespmem:s15+$0xFFFFFF30]  }
0x176: {  	s11 =	sor.u32 $0x420, s13;
	v24 =	vld [tilespmem:s20+$0x80];
	v16 =	vmul.f32 $1.442695020e+00, v16  }
0x177: {  	v20 =	vld [tilespmem:s11+$0x300];
	s11 =	simm.s32 $0x7E00  }
0x178: {  	s19 =	simm.s32 $0x200;
	v26 =	vld [tilespmem:s11+$0x80];
	(erf) = vpow2.f32 v16  }
0x179: {  	s21 =	simm.s32 $0x280;
	v14 =	vld [tilespmem:s18+$0xFFFFFFE0];
	s4 =	sand.u32 $0x200, s19  }
0x17a: {  	s14 =	sadd.s32 s4, s2;
	v30 =	vld [tilespmem:s11+$0xFFFFFF00];
	s7 =	sand.u32 $0x280, s21;
	v17 =	vadd.f32 v18, v17  }
0x17b: {  	s5 =	sadd.s32 s7, s2;
	v18 =	vld [tilespmem:s14+$0x0];
	v24 =	vadd.f32 v24, v25  }
0x17c: {  	v15 =	vadd.f32 v15, v17;
	v17 =	vld [tilespmem:s5+$0x0]  }
0x17d: {  	s22 =	simm.s32 $0x300;
	v24 =	vadd.f32 v26, v24;
	v26 =	vld [tilespmem:s20+$0xFFFFFF80]  }
0x17e: {  	s23 =	sand.u32 $0x300, s22;
	v16 =	vld [tilespmem:s20+$0xFFFFFF00];
	v15 =	vsub.f32 $0.0e+00, v15  }
0x17f: {  	s23 =	sadd.s32 s23, s2;
	v31 =	vld [tilespmem:s11+$0xFFFFFF80];
	v27 =	vpop (erf);
	v24 =	vsub.f32 $0.0e+00, v24  }
0x180: {  	v29 =	vpop (erf);
	v25 =	vld [tilespmem:s23+$0x0];
	v15 =	vmul.f32 $1.442695020e+00, v15  }
0x181: {  	v12 =	vld [tilespmem:s18+$0x60];
	v24 =	vmul.f32 $1.442695020e+00, v24;
	v32 =	vpop (erf)  }
0x182: {  	p0 =	por !p0, !p0;
	s7 =	simm.s32 $0x1;
	(erf) = vpow2.f32 v15;
	v15 =	vld [tilespmem:s11+$0x0];
	v17 =	vadd.f32 v26, v17;
	v32 =	vadd.f32 $1.000000000e+00, v32  }
0x183: {  	v21 =	vld [tilespmem:s18+$0xFFFFFF70];
	s7 =	simm.s32 @!p0 $0x0;
	v16 =	vadd.f32 v16, v18;
	(erf) = vpow2.f32 v24  }
0x184: {  	s24 =	simm.s32 $0x2;
	v23 =	vld [tilespmem:s18+$0x70];
	s26 =	sshll.u32 s7, $0x9;
	v17 =	vadd.f32 v31, v17;
	(erf) = vrcp.f32 v32  }
0x185: {  	s25 =	sor.u32 $0x430, s9;
	s2 =	sand.u32 $0x3, s24;
	s19 =	sadd.s32 $0x400, s26;
	v19 =	vld [tilespmem:s18+$0xFFFFFFF0];
	v18 =	vmul.f32 v27, v20;
	v20 =	vadd.f32 v28, v25;
	v16 =	vadd.f32 v30, v16  }
0x186: {  	s2 =	sshll.u32 s2, $0x8;
	s7 =	sor.u32 $0x400, s19;
	v25 =	vld [tilespmem:s25+$0x300];
	v17 =	vsub.f32 $0.0e+00, v17  }
0x187: {  	s4 =	sor.u32 $0x430, s16;
	s2 =	sadd.s32 $0x400, s2;
	v26 =	vld [tilespmem:s7+$0x300];
	v16 =	vsub.f32 $0.0e+00, v16;
	v15 =	vadd.f32 v15, v20  }
0x188: {  	s21 =	sadd.s32 $0x100, s2;
	[tilespmem:s18+$0xFFFFFFA0] =	vst v18;
	v24 =	vld [tilespmem:s4+$0x300];
	v17 =	vmul.f32 $1.442695020e+00, v17  }
0x189: {  	s30 =	sor.u32 $0x400, s21;
	v18 =	vld [tilespmem:s0+$0x30];
	v16 =	vmul.f32 $1.442695020e+00, v16;
	v15 =	vsub.f32 $0.0e+00, v15  }
0x18a: {  	v20 =	vld [tilespmem:s30+$0x300]  }
0x18b: {  	v28 =	vld [tilespmem:s11+$0xFFFFFF10];
	(erf) = vpow2.f32 v16;
	v27 =	vpop (erf);
	v15 =	vmul.f32 $1.442695020e+00, v15  }
0x18c: {  	v16 =	vmul.f32 v29, v22;
	(erf) = vpow2.f32 v17;
	v17 =	vpop (erf)  }
0x18d: {  	v27 =	vadd.f32 $1.000000000e+00, v27;
	(erf) = vpow2.f32 v15;
	v15 =	vadd.f32 $1.000000000e+00, v17;
	v17 =	vpop (erf)  }
0x18e: {  	[tilespmem:s18+$0x20] =	vst v16;
	v16 =	vld [tilespmem:s15+$0xFFFFFFB0];
	v17 =	vmul.f32 v17, v24  }
0x18f: {  	(erf) = vrcp.f32 v27;
	v27 =	vld [tilespmem:s15+$0x30]  }
0x190: {  	(erf) = vrcp.f32 v15;
	v15 =	vld [tilespmem:s6+$0x30];
	[tilespmem:s18+$0xB0] =	vst v17  }
0x191: {  	s8 =	simm.s32 $0x4;
	v30 =	vld [tilespmem:s3+$0x40]  }
0x192: {  	s2 =	sand.u32 $0x7, s8;
	v31 =	vld [tilespmem:s15+$0xC0]  }
0x193: {  	s2 =	sshll.u32 s2, $0x7  }
0x194: {  	s2 =	sadd.s32 $0x400, s2;
	v55 =	vld [tilespmem:s18+$0xC0];
	v16 =	vadd.f32 v16, v18  }
0x195: {  	s28 =	sadd.s32 $0x180, s2;
	v17 =	vpop (erf);
	v15 =	vadd.f32 v27, v15  }
0x196: {  	s17 =	sor.u32 $0x400, s28;
	v11 =	vadd.f32 v11, v16;
	v33 =	vadd.f32 $1.000000000e+00, v17  }
0x197: {  	v18 =	vld [tilespmem:s17+$0x300];
	v17 =	vpop (erf);
	v10 =	vadd.f32 v10, v15;
	v15 =	vadd.f32 v31, v30  }
0x198: {  	v11 =	vsub.f32 $0.0e+00, v11;
	v34 =	vadd.f32 $1.000000000e+00, v17;
	v35 =	vpop (erf);
	(erf) = vrcp.f32 v33  }
0x199: {  	v22 =	vld [tilespmem:s11+$0xFFFFFF90];
	v31 =	vadd.f32 $1.000000000e+00, v35;
	v15 =	vadd.f32 v55, v15  }
0x19a: {  	v29 =	vld [tilespmem:s11+$0x10];
	v56 =	vpop (erf);
	(erf) = vrcp.f32 v34  }
0x19b: {  	v61 =	vld [tilespmem:s11+$0x90];
	v57 =	vpop (erf);
	(erf) = vrcp.f32 v31;
	v31 =	vmul.f32 $1.442695020e+00, v11;
	v15 =	vsub.f32 $0.0e+00, v15  }
0x19c: {  	s26 =	sadd.s32 $0x80, s2;
	v24 =	vld [tilespmem:s11+$0xFFFFFF20];
	v58 =	vsub.f32 $0.0e+00, v10;
	v18 =	vmul.f32 v57, v18  }
0x19d: {  	s2 =	sor.u32 $0x400, s26;
	v16 =	vld [tilespmem:s11+$0xFFFFFF30];
	(erf) = vpow2.f32 v31;
	v15 =	vmul.f32 $1.442695020e+00, v15  }
0x19e: {  	v30 =	vld [tilespmem:s2+$0x300];
	[tilespmem:s11+$0x80] =	vst v18;
	v18 =	vmul.f32 $1.442695020e+00, v58  }
0x19f: {  	v59 =	vld [tilespmem:s12+$0x10]  }
0x1a0: {  	v25 =	vmul.f32 v56, v25;
	v31 =	vld [tilespmem:s20+$0x90];
	(erf) = vpow2.f32 v18  }
0x1a1: {  	v27 =	vld [tilespmem:s11+$0xFFFFFFA0];
	(erf) = vpow2.f32 v15;
	v15 =	vpop (erf)  }
0x1a2: {  	v17 =	vld [tilespmem:s11+$0x20];
	[tilespmem:s18+$0xFFFFFF30] =	vst v25;
	v18 =	vmul.f32 v15, v26  }
0x1a3: {  	v60 =	vld [tilespmem:s29+$0x40];
	v26 =	vpop (erf)  }
0x1a4: {  	v62 =	vld [tilespmem:s15+$0xFFFFFF40];
	v26 =	vmul.f32 v26, v30;
	[tilespmem:s11+$0xFFFFFF00] =	vst v18  }
0x1a5: {  	v31 =	vadd.f32 v31, v59;
	v30 =	vpop (erf);
	v63 =	vld [tilespmem:s14+$0x10]  }
0x1a6: {  	v20 =	vmul.f32 v30, v20;
	v30 =	vpop (erf);
	[tilespmem:s11+$0xFFFFFF80] =	vst v26;
	v26 =	vld [tilespmem:s20+$0xFFFFFF10]  }
0x1a7: {  	v31 =	vadd.f32 v61, v31;
	v30 =	vadd.f32 $1.000000000e+00, v30;
	v40 =	vld [tilespmem:s5+$0x10]  }
0x1a8: {  	[tilespmem:s11+$0x0] =	vst v20;
	v20 =	vld [tilespmem:s20+$0xFFFFFF90]  }
0x1a9: {  	v31 =	vsub.f32 $0.0e+00, v31;
	v36 =	vpop (erf);
	v37 =	vld [tilespmem:s23+$0x10]  }
0x1aa: {  	v36 =	vadd.f32 $1.000000000e+00, v36;
	v41 =	vld [tilespmem:s20+$0x10]  }
0x1ab: {  	v10 =	vld [tilespmem:s11+$0xFFFFFFB0];
	v31 =	vmul.f32 $1.442695020e+00, v31;
	(erf) = vrcp.f32 v30;
	v30 =	vpop (erf);
	v26 =	vadd.f32 v26, v63  }
0x1ac: {  	v11 =	vld [tilespmem:s11+$0x30];
	v33 =	vadd.f32 v62, v60;
	(erf) = vrcp.f32 v36;
	v30 =	vadd.f32 $1.000000000e+00, v30  }
0x1ad: {  	v25 =	vld [tilespmem:s11+$0xFFFFFF40];
	(erf) = vpow2.f32 v31;
	v26 =	vadd.f32 v28, v26  }
0x1ae: {  	v15 =	vld [tilespmem:s11+$0xFFFFFFC0];
	v7 =	vadd.f32 v7, v33;
	v20 =	vadd.f32 v20, v40;
	(erf) = vrcp.f32 v30  }
0x1af: {  	s22 =	sor.u32 $0x430, s13;
	v18 =	vld [tilespmem:s11+$0x40];
	[smem:$0x7D7] =	sst s13;
	v30 =	vadd.f32 v41, v37;
	v26 =	vsub.f32 $0.0e+00, v26  }
0x1b0: {  	v7 =	vsub.f32 $0.0e+00, v7;
	v28 =	vld [tilespmem:s22+$0x300];
	v20 =	vadd.f32 v22, v20  }
0x1b1: {  	v22 =	vmul.f32 $1.442695020e+00, v26;
	v26 =	vadd.f32 v29, v30  }
0x1b2: {  	s24 =	sor.u32 $0x440, s16;
	v7 =	vmul.f32 $1.442695020e+00, v7  }
0x1b3: {  	v29 =	vld [tilespmem:s24+$0x300]  }
0x1b4: {  	(erf) = vpow2.f32 v7;
	v7 =	vsub.f32 $0.0e+00, v20;
	v20 =	vpop (erf)  }
0x1b5: {  	s25 =	sor.u32 $0x430, s1;
	[smem:$0x7D8] =	sst s1;
	(erf) = vpow2.f32 v22;
	v22 =	vsub.f32 $0.0e+00, v26;
	v20 =	vmul.f32 v20, v28;
	v26 =	vpop (erf)  }
0x1b6: {  	s30 =	sor.u32 $0x410, s19;
	v7 =	vmul.f32 $1.442695020e+00, v7;
	v30 =	vld [tilespmem:s25+$0x300];
	v28 =	vpop (erf)  }
0x1b7: {  	v42 =	vld [tilespmem:s30+$0x300];
	v22 =	vmul.f32 $1.442695020e+00, v22;
	[tilespmem:s18+$0xFFFFFFB0] =	vst v20;
	v28 =	vadd.f32 $1.000000000e+00, v28;
	v31 =	vpop (erf)  }
0x1b8: {  	(erf) = vpow2.f32 v7;
	v20 =	vld [tilespmem:s0+$0x40];
	[smem:$0x7D9] =	sst s0;
	v7 =	vmul.f32 v31, v29  }
0x1b9: {  	(erf) = vrcp.f32 v28;
	v28 =	vld [tilespmem:s15+$0xFFFFFFC0]  }
0x1ba: {  	(erf) = vpow2.f32 v22;
	[tilespmem:s18+$0xC0] =	vst v7  }
0x1bb: {  	v7 =	vld [tilespmem:s3+$0x50]  }
0x1bc: {  	s4 =	sor.u32 $0x410, s28;
	v22 =	vld [tilespmem:s15+$0xD0]  }
0x1bd: {  	v26 =	vmul.f32 v26, v30;
	v30 =	vld [tilespmem:s4+$0x300];
	v29 =	vpop (erf)  }
0x1be: {  	s7 =	sor.u32 $0x410, s26;
	v31 =	vld [tilespmem:s18+$0xD0];
	v29 =	vadd.f32 $1.000000000e+00, v29;
	v20 =	vadd.f32 v28, v20  }
0x1bf: {  	s8 =	sor.u32 $0x410, s21;
	v43 =	vld [tilespmem:s7+$0x300];
	[tilespmem:s18+$0x30] =	vst v26;
	v44 =	vpop (erf)  }
0x1c0: {  	(erf) = vrcp.f32 v29;
	v26 =	vadd.f32 $1.000000000e+00, v44;
	v28 =	vld [tilespmem:s8+$0x300];
	[smem:$0x7DA] =	sst s6  }
0x1c1: {  	v45 =	vpop (erf);
	v29 =	vld [tilespmem:s6+$0x40];
	[smem:$0x7DB] =	sst s9;
	v5 =	vadd.f32 v5, v20;
	v7 =	vadd.f32 v22, v7  }
0x1c2: {  	(erf) = vrcp.f32 v26;
	v26 =	vadd.f32 $1.000000000e+00, v45;
	v22 =	vld [tilespmem:s15+$0x40];
	v20 =	vpop (erf)  }
0x1c3: {  	v5 =	vsub.f32 $0.0e+00, v5;
	v7 =	vadd.f32 v31, v7;
	v30 =	vmul.f32 v20, v30;
	v47 =	vpop (erf)  }
0x1c4: {  	s17 =	sor.u32 $0x440, s9;
	v31 =	vadd.f32 $1.000000000e+00, v47  }
0x1c5: {  	v46 =	vld [tilespmem:s17+$0x300];
	(erf) = vrcp.f32 v26;
	v5 =	vmul.f32 $1.442695020e+00, v5;
	v7 =	vsub.f32 $0.0e+00, v7;
	[tilespmem:s11+$0x90] =	vst v30  }
0x1c6: {  	v30 =	vld [tilespmem:s12+$0x20];
	(erf) = vrcp.f32 v31  }
0x1c7: {  	v29 =	vadd.f32 v22, v29;
	v31 =	vld [tilespmem:s20+$0xA0];
	v7 =	vmul.f32 $1.442695020e+00, v7;
	(erf) = vpow2.f32 v5;
	_ =	sdelay $0x1  }
0x1c8: {  	v4 =	vadd.f32 v4, v29;
	v29 =	vld [tilespmem:s11+$0xA0];
	v5 =	vpop (erf);
	(erf) = vpow2.f32 v7  }
0x1c9: {  	v34 =	vmul.f32 v5, v46  }
0x1ca: {  	v49 =	vpop (erf)  }
0x1cb: {  	v48 =	vsub.f32 $0.0e+00, v4;
	v32 =	vmul.f32 v49, v42;
	[tilespmem:s18+$0xFFFFFF40] =	vst v34;
	v30 =	vadd.f32 v31, v30  }
0x1cc: {  	v31 =	vld [tilespmem:s29+$0x50]  }
0x1cd: {  	v51 =	vpop (erf);
	v50 =	vmul.f32 $1.442695020e+00, v48;
	v52 =	vld [tilespmem:s15+$0xFFFFFF50];
	[tilespmem:s11+$0xFFFFFF10] =	vst v32;
	v29 =	vadd.f32 v29, v30  }
0x1ce: {  	v53 =	vmul.f32 v51, v43;
	v30 =	vld [tilespmem:s14+$0x20];
	v54 =	vpop (erf)  }
0x1cf: {  	(erf) = vpow2.f32 v50;
	v55 =	vld [tilespmem:s20+$0xFFFFFF20];
	v29 =	vsub.f32 $0.0e+00, v29;
	v56 =	vpop (erf)  }
0x1d0: {  	[tilespmem:s11+$0xFFFFFF90] =	vst v53;
	v28 =	vmul.f32 v54, v28;
	v32 =	vadd.f32 $1.000000000e+00, v56  }
0x1d1: {  	v57 =	vld [tilespmem:s5+$0x20];
	v29 =	vmul.f32 $1.442695020e+00, v29;
	v59 =	vpop (erf)  }
0x1d2: {  	v58 =	vld [tilespmem:s20+$0xFFFFFFA0];
	[tilespmem:s11+$0x10] =	vst v28;
	v28 =	vadd.f32 $1.000000000e+00, v59;
	(erf) = vrcp.f32 v32  }
0x1d3: {  	(erf) = vpow2.f32 v29  }
0x1d4: {  	v31 =	vadd.f32 v52, v31;
	v60 =	vld [tilespmem:s23+$0x20];
	(erf) = vrcp.f32 v28;
	v28 =	vadd.f32 v55, v30  }
0x1d5: {  	v29 =	vld [tilespmem:s20+$0x20]  }
0x1d6: {  	v13 =	vadd.f32 v13, v31  }
0x1d7: {  	s22 =	sor.u32 $0x440, s13;
	v30 =	vadd.f32 v58, v57  }
0x1d8: {  	v31 =	vld [tilespmem:s22+$0x300];
	v13 =	vsub.f32 $0.0e+00, v13;
	v24 =	vadd.f32 v24, v28;
	v28 =	vpop (erf)  }
0x1d9: {  	s24 =	sor.u32 $0x450, s16;
	v27 =	vadd.f32 v27, v30;
	v28 =	vadd.f32 $1.000000000e+00, v28  }
0x1da: {  	v13 =	vmul.f32 $1.442695020e+00, v13;
	v30 =	vld [tilespmem:s24+$0x300];
	v24 =	vsub.f32 $0.0e+00, v24;
	v29 =	vadd.f32 v29, v60  }
0x1db: {  	v27 =	vsub.f32 $0.0e+00, v27;
	(erf) = vrcp.f32 v28  }
0x1dc: {  	v24 =	vmul.f32 $1.442695020e+00, v24;
	(erf) = vpow2.f32 v13;
	v13 =	vadd.f32 v17, v29;
	v17 =	vpop (erf)  }
0x1dd: {  	v27 =	vmul.f32 $1.442695020e+00, v27;
	v28 =	vpop (erf);
	v17 =	vmul.f32 v17, v31  }
0x1de: {  	s25 =	sor.u32 $0x440, s1;
	v26 =	vld [tilespmem:s11+$0xFFFFFFD0];
	(erf) = vpow2.f32 v24;
	v13 =	vsub.f32 $0.0e+00, v13;
	v24 =	vadd.f32 $1.000000000e+00, v28;
	v28 =	vpop (erf)  }
0x1df: {  	v29 =	vld [tilespmem:s25+$0x300];
	(erf) = vpow2.f32 v27;
	[tilespmem:s18+$0xFFFFFFC0] =	vst v17;
	v17 =	vmul.f32 v28, v30  }
0x1e0: {  	v13 =	vmul.f32 $1.442695020e+00, v13;
	(erf) = vrcp.f32 v24;
	v24 =	vld [tilespmem:s0+$0x50]  }
0x1e1: {  	v27 =	vld [tilespmem:s15+$0xFFFFFFD0];
	[tilespmem:s18+$0xD0] =	vst v17  }
0x1e2: {  	(erf) = vpow2.f32 v13;
	v13 =	vld [tilespmem:s3+$0x60]  }
0x1e3: {  	s30 =	sor.u32 $0x420, s28;
	v17 =	vld [tilespmem:s15+$0xE0]  }
0x1e4: {  	v61 =	vld [tilespmem:s30+$0x300]  }
0x1e5: {  	s17 =	simm.s32 $0x8000;
	v30 =	vld [tilespmem:s18+$0xE0];
	v28 =	vpop (erf)  }
0x1e6: {  	v45 =	vld [tilespmem:s17+$0xFFFFFF00];
	v31 =	vpop (erf)  }
0x1e7: {  	v20 =	vld [tilespmem:s11+$0xFFFFFF50];
	v28 =	vmul.f32 v28, v29;
	v24 =	vadd.f32 v27, v24;
	v31 =	vadd.f32 $1.000000000e+00, v31;
	v29 =	vpop (erf)  }
0x1e8: {  	v22 =	vld [tilespmem:s11+$0x50];
	v27 =	vadd.f32 $1.000000000e+00, v29;
	v29 =	vpop (erf);
	v13 =	vadd.f32 v17, v13  }
0x1e9: {  	s10 =	smov.u32 s6;
	v7 =	vld [tilespmem:s11+$0xFFFFFF60];
	[tilespmem:s18+$0x40] =	vst v28;
	v9 =	vadd.f32 v9, v24;
	(erf) = vrcp.f32 v31;
	v17 =	vpop (erf)  }
0x1ea: {  	v24 =	vld [tilespmem:s10+$0x50];
	(erf) = vrcp.f32 v27;
	v13 =	vadd.f32 v30, v13;
	v17 =	vmul.f32 v17, v61  }
0x1eb: {  	s0 =	sor.u32 $0x450, s9;
	v27 =	vld [tilespmem:s15+$0x50]  }
0x1ec: {  	v28 =	vadd.f32 $1.000000000e+00, v29;
	v30 =	vld [tilespmem:s0+$0x300];
	v29 =	vpop (erf);
	v13 =	vsub.f32 $0.0e+00, v13;
	[tilespmem:s11+$0xA0] =	vst v17  }
0x1ed: {  	v9 =	vsub.f32 $0.0e+00, v9;
	v29 =	vadd.f32 $1.000000000e+00, v29;
	v17 =	vld [tilespmem:s12+$0x30]  }
0x1ee: {  	s1 =	sor.u32 $0x420, s19;
	(erf) = vrcp.f32 v28;
	v28 =	vld [tilespmem:s20+$0xB0];
	v13 =	vmul.f32 $1.442695020e+00, v13  }
0x1ef: {  	v9 =	vmul.f32 $1.442695020e+00, v9;
	(erf) = vrcp.f32 v29;
	v29 =	vld [tilespmem:s1+$0x300]  }
0x1f0: {  	s6 =	smov.u32 s14;
	v5 =	vld [tilespmem:s11+$0xFFFFFFE0];
	s14 =	simm.s32 $0x800;
	v24 =	vadd.f32 v27, v24  }
0x1f1: {  	s8 =	sand.u32 $0x3800, s14;
	v27 =	vld [tilespmem:s11+$0xB0];
	(erf) = vpow2.f32 v9  }
0x1f2: {  	v4 =	vld [tilespmem:s11+$0x60];
	s2 =	sor.u32 $0x300, s8;
	s8 =	simm.s32 $0x5800;
	(erf) = vpow2.f32 v13;
	v24 =	vadd.f32 v6, v24;
	v13 =	vpop (erf)  }
0x1f3: {  	v63 =	vld [tilespmem:s8+$0x80];
	v30 =	vmul.f32 v13, v30;
	v31 =	vpop (erf)  }
0x1f4: {  	s7 =	sor.u32 $0x420, s21;
	v42 =	vld [tilespmem:s8+$0xFFFFFF00];
	v17 =	vadd.f32 v28, v17;
	v24 =	vsub.f32 $0.0e+00, v24;
	v28 =	vmul.f32 v31, v29  }
0x1f5: {  	v13 =	vld [tilespmem:s7+$0x300];
	[tilespmem:s18+$0xFFFFFF50] =	vst v30  }
0x1f6: {  	v17 =	vadd.f32 v27, v17;
	v24 =	vmul.f32 $1.442695020e+00, v24;
	v29 =	vld [tilespmem:s29+$0x60];
	[tilespmem:s11+$0xFFFFFF20] =	vst v28  }
0x1f7: {  	s7 =	simm.s32 $0x580;
	v30 =	vld [tilespmem:s6+$0x30]  }
0x1f8: {  	s9 =	sand.u32 $0x380, s7;
	v27 =	vpop (erf);
	v17 =	vsub.f32 $0.0e+00, v17;
	(erf) = vpow2.f32 v24;
	v24 =	vld [tilespmem:s20+$0xFFFFFF30]  }
0x1f9: {  	s30 =	sadd.s32 s9, s2;
	v28 =	vld [tilespmem:s15+$0xFFFFFF60];
	v62 =	vpop (erf)  }
0x1fa: {  	v40 =	vld [tilespmem:s30+$0x0];
	v31 =	vpop (erf);
	v17 =	vmul.f32 $1.442695020e+00, v17  }
0x1fb: {  	v44 =	vld [tilespmem:s8+$0xFFFFFF80];
	v39 =	vpop (erf)  }
0x1fc: {  	s10 =	sor.u32 $0x460, s16;
	v34 =	vadd.f32 $1.000000000e+00, v39;
	(erf) = vpow2.f32 v17;
	v17 =	vld [tilespmem:s17+$0x80]  }
0x1fd: {  	s13 =	simm.s32 $0x400;
	s4 =	sor.u32 $0x420, s26;
	v41 =	vld [tilespmem:s10+$0x300];
	v24 =	vadd.f32 v24, v30  }
0x1fe: {  	s24 =	simm.s32 $0x500;
	v9 =	vld [tilespmem:s4+$0x300];
	s4 =	sand.u32 $0x200, s13;
	v28 =	vadd.f32 v28, v29;
	(erf) = vrcp.f32 v34  }
0x1ff: {  	s22 =	simm.s32 $0x480;
	v6 =	vld [tilespmem:s11+$0xFFFFFF70];
	s1 =	sadd.s32 s4, s2;
	s4 =	sand.u32 $0x300, s24;
	v30 =	vadd.f32 v63, v40;
	v16 =	vadd.f32 v16, v24  }
0x200: {  	s9 =	sand.u32 $0x280, s22;
	s22 =	sadd.s32 s4, s2;
	v31 =	vadd.f32 $1.000000000e+00, v31;
	v29 =	vld [tilespmem:s1+$0x0];
	v8 =	vadd.f32 v8, v28  }
0x201: {  	s25 =	simm.s32 $0x4;
	v28 =	vld [tilespmem:s22+$0x0];
	v43 =	vpop (erf);
	v16 =	vsub.f32 $0.0e+00, v16;
	v17 =	vadd.f32 v17, v30  }
0x202: {  	s24 =	sadd.s32 s9, s2;
	s2 =	sand.u32 $0x3, s25;
	(erf) = vrcp.f32 v31;
	v31 =	vld [tilespmem:s8+$0x0];
	v8 =	vsub.f32 $0.0e+00, v8;
	v30 =	vadd.f32 $1.000000000e+00, v43  }
0x203: {  	p0 =	por !p0, !p0;
	s4 =	simm.s32 $0x1;
	s2 =	sshll.u32 s2, $0x8;
	v24 =	vld [tilespmem:s24+$0x0];
	v16 =	vmul.f32 $1.442695020e+00, v16;
	v17 =	vsub.f32 $0.0e+00, v17  }
0x204: {  	s4 =	simm.s32 @!p0 $0x0;
	s2 =	sadd.s32 $0x800, s2;
	v8 =	vmul.f32 $1.442695020e+00, v8;
	(erf) = vrcp.f32 v30;
	v30 =	vld [tilespmem:s17+$0xFFFFFF80]  }
0x205: {  	s0 =	sor.u32 $0x430, s19;
	s4 =	sshll.u32 s4, $0x9;
	s10 =	sadd.s32 $0x100, s2;
	v29 =	vadd.f32 v42, v29;
	(erf) = vpow2.f32 v16;
	v16 =	vld [tilespmem:s17+$0x0];
	v17 =	vmul.f32 $1.442695020e+00, v17  }
0x206: {  	v38 =	vld [tilespmem:s0+$0x300];
	s0 =	simm.s32 $0x8;
	s13 =	sadd.s32 $0x800, s4;
	s9 =	sor.u32 $0x400, s10;
	v46 =	vpop (erf);
	(erf) = vpow2.f32 v8  }
0x207: {  	s25 =	simm.s32 $0x8;
	s2 =	sor.u32 $0x400, s13;
	v48 =	vld [tilespmem:s9+$0x300];
	v28 =	vadd.f32 v31, v28;
	[dreg:$0x5] =	wrdreg s0;
	v47 =	vpop (erf);
	(erf) = vpow2.f32 v17;
	v17 =	vadd.f32 v45, v29  }
0x208: {  	s9 =	sand.u32 $0x7, s25;
	s0 =	sor.u32 $0x430, s28;
	v8 =	vadd.f32 v44, v24;
	v49 =	vadd.f32 $1.000000000e+00, v46;
	v50 =	vld [tilespmem:s2+$0x300];
	v24 =	vmul.f32 v47, v41  }
0x209: {  	s25 =	sshll.u32 s9, $0x7;
	v29 =	vld [tilespmem:s0+$0x300];
	v17 =	vsub.f32 $0.0e+00, v17  }
0x20a: {  	s2 =	sadd.s32 $0x800, s25;
	(erf) = vrcp.f32 v49;
	v8 =	vadd.f32 v30, v8;
	v30 =	vld [tilespmem:s18+$0xF0];
	[tilespmem:s18+$0xE0] =	vst v24;
	v16 =	vadd.f32 v16, v28  }
0x20b: {  	s31 =	sadd.s32 $0x80, s2;
	v24 =	vld [tilespmem:s3+$0x70];
	v17 =	vmul.f32 $1.442695020e+00, v17  }
0x20c: {  	v32 =	vpop (erf);
	s3 =	sadd.s32 $0x180, s2;
	v8 =	vsub.f32 $0.0e+00, v8;
	v28 =	vld [tilespmem:s15+$0xF0];
	s2 =	sor.u32 $0x400, s31;
	v16 =	vsub.f32 $0.0e+00, v16  }
0x20d: {  	s25 =	smov.u32 s24;
	s24 =	sor.u32 $0x400, s3;
	v52 =	vld [tilespmem:s2+$0x300];
	v31 =	vpop (erf);
	(erf) = vpow2.f32 v17;
	v17 =	vmul.f32 v27, v9  }
0x20e: {  	v51 =	vld [tilespmem:s24+$0x300];
	v8 =	vmul.f32 $1.442695020e+00, v8;
	v27 =	vpop (erf);
	v16 =	vmul.f32 $1.442695020e+00, v16  }
0x20f: {  	v9 =	vld [tilespmem:s11+$0xFFFFFFF0];
	v27 =	vadd.f32 $1.000000000e+00, v27;
	[tilespmem:s11+$0xFFFFFFA0] =	vst v17  }
0x210: {  	v13 =	vmul.f32 v62, v13;
	(erf) = vpow2.f32 v8;
	v8 =	vld [tilespmem:s11+$0x70];
	[dreg:$0x1f] =	wrdreg s5  }
0x211: {  	v39 =	vpop (erf);
	v24 =	vadd.f32 v28, v24;
	v28 =	vld [tilespmem:s5+$0x30]  }
0x212: {  	v17 =	vadd.f32 $1.000000000e+00, v39;
	(erf) = vpow2.f32 v16;
	v53 =	vld [tilespmem:s17+$0xFFFFFF10];
	[tilespmem:s11+$0x20] =	vst v13;
	v16 =	vpop (erf)  }
0x213: {  	(erf) = vrcp.f32 v27;
	v13 =	vld [tilespmem:s20+$0xFFFFFFB0];
	v24 =	vadd.f32 v30, v24;
	[smem:$0x7DC] =	sst s23;
	v16 =	vadd.f32 $1.000000000e+00, v16;
	v27 =	vpop (erf)  }
0x214: {  	(erf) = vrcp.f32 v17;
	v17 =	vmul.f32 v27, v29;
	v27 =	vld [tilespmem:s20+$0x30]  }
0x215: {  	v24 =	vsub.f32 $0.0e+00, v24;
	(erf) = vrcp.f32 v16;
	v16 =	vld [tilespmem:s23+$0x30];
	_ =	sdelay $0x1  }
0x216: {  	[tilespmem:s11+$0xB0] =	vst v17;
	v24 =	vmul.f32 $1.442695020e+00, v24  }
0x217: {  	v29 =	vpop (erf);
	v17 =	vld [tilespmem:s12+$0x40]  }
0x218: {  	v54 =	vld [tilespmem:s20+$0xC0];
	v29 =	vadd.f32 $1.000000000e+00, v29  }
0x219: {  	v13 =	vadd.f32 v13, v28;
	v41 =	vpop (erf);
	(erf) = vpow2.f32 v24;
	v16 =	vadd.f32 v27, v16  }
0x21a: {  	v42 =	vld [tilespmem:s11+$0xC0];
	(erf) = vrcp.f32 v29;
	v24 =	vpop (erf)  }
0x21b: {  	v10 =	vadd.f32 v10, v13;
	v27 =	vpop (erf)  }
0x21c: {  	v40 =	vld [tilespmem:s17+$0xFFFFFF90];
	v41 =	vadd.f32 $1.000000000e+00, v41;
	v55 =	vadd.f32 $1.000000000e+00, v24;
	v29 =	vpop (erf)  }
0x21d: {  	v43 =	vld [tilespmem:s17+$0x10];
	v11 =	vadd.f32 v11, v16;
	v13 =	vadd.f32 v54, v17;
	v17 =	vmul.f32 v27, v38;
	v16 =	vpop (erf)  }
0x21e: {  	v30 =	vld [tilespmem:s17+$0xFFFFFF20];
	v10 =	vsub.f32 $0.0e+00, v10;
	(erf) = vrcp.f32 v41;
	v16 =	vmul.f32 v16, v51  }
0x21f: {  	v28 =	vld [tilespmem:s17+$0xFFFFFFA0];
	(erf) = vrcp.f32 v55;
	v13 =	vadd.f32 v42, v13;
	[tilespmem:s11+$0xFFFFFF30] =	vst v17  }
0x220: {  	v24 =	vld [tilespmem:s17+$0xFFFFFF30];
	v10 =	vmul.f32 $1.442695020e+00, v10;
	v11 =	vsub.f32 $0.0e+00, v11;
	[tilespmem:s17+$0x80] =	vst v16  }
0x221: {  	v27 =	vld [tilespmem:s17+$0x20];
	v13 =	vsub.f32 $0.0e+00, v13;
	[smem:$0x7DD] =	sst s6  }
0x222: {  	(erf) = vpow2.f32 v10;
	v11 =	vmul.f32 $1.442695020e+00, v11;
	v57 =	vpop (erf);
	v56 =	vld [tilespmem:s6+$0x40]  }
0x223: {  	v13 =	vmul.f32 $1.442695020e+00, v13;
	v17 =	vld [tilespmem:s30+$0x10];
	v16 =	vpop (erf)  }
0x224: {  	(erf) = vpow2.f32 v11;
	v10 =	vld [tilespmem:s8+$0x90];
	v36 =	vmul.f32 v16, v50  }
0x225: {  	v11 =	vld [tilespmem:s20+$0xFFFFFF40]  }
0x226: {  	v58 =	vld [tilespmem:s17+$0x90];
	(erf) = vpow2.f32 v13;
	[tilespmem:s17+$0xFFFFFF00] =	vst v36  }
0x227: {  	v41 =	vpop (erf);
	v36 =	vld [tilespmem:s1+$0x10]  }
0x228: {  	v37 =	vmul.f32 v41, v52;
	v60 =	vpop (erf);
	v59 =	vld [tilespmem:s8+$0xFFFFFF10]  }
0x229: {  	v34 =	vmul.f32 v60, v48;
	v10 =	vadd.f32 v10, v17  }
0x22a: {  	v13 =	vld [tilespmem:s17+$0xFFFFFF40];
	[tilespmem:s17+$0xFFFFFF80] =	vst v37;
	v35 =	vadd.f32 v11, v56  }
0x22b: {  	s9 =	smov.u32 s6;
	s4 =	smov.u32 s3;
	v38 =	vadd.f32 $1.000000000e+00, v57;
	s6 =	sor.u32 $0x430, s26;
	v16 =	vld [tilespmem:s17+$0xFFFFFFB0];
	v61 =	vpop (erf);
	[tilespmem:s17+$0x0] =	vst v34;
	v39 =	vadd.f32 v58, v10  }
0x22c: {  	s24 =	smov.u32 s12;
	s12 =	sor.u32 $0x430, s21;
	v50 =	vld [tilespmem:s6+$0x300];
	v25 =	vadd.f32 v25, v35;
	v35 =	vadd.f32 $1.000000000e+00, v61;
	s3 =	sld [smem:$0x7D7]  }
0x22d: {  	v52 =	vld [tilespmem:s12+$0x300];
	v62 =	vpop (erf);
	v39 =	vsub.f32 $0.0e+00, v39;
	v36 =	vadd.f32 v59, v36  }
0x22e: {  	(erf) = vrcp.f32 v38;
	v37 =	vld [tilespmem:s25+$0x10];
	v45 =	vadd.f32 $1.000000000e+00, v62;
	v25 =	vsub.f32 $0.0e+00, v25  }
0x22f: {  	v63 =	vld [tilespmem:s8+$0xFFFFFF90];
	(erf) = vrcp.f32 v35;
	v47 =	vpop (erf);
	s0 =	sor.u32 $0x450, s3;
	v39 =	vmul.f32 $1.442695020e+00, v39;
	v33 =	vadd.f32 v53, v36  }
0x230: {  	v35 =	vadd.f32 $1.000000000e+00, v47;
	(erf) = vrcp.f32 v45;
	v49 =	vld [tilespmem:s0+$0x300]  }
0x231: {  	v46 =	vld [tilespmem:s22+$0x10];
	v25 =	vmul.f32 $1.442695020e+00, v25;
	(erf) = vpow2.f32 v39;
	v33 =	vsub.f32 $0.0e+00, v33  }
0x232: {  	v48 =	vld [tilespmem:s8+$0x10];
	(erf) = vrcp.f32 v35  }
0x233: {  	v17 =	vld [tilespmem:s17+$0x30];
	(erf) = vpow2.f32 v25;
	v25 =	vmul.f32 $1.442695020e+00, v33  }
0x234: {  	v11 =	vld [tilespmem:s17+$0xFFFFFFC0];
	v34 =	vadd.f32 v63, v37;
	s0 =	sor.u32 $0x440, s28  }
0x235: {  	v32 =	vmul.f32 v32, v49;
	(erf) = vpow2.f32 v25;
	v25 =	vld [tilespmem:s0+$0x300];
	s0 =	sld [smem:$0x7D8]  }
0x236: {  	s12 =	sor.u32 $0x410, s4;
	v10 =	vld [tilespmem:s17+$0x40];
	v34 =	vadd.f32 v40, v34  }
0x237: {  	v51 =	vadd.f32 v48, v46;
	v40 =	vld [tilespmem:s12+$0x300];
	v33 =	vpop (erf);
	[tilespmem:s18+$0xFFFFFFD0] =	vst v32  }
0x238: {  	v34 =	vsub.f32 $0.0e+00, v34;
	v55 =	vpop (erf);
	s12 =	sld [smem:$0x7D9];
	v60 =	vld [tilespmem:s15+$0xFFFFFFE0];
	s6 =	sor.u32 $0x450, s0  }
0x239: {  	v53 =	vadd.f32 v43, v51;
	v35 =	vmul.f32 v55, v50;
	v57 =	vpop (erf);
	v54 =	vld [tilespmem:s6+$0x300]  }
0x23a: {  	v34 =	vmul.f32 $1.442695020e+00, v34;
	v36 =	vmul.f32 v57, v52;
	v52 =	vld [tilespmem:s11+$0xD0];
	v59 =	vpop (erf)  }
0x23b: {  	v56 =	vsub.f32 $0.0e+00, v53;
	[tilespmem:s11+$0xFFFFFFB0] =	vst v35;
	v58 =	vld [tilespmem:s12+$0x60];
	v41 =	vadd.f32 $1.000000000e+00, v59  }
0x23c: {  	(erf) = vpow2.f32 v34;
	v62 =	vld [tilespmem:s5+$0x40];
	v61 =	vpop (erf)  }
0x23d: {  	v32 =	vmul.f32 $1.442695020e+00, v56;
	v63 =	vld [tilespmem:s20+$0xFFFFFFC0];
	s5 =	sor.u32 $0x410, s13;
	v45 =	vpop (erf);
	(erf) = vrcp.f32 v41  }
0x23e: {  	[tilespmem:s11+$0x30] =	vst v36;
	v59 =	vld [tilespmem:s5+$0x300];
	v25 =	vmul.f32 v61, v25;
	v46 =	vadd.f32 $1.000000000e+00, v45  }
0x23f: {  	v47 =	vld [tilespmem:s23+$0x40];
	(erf) = vpow2.f32 v32  }
0x240: {  	v53 =	vld [tilespmem:s20+$0x40];
	[tilespmem:s11+$0xC0] =	vst v25;
	v48 =	vpop (erf);
	v31 =	vmul.f32 v31, v54;
	(erf) = vrcp.f32 v46  }
0x241: {  	v25 =	vld [tilespmem:s24+$0x50];
	v50 =	vadd.f32 $1.000000000e+00, v48  }
0x242: {  	s6 =	sor.u32 $0x440, s19;
	v49 =	vld [tilespmem:s20+$0xD0];
	v51 =	vadd.f32 v60, v58;
	[tilespmem:s18+$0x50] =	vst v31  }
0x243: {  	s5 =	sor.u32 $0x440, s21;
	v54 =	vld [tilespmem:s6+$0x300];
	v34 =	vadd.f32 v63, v62;
	(erf) = vrcp.f32 v50;
	s6 =	sld [smem:$0x7DA]  }
0x244: {  	v41 =	vld [tilespmem:s5+$0x300];
	v14 =	vadd.f32 v14, v51  }
0x245: {  	v15 =	vadd.f32 v15, v34;
	v55 =	vpop (erf);
	v56 =	vld [tilespmem:s15+$0x60]  }
0x246: {  	s23 =	smov.u32 s24;
	s24 =	sor.u32 $0x470, s16;
	v35 =	vadd.f32 v53, v47;
	v14 =	vsub.f32 $0.0e+00, v14;
	v31 =	vld [tilespmem:s6+$0x60];
	v57 =	vpop (erf)  }
0x247: {  	v34 =	vld [tilespmem:s24+$0x300];
	v37 =	vadd.f32 $1.000000000e+00, v55;
	v25 =	vadd.f32 v49, v25;
	v40 =	vmul.f32 v57, v40  }
0x248: {  	s16 =	sor.u32 $0x410, s10;
	v47 =	vld [tilespmem:s17+$0xA0];
	v58 =	vsub.f32 $0.0e+00, v15;
	v14 =	vmul.f32 $1.442695020e+00, v14;
	v60 =	vpop (erf)  }
0x249: {  	v51 =	vld [tilespmem:s16+$0x300];
	v18 =	vadd.f32 v18, v35;
	(erf) = vrcp.f32 v37;
	v38 =	vadd.f32 v52, v25;
	v63 =	vpop (erf);
	[tilespmem:s17+$0x90] =	vst v40  }
0x24a: {  	(erf) = vpow2.f32 v14;
	v61 =	vadd.f32 $1.000000000e+00, v60;
	v32 =	vmul.f32 v63, v54;
	v14 =	vld [tilespmem:s30+$0x20]  }
0x24b: {  	s24 =	sor.u32 $0x440, s26;
	v38 =	vsub.f32 $0.0e+00, v38;
	v31 =	vadd.f32 v56, v31;
	v44 =	vld [tilespmem:s8+$0xA0]  }
0x24c: {  	v53 =	vld [tilespmem:s24+$0x300];
	v62 =	vmul.f32 $1.442695020e+00, v58;
	v18 =	vsub.f32 $0.0e+00, v18;
	(erf) = vrcp.f32 v61;
	v46 =	vpop (erf);
	[tilespmem:s11+$0xFFFFFF40] =	vst v32  }
0x24d: {  	v45 =	vmul.f32 $1.442695020e+00, v38;
	v12 =	vadd.f32 v12, v31;
	v31 =	vmul.f32 v46, v59;
	v48 =	vld [tilespmem:s9+$0x50]  }
0x24e: {  	v18 =	vmul.f32 $1.442695020e+00, v18;
	(erf) = vpow2.f32 v62;
	v49 =	vld [tilespmem:s20+$0xFFFFFF50];
	s9 =	sor.u32 $0x410, s31  }
0x24f: {  	s2 =	smov.u32 s1;
	(erf) = vpow2.f32 v45;
	[tilespmem:s17+$0xFFFFFF10] =	vst v31;
	v50 =	vld [tilespmem:s9+$0x300]  }
0x250: {  	v12 =	vsub.f32 $0.0e+00, v12;
	(erf) = vpow2.f32 v18;
	v18 =	vld [tilespmem:s2+$0x20];
	v14 =	vadd.f32 v44, v14  }
0x251: {  	v31 =	vld [tilespmem:s8+$0xFFFFFF20]  }
0x252: {  	v15 =	vld [tilespmem:s17+$0xFFFFFF50];
	s5 =	sld [smem:$0x7DB];
	v12 =	vmul.f32 $1.442695020e+00, v12  }
0x253: {  	s16 =	sor.u32 $0x450, s19;
	v25 =	vld [tilespmem:s17+$0xFFFFFF60];
	v52 =	vpop (erf)  }
0x254: {  	s24 =	sor.u32 $0x420, s13;
	v36 =	vld [tilespmem:s16+$0x300];
	(erf) = vpow2.f32 v12;
	v12 =	vadd.f32 v47, v14;
	v14 =	vpop (erf)  }
0x255: {  	v35 =	vld [tilespmem:s24+$0x300];
	v37 =	vadd.f32 v49, v48;
	s9 =	sor.u32 $0x460, s5;
	v14 =	vadd.f32 $1.000000000e+00, v14  }
0x256: {  	v55 =	vld [tilespmem:s9+$0x300];
	v12 =	vsub.f32 $0.0e+00, v12;
	v18 =	vadd.f32 v31, v18;
	v31 =	vmul.f32 v52, v50;
	v54 =	vpop (erf)  }
0x257: {  	v37 =	vadd.f32 v20, v37;
	v20 =	vld [tilespmem:s17+$0xFFFFFFD0];
	v56 =	vpop (erf)  }
0x258: {  	v12 =	vmul.f32 $1.442695020e+00, v12;
	v30 =	vadd.f32 v30, v18;
	v18 =	vld [tilespmem:s17+$0x50];
	[tilespmem:s17+$0xFFFFFF90] =	vst v31;
	v57 =	vadd.f32 $1.000000000e+00, v56  }
0x259: {  	v32 =	vmul.f32 v54, v51;
	(erf) = vrcp.f32 v14;
	v60 =	vld [tilespmem:s25+$0x20];
	v14 =	vpop (erf)  }
0x25a: {  	s16 =	sor.u32 $0x420, s31;
	v37 =	vsub.f32 $0.0e+00, v37;
	v61 =	vld [tilespmem:s8+$0xFFFFFFA0];
	(erf) = vrcp.f32 v57;
	v58 =	vadd.f32 $1.000000000e+00, v14;
	v14 =	vpop (erf)  }
0x25b: {  	v30 =	vsub.f32 $0.0e+00, v30;
	[tilespmem:s17+$0x10] =	vst v32;
	v32 =	vld [tilespmem:s16+$0x300];
	(erf) = vpow2.f32 v12;
	v59 =	vadd.f32 $1.000000000e+00, v14  }
0x25c: {  	v37 =	vmul.f32 $1.442695020e+00, v37;
	v62 =	vld [tilespmem:s22+$0x20];
	(erf) = vrcp.f32 v58  }
0x25d: {  	v44 =	vld [tilespmem:s8+$0x20];
	v30 =	vmul.f32 $1.442695020e+00, v30;
	v31 =	vpop (erf);
	(erf) = vrcp.f32 v59  }
0x25e: {  	v29 =	vmul.f32 v29, v55;
	v12 =	vld [tilespmem:s17+$0x60];
	v31 =	vadd.f32 $1.000000000e+00, v31;
	(erf) = vpow2.f32 v37  }
0x25f: {  	s24 =	smov.u32 s25;
	s25 =	sor.u32 $0x460, s3;
	v14 =	vld [tilespmem:s17+$0xFFFFFFE0];
	(erf) = vpow2.f32 v30  }
0x260: {  	[tilespmem:s18+$0xFFFFFF60] =	vst v29;
	v37 =	vadd.f32 v61, v60;
	v30 =	vld [tilespmem:s25+$0x300];
	(erf) = vrcp.f32 v31  }
0x261: {  	v46 =	vld [tilespmem:s29+$0x70]  }
0x262: {  	v54 =	vld [tilespmem:s15+$0xFFFFFF70];
	v39 =	vadd.f32 v44, v62;
	v63 =	vpop (erf);
	v28 =	vadd.f32 v28, v37  }
0x263: {  	s9 =	smov.u32 s3;
	s3 =	smov.u32 s22;
	s22 =	sor.u32 $0x420, s10;
	v60 =	vld [tilespmem:s11+$0xE0];
	v48 =	vpop (erf)  }
0x264: {  	s25 =	sor.u32 $0x460, s0;
	v31 =	vld [tilespmem:s22+$0x300];
	v27 =	vadd.f32 v27, v39;
	v28 =	vsub.f32 $0.0e+00, v28;
	v49 =	vpop (erf)  }
0x265: {  	s16 =	smov.u32 s0;
	s0 =	sor.u32 $0x450, s28;
	v45 =	vld [tilespmem:s25+$0x300];
	v29 =	vmul.f32 v63, v30;
	v50 =	vpop (erf)  }
0x266: {  	v51 =	vld [tilespmem:s0+$0x300];
	s22 =	sor.u32 $0x420, s4;
	v27 =	vsub.f32 $0.0e+00, v27;
	v28 =	vmul.f32 $1.442695020e+00, v28;
	v30 =	vpop (erf)  }
0x267: {  	v56 =	vld [tilespmem:s22+$0x300];
	v38 =	vadd.f32 $1.000000000e+00, v49;
	[tilespmem:s18+$0xFFFFFFE0] =	vst v29;
	v29 =	vmul.f32 v48, v53;
	v52 =	vpop (erf)  }
0x268: {  	v27 =	vmul.f32 $1.442695020e+00, v27;
	(erf) = vpow2.f32 v28;
	v47 =	vld [tilespmem:s12+$0x70];
	v53 =	vpop (erf)  }
0x269: {  	v55 =	vmul.f32 v30, v41;
	v57 =	vld [tilespmem:s15+$0xFFFFFFF0];
	(erf) = vrcp.f32 v38;
	[tilespmem:s11+$0xFFFFFFC0] =	vst v29;
	v30 =	vpop (erf)  }
0x26a: {  	s25 =	sor.u32 $0x450, s26;
	(erf) = vpow2.f32 v27;
	v27 =	vld [tilespmem:s20+$0xFFFFFFD0];
	v45 =	vmul.f32 v30, v45  }
0x26b: {  	s0 =	sor.u32 $0x450, s21;
	[tilespmem:s11+$0x40] =	vst v55;
	v30 =	vld [tilespmem:s25+$0x300]  }
0x26c: {  	v29 =	vld [tilespmem:s0+$0x300];
	[tilespmem:s18+$0x60] =	vst v45  }
0x26d: {  	v28 =	vadd.f32 v54, v46;
	v63 =	vld [tilespmem:s20+$0x50];
	s12 =	rddreg [dreg:$0x1f]  }
0x26e: {  	v37 =	vmul.f32 v50, v51;
	v58 =	vld [tilespmem:s12+$0x50]  }
0x26f: {  	v21 =	vadd.f32 v21, v28;
	v28 =	vadd.f32 $1.000000000e+00, v52;
	v39 =	vld [tilespmem:s6+$0x70]  }
0x270: {  	[tilespmem:s11+$0xD0] =	vst v37;
	v44 =	vld [tilespmem:s15+$0x70]  }
0x271: {  	(erf) = vrcp.f32 v28;
	v28 =	vadd.f32 v57, v47;
	v37 =	vld [tilespmem:s23+$0x60];
	s15 =	sld [smem:$0x7DC]  }
0x272: {  	s22 =	sor.u32 $0x470, s5;
	v21 =	vsub.f32 $0.0e+00, v21;
	v59 =	vld [tilespmem:s20+$0xE0]  }
0x273: {  	v19 =	vadd.f32 v19, v28;
	v28 =	vld [tilespmem:s22+$0x300];
	v27 =	vadd.f32 v27, v58  }
0x274: {  	v40 =	vadd.f32 $1.000000000e+00, v53;
	s25 =	sor.u32 $0x470, s9;
	v61 =	vld [tilespmem:s15+$0x50]  }
0x275: {  	s1 =	sor.u32 $0x470, s16;
	s5 =	sor.u32 $0x460, s19;
	v21 =	vmul.f32 $1.442695020e+00, v21;
	v62 =	vpop (erf);
	v49 =	vadd.f32 v26, v27;
	v27 =	vld [tilespmem:s25+$0x300]  }
0x276: {  	(erf) = vrcp.f32 v40;
	s6 =	sor.u32 $0x460, s21;
	v48 =	vpop (erf);
	v26 =	vld [tilespmem:s1+$0x300];
	[dreg:$0x10] =	wrdreg s5  }
0x277: {  	s9 =	sor.u32 $0x460, s26;
	(erf) = vpow2.f32 v21;
	v21 =	vadd.f32 v59, v37;
	v37 =	vmul.f32 v48, v56;
	[dreg:$0xf] =	wrdreg s6  }
0x278: {  	[dreg:$0x12] =	wrdreg s9  }
0x279: {  	s12 =	sor.u32 $0x440, s13;
	v50 =	vsub.f32 $0.0e+00, v19;
	v19 =	vld [tilespmem:s17+$0xFFFFFF70];
	[tilespmem:s17+$0xA0] =	vst v37  }
0x27a: {  	s16 =	sor.u32 $0x450, s13;
	s29 =	smov.u32 s28;
	v55 =	vld [tilespmem:s30+$0x30];
	[dreg:$0x17] =	wrdreg s12  }
0x27b: {  	s1 =	sor.u32 $0x470, s19;
	s19 =	sor.u32 $0x430, s13;
	[dreg:$0xc] =	wrdreg s16  }
0x27c: {  	v21 =	vadd.f32 v60, v21;
	s5 =	sor.u32 $0x470, s21;
	s21 =	sor.u32 $0x430, s10;
	[dreg:$0x1e] =	wrdreg s19  }
0x27d: {  	s28 =	smov.u32 s23;
	s22 =	sor.u32 $0x440, s10;
	v54 =	vadd.f32 v63, v61;
	v58 =	vld [tilespmem:s8+$0xB0];
	[dreg:$0x1a] =	wrdreg s21  }
0x27e: {  	s23 =	smov.u32 s15;
	v51 =	vpop (erf);
	s25 =	sor.u32 $0x430, s31;
	v56 =	vsub.f32 $0.0e+00, v21;
	v21 =	vld [tilespmem:s17+$0xFFFFFFF0];
	[dreg:$0x14] =	wrdreg s22  }
0x27f: {  	v40 =	vadd.f32 $1.000000000e+00, v62;
	v59 =	vpop (erf);
	s6 =	sor.u32 $0x470, s26;
	s26 =	sor.u32 $0x440, s31;
	v60 =	vadd.f32 v22, v54;
	v22 =	vld [tilespmem:s17+$0x70];
	[dreg:$0x1c] =	wrdreg s25  }
0x280: {  	s15 =	smov.u32 s30;
	v36 =	vmul.f32 v59, v36;
	s30 =	sor.u32 $0x460, s31;
	[dreg:$0x16] =	wrdreg s26  }
0x281: {  	v34 =	vmul.f32 v33, v34;
	(erf) = vrcp.f32 v40;
	[dreg:$0x9] =	wrdreg s30  }
0x282: {  	[tilespmem:s11+$0xFFFFFF50] =	vst v36  }
0x283: {  	[tilespmem:s18+$0xF0] =	vst v34  }
0x284: {  	v40 =	vadd.f32 $1.000000000e+00, v51;
	s19 =	sor.u32 $0x450, s10;
	s25 =	sld [smem:$0x7DE]  }
0x285: {  	v53 =	vmul.f32 $1.442695020e+00, v50;
	v61 =	vpop (erf);
	v52 =	vsub.f32 $0.0e+00, v49;
	s12 =	sor.u32 $0x470, s10;
	s21 =	sor.u32 $0x460, s10;
	s10 =	sld [smem:$0x7DD]  }
0x286: {  	p0 =	por !p0, !p0;
	(erf) = vrcp.f32 v40;
	s9 =	sor.u32 $0x470, s13;
	v35 =	vmul.f32 v61, v35  }
0x287: {  	v39 =	vadd.f32 v44, v39;
	s16 =	sor.u32 $0x460, s13;
	s13 =	sor.u32 $0x470, s31;
	v57 =	vmul.f32 $1.442695020e+00, v52;
	v37 =	vmul.f32 $1.442695020e+00, v56;
	v33 =	vld [tilespmem:s17+$0xB0];
	s0 =	sshll.u32 s25, $0x1  }
0x288: {  	(erf) = vpow2.f32 v53;
	v63 =	vpop (erf);
	s22 =	simm.s32 $0x7C00;
	s26 =	sor.u32 $0x450, s31;
	v62 =	vsub.f32 $0.0e+00, v60;
	v34 =	vld [tilespmem:s10+$0x60];
	[smem:$0x7DF] =	sst s0  }
0x289: {  	v38 =	vadd.f32 v23, v39;
	s30 =	simm.s32 $0x8000;
	s31 =	simm.s32 $0x5800;
	(erf) = vpow2.f32 v57;
	v36 =	vadd.f32 $1.000000000e+00, v63;
	s18 =	smov.u32 s10;
	[tilespmem:s17+$0xFFFFFF20] =	vst v35  }
0x28a: {  	(erf) = vpow2.f32 v37;
	v37 =	vmul.f32 $1.442695020e+00, v62;
	v39 =	vadd.f32 v58, v55;
	s25 =	simm.s32 $0x8;
	s10 =	simm.s32 $0x6;
	v35 =	vpop (erf);
	v23 =	vld [tilespmem:s20+$0xFFFFFF60];
	[dreg:$0x7] =	wrdreg s30  }
.LBB2_5:
0x28b: {  	[smem:$0x7DC] =	sst s23  }
0x28c: {  	[smem:$0x7C3] =	sst s16  }
0x28d: {  	[smem:$0x7DD] =	sst s18  }
0x28e: {  	[smem:$0x7CE] =	sst s9  }
0x28f: {  	[smem:$0x7CA] =	sst s26  }
0x290: {  	[smem:$0x7CB] =	sst s19  }
0x291: {  	[smem:$0x7D1] =	sst s13  }
0x292: {  	[smem:$0x7D0] =	sst s6  }
0x293: {  	[smem:$0x7D4] =	sst s12;
	s0 =	simm.s32 $0x1  }
0x294: {  	v40 =	vld [tilespmem:s2+$0x30];
	s14 =	sadd.s32 $0x400, s14;
	s30 =	rddreg [dreg:$0x1e];
	s7 =	sadd.s32 $0x200, s7;
	v42 =	vsub.f32 $0.0e+00, v38  }
0x295: {  	v63 =	vld [tilespmem:s8+$0xFFFFFF30];
	s8 =	sadd.s32 $0x200, s8;
	s0 =	simm.s32 @!p0 $0x0;
	(erf) = vpow2.f32 v37;
	s13 =	sand.u32 $0x3800, s14;
	v39 =	vadd.f32 v33, v39  }
0x296: {  	v41 =	vmul.f32 v35, v32;
	v32 =	vld [tilespmem:s30+$0x300];
	s16 =	sand.u32 $0x380, s7;
	s9 =	sshll.u32 s0, $0x9;
	s0 =	sor.u32 $0x300, s13;
	v43 =	vpop (erf);
	v44 =	vmul.f32 $1.442695020e+00, v42  }
0x297: {  	s6 =	sand.u32 $0x3, s10;
	s23 =	smov.u32 s2;
	v47 =	vld [tilespmem:s8+$0x80];
	(erf) = vrcp.f32 v36;
	s2 =	sadd.s32 s16, s0;
	v31 =	vmul.f32 v43, v31;
	v46 =	vpop (erf);
	v45 =	vsub.f32 $0.0e+00, v39  }
0x298: {  	[smem:$0x7D3] =	sst s5;
	s12 =	sshll.u32 s6, $0x8;
	s18 =	sadd.s32 $0xFFFFFE80, s7;
	[tilespmem:s17+$0xFFFFFFA0] =	vst v41;
	v49 =	vld [tilespmem:s2+$0x0];
	v48 =	vpop (erf);
	v37 =	vadd.f32 $1.000000000e+00, v46;
	(erf) = vpow2.f32 v44  }
0x299: {  	s19 =	sadd.s32 $0xFFFFFF00, s7;
	s30 =	sadd.s32 $0xFFFFFF80, s7;
	v51 =	vld [tilespmem:s8+$0xFFFFFF00];
	v23 =	vadd.f32 v23, v34;
	[tilespmem:s17+$0x20] =	vst v31;
	s17 =	sadd.s32 $0x200, s17;
	v31 =	vmul.f32 $1.442695020e+00, v45;
	v50 =	vpop (erf)  }
0x29a: {  	s5 =	sand.u32 $0x200, s18;
	s26 =	sand.u32 $0x280, s19;
	s19 =	sadd.s32 s9, s14;
	v38 =	vadd.f32 v63, v40;
	v52 =	vld [tilespmem:s17+$0x80];
	(erf) = vrcp.f32 v37;
	v35 =	vadd.f32 $1.000000000e+00, v50  }
0x29b: {  	s13 =	sand.u32 $0x300, s30;
	s6 =	sadd.s32 s5, s0;
	v56 =	vld [tilespmem:s8+$0xFFFFFF80];
	s30 =	sor.u32 $0x440, s19;
	v23 =	vadd.f32 v7, v23;
	(erf) = vpow2.f32 v31  }
0x29c: {  	[smem:$0x7C1] =	sst s30;
	s30 =	sor.u32 $0x460, s29;
	v34 =	vadd.f32 $1.000000000e+00, v48;
	v7 =	vmovc v25;
	v25 =	vld [tilespmem:s6+$0x0];
	v24 =	vadd.f32 v24, v38;
	(erf) = vrcp.f32 v35  }
0x29d: {  	s5 =	sadd.s32 s26, s0;
	s0 =	sadd.s32 s13, s0;
	v59 =	vld [tilespmem:s30+$0x300];
	v23 =	vsub.f32 $0.0e+00, v23;
	v36 =	vadd.f32 v47, v49  }
0x29e: {  	v54 =	vld [tilespmem:s0+$0x0];
	v24 =	vsub.f32 $0.0e+00, v24;
	v53 =	vpop (erf);
	(erf) = vrcp.f32 v34  }
0x29f: {  	v31 =	vld [tilespmem:s5+$0x0];
	v23 =	vmul.f32 $1.442695020e+00, v23;
	v34 =	vadd.f32 $1.000000000e+00, v53;
	v36 =	vadd.f32 v52, v36  }
0x2a0: {  	v58 =	vld [tilespmem:s8+$0x0];
	v55 =	vpop (erf);
	v24 =	vmul.f32 $1.442695020e+00, v24  }
0x2a1: {  	v60 =	vld [tilespmem:s17+$0xFFFFFF00];
	v57 =	vmul.f32 v55, v28;
	(erf) = vrcp.f32 v34;
	v28 =	vpop (erf);
	v61 =	vsub.f32 $0.0e+00, v36  }
0x2a2: {  	v62 =	vld [tilespmem:s17+$0xFFFFFF80];
	(erf) = vpow2.f32 v24;
	v24 =	vadd.f32 $1.000000000e+00, v28  }
0x2a3: {  	[smem:$0x7CD] =	sst s1;
	s1 =	sadd.s32 s14, s12;
	v63 =	vld [tilespmem:s17+$0x0];
	(erf) = vpow2.f32 v23;
	v28 =	vmul.f32 $1.442695020e+00, v61;
	v23 =	vpop (erf)  }
0x2a4: {  	s16 =	sadd.s32 $0x100, s1;
	v25 =	vadd.f32 v51, v25;
	v39 =	vadd.f32 v56, v31;
	v43 =	vpop (erf);
	(erf) = vrcp.f32 v24  }
0x2a5: {  	[smem:$0x7C8] =	sst s21;
	v33 =	vld [tilespmem:s24+$0x30];
	s1 =	sor.u32 $0x410, s16;
	v23 =	vmul.f32 v23, v27;
	v44 =	vadd.f32 $1.000000000e+00, v43;
	v45 =	vpop (erf);
	(erf) = vpow2.f32 v28  }
0x2a6: {  	s21 =	smov.u32 s4;
	s4 =	sor.u32 $0x420, s19;
	[smem:$0x7C0] =	sst s1;
	v52 =	vld [tilespmem:s11+$0xF0];
	v47 =	vadd.f32 v60, v25;
	v24 =	vadd.f32 v58, v54;
	v27 =	vmul.f32 v45, v59  }
0x2a7: {  	s26 =	sor.u32 $0x400, s16;
	s9 =	sor.u32 $0x420, s16;
	[smem:$0x7C6] =	sst s4;
	v25 =	vld [tilespmem:s17+$0xFFFFFF90];
	[tilespmem:s22+$0xFFFFFFF0] =	vst v23;
	v23 =	vadd.f32 v62, v39;
	v46 =	vpop (erf);
	(erf) = vrcp.f32 v44  }
0x2a8: {  	s13 =	sor.u32 $0x400, s19;
	s18 =	sor.u32 $0x440, s16;
	[smem:$0x7C7] =	sst s9;
	v31 =	vld [tilespmem:s26+$0x300];
	v24 =	vadd.f32 v63, v24;
	[tilespmem:s11+$0xE0] =	vst v27;
	v27 =	vsub.f32 $0.0e+00, v47  }
0x2a9: {  	s4 =	sor.u32 $0x430, s16;
	[smem:$0x7C2] =	sst s18;
	s9 =	sor.u32 $0x450, s16;
	v23 =	vsub.f32 $0.0e+00, v23;
	v48 =	vld [tilespmem:s28+$0x70]  }
0x2aa: {  	s18 =	sor.u32 $0x450, s19;
	[smem:$0x7CC] =	sst s9;
	[tilespmem:s22+$0xFFFFFF70] =	vst v57;
	v37 =	vmul.f32 v46, v30;
	v30 =	vpop (erf);
	v24 =	vsub.f32 $0.0e+00, v24;
	v49 =	vld [tilespmem:s20+$0xF0];
	v27 =	vmul.f32 $1.442695020e+00, v27  }
0x2ab: {  	[smem:$0x7C5] =	sst s18;
	s18 =	sor.u32 $0x460, s16;
	s16 =	sor.u32 $0x470, s16;
	v34 =	vld [tilespmem:s13+$0x300];
	v50 =	vpop (erf);
	v23 =	vmul.f32 $1.442695020e+00, v23  }
0x2ac: {  	[smem:$0x7D5] =	sst s16;
	s16 =	sor.u32 $0x430, s21;
	v28 =	vld [tilespmem:s17+$0xFFFFFF10];
	v54 =	vpop (erf);
	v55 =	vmul.f32 $1.442695020e+00, v24;
	(erf) = vpow2.f32 v27  }
0x2ad: {  	s9 =	sor.u32 $0x470, s19;
	[smem:$0x7C9] =	sst s18;
	[tilespmem:s11+$0xFFFFFFD0] =	vst v37;
	v51 =	vmul.f32 v30, v29;
	v53 =	vld [tilespmem:s16+$0x300];
	v37 =	vadd.f32 $1.000000000e+00, v50;
	v29 =	vpop (erf);
	(erf) = vpow2.f32 v23  }
0x2ae: {  	[smem:$0x7CF] =	sst s9;
	v30 =	vld [tilespmem:s17+$0x10];
	v40 =	vadd.f32 $1.000000000e+00, v54;
	v29 =	vmul.f32 v29, v26;
	(erf) = vpow2.f32 v55;
	v24 =	vpop (erf)  }
0x2af: {  	s30 =	smov.u32 s22;
	s26 =	rddreg [dreg:$0x5];
	[tilespmem:s11+$0x50] =	vst v51;
	v27 =	vld [tilespmem:s17+$0xFFFFFF20];
	v35 =	vadd.f32 v49, v48;
	v24 =	vadd.f32 $1.000000000e+00, v24;
	(erf) = vrcp.f32 v37  }
0x2b0: {  	s9 =	smov.u32 s2;
	s18 =	rddreg [dreg:$0x7];
	s2 =	sadd.s32 $0x4, s26;
	v56 =	vpop (erf);
	[tilespmem:s30+$0x70] =	vst v29;
	v29 =	vld [tilespmem:s31+$0xFFFFFFB0];
	(erf) = vrcp.f32 v40  }
0x2b1: {  	s12 =	sor.u32 $0x430, s19;
	[dreg:$0x5] =	wrdreg s2;
	v35 =	vadd.f32 v52, v35;
	(erf) = vrcp.f32 v24;
	v24 =	vld [tilespmem:s3+$0x30]  }
0x2b2: {  	s2 =	sand.u32 $0x7, s2;
	s28 =	smov.u32 s11;
	s11 =	smov.u32 s18;
	v36 =	vmul.f32 v56, v53;
	v57 =	vld [tilespmem:s31+$0x30]  }
0x2b3: {  	s1 =	sor.u32 $0x410, s19;
	[dreg:$0x1e] =	wrdreg s12;
	s2 =	sshll.u32 s2, $0x7;
	v60 =	vld [tilespmem:s11+$0xC0];
	v35 =	vsub.f32 $0.0e+00, v35  }
0x2b4: {  	s12 =	sor.u32 $0x460, s19;
	s2 =	sadd.s32 s2, s14;
	s22 =	smov.u32 s15;
	v23 =	vld [tilespmem:s17+$0x20];
	[tilespmem:s11+$0xB0] =	vst v36  }
0x2b5: {  	s19 =	smov.u32 s24;
	s24 =	smov.u32 s17;
	s30 =	sadd.s32 $0x180, s2;
	v36 =	vld [tilespmem:s22+$0x40];
	v35 =	vmul.f32 $1.442695020e+00, v35;
	v59 =	vpop (erf)  }
0x2b6: {  	s15 =	smov.u32 s3;
	s3 =	sadd.s32 $0x80, s2;
	s26 =	sor.u32 $0x400, s30;
	v58 =	vld [tilespmem:s31+$0xC0];
	v29 =	vadd.f32 v29, v33;
	v39 =	vadd.f32 $1.000000000e+00, v59  }
0x2b7: {  	[dreg:$0x7] =	wrdreg s24;
	s13 =	sor.u32 $0x400, s3;
	s2 =	sor.u32 $0x410, s3;
	v61 =	vld [tilespmem:s26+$0x300];
	v62 =	vpop (erf);
	(erf) = vpow2.f32 v35;
	v37 =	vadd.f32 v57, v24  }
0x2b8: {  	v26 =	vld [tilespmem:s17+$0xFFFFFFA0];
	s24 =	sor.u32 $0x420, s3;
	s18 =	sor.u32 $0x430, s3;
	s16 =	sor.u32 $0x440, s3;
	v41 =	vadd.f32 $1.000000000e+00, v62;
	v42 =	vpop (erf);
	v45 =	vadd.f32 v16, v29;
	(erf) = vrcp.f32 v39  }
0x2b9: {  	v63 =	vld [tilespmem:s13+$0x300];
	s13 =	sor.u32 $0x450, s3;
	s26 =	sor.u32 $0x460, s3;
	s3 =	sor.u32 $0x470, s3;
	v42 =	vadd.f32 $1.000000000e+00, v42;
	v43 =	vpop (erf)  }
0x2ba: {  	v54 =	vld [tilespmem:s17+$0x90];
	[smem:$0x7D2] =	sst s3;
	v37 =	vadd.f32 v17, v37;
	(erf) = vrcp.f32 v41;
	v29 =	vpop (erf);
	v39 =	vsub.f32 $0.0e+00, v45  }
0x2bb: {  	s3 =	rddreg [dreg:$0x1c];
	v24 =	vld [tilespmem:s17+$0xFFFFFF30];
	v36 =	vadd.f32 v58, v36;
	(erf) = vrcp.f32 v42;
	v46 =	vpop (erf)  }
0x2bc: {  	v40 =	vld [tilespmem:s3+$0x300];
	v37 =	vsub.f32 $0.0e+00, v37;
	v38 =	vmul.f32 v46, v61;
	v47 =	vmul.f32 $1.442695020e+00, v39  }
0x2bd: {  	v16 =	vld [tilespmem:s17+$0xFFFFFFB0];
	v33 =	vadd.f32 v60, v36  }
0x2be: {  	s3 =	smov.u32 s18;
	v17 =	vld [tilespmem:s17+$0x30];
	v49 =	vmul.f32 $1.442695020e+00, v37;
	[tilespmem:s17+$0x80] =	vst v38;
	(erf) = vpow2.f32 v47  }
0x2bf: {  	[dreg:$0x1c] =	wrdreg s3;
	v32 =	vmul.f32 v43, v32;
	v33 =	vsub.f32 $0.0e+00, v33;
	v50 =	vld [tilespmem:s9+$0x10]  }
0x2c0: {  	s3 =	rddreg [dreg:$0x1a];
	v51 =	vld [tilespmem:s8+$0x90];
	(erf) = vpow2.f32 v49;
	v52 =	vpop (erf)  }
0x2c1: {  	[tilespmem:s11+$0xFFFFFF30] =	vst v32;
	v36 =	vld [tilespmem:s3+$0x300];
	v33 =	vmul.f32 $1.442695020e+00, v33;
	v55 =	vpop (erf)  }
0x2c2: {  	v48 =	vld [tilespmem:s23+$0x40];
	v37 =	vadd.f32 $1.000000000e+00, v52;
	v56 =	vmul.f32 v55, v34  }
0x2c3: {  	v53 =	vld [tilespmem:s31+$0xFFFFFF40];
	(erf) = vpow2.f32 v33;
	v57 =	vpop (erf)  }
0x2c4: {  	v44 =	vld [tilespmem:s17+$0xFFFFFF40];
	(erf) = vrcp.f32 v37;
	v58 =	vpop (erf);
	[tilespmem:s17+$0xFFFFFF00] =	vst v56  }
0x2c5: {  	v32 =	vadd.f32 v51, v50;
	v31 =	vmul.f32 v58, v31;
	v33 =	vld [tilespmem:s6+$0x10]  }
0x2c6: {  	s3 =	smov.u32 s4;
	v35 =	vmul.f32 v57, v63;
	v59 =	vld [tilespmem:s8+$0xFFFFFF10]  }
0x2c7: {  	[dreg:$0x1a] =	wrdreg s3;
	s3 =	sor.u32 $0x470, s29;
	v38 =	vld [tilespmem:s17+$0xFFFFFFC0];
	[tilespmem:s17+$0x0] =	vst v31;
	v31 =	vadd.f32 v54, v32;
	v61 =	vpop (erf)  }
0x2c8: {  	v62 =	vld [tilespmem:s3+$0x300];
	v39 =	vadd.f32 v53, v48;
	[tilespmem:s17+$0xFFFFFF80] =	vst v35;
	v45 =	vadd.f32 $1.000000000e+00, v61  }
0x2c9: {  	v63 =	vld [tilespmem:s5+$0x10];
	v47 =	vpop (erf);
	v31 =	vsub.f32 $0.0e+00, v31  }
0x2ca: {  	v60 =	vadd.f32 v13, v39;
	v48 =	vld [tilespmem:s8+$0xFFFFFF90];
	v42 =	vadd.f32 $1.000000000e+00, v47;
	(erf) = vrcp.f32 v45  }
0x2cb: {  	v34 =	vld [tilespmem:s17+$0x40];
	v31 =	vmul.f32 $1.442695020e+00, v31;
	v33 =	vadd.f32 v59, v33  }
0x2cc: {  	v32 =	vsub.f32 $0.0e+00, v60;
	v49 =	vld [tilespmem:s0+$0x10];
	v50 =	vpop (erf);
	(erf) = vrcp.f32 v42  }
0x2cd: {  	[smem:$0x7C4] =	sst s12;
	v51 =	vld [tilespmem:s8+$0x10];
	v46 =	vadd.f32 $1.000000000e+00, v50;
	v52 =	vpop (erf);
	(erf) = vpow2.f32 v31;
	v28 =	vadd.f32 v28, v33  }
0x2ce: {  	s4 =	smov.u32 s30;
	s30 =	sld [smem:$0x7C0];
	v35 =	vld [tilespmem:s1+$0x300];
	v53 =	vmul.f32 $1.442695020e+00, v32  }
0x2cf: {  	v37 =	vld [tilespmem:s2+$0x300];
	s2 =	rddreg [dreg:$0x17];
	v54 =	vadd.f32 v48, v63;
	(erf) = vrcp.f32 v46;
	v28 =	vsub.f32 $0.0e+00, v28  }
0x2d0: {  	s12 =	rddreg [dreg:$0x1f];
	v41 =	vld [tilespmem:s2+$0x300];
	(erf) = vpow2.f32 v53  }
0x2d1: {  	v61 =	vld [tilespmem:s12+$0x60];
	v31 =	vmul.f32 v52, v62;
	v25 =	vadd.f32 v25, v54;
	v56 =	vmul.f32 $1.442695020e+00, v28  }
0x2d2: {  	s18 =	smov.u32 s28;
	s28 =	smov.u32 s21;
	v32 =	vld [tilespmem:s30+$0x300];
	v55 =	vadd.f32 v51, v49  }
0x2d3: {  	s30 =	sor.u32 $0x440, s28;
	v63 =	vld [tilespmem:s20+$0xFFFFFFE0];
	[tilespmem:s18+$0xF0] =	vst v31;
	v25 =	vsub.f32 $0.0e+00, v25;
	(erf) = vpow2.f32 v56;
	v58 =	vpop (erf)  }
0x2d4: {  	v30 =	vadd.f32 v30, v55;
	v57 =	vld [tilespmem:s30+$0x300];
	v39 =	vmul.f32 v58, v40  }
0x2d5: {  	s3 =	sld [smem:$0x7C1];
	v33 =	vld [tilespmem:s17+$0x50];
	v59 =	vmul.f32 $1.442695020e+00, v25;
	v60 =	vpop (erf)  }
0x2d6: {  	v28 =	vld [tilespmem:s17+$0xFFFFFFD0];
	v30 =	vsub.f32 $0.0e+00, v30;
	v62 =	vpop (erf);
	[tilespmem:s11+$0xFFFFFFB0] =	vst v39  }
0x2d7: {  	v13 =	vmov v44;
	(erf) = vpow2.f32 v59;
	v44 =	vadd.f32 $1.000000000e+00, v62;
	v48 =	vld [tilespmem:s19+$0x40]  }
0x2d8: {  	s21 =	smov.u32 s3;
	s3 =	sld [smem:$0x7DC];
	v30 =	vmul.f32 $1.442695020e+00, v30;
	v25 =	vpop (erf);
	v49 =	vld [tilespmem:s31+$0xFFFFFFC0]  }
0x2d9: {  	v31 =	vld [tilespmem:s17+$0xFFFFFF50];
	v25 =	vmul.f32 v25, v57;
	v50 =	vpop (erf);
	(erf) = vrcp.f32 v44  }
0x2da: {  	v54 =	vld [tilespmem:s11+$0xD0];
	v51 =	vadd.f32 $1.000000000e+00, v50;
	(erf) = vpow2.f32 v30  }
0x2db: {  	v36 =	vmul.f32 v60, v36;
	v39 =	vld [tilespmem:s3+$0x60];
	[tilespmem:s11+$0xC0] =	vst v25  }
0x2dc: {  	v40 =	vadd.f32 v63, v61;
	v25 =	vld [tilespmem:s22+$0x50];
	(erf) = vrcp.f32 v51;
	v30 =	vpop (erf)  }
0x2dd: {  	[tilespmem:s11+$0x30] =	vst v36;
	v53 =	vld [tilespmem:s31+$0xD0];
	v47 =	vadd.f32 $1.000000000e+00, v30;
	v30 =	vadd.f32 v49, v48  }
0x2de: {  	s1 =	sor.u32 $0x410, s4;
	v40 =	vadd.f32 v5, v40;
	v52 =	vld [tilespmem:s15+$0x40]  }
0x2df: {  	[dreg:$0x17] =	wrdreg s21;
	v55 =	vld [tilespmem:s1+$0x300];
	v57 =	vadd.f32 v11, v30  }
0x2e0: {  	s21 =	rddreg [dreg:$0x16];
	v5 =	vmov v14;
	v56 =	vld [tilespmem:s31+$0x40];
	v40 =	vsub.f32 $0.0e+00, v40;
	(erf) = vrcp.f32 v47;
	v14 =	vpop (erf)  }
0x2e1: {  	v36 =	vld [tilespmem:s21+$0x300];
	v14 =	vadd.f32 $1.000000000e+00, v14;
	v47 =	vsub.f32 $0.0e+00, v57  }
0x2e2: {  	v63 =	vld [tilespmem:s17+$0x60];
	v58 =	vadd.f32 v53, v25;
	v59 =	vpop (erf)  }
0x2e3: {  	s2 =	rddreg [dreg:$0x14];
	v40 =	vmul.f32 $1.442695020e+00, v40;
	v48 =	vld [tilespmem:s20+$0x60];
	(erf) = vrcp.f32 v14;
	v60 =	vpop (erf)  }
0x2e4: {  	v11 =	vmovc v38;
	v30 =	vld [tilespmem:s2+$0x300];
	v38 =	vadd.f32 v54, v58;
	v49 =	vmul.f32 v59, v55;
	v61 =	vadd.f32 $1.000000000e+00, v60  }
0x2e5: {  	v42 =	vadd.f32 v56, v52;
	v25 =	vld [tilespmem:s17+$0xFFFFFF60];
	v62 =	vmul.f32 $1.442695020e+00, v47;
	v47 =	vpop (erf);
	(erf) = vpow2.f32 v40  }
0x2e6: {  	s30 =	smov.u32 s16;
	v53 =	vld [tilespmem:s17+$0xA0];
	v38 =	vsub.f32 $0.0e+00, v38;
	[tilespmem:s17+$0x90] =	vst v49;
	(erf) = vrcp.f32 v61;
	v41 =	vmul.f32 v47, v41  }
0x2e7: {  	[dreg:$0x16] =	wrdreg s30;
	v42 =	vadd.f32 v10, v42;
	v49 =	vld [tilespmem:s9+$0x20];
	(erf) = vpow2.f32 v62  }
0x2e8: {  	s30 =	rddreg [dreg:$0x10];
	v39 =	vadd.f32 v48, v39;
	v50 =	vld [tilespmem:s8+$0xA0];
	v38 =	vmul.f32 $1.442695020e+00, v38;
	[tilespmem:s11+$0xFFFFFF40] =	vst v41  }
0x2e9: {  	v51 =	vsub.f32 $0.0e+00, v42;
	v54 =	vpop (erf);
	v52 =	vld [tilespmem:s30+$0x300]  }
0x2ea: {  	s16 =	sld [smem:$0x7C2];
	v55 =	vadd.f32 v4, v39;
	(erf) = vpow2.f32 v38;
	v35 =	vmul.f32 v54, v35;
	v56 =	vld [tilespmem:s23+$0x50]  }
0x2eb: {  	s1 =	sld [smem:$0x7C3];
	v41 =	vmul.f32 $1.442695020e+00, v51;
	v57 =	vld [tilespmem:s31+$0xFFFFFF50]  }
0x2ec: {  	v14 =	vld [tilespmem:s17+$0xFFFFFFE0];
	v38 =	vsub.f32 $0.0e+00, v55;
	s30 =	rddreg [dreg:$0xc];
	[tilespmem:s17+$0xFFFFFF10] =	vst v35  }
0x2ed: {  	s21 =	smov.u32 s16;
	v10 =	vmov v34;
	v34 =	vadd.f32 v50, v49;
	v58 =	vpop (erf);
	(erf) = vpow2.f32 v41;
	v35 =	vld [tilespmem:s30+$0x300];
	s30 =	sld [smem:$0x7C6]  }
0x2ee: {  	[dreg:$0x14] =	wrdreg s21;
	v4 =	vmov v12;
	v38 =	vmul.f32 $1.442695020e+00, v38;
	v59 =	vld [tilespmem:s6+$0x20];
	v60 =	vmul.f32 v58, v37;
	v62 =	vpop (erf)  }
0x2ef: {  	s21 =	sld [smem:$0x7C4];
	v12 =	vmov v63;
	v61 =	vld [tilespmem:s8+$0xFFFFFF20];
	v43 =	vadd.f32 v53, v34;
	v29 =	vmul.f32 v29, v52;
	v63 =	vpop (erf)  }
0x2f0: {  	s16 =	smov.u32 s1;
	s1 =	sld [smem:$0x7C5];
	[tilespmem:s17+$0xFFFFFF90] =	vst v60;
	v39 =	vadd.f32 v57, v56;
	v34 =	vld [tilespmem:s30+$0x300];
	v48 =	vadd.f32 $1.000000000e+00, v62;
	(erf) = vpow2.f32 v38;
	v50 =	vpop (erf)  }
0x2f1: {  	v49 =	vld [tilespmem:s5+$0x20];
	v43 =	vsub.f32 $0.0e+00, v43;
	v37 =	vmul.f32 v63, v32;
	v51 =	vadd.f32 $1.000000000e+00, v50  }
0x2f2: {  	[dreg:$0x10] =	wrdreg s16;
	[tilespmem:s18+$0xFFFFFF60] =	vst v29;
	v29 =	vld [tilespmem:s8+$0xFFFFFFA0];
	(erf) = vrcp.f32 v48  }
0x2f3: {  	s16 =	smov.u32 s21;
	s2 =	sld [smem:$0x7C7];
	s21 =	smov.u32 s1;
	v32 =	vld [tilespmem:s24+$0x300];
	v53 =	vadd.f32 v15, v39;
	v52 =	vmul.f32 $1.442695020e+00, v43;
	v54 =	vpop (erf);
	[tilespmem:s17+$0x10] =	vst v37;
	(erf) = vrcp.f32 v51  }
0x2f4: {  	[dreg:$0xc] =	wrdreg s21;
	v15 =	vmov v31;
	v31 =	vadd.f32 v61, v59;
	v56 =	vadd.f32 $1.000000000e+00, v54;
	v55 =	vld [tilespmem:s0+$0x20]  }
0x2f5: {  	s21 =	rddreg [dreg:$0x12];
	v57 =	vld [tilespmem:s8+$0x20];
	(erf) = vpow2.f32 v52  }
0x2f6: {  	s24 =	rddreg [dreg:$0x9];
	v61 =	vld [tilespmem:s21+$0x300];
	v27 =	vadd.f32 v27, v31;
	v59 =	vpop (erf);
	(erf) = vrcp.f32 v56  }
0x2f7: {  	s30 =	smov.u32 s24;
	s24 =	sld [smem:$0x7C8];
	v48 =	vld [tilespmem:s20+$0xFFFFFF70];
	v58 =	vsub.f32 $0.0e+00, v53;
	v29 =	vadd.f32 v29, v49  }
0x2f8: {  	s21 =	rddreg [dreg:$0xf];
	v31 =	vld [tilespmem:s2+$0x300];
	s2 =	smov.u32 s26;
	v60 =	vadd.f32 $1.000000000e+00, v59;
	v27 =	vsub.f32 $0.0e+00, v27  }
0x2f9: {  	v53 =	vld [tilespmem:s17+$0xFFFFFFF0];
	v37 =	vmul.f32 $1.442695020e+00, v58;
	[dreg:$0x9] =	wrdreg s2;
	v26 =	vadd.f32 v26, v29  }
0x2fa: {  	v41 =	vld [tilespmem:s21+$0x300];
	s26 =	smov.u32 s24;
	s2 =	sld [smem:$0x7DD];
	s24 =	sor.u32 $0x450, s28;
	(erf) = vrcp.f32 v60;
	v27 =	vmul.f32 $1.442695020e+00, v27;
	v62 =	vpop (erf);
	v63 =	vadd.f32 v57, v55  }
0x2fb: {  	v49 =	vld [tilespmem:s24+$0x300];
	(erf) = vpow2.f32 v37;
	v26 =	vsub.f32 $0.0e+00, v26;
	v50 =	vpop (erf)  }
0x2fc: {  	v51 =	vld [tilespmem:s17+$0xFFFFFF70];
	v23 =	vadd.f32 v23, v63;
	(erf) = vpow2.f32 v27;
	v27 =	vmul.f32 v50, v61;
	v54 =	vpop (erf)  }
0x2fd: {  	v29 =	vld [tilespmem:s2+$0x70];
	v38 =	vadd.f32 $1.000000000e+00, v62;
	v36 =	vmul.f32 v54, v36  }
0x2fe: {  	v52 =	vmul.f32 $1.442695020e+00, v26;
	v55 =	vsub.f32 $0.0e+00, v23;
	v23 =	vld [tilespmem:s17+$0x70];
	v56 =	vpop (erf);
	[tilespmem:s18+$0xFFFFFFE0] =	vst v27  }
0x2ff: {  	(erf) = vrcp.f32 v38;
	v27 =	vadd.f32 $1.000000000e+00, v56;
	v26 =	vpop (erf);
	v57 =	vld [tilespmem:s12+$0x70];
	[tilespmem:s11+$0xFFFFFFC0] =	vst v36  }
0x300: {  	[dreg:$0xf] =	wrdreg s26;
	s26 =	smov.u32 s19;
	(erf) = vpow2.f32 v52;
	v58 =	vmul.f32 v26, v49;
	v36 =	vld [tilespmem:s20+$0xFFFFFFF0]  }
0x301: {  	(erf) = vrcp.f32 v27;
	v27 =	vld [tilespmem:s26+$0x50]  }
0x302: {  	v29 =	vadd.f32 v48, v29;
	v38 =	vmul.f32 $1.442695020e+00, v55;
	v59 =	vld [tilespmem:s31+$0xFFFFFFD0];
	[tilespmem:s11+$0xD0] =	vst v58  }
0x303: {  	v26 =	vpop (erf);
	v40 =	vld [tilespmem:s22+$0x60]  }
0x304: {  	s1 =	sld [smem:$0x7CD];
	s2 =	smov.u32 s6;
	s6 =	sor.u32 $0x420, s4;
	v29 =	vadd.f32 v6, v29;
	(erf) = vpow2.f32 v38;
	v26 =	vmul.f32 v26, v30;
	v61 =	vld [tilespmem:s31+$0xE0]  }
0x305: {  	[dreg:$0x12] =	wrdreg s30;
	v30 =	vpop (erf);
	v48 =	vld [tilespmem:s6+$0x300]  }
0x306: {  	s30 =	sld [smem:$0x7C9];
	v29 =	vsub.f32 $0.0e+00, v29;
	v60 =	vadd.f32 $1.000000000e+00, v30;
	v62 =	vpop (erf);
	[tilespmem:s11+$0x40] =	vst v26;
	v26 =	vld [tilespmem:s11+$0xE0]  }
0x307: {  	s19 =	sld [smem:$0x7CB];
	v6 =	vmov v19;
	v19 =	vmov v51;
	v63 =	vadd.f32 $1.000000000e+00, v62;
	v49 =	vld [tilespmem:s15+$0x50]  }
0x308: {  	s12 =	sld [smem:$0x7CA];
	v29 =	vmul.f32 $1.442695020e+00, v29;
	(erf) = vrcp.f32 v60;
	v51 =	vld [tilespmem:s31+$0x50];
	v36 =	vadd.f32 v36, v57;
	v30 =	vpop (erf)  }
0x309: {  	s21 =	smov.u32 s30;
	s30 =	smov.u32 s23;
	s23 =	sld [smem:$0x7CC];
	v27 =	vadd.f32 v59, v27;
	v50 =	vmul.f32 v30, v41;
	(erf) = vrcp.f32 v63;
	v30 =	vpop (erf)  }
0x30a: {  	s24 =	smov.u32 s5;
	s5 =	sld [smem:$0x7CE];
	v36 =	vadd.f32 v9, v36;
	v9 =	vmov v21;
	v52 =	vadd.f32 $1.000000000e+00, v30  }
0x30b: {  	[dreg:$0x1f] =	wrdreg s26;
	v21 =	vmovc v53;
	v30 =	vld [tilespmem:s12+$0x300];
	v40 =	vadd.f32 v61, v40;
	(erf) = vpow2.f32 v29;
	v27 =	vadd.f32 v20, v27;
	[tilespmem:s18+$0x60] =	vst v50  }
0x30c: {  	s26 =	smov.u32 s13;
	s13 =	sld [smem:$0x7D1];
	v20 =	vmov v28;
	v53 =	vpop (erf);
	v29 =	vld [tilespmem:s19+$0x300];
	v36 =	vsub.f32 $0.0e+00, v36;
	(erf) = vrcp.f32 v52  }
0x30d: {  	s25 =	sadd.s32 $0x4, s25;
	s29 =	smov.u32 s28;
	s6 =	sld [smem:$0x7CF];
	v26 =	vadd.f32 v26, v40;
	v55 =	vld [tilespmem:s3+$0x70];
	v37 =	vadd.f32 v51, v49;
	v28 =	vmul.f32 v53, v48;
	v54 =	vpop (erf)  }
0x30e: {  	s28 =	smov.u32 s22;
	s22 =	smov.u32 s18;
	s18 =	sld [smem:$0x7D2];
	v27 =	vsub.f32 $0.0e+00, v27;
	v56 =	vld [tilespmem:s20+$0x70];
	v39 =	vadd.f32 $1.000000000e+00, v54  }
0x30f: {  	s19 =	smov.u32 s23;
	s23 =	smov.u32 s15;
	s15 =	smov.u32 s9;
	v26 =	vsub.f32 $0.0e+00, v26;
	v37 =	vadd.f32 v18, v37;
	[tilespmem:s17+$0xA0] =	vst v28;
	v28 =	vld [tilespmem:s1+$0x300]  }
0x310: {  	p1 =	slt.u32 s25, $0x24;
	s12 =	sld [smem:$0x7D0];
	s9 =	smov.u32 s6;
	v36 =	vmul.f32 $1.442695020e+00, v36;
	v27 =	vmul.f32 $1.442695020e+00, v27;
	v57 =	vld [tilespmem:s15+$0x30]  }
0x311: {  	s6 =	smov.u32 s13;
	s1 =	smov.u32 s5;
	s5 =	sld [smem:$0x7D3];
	(erf) = vrcp.f32 v39;
	v58 =	vld [tilespmem:s8+$0xB0];
	v26 =	vmul.f32 $1.442695020e+00, v26;
	v18 =	vpop (erf);
	v37 =	vsub.f32 $0.0e+00, v37  }
.Ltmp3:
0x312: {  	s13 =	smov.u32 s18;
	s18 =	sld [smem:$0x7D5];
	(erf) = vpow2.f32 v36;
	v59 =	vmul.f32 v18, v35;
	v18 =	vmov v33;
	v33 =	vld [tilespmem:s17+$0xB0];
	v60 =	vpop (erf);
	(pc) =	sbr.rel @p1 .LBB2_5-.Ltmp3, $4  }
0x313: {  	v61 =	vadd.f32 v56, v55;
	(erf) = vpow2.f32 v27;
	v27 =	vld [tilespmem:s12+$0x300];
	s12 =	sld [smem:$0x7D4];
	v62 =	vmul.f32 v60, v34  }
0x314: {  	s10 =	sadd.s32 $0x2, s10;
	p0 =	por !p0, !p0;
	(erf) = vpow2.f32 v26;
	[tilespmem:s11+$0xFFFFFF50] =	vst v59;
	v26 =	vld [tilespmem:s5+$0x300]  }
0x315: {  	s3 =	smov.u32 s0;
	s20 =	smov.u32 s31;
	s31 =	smov.u32 s8;
	v37 =	vmul.f32 $1.442695020e+00, v37;
	v63 =	vpop (erf);
	v38 =	vadd.f32 v8, v61;
	v8 =	vmov v22;
	v34 =	vld [tilespmem:s30+$0x60];
	[tilespmem:s17+$0xFFFFFF20] =	vst v62  }
0x316: {  	v22 =	vmov v23;
	v36 =	vadd.f32 $1.000000000e+00, v63;
	s5 =	smov.u32 s12;
	s12 =	smov.u32 s18;
	s18 =	smov.u32 s30;
	v39 =	vadd.f32 v58, v57;
	v35 =	vpop (erf);
	v23 =	vld [tilespmem:s20+$0xFFFFFF60]  }
0x317: {  	_ =	sdelay $0x1  }
0x318: {  	v38 =	vsub.f32 $0.0e+00, v38;
	v33 =	vadd.f32 v33, v39  }
0x319: {  	v59 =	vld [tilespmem:s8+$0xFFFFFF30];
	v40 =	vpop (erf)  }
0x31a: {  	v41 =	vld [tilespmem:s2+$0x30];
	v60 =	vmul.f32 $1.442695020e+00, v38;
	(erf) = vpow2.f32 v37;
	v33 =	vsub.f32 $0.0e+00, v33;
	v61 =	vpop (erf)  }
0x31b: {  	(erf) = vrcp.f32 v36;
	v62 =	vadd.f32 $1.000000000e+00, v61  }
0x31c: {  	(erf) = vpow2.f32 v60;
	v33 =	vmul.f32 $1.442695020e+00, v33  }
0x31d: {  	(erf) = vrcp.f32 v62  }
0x31e: {  	v23 =	vadd.f32 v23, v34;
	(erf) = vpow2.f32 v33  }
0x31f: {  	v42 =	vadd.f32 v59, v41  }
0x320: {  	v63 =	vpop (erf);
	v7 =	vadd.f32 v7, v23  }
0x321: {  	v43 =	vpop (erf);
	v24 =	vadd.f32 v24, v42  }
0x322: {  	v34 =	vadd.f32 $1.000000000e+00, v43  }
0x323: {  	v44 =	vadd.f32 $1.000000000e+00, v63;
	v24 =	vsub.f32 $0.0e+00, v24;
	v45 =	vpop (erf)  }
0x324: {  	v46 =	vsub.f32 $0.0e+00, v7;
	(erf) = vrcp.f32 v34;
	v7 =	vpop (erf);
	v33 =	vadd.f32 $1.000000000e+00, v45  }
0x325: {  	v24 =	vmul.f32 $1.442695020e+00, v24;
	(erf) = vrcp.f32 v44;
	v47 =	vpop (erf)  }
0x326: {  	v34 =	vmul.f32 $1.442695020e+00, v46;
	(erf) = vrcp.f32 v33;
	v23 =	vpop (erf)  }
0x327: {  	v48 =	vadd.f32 $1.000000000e+00, v47;
	(erf) = vpow2.f32 v24;
	v49 =	vpop (erf)  }
0x328: {  	s0 =	sor.u32 $0x460, s29;
	(erf) = vpow2.f32 v34;
	v33 =	vadd.f32 $1.000000000e+00, v49  }
0x329: {  	v50 =	vld [tilespmem:s0+$0x300];
	(erf) = vrcp.f32 v48  }
0x32a: {  	(erf) = vrcp.f32 v33;
	_ =	sdelay $0x2  }
0x32b: {  	v51 =	vpop (erf)  }
0x32c: {  	v32 =	vmul.f32 v35, v32;
	s25 =	sor.u32 $0x430, s4;
	v24 =	vmul.f32 v51, v50;
	v33 =	vpop (erf)  }
0x32d: {  	v52 =	vld [tilespmem:s25+$0x300];
	v31 =	vmul.f32 v40, v31;
	v35 =	vpop (erf)  }
0x32e: {  	v58 =	vld [tilespmem:s11+$0xF0];
	[tilespmem:s17+$0xFFFFFFA0] =	vst v32;
	v54 =	vpop (erf)  }
0x32f: {  	v55 =	vld [tilespmem:s24+$0x30];
	[tilespmem:s17+$0x20] =	vst v31;
	v56 =	vpop (erf)  }
0x330: {  	v60 =	vld [tilespmem:s31+$0xFFFFFFB0];
	[tilespmem:s11+$0xE0] =	vst v24;
	v24 =	vpop (erf)  }
0x331: {  	v61 =	vld [tilespmem:s3+$0x30];
	v59 =	vpop (erf)  }
0x332: {  	v53 =	vld [tilespmem:s28+$0x70];
	v34 =	vmul.f32 v59, v52  }
0x333: {  	v57 =	vld [tilespmem:s20+$0xF0];
	s7 =	rddreg [dreg:$0x7]  }
0x334: {  	v42 =	vld [tilespmem:s31+$0x30];
	[tilespmem:s7+$0xB0] =	vst v34  }
0x335: {  	v34 =	vld [tilespmem:s15+$0x40]  }
0x336: {  	v62 =	vld [tilespmem:s31+$0xC0]  }
0x337: {  	v31 =	vadd.f32 v60, v55  }
0x338: {  	v63 =	vld [tilespmem:s7+$0xC0];
	v36 =	vadd.f32 v57, v53  }
0x339: {  	v43 =	vadd.f32 v42, v61;
	v16 =	vadd.f32 v16, v31  }
0x33a: {  	v32 =	vadd.f32 $1.000000000e+00, v54;
	v36 =	vadd.f32 v58, v36  }
0x33b: {  	v17 =	vadd.f32 v17, v43;
	v44 =	vadd.f32 v62, v34  }
0x33c: {  	v16 =	vsub.f32 $0.0e+00, v16;
	(erf) = vrcp.f32 v32;
	v45 =	vsub.f32 $0.0e+00, v36  }
0x33d: {  	v38 =	vadd.f32 $1.000000000e+00, v56;
	v31 =	vadd.f32 v63, v44  }
0x33e: {  	v17 =	vsub.f32 $0.0e+00, v17;
	v32 =	vmul.f32 $1.442695020e+00, v45  }
0x33f: {  	v16 =	vmul.f32 $1.442695020e+00, v16;
	(erf) = vrcp.f32 v38;
	v31 =	vsub.f32 $0.0e+00, v31  }
0x340: {  	v17 =	vmul.f32 $1.442695020e+00, v17;
	s30 =	rddreg [dreg:$0x1e];
	(erf) = vpow2.f32 v32  }
0x341: {  	v46 =	vld [tilespmem:s30+$0x300];
	(erf) = vpow2.f32 v16;
	v47 =	vmul.f32 $1.442695020e+00, v31  }
0x342: {  	(erf) = vpow2.f32 v17  }
0x343: {  	(erf) = vpow2.f32 v47;
	_ =	sdelay $0x1  }
0x344: {  	v48 =	vpop (erf)  }
0x345: {  	v16 =	vmul.f32 v48, v46;
	_ =	sdelay $0x1  }
0x346: {  	v17 =	vpop (erf);
	[tilespmem:s7+$0xFFFFFF30] =	vst v16  }
0x347: {  	v16 =	vld [tilespmem:s2+$0x40];
	v49 =	vpop (erf)  }
0x348: {  	v50 =	vld [tilespmem:s31+$0xFFFFFF40];
	v31 =	vadd.f32 $1.000000000e+00, v49;
	v51 =	vpop (erf)  }
0x349: {  	v34 =	vadd.f32 $1.000000000e+00, v51;
	v52 =	vpop (erf)  }
0x34a: {  	(erf) = vrcp.f32 v31;
	v53 =	vadd.f32 $1.000000000e+00, v52;
	v54 =	vpop (erf)  }
0x34b: {  	(erf) = vrcp.f32 v34;
	v55 =	vadd.f32 $1.000000000e+00, v54  }
0x34c: {  	(erf) = vrcp.f32 v53  }
0x34d: {  	v16 =	vadd.f32 v50, v16;
	(erf) = vrcp.f32 v55;
	_ =	sdelay $0x1  }
0x34e: {  	s8 =	rddreg [dreg:$0x1c];
	v13 =	vadd.f32 v13, v16  }
0x34f: {  	v56 =	vld [tilespmem:s8+$0x300]  }
0x350: {  	s10 =	sor.u32 $0x440, s4;
	v57 =	vsub.f32 $0.0e+00, v13  }
0x351: {  	v30 =	vmul.f32 v33, v30;
	v58 =	vld [tilespmem:s10+$0x300]  }
0x352: {  	v31 =	vmul.f32 $1.442695020e+00, v57;
	v13 =	vpop (erf)  }
0x353: {  	[tilespmem:s11+$0xFFFFFFD0] =	vst v30;
	v59 =	vpop (erf)  }
0x354: {  	s28 =	rddreg [dreg:$0x1f];
	v62 =	vld [tilespmem:s20+$0xFFFFFFE0];
	v16 =	vmul.f32 v59, v56;
	v60 =	vpop (erf);
	(erf) = vpow2.f32 v31  }
0x355: {  	s14 =	rddreg [dreg:$0x1a];
	v61 =	vld [tilespmem:s28+$0x60];
	v34 =	vpop (erf)  }
0x356: {  	v63 =	vld [tilespmem:s14+$0x300];
	[tilespmem:s7+$0xFFFFFFB0] =	vst v16;
	v40 =	vmul.f32 v34, v58  }
0x357: {  	v41 =	vld [tilespmem:s24+$0x40]  }
0x358: {  	v42 =	vld [tilespmem:s31+$0xFFFFFFC0];
	[tilespmem:s7+$0xC0] =	vst v40  }
0x359: {  	v16 =	vld [tilespmem:s15+$0x50]  }
0x35a: {  	v29 =	vmul.f32 v35, v29;
	v31 =	vadd.f32 v62, v61;
	v43 =	vld [tilespmem:s31+$0xD0]  }
0x35b: {  	v30 =	vmul.f32 v60, v63  }
0x35c: {  	v44 =	vld [tilespmem:s7+$0xD0];
	[tilespmem:s11+$0x50] =	vst v29;
	v5 =	vadd.f32 v5, v31  }
0x35d: {  	v45 =	vld [tilespmem:s23+$0x60];
	[tilespmem:s7+$0x30] =	vst v30;
	v32 =	vadd.f32 v42, v41;
	v46 =	vpop (erf)  }
0x35e: {  	v47 =	vld [tilespmem:s3+$0x40];
	v5 =	vsub.f32 $0.0e+00, v5;
	v30 =	vadd.f32 $1.000000000e+00, v46  }
0x35f: {  	v48 =	vld [tilespmem:s31+$0x40];
	v11 =	vadd.f32 v11, v32;
	v16 =	vadd.f32 v43, v16  }
0x360: {  	v49 =	vld [tilespmem:s20+$0x60];
	v5 =	vmul.f32 $1.442695020e+00, v5;
	(erf) = vrcp.f32 v30  }
0x361: {  	v11 =	vsub.f32 $0.0e+00, v11;
	v16 =	vadd.f32 v44, v16  }
0x362: {  	(erf) = vpow2.f32 v5  }
0x363: {  	v5 =	vmul.f32 $1.442695020e+00, v11;
	v50 =	vsub.f32 $0.0e+00, v16  }
0x364: {  	v51 =	vadd.f32 v48, v47;
	s17 =	rddreg [dreg:$0x17]  }
0x365: {  	v52 =	vld [tilespmem:s17+$0x300];
	(erf) = vpow2.f32 v5;
	v5 =	vadd.f32 v49, v45;
	v11 =	vmul.f32 $1.442695020e+00, v50  }
0x366: {  	v10 =	vadd.f32 v10, v51  }
0x367: {  	v4 =	vadd.f32 v4, v5;
	(erf) = vpow2.f32 v11  }
0x368: {  	v5 =	vsub.f32 $0.0e+00, v10  }
0x369: {  	v4 =	vsub.f32 $0.0e+00, v4;
	v53 =	vpop (erf)  }
0x36a: {  	v5 =	vmul.f32 $1.442695020e+00, v5;
	v10 =	vmul.f32 v53, v52  }
0x36b: {  	v4 =	vmul.f32 $1.442695020e+00, v4;
	v54 =	vpop (erf)  }
0x36c: {  	[tilespmem:s7+$0xFFFFFF40] =	vst v10;
	(erf) = vpow2.f32 v5;
	v5 =	vadd.f32 $1.000000000e+00, v54  }
0x36d: {  	(erf) = vpow2.f32 v4;
	v4 =	vld [tilespmem:s2+$0x50]  }
0x36e: {  	v55 =	vpop (erf);
	(erf) = vrcp.f32 v5;
	v5 =	vld [tilespmem:s31+$0xFFFFFF50]  }
0x36f: {  	v10 =	vadd.f32 $1.000000000e+00, v55  }
0x370: {  	v56 =	vpop (erf)  }
0x371: {  	s25 =	rddreg [dreg:$0x10];
	(erf) = vrcp.f32 v10;
	v11 =	vadd.f32 $1.000000000e+00, v56  }
0x372: {  	s30 =	rddreg [dreg:$0x12];
	v57 =	vld [tilespmem:s25+$0x300]  }
0x373: {  	v58 =	vld [tilespmem:s30+$0x300];
	v4 =	vadd.f32 v5, v4;
	(erf) = vrcp.f32 v11;
	_ =	sdelay $0x1  }
0x374: {  	s8 =	rddreg [dreg:$0x16];
	v5 =	vpop (erf);
	v4 =	vadd.f32 v15, v4  }
0x375: {  	v59 =	vld [tilespmem:s8+$0x300];
	v60 =	vpop (erf)  }
0x376: {  	s10 =	sor.u32 $0x450, s4;
	v10 =	vmul.f32 v17, v57;
	v61 =	vpop (erf);
	v4 =	vsub.f32 $0.0e+00, v4  }
0x377: {  	v62 =	vld [tilespmem:s10+$0x300];
	s14 =	rddreg [dreg:$0x14];
	v5 =	vadd.f32 $1.000000000e+00, v5;
	v16 =	vmul.f32 v61, v58  }
0x378: {  	v63 =	vld [tilespmem:s14+$0x300];
	[tilespmem:s11+$0xFFFFFF60] =	vst v10;
	v4 =	vmul.f32 $1.442695020e+00, v4  }
0x379: {  	v10 =	vld [tilespmem:s18+$0x70];
	v33 =	vpop (erf);
	(erf) = vrcp.f32 v5;
	v5 =	vadd.f32 $1.000000000e+00, v60;
	[tilespmem:s11+$0xFFFFFFE0] =	vst v16  }
0x37a: {  	v11 =	vmul.f32 v33, v59;
	v16 =	vld [tilespmem:s28+$0x70];
	(erf) = vpow2.f32 v4  }
0x37b: {  	v4 =	vld [tilespmem:s20+$0xFFFFFF70];
	v34 =	vpop (erf);
	(erf) = vrcp.f32 v5  }
0x37c: {  	[tilespmem:s7+$0xFFFFFFC0] =	vst v11;
	v35 =	vld [tilespmem:s20+$0xFFFFFFF0];
	v5 =	vmul.f32 v34, v62  }
0x37d: {  	v36 =	vld [tilespmem:s24+$0x50]  }
0x37e: {  	v37 =	vld [tilespmem:s31+$0xFFFFFFD0];
	[tilespmem:s7+$0xD0] =	vst v5  }
0x37f: {  	v5 =	vld [tilespmem:s15+$0x60];
	s17 =	rddreg [dreg:$0xf]  }
0x380: {  	v39 =	vld [tilespmem:s17+$0x300]  }
0x381: {  	v38 =	vld [tilespmem:s31+$0xE0]  }
0x382: {  	v41 =	vpop (erf)  }
0x383: {  	v40 =	vld [tilespmem:s7+$0xE0];
	v4 =	vadd.f32 v4, v10;
	v11 =	vadd.f32 v35, v16;
	v42 =	vmul.f32 v41, v63;
	v43 =	vpop (erf)  }
0x384: {  	v15 =	vadd.f32 v37, v36;
	v44 =	vpop (erf)  }
0x385: {  	v4 =	vadd.f32 v6, v4;
	v9 =	vadd.f32 v9, v11;
	[tilespmem:s7+$0x40] =	vst v42;
	v46 =	vmul.f32 v44, v39  }
0x386: {  	v15 =	vadd.f32 v20, v15;
	v16 =	vld [tilespmem:s3+$0x50];
	v5 =	vadd.f32 v38, v5  }
0x387: {  	v4 =	vsub.f32 $0.0e+00, v4;
	v9 =	vsub.f32 $0.0e+00, v9;
	v47 =	vld [tilespmem:s31+$0x50];
	[tilespmem:s11+$0x60] =	vst v46  }
0x388: {  	v45 =	vadd.f32 $1.000000000e+00, v43;
	v5 =	vadd.f32 v40, v5;
	v49 =	vld [tilespmem:s23+$0x70]  }
0x389: {  	v48 =	vsub.f32 $0.0e+00, v15;
	v4 =	vmul.f32 $1.442695020e+00, v4;
	v50 =	vld [tilespmem:s20+$0x70]  }
0x38a: {  	v9 =	vmul.f32 $1.442695020e+00, v9;
	(erf) = vrcp.f32 v45;
	v5 =	vsub.f32 $0.0e+00, v5  }
0x38b: {  	(erf) = vpow2.f32 v4;
	v4 =	vmul.f32 $1.442695020e+00, v48  }
0x38c: {  	(erf) = vpow2.f32 v9;
	v5 =	vmul.f32 $1.442695020e+00, v5  }
0x38d: {  	(erf) = vpow2.f32 v4  }
0x38e: {  	v4 =	vadd.f32 v47, v16;
	(erf) = vpow2.f32 v5;
	v5 =	vadd.f32 v50, v49;
	_ =	sdelay $0x1  }
0x38f: {  	v4 =	vadd.f32 v18, v4;
	v5 =	vadd.f32 v8, v5  }
0x390: {  	s18 =	rddreg [dreg:$0xc]  }
0x391: {  	v51 =	vld [tilespmem:s18+$0x300];
	v4 =	vsub.f32 $0.0e+00, v4;
	v5 =	vsub.f32 $0.0e+00, v5  }
0x392: {  	v52 =	vpop (erf)  }
0x393: {  	v4 =	vmul.f32 $1.442695020e+00, v4;
	v53 =	vpop (erf)  }
0x394: {  	v9 =	vadd.f32 $1.000000000e+00, v53;
	v54 =	vpop (erf)  }
0x395: {  	(erf) = vpow2.f32 v4;
	v4 =	vmul.f32 $1.442695020e+00, v5;
	v5 =	vpop (erf)  }
0x396: {  	v6 =	vmul.f32 v52, v51;
	v55 =	vadd.f32 $1.000000000e+00, v54;
	(erf) = vrcp.f32 v9;
	v56 =	vpop (erf)  }
0x397: {  	(erf) = vpow2.f32 v4;
	v4 =	vadd.f32 $1.000000000e+00, v56  }
0x398: {  	[tilespmem:s7+$0xFFFFFF50] =	vst v6;
	(erf) = vrcp.f32 v55  }
0x399: {  	v6 =	vld [tilespmem:s2+$0x60];
	(erf) = vrcp.f32 v4  }
0x39a: {  	v4 =	vld [tilespmem:s31+$0xFFFFFF60];
	_ =	sdelay $0x2  }
0x39b: {  	s20 =	sor.u32 $0x460, s4  }
0x39c: {  	v57 =	vld [tilespmem:s20+$0x300];
	v58 =	vpop (erf)  }
0x39d: {  	v59 =	vpop (erf);
	v4 =	vadd.f32 v4, v6  }
0x39e: {  	v60 =	vpop (erf)  }
0x39f: {  	v61 =	vpop (erf);
	v4 =	vadd.f32 v25, v4  }
0x3a0: {  	v62 =	vpop (erf)  }
0x3a1: {  	v5 =	vadd.f32 $1.000000000e+00, v5;
	v4 =	vsub.f32 $0.0e+00, v4;
	v8 =	vmul.f32 v62, v57  }
0x3a2: {  	v9 =	vadd.f32 $1.000000000e+00, v58  }
0x3a3: {  	(erf) = vrcp.f32 v5;
	v4 =	vmul.f32 $1.442695020e+00, v4;
	[tilespmem:s7+$0xE0] =	vst v8  }
0x3a4: {  	(erf) = vrcp.f32 v9;
	v5 =	vld [tilespmem:s15+$0x70]  }
0x3a5: {  	(erf) = vpow2.f32 v4;
	v4 =	vld [tilespmem:s31+$0xF0];
	_ =	sdelay $0x1  }
0x3a6: {  	v63 =	vld [tilespmem:s7+$0xF0];
	_ =	sdelay $0x1  }
0x3a7: {  	v18 =	vld [tilespmem:s26+$0x300]  }
0x3a8: {  	v4 =	vadd.f32 v4, v5  }
0x3a9: {  	v5 =	vld [tilespmem:s19+$0x300]  }
0x3aa: {  	v20 =	vpop (erf);
	v4 =	vadd.f32 v63, v4  }
0x3ab: {  	v25 =	vadd.f32 $1.000000000e+00, v60;
	v29 =	vpop (erf)  }
0x3ac: {  	v9 =	vmul.f32 v20, v18;
	v30 =	vpop (erf);
	v4 =	vsub.f32 $0.0e+00, v4  }
0x3ad: {  	(erf) = vrcp.f32 v25;
	v31 =	vadd.f32 $1.000000000e+00, v30  }
0x3ae: {  	[tilespmem:s7+$0xFFFFFFD0] =	vst v9;
	v5 =	vmul.f32 v29, v5;
	v4 =	vmul.f32 $1.442695020e+00, v4  }
0x3af: {  	v32 =	vld [tilespmem:s24+$0x60];
	(erf) = vrcp.f32 v31  }
0x3b0: {  	[tilespmem:s7+$0x50] =	vst v5;
	(erf) = vpow2.f32 v4;
	v4 =	vld [tilespmem:s31+$0xFFFFFFE0]  }
0x3b1: {  	v5 =	vld [tilespmem:s3+$0x60]  }
0x3b2: {  	v33 =	vld [tilespmem:s31+$0x60];
	_ =	sdelay $0x2  }
0x3b3: {  	v4 =	vadd.f32 v4, v32;
	_ =	sdelay $0x1  }
0x3b4: {  	v34 =	vpop (erf);
	v5 =	vadd.f32 v33, v5;
	v4 =	vadd.f32 v14, v4  }
0x3b5: {  	v35 =	vpop (erf)  }
0x3b6: {  	v5 =	vadd.f32 v12, v5;
	v36 =	vpop (erf);
	v4 =	vsub.f32 $0.0e+00, v4  }
0x3b7: {  	v10 =	vadd.f32 $1.000000000e+00, v36  }
0x3b8: {  	v5 =	vsub.f32 $0.0e+00, v5;
	v4 =	vmul.f32 $1.442695020e+00, v4  }
0x3b9: {  	(erf) = vrcp.f32 v10  }
0x3ba: {  	(erf) = vpow2.f32 v4;
	v4 =	vmul.f32 $1.442695020e+00, v5;
	_ =	sdelay $0x1  }
0x3bb: {  	(erf) = vpow2.f32 v4;
	_ =	sdelay $0x3  }
0x3bc: {  	v4 =	vld [tilespmem:s16+$0x300];
	_ =	sdelay $0x1  }
0x3bd: {  	v5 =	vpop (erf)  }
0x3be: {  	v37 =	vpop (erf)  }
0x3bf: {  	v10 =	vadd.f32 $1.000000000e+00, v37  }
0x3c0: {  	v4 =	vmul.f32 v35, v4;
	v38 =	vpop (erf)  }
0x3c1: {  	(erf) = vrcp.f32 v10;
	v9 =	vadd.f32 $1.000000000e+00, v38  }
0x3c2: {  	[tilespmem:s7+$0xFFFFFF60] =	vst v4  }
0x3c3: {  	v4 =	vld [tilespmem:s2+$0x70];
	(erf) = vrcp.f32 v9  }
0x3c4: {  	v39 =	vld [tilespmem:s31+$0xFFFFFF70]  }
0x3c5: {  	s23 =	rddreg [dreg:$0x9]  }
0x3c6: {  	v40 =	vld [tilespmem:s23+$0x300];
	_ =	sdelay $0x1  }
0x3c7: {  	v41 =	vld [tilespmem:s21+$0x300]  }
0x3c8: {  	v4 =	vadd.f32 v39, v4  }
0x3c9: {  	v42 =	vpop (erf)  }
0x3ca: {  	v4 =	vadd.f32 v19, v4;
	v9 =	vmul.f32 v42, v40  }
0x3cb: {  	v43 =	vpop (erf)  }
0x3cc: {  	v4 =	vsub.f32 $0.0e+00, v4;
	[tilespmem:s7+$0xFFFFFFE0] =	vst v9;
	v44 =	vmul.f32 v43, v41  }
0x3cd: {  	v45 =	vld [tilespmem:s24+$0x70]  }
0x3ce: {  	v4 =	vmul.f32 $1.442695020e+00, v4;
	v46 =	vld [tilespmem:s31+$0xFFFFFFF0];
	[tilespmem:s7+$0x60] =	vst v44  }
0x3cf: {  	v9 =	vld [tilespmem:s3+$0x70]  }
0x3d0: {  	(erf) = vpow2.f32 v4;
	v47 =	vld [tilespmem:s31+$0x70];
	_ =	sdelay $0x2  }
0x3d1: {  	v4 =	vadd.f32 v46, v45;
	_ =	sdelay $0x1  }
0x3d2: {  	v4 =	vadd.f32 v21, v4;
	v9 =	vadd.f32 v47, v9;
	_ =	sdelay $0x1  }
0x3d3: {  	v4 =	vsub.f32 $0.0e+00, v4;
	v9 =	vadd.f32 v22, v9;
	_ =	sdelay $0x1  }
0x3d4: {  	v48 =	vpop (erf);
	v4 =	vmul.f32 $1.442695020e+00, v4;
	v9 =	vsub.f32 $0.0e+00, v9  }
0x3d5: {  	v10 =	vadd.f32 $1.000000000e+00, v48  }
0x3d6: {  	(erf) = vpow2.f32 v4;
	v4 =	vmul.f32 $1.442695020e+00, v9  }
0x3d7: {  	(erf) = vrcp.f32 v10  }
0x3d8: {  	(erf) = vpow2.f32 v4;
	_ =	sdelay $0x6  }
0x3d9: {  	v4 =	vpop (erf)  }
0x3da: {  	v49 =	vpop (erf)  }
0x3db: {  	v4 =	vadd.f32 $1.000000000e+00, v4;
	v50 =	vpop (erf)  }
0x3dc: {  	v52 =	vld [tilespmem:s1+$0x300];
	v10 =	vadd.f32 $1.000000000e+00, v50  }
0x3dd: {  	v53 =	vld [tilespmem:s5+$0x300];
	(erf) = vrcp.f32 v4  }
0x3de: {  	v7 =	vmul.f32 v7, v28;
	s24 =	sor.u32 $0x470, s29;
	v4 =	vld [tilespmem:s6+$0x300];
	(erf) = vrcp.f32 v10  }
0x3df: {  	s25 =	sor.u32 $0x470, s4;
	v54 =	vmul.f32 v23, v27;
	v51 =	vld [tilespmem:s24+$0x300]  }
0x3e0: {  	v56 =	vmul.f32 v24, v26;
	v55 =	vld [tilespmem:s25+$0x300];
	[tilespmem:s22+$0xFFFFFF70] =	vst v7  }
0x3e1: {  	v6 =	vmul.f32 v59, v52;
	v57 =	vld [tilespmem:s9+$0x300];
	[tilespmem:s22+$0xFFFFFFF0] =	vst v54  }
0x3e2: {  	v60 =	vmul.f32 v34, v53;
	[tilespmem:s22+$0x70] =	vst v56;
	v58 =	vld [tilespmem:s13+$0x300]  }
0x3e3: {  	[tilespmem:s11+$0xFFFFFF70] =	vst v6;
	v59 =	vld [tilespmem:s12+$0x300];
	v4 =	vmul.f32 v61, v4  }
0x3e4: {  	[tilespmem:s11+$0x70] =	vst v60;
	v12 =	vmul.f32 v13, v51  }
0x3e5: {  	[tilespmem:s11+$0xFFFFFFF0] =	vst v4;
	v4 =	vmul.f32 v5, v55  }
0x3e6: {  	[tilespmem:s11+$0xF0] =	vst v12;
	v5 =	vmul.f32 v49, v57;
	v61 =	vpop (erf)  }
0x3e7: {  	[tilespmem:s7+$0xF0] =	vst v4;
	v4 =	vmul.f32 v61, v58;
	v62 =	vpop (erf)  }
0x3e8: {  	[tilespmem:s7+$0xFFFFFF70] =	vst v5;
	v5 =	vmul.f32 v62, v59  }
0x3e9: {  	[tilespmem:s7+$0xFFFFFFF0] =	vst v4  }
0x3ea: {  	[tilespmem:s7+$0x70] =	vst v5  }
0x3eb: {  	v4 =	vld [tilespmem:$0x80];
	s30 =	sld [smem:$0x7DE]  }
0x3ec: {  	v5 =	vld [tilespmem:$0x90]  }
0x3ed: {  	v63 =	vld [tilespmem:$0x98]  }
0x3ee: {  	p0 =	seq.s32 s30, $0x7C  }
.Ltmp4:
0x3ef: {  	s31 =	sld [smem:$0x7DF];
	(pc) =	sbr.rel @!p0 .LBB2_7-.Ltmp4, $4  }
0x3f0: {  	[tilespmem:$0x200] =	vst v4  }
0x3f1: {  	s28 =	simm.s32 $0x7B00;
	s26 =	rddreg [dreg:$0x3];
	[tilespmem:$0x210] =	vst v5  }
0x3f2: {  	s29 =	simm.s32 $0x200;
	s6 =	simm.s32 $0x28;
	s0 =	sadd.s32 $0x2, s31;
	[tilespmem:$0x218] =	vst v63  }
0x3f3: {  	[spmem:s26] =	stream.indirect.scatter.add.f32 [tilespmem:s28], [sflag:$0x7], $0x80, s29, s6, $0xb8;
	[tilespmem:$0x1E300] =	vst v63  }
0x3f4: {  	s1 =	simm.s32 $0x6  }
0x3f5: {  	_ =	swait.ge [sflag:s1], $0x2800  }
.Ltmp5:
0x3f6: {  	[sflag:s1] =	ssyncset.done $0x0;
	(pc) =	sbr.rel .LBB2_9-.Ltmp5, $4  }
0x3f7: {  	[sflag:s1] =	ssyncadd.s32 $0xFFFFD800  }
0x3f8: {  	_ =	swait.ge [sflag:s1], $0x1400  }
0x3f9: {  	[sflag:s1] =	ssyncset.done $0x0  }
0x3fa: {  	s4 =	sld [smem:$0x7FB];
	[sflag:s1] =	ssyncadd.s32 $0xFFFFEC00  }
.LBB2_7:
0x3fb: {  	s4 =	sld [smem:$0x7FB]  }
0x3fc: {  	s1 =	smul.u32 $0x28, s0  }
0x3fd: {  	s2 =	sld [smem:$0x7EC]  }
0x3fe: {  	s1 =	sadd.s32 s4, s1  }
0x3ff: {  	s20 =	sld [smem:$0x7EE];
	s1 =	sshrl.u32 s1, $0x3  }
0x400: {  	s3 =	simm.s32 $0x0;
	s2 =	sadd.s32 s2, s1  }
0x401: {  	[tilespmem:s3], [sflag:$0x1] =	stream.linear.gather [hbm4b:s2+s3], $0x28, $0x38;
	[tilespmem:$0x1E300] =	vst v63  }
0x402: {  	s21 =	simm.s32 $0x80;
	s22 =	simm.s32 $0x6;
	s1 =	sadd.s32 s20, s1  }
0x403: {  	[tilespmem:s21], [sflag:$0x1] =	stream.linear.gather [hbm4b:s1+s3], $0x28, $0x38;
	[tilespmem:$0x1E300] =	vst v63  }
0x404: {  	_ =	swait.ge [sflag:s22], $0x2800  }
0x405: {  	[sflag:s22] =	ssyncset.done $0x0  }
0x406: {  	[sflag:s22] =	ssyncadd.s32 $0xFFFFD800  }
0x407: {  	_ =	swait.ge [sflag:s22], $0x1400  }
0x408: {  	[sflag:s22] =	ssyncset.done $0x0  }
0x409: {  	s23 =	simm.s32 $0x1;
	[sflag:s22] =	ssyncadd.s32 $0xFFFFEC00  }
0x40a: {  	_ =	swait.ge [sflag:s23], $0x28  }
0x40b: {  	[sflag:s23] =	ssyncset.done $0x0  }
0x40c: {  	[sflag:s23] =	ssyncadd.s32 $0xFFFFFFD8  }
0x40d: {  	_ =	swait.ge [sflag:s23], $0x28  }
0x40e: {  	[sflag:s23] =	ssyncset.done $0x0  }
0x40f: {  	[sflag:s23] =	ssyncadd.s32 $0xFFFFFFD8  }
0x410: {  	v4 =	vld [tilespmem:$0x0];
	_ =	sdelay $0x4  }
0x411: {  	v5 =	vshll.u32 v4, $0x1  }
0x412: {  	v4 =	vand.u32 $0x7, v4;
	v5 =	vand.u32 $0xFFFFFFF0, v5  }
0x413: {  	v4 =	vor.u32 v4, v5  }
0x414: {  	v5 =	vperm.xlane v4, v1;
	_ =	sdelay $0x1  }
0x415: {  	v4 =	vperm.xlane v4, v3;
	v5 =	vadd.s32 v2, v5;
	_ =	sdelay $0x1  }
0x416: {  	s24 =	sld [smem:$0x7E1];
	v4 =	vadd.s32 v2, v4;
	_ =	sdelay $0x1  }
0x417: {  	s5 =	simm.s32 $0x300  }
0x418: {  	[tilespmem:s5], [sflag:$0x5] =	stream.indirect_vreg.gather [hbm4b:s24+s3], $0x80, v5, vm0, $0xb8;
	[tilespmem:$0x1E300] =	vst v63  }
0x419: {  	s25 =	simm.s32 $0xB00  }
0x41a: {  	[tilespmem:s25], [sflag:$0x5] =	stream.indirect_vreg.gather [hbm4b:s24+s3], $0x80, v4, vm0, $0xb8;
	[tilespmem:$0x1E300] =	vst v63  }
0x41b: {  	v4 =	vld [tilespmem:$0x10];
	_ =	sdelay $0x4  }
0x41c: {  	v5 =	vshll.u32 v4, $0x1  }
0x41d: {  	v4 =	vand.u32 $0x7, v4;
	v5 =	vand.u32 $0xFFFFFFF0, v5  }
0x41e: {  	v4 =	vor.u32 v4, v5  }
0x41f: {  	v5 =	vperm.xlane v4, v1;
	_ =	sdelay $0x1  }
0x420: {  	v4 =	vperm.xlane v4, v3;
	v5 =	vadd.s32 v2, v5;
	_ =	sdelay $0x1  }
0x421: {  	v4 =	vadd.s32 v2, v4;
	_ =	sdelay $0x1  }
0x422: {  	s26 =	simm.s32 $0x1300  }
0x423: {  	[tilespmem:s26], [sflag:$0x5] =	stream.indirect_vreg.gather [hbm4b:s24+s3], $0x80, v5, vm0, $0xb8;
	[tilespmem:$0x1E300] =	vst v63  }
0x424: {  	s28 =	simm.s32 $0x1B00  }
0x425: {  	[tilespmem:s28], [sflag:$0x5] =	stream.indirect_vreg.gather [hbm4b:s24+s3], $0x80, v4, vm0, $0xb8;
	[tilespmem:$0x1E300] =	vst v63  }
0x426: {  	v4 =	vld.msk [tilespmem:$0x20], $0xff;
	_ =	sdelay $0x4  }
0x427: {  	v5 =	vshll.u32 v4, $0x1  }
0x428: {  	v4 =	vand.u32 $0x7, v4;
	v5 =	vand.u32 $0xFFFFFFF0, v5  }
0x429: {  	v4 =	vor.u32 v4, v5  }
0x42a: {  	v4 =	vperm.xlane v4, v1;
	_ =	sdelay $0x1  }
0x42b: {  	v4 =	vadd.s32 v2, v4;
	_ =	sdelay $0x3  }
0x42c: {  	s29 =	simm.s32 $0x2300  }
0x42d: {  	[tilespmem:s29], [sflag:$0x5] =	stream.indirect_vreg.gather [hbm4b:s24+s3], $0x80, v4, vm0, $0xb8;
	[tilespmem:$0x1E300] =	vst v63  }
0x42e: {  	s31 =	simm.s32 $0x5300;
	s30 =	rddreg [dreg:$0x1]  }
0x42f: {  	[tilespmem:s31], [sflag:$0x5] =	stream.indirect.gather [hbm4b:s30+s6], $0x80, s21, s6, $0xb8;
	[tilespmem:$0x1E300] =	vst v63  }
.LBB2_9:
0x430: {  	s1 =	simm.s32 $0x4  }
0x431: {  	_ =	swait.ge [sflag:s1], $0x1400  }
0x432: {  	[sflag:s1] =	ssyncset.done $0x0  }
0x433: {  	s18 =	simm.s32 $0x7;
	[sflag:s1] =	ssyncadd.s32 $0xFFFFEC00  }
0x434: {  	s0 =	smul.u32 @!p0 $0x28, s0;
	_ =	swait.ge [sflag:s18], $0x1400  }
0x435: {  	s2 =	simm.s32 @!p0 $0x7B00;
	[sflag:s18] =	ssyncset.done $0x0  }
0x436: {  	s19 =	simm.s32 $0x0;
	s0 =	sadd.s32 @!p0 s4, s0;
	[sflag:s18] =	ssyncadd.s32 $0xFFFFEC00  }
0x437: {  	s20 =	simm.s32 $0x180;
	s0 =	sshll.u32 @!p0 s0, $0x4;
	s1 =	rddreg [dreg:$0x2]  }
0x438: {  	s3 =	sand.u32 $0x3800, s19;
	s0 =	sadd.s32 @!p0 s1, s0;
	s1 =	simm.s32 @!p0 $0x0  }
0x439: {  	[tilespmem:s2], [sflag:$0x3] =	stream.linear.gather @!p0 [hbm4b:s0+s1], $0x1400, $0x38;
	[tilespmem:$0x1E300] =	vst v63  }
0x43a: {  	s13 =	simm.s32 $0x6800;
	s21 =	sadd.s32 $0x2B00, s3;
	s2 =	sand.u32 $0x380, s20  }
0x43b: {  	s3 =	sadd.s32 s2, s21;
	v4 =	vld [tilespmem:s13+$0x80]  }
0x43c: {  	v5 =	vld [tilespmem:s3+$0x0]  }
0x43d: {  	s5 =	simm.s32 $0x80;
	s18 =	simm.s32 $0x9000  }
0x43e: {  	s6 =	simm.s32 $0x100;
	s5 =	sand.u32 $0x280, s5;
	v6 =	vld [tilespmem:s18+$0x80]  }
0x43f: {  	s22 =	simm.s32 $0x0;
	s23 =	sand.u32 $0x300, s6;
	s6 =	sadd.s32 s5, s21;
	v7 =	vld [tilespmem:s13+$0xFFFFFF00]  }
0x440: {  	s2 =	sand.u32 $0x200, s22;
	v8 =	vld [tilespmem:s6+$0x0]  }
0x441: {  	v9 =	vld [tilespmem:s13+$0xFFFFFF80];
	s9 =	sadd.s32 s2, s21;
	v4 =	vadd.f32 v4, v5  }
0x442: {  	v5 =	vld [tilespmem:s9+$0x0]  }
0x443: {  	v10 =	vld [tilespmem:s18+$0xFFFFFF00];
	v4 =	vadd.f32 v6, v4  }
0x444: {  	s8 =	sadd.s32 s23, s21;
	v11 =	vld [tilespmem:s13+$0x0]  }
0x445: {  	v6 =	vld [tilespmem:s8+$0x0];
	v4 =	vsub.f32 $0.0e+00, v4  }
0x446: {  	v12 =	vld [tilespmem:s18+$0xFFFFFF80]  }
0x447: {  	v5 =	vadd.f32 v7, v5;
	v7 =	vld [tilespmem:s18+$0x0];
	v4 =	vmul.f32 $1.442695020e+00, v4;
	_ =	sdelay $0x1  }
0x448: {  	v5 =	vadd.f32 v10, v5;
	(erf) = vpow2.f32 v4  }
0x449: {  	v6 =	vadd.f32 v11, v6;
	v4 =	vadd.f32 v9, v8  }
0x44a: {  	v5 =	vsub.f32 $0.0e+00, v5  }
0x44b: {  	v4 =	vadd.f32 v12, v4;
	v6 =	vadd.f32 v7, v6;
	_ =	sdelay $0x1  }
0x44c: {  	v5 =	vmul.f32 $1.442695020e+00, v5;
	v4 =	vsub.f32 $0.0e+00, v4;
	v6 =	vsub.f32 $0.0e+00, v6;
	_ =	sdelay $0x1  }
0x44d: {  	(erf) = vpow2.f32 v5;
	v4 =	vmul.f32 $1.442695020e+00, v4  }
0x44e: {  	v5 =	vmul.f32 $1.442695020e+00, v6  }
0x44f: {  	(erf) = vpow2.f32 v4;
	v6 =	vpop (erf)  }
0x450: {  	(erf) = vpow2.f32 v5;
	v4 =	vadd.f32 $1.000000000e+00, v6;
	_ =	sdelay $0x1  }
0x451: {  	s1 =	sand.u32 $0x7, s19;
	(erf) = vrcp.f32 v4  }
0x452: {  	s1 =	sshll.u32 s1, $0x7  }
0x453: {  	s25 =	sadd.s32 $0x0, s1  }
0x454: {  	s1 =	sadd.s32 $0x180, s25  }
0x455: {  	s26 =	sor.u32 $0x400, s1;
	v6 =	vpop (erf)  }
0x456: {  	v7 =	vld [tilespmem:s26+$0x2B00];
	v6 =	vadd.f32 $1.000000000e+00, v6  }
0x457: {  	v10 =	vpop (erf)  }
0x458: {  	p1 =	por $0x0, $0x0;
	s4 =	simm.s32 $0x1;
	v11 =	vpop (erf);
	(erf) = vrcp.f32 v6  }
0x459: {  	s4 =	simm.s32 @!p1 $0x0;
	v6 =	vadd.f32 $1.000000000e+00, v10  }
0x45a: {  	s4 =	sshll.u32 s4, $0x9;
	v10 =	vpop (erf)  }
0x45b: {  	s0 =	sadd.s32 $0x0, s4;
	(erf) = vrcp.f32 v6;
	v7 =	vmul.f32 v10, v7;
	v10 =	vadd.f32 $1.000000000e+00, v11  }
0x45c: {  	s7 =	sor.u32 $0x400, s0  }
0x45d: {  	s24 =	sand.u32 $0x3, s19;
	v5 =	vld [tilespmem:s7+$0x2B00];
	[tilespmem:s18+$0x80] =	vst v7;
	(erf) = vrcp.f32 v10  }
0x45e: {  	s2 =	sshll.u32 s24, $0x8;
	s23 =	sadd.s32 $0x80, s25;
	v13 =	vld [tilespmem:s3+$0x10]  }
0x45f: {  	s2 =	sadd.s32 $0x0, s2;
	s4 =	sor.u32 $0x400, s23;
	v14 =	vld [tilespmem:s13+$0x90]  }
0x460: {  	s5 =	sadd.s32 $0x100, s2;
	v6 =	vld [tilespmem:s4+$0x2B00]  }
0x461: {  	v19 =	vld [tilespmem:s18+$0x90];
	s2 =	sor.u32 $0x400, s5;
	v7 =	vpop (erf)  }
0x462: {  	v4 =	vld [tilespmem:s2+$0x2B00];
	v20 =	vmul.f32 v7, v5;
	_ =	sdelay $0x1  }
0x463: {  	v8 =	vld [tilespmem:s18+$0xFFFFFF10];
	v13 =	vadd.f32 v14, v13;
	v14 =	vpop (erf);
	[tilespmem:s18+$0xFFFFFF00] =	vst v20  }
0x464: {  	v6 =	vmul.f32 v14, v6;
	v14 =	vld [tilespmem:s9+$0x10]  }
0x465: {  	v20 =	vld [tilespmem:s13+$0xFFFFFF10];
	v13 =	vadd.f32 v19, v13;
	v19 =	vpop (erf)  }
0x466: {  	v9 =	vld [tilespmem:s18+$0xFFFFFF90];
	[tilespmem:s18+$0xFFFFFF80] =	vst v6;
	v19 =	vmul.f32 v19, v4  }
0x467: {  	v6 =	vsub.f32 $0.0e+00, v13;
	v13 =	vld [tilespmem:s6+$0x10]  }
0x468: {  	[tilespmem:s18+$0x0] =	vst v19;
	v19 =	vld [tilespmem:s13+$0xFFFFFF90]  }
0x469: {  	v21 =	vld [tilespmem:s8+$0x10]  }
0x46a: {  	v6 =	vmul.f32 $1.442695020e+00, v6;
	v14 =	vadd.f32 v20, v14;
	v20 =	vld [tilespmem:s13+$0x10];
	_ =	sdelay $0x1  }
0x46b: {  	v12 =	vld [tilespmem:s18+$0x10];
	(erf) = vpow2.f32 v6;
	v6 =	vadd.f32 v8, v14  }
0x46c: {  	v8 =	vadd.f32 v19, v13  }
0x46d: {  	v6 =	vsub.f32 $0.0e+00, v6  }
0x46e: {  	v8 =	vadd.f32 v9, v8;
	v9 =	vadd.f32 v20, v21  }
0x46f: {  	v6 =	vmul.f32 $1.442695020e+00, v6  }
0x470: {  	v9 =	vadd.f32 v12, v9  }
0x471: {  	(erf) = vpow2.f32 v6  }
0x472: {  	v8 =	vsub.f32 $0.0e+00, v8;
	_ =	sdelay $0x1  }
0x473: {  	v6 =	vmul.f32 $1.442695020e+00, v8;
	v8 =	vsub.f32 $0.0e+00, v9;
	v9 =	vpop (erf)  }
0x474: {  	v9 =	vadd.f32 $1.000000000e+00, v9  }
0x475: {  	v8 =	vmul.f32 $1.442695020e+00, v8;
	(erf) = vpow2.f32 v6  }
0x476: {  	(erf) = vrcp.f32 v9  }
0x477: {  	(erf) = vpow2.f32 v8;
	_ =	sdelay $0x1  }
0x478: {  	v6 =	vpop (erf)  }
0x479: {  	s7 =	sor.u32 $0x410, s1;
	v6 =	vadd.f32 $1.000000000e+00, v6  }
0x47a: {  	v8 =	vld [tilespmem:s7+$0x2B00]  }
0x47b: {  	(erf) = vrcp.f32 v6;
	_ =	sdelay $0x1  }
0x47c: {  	v6 =	vpop (erf)  }
0x47d: {  	v6 =	vadd.f32 $1.000000000e+00, v6;
	v9 =	vpop (erf)  }
0x47e: {  	s10 =	sor.u32 $0x410, s0;
	v8 =	vmul.f32 v9, v8;
	v9 =	vpop (erf)  }
0x47f: {  	v12 =	vld [tilespmem:s10+$0x2B00];
	(erf) = vrcp.f32 v6;
	v6 =	vadd.f32 $1.000000000e+00, v9;
	_ =	sdelay $0x1  }
0x480: {  	[tilespmem:s18+$0x90] =	vst v8;
	(erf) = vrcp.f32 v6  }
0x481: {  	v14 =	vld [tilespmem:s3+$0x20]  }
0x482: {  	s4 =	sor.u32 $0x410, s23;
	v21 =	vld [tilespmem:s13+$0xA0];
	v8 =	vpop (erf)  }
0x483: {  	v19 =	vld [tilespmem:s4+$0x2B00];
	v12 =	vmul.f32 v8, v12  }
0x484: {  	v22 =	vld [tilespmem:s18+$0xA0];
	s11 =	sor.u32 $0x410, s5  }
0x485: {  	v20 =	vld [tilespmem:s11+$0x2B00];
	_ =	sdelay $0x1  }
0x486: {  	v16 =	vld [tilespmem:s18+$0xFFFFFF20];
	[tilespmem:s18+$0xFFFFFF10] =	vst v12;
	v21 =	vadd.f32 v21, v14;
	v12 =	vpop (erf)  }
0x487: {  	v23 =	vld [tilespmem:s9+$0x20];
	v19 =	vmul.f32 v12, v19  }
0x488: {  	v21 =	vadd.f32 v22, v21;
	v22 =	vld [tilespmem:s13+$0xFFFFFF20];
	v24 =	vpop (erf)  }
0x489: {  	v17 =	vld [tilespmem:s18+$0xFFFFFFA0];
	[tilespmem:s18+$0xFFFFFF90] =	vst v19;
	v19 =	vmul.f32 v24, v20  }
0x48a: {  	v20 =	vsub.f32 $0.0e+00, v21;
	v21 =	vld [tilespmem:s6+$0x20]  }
0x48b: {  	v24 =	vld [tilespmem:s13+$0xFFFFFFA0];
	[tilespmem:s18+$0x10] =	vst v19  }
0x48c: {  	v19 =	vmul.f32 $1.442695020e+00, v20;
	v20 =	vld [tilespmem:s8+$0x20]  }
0x48d: {  	v22 =	vadd.f32 v22, v23;
	v23 =	vld [tilespmem:s13+$0x20];
	_ =	sdelay $0x1  }
0x48e: {  	v18 =	vld [tilespmem:s18+$0x20];
	(erf) = vpow2.f32 v19;
	v16 =	vadd.f32 v16, v22  }
0x48f: {  	v19 =	vadd.f32 v24, v21  }
0x490: {  	v16 =	vsub.f32 $0.0e+00, v16  }
0x491: {  	v17 =	vadd.f32 v17, v19;
	v19 =	vadd.f32 v23, v20;
	_ =	sdelay $0x1  }
0x492: {  	v16 =	vmul.f32 $1.442695020e+00, v16;
	v18 =	vadd.f32 v18, v19;
	_ =	sdelay $0x1  }
0x493: {  	v17 =	vsub.f32 $0.0e+00, v17;
	(erf) = vpow2.f32 v16;
	_ =	sdelay $0x1  }
0x494: {  	v16 =	vmul.f32 $1.442695020e+00, v17;
	v17 =	vsub.f32 $0.0e+00, v18;
	v18 =	vpop (erf)  }
0x495: {  	v18 =	vadd.f32 $1.000000000e+00, v18  }
0x496: {  	(erf) = vpow2.f32 v16  }
0x497: {  	v15 =	vld [tilespmem:s18+$0xFFFFFF30];
	v16 =	vmul.f32 $1.442695020e+00, v17;
	(erf) = vrcp.f32 v18  }
0x498: {  	v11 =	vld [tilespmem:s18+$0xFFFFFFB0]  }
0x499: {  	v10 =	vld [tilespmem:s18+$0x30];
	(erf) = vpow2.f32 v16  }
0x49a: {  	v7 =	vld [tilespmem:s18+$0xFFFFFF40]  }
0x49b: {  	s14 =	sor.u32 $0x420, s1;
	v5 =	vld [tilespmem:s18+$0xFFFFFFC0];
	v17 =	vpop (erf)  }
0x49c: {  	v16 =	vld [tilespmem:s14+$0x2B00];
	v17 =	vadd.f32 $1.000000000e+00, v17  }
0x49d: {  	s20 =	simm.s32 $0x380;
	v4 =	vld [tilespmem:s18+$0x40]  }
0x49e: {  	v13 =	vld [tilespmem:s18+$0xFFFFFF50];
	s4 =	sand.u32 $0x380, s20;
	s20 =	simm.s32 $0x6A00  }
0x49f: {  	v28 =	vld [tilespmem:s20+$0x0];
	s11 =	simm.s32 $0x9200;
	v19 =	vpop (erf)  }
0x4a0: {  	v26 =	vld [tilespmem:s11+$0x80];
	(erf) = vrcp.f32 v17;
	v17 =	vpop (erf)  }
0x4a1: {  	v30 =	vld [tilespmem:s11+$0xFFFFFF00];
	v16 =	vmul.f32 v17, v16  }
0x4a2: {  	s15 =	sor.u32 $0x420, s0;
	v9 =	vld [tilespmem:s18+$0xFFFFFFD0];
	v24 =	vadd.f32 $1.000000000e+00, v19;
	v17 =	vpop (erf)  }
0x4a3: {  	v18 =	vld [tilespmem:s15+$0x2B00];
	v17 =	vadd.f32 $1.000000000e+00, v17;
	[tilespmem:s18+$0xA0] =	vst v16  }
0x4a4: {  	(erf) = vrcp.f32 v24;
	v16 =	vld [tilespmem:s3+$0x30]  }
0x4a5: {  	(erf) = vrcp.f32 v17;
	v17 =	vld [tilespmem:s13+$0xB0]  }
0x4a6: {  	v6 =	vld [tilespmem:s18+$0x50]  }
0x4a7: {  	v24 =	vld [tilespmem:s18+$0xB0]  }
0x4a8: {  	v8 =	vld [tilespmem:s18+$0xFFFFFF60]  }
0x4a9: {  	v14 =	vld [tilespmem:s18+$0xFFFFFFE0];
	v25 =	vpop (erf)  }
0x4aa: {  	s17 =	sor.u32 $0x420, s5;
	v12 =	vld [tilespmem:s18+$0x60];
	v18 =	vmul.f32 v25, v18;
	v16 =	vadd.f32 v17, v16  }
0x4ab: {  	s19 =	simm.s32 $0x400;
	v22 =	vld [tilespmem:s17+$0x2B00]  }
0x4ac: {  	s12 =	smov.u32 s9;
	s2 =	sand.u32 $0x3800, s19;
	v21 =	vld [tilespmem:s18+$0xFFFFFF70];
	[tilespmem:s18+$0xFFFFFF20] =	vst v18;
	v16 =	vadd.f32 v24, v16  }
0x4ad: {  	s2 =	sadd.s32 $0x2B00, s2;
	v17 =	vld [tilespmem:s12+$0x30]  }
0x4ae: {  	s22 =	sadd.s32 s4, s2;
	v18 =	vld [tilespmem:s13+$0xFFFFFF30];
	v16 =	vsub.f32 $0.0e+00, v16  }
0x4af: {  	v25 =	vld [tilespmem:s22+$0x0]  }
0x4b0: {  	s16 =	sor.u32 $0x420, s23;
	v24 =	vld [tilespmem:s20+$0x80];
	v16 =	vmul.f32 $1.442695020e+00, v16  }
0x4b1: {  	s21 =	simm.s32 $0x200;
	v20 =	vld [tilespmem:s16+$0x2B00]  }
0x4b2: {  	s24 =	simm.s32 $0x280;
	s4 =	sand.u32 $0x200, s21;
	v23 =	vld [tilespmem:s18+$0x70];
	(erf) = vpow2.f32 v16  }
0x4b3: {  	s25 =	simm.s32 $0x300;
	s7 =	sand.u32 $0x280, s24;
	s16 =	sadd.s32 s4, s2;
	v19 =	vld [tilespmem:s18+$0xFFFFFFF0];
	v17 =	vadd.f32 v18, v17  }
0x4b4: {  	s26 =	sand.u32 $0x300, s25;
	s15 =	sadd.s32 s7, s2;
	v18 =	vld [tilespmem:s16+$0x0]  }
0x4b5: {  	s14 =	sadd.s32 s26, s2;
	v24 =	vadd.f32 v24, v25;
	v15 =	vadd.f32 v15, v17;
	v17 =	vld [tilespmem:s15+$0x0]  }
0x4b6: {  	v25 =	vld [tilespmem:s14+$0x0]  }
0x4b7: {  	v27 =	vpop (erf);
	v24 =	vadd.f32 v26, v24;
	v26 =	vld [tilespmem:s20+$0xFFFFFF80]  }
0x4b8: {  	v29 =	vpop (erf);
	v16 =	vld [tilespmem:s20+$0xFFFFFF00];
	v15 =	vsub.f32 $0.0e+00, v15  }
0x4b9: {  	v31 =	vld [tilespmem:s11+$0xFFFFFF80];
	v24 =	vsub.f32 $0.0e+00, v24  }
0x4ba: {  	v15 =	vmul.f32 $1.442695020e+00, v15  }
0x4bb: {  	v24 =	vmul.f32 $1.442695020e+00, v24;
	v32 =	vpop (erf)  }
0x4bc: {  	(erf) = vpow2.f32 v15;
	v15 =	vld [tilespmem:s11+$0x0];
	v17 =	vadd.f32 v26, v17;
	v32 =	vadd.f32 $1.000000000e+00, v32  }
0x4bd: {  	v16 =	vadd.f32 v16, v18;
	(erf) = vpow2.f32 v24  }
0x4be: {  	v17 =	vadd.f32 v31, v17;
	(erf) = vrcp.f32 v32  }
0x4bf: {  	v18 =	vmul.f32 v27, v20;
	v20 =	vadd.f32 v28, v25;
	v16 =	vadd.f32 v30, v16  }
0x4c0: {  	v17 =	vsub.f32 $0.0e+00, v17  }
0x4c1: {  	v16 =	vsub.f32 $0.0e+00, v16;
	v15 =	vadd.f32 v15, v20  }
0x4c2: {  	s24 =	sor.u32 $0x430, s1;
	v17 =	vmul.f32 $1.442695020e+00, v17  }
0x4c3: {  	v24 =	vld [tilespmem:s24+$0x2B00];
	v16 =	vmul.f32 $1.442695020e+00, v16;
	v15 =	vsub.f32 $0.0e+00, v15;
	_ =	sdelay $0x1  }
0x4c4: {  	(erf) = vpow2.f32 v16;
	v27 =	vpop (erf);
	v15 =	vmul.f32 $1.442695020e+00, v15  }
0x4c5: {  	[tilespmem:s18+$0xFFFFFFA0] =	vst v18;
	v16 =	vmul.f32 v29, v22;
	(erf) = vpow2.f32 v17;
	v17 =	vpop (erf)  }
0x4c6: {  	v18 =	vld [tilespmem:s6+$0x30];
	v27 =	vadd.f32 $1.000000000e+00, v27;
	(erf) = vpow2.f32 v15;
	v15 =	vadd.f32 $1.000000000e+00, v17;
	v17 =	vpop (erf)  }
0x4c7: {  	s9 =	smov.u32 s8;
	s8 =	simm.s32 $0x2;
	[tilespmem:s18+$0x20] =	vst v16;
	v16 =	vld [tilespmem:s13+$0xFFFFFFB0];
	v17 =	vmul.f32 v17, v24  }
0x4c8: {  	p1 =	por !p1, !p1;
	s7 =	simm.s32 $0x1;
	s2 =	sand.u32 $0x3, s8;
	(erf) = vrcp.f32 v27;
	v27 =	vld [tilespmem:s13+$0x30]  }
0x4c9: {  	s7 =	simm.s32 @!p1 $0x0;
	s2 =	sshll.u32 s2, $0x8;
	(erf) = vrcp.f32 v15;
	v15 =	vld [tilespmem:s9+$0x30];
	[tilespmem:s18+$0xB0] =	vst v17  }
0x4ca: {  	s17 =	sshll.u32 s7, $0x9;
	s7 =	simm.s32 $0x4;
	s2 =	sadd.s32 $0x400, s2;
	v30 =	vld [tilespmem:s3+$0x40]  }
0x4cb: {  	s19 =	sadd.s32 $0x100, s2;
	s2 =	sand.u32 $0x7, s7;
	v31 =	vld [tilespmem:s13+$0xC0]  }
0x4cc: {  	s2 =	sshll.u32 s2, $0x7  }
0x4cd: {  	s2 =	sadd.s32 $0x400, s2;
	v55 =	vld [tilespmem:s18+$0xC0];
	v16 =	vadd.f32 v16, v18  }
0x4ce: {  	s29 =	sadd.s32 $0x180, s2;
	v17 =	vpop (erf);
	v15 =	vadd.f32 v27, v15  }
0x4cf: {  	s8 =	sor.u32 $0x400, s29;
	v11 =	vadd.f32 v11, v16;
	v33 =	vadd.f32 $1.000000000e+00, v17  }
0x4d0: {  	v18 =	vld [tilespmem:s8+$0x2B00];
	v17 =	vpop (erf);
	v10 =	vadd.f32 v10, v15;
	v15 =	vadd.f32 v31, v30  }
0x4d1: {  	v11 =	vsub.f32 $0.0e+00, v11;
	v34 =	vadd.f32 $1.000000000e+00, v17;
	v35 =	vpop (erf);
	(erf) = vrcp.f32 v33  }
0x4d2: {  	v31 =	vadd.f32 $1.000000000e+00, v35;
	v15 =	vadd.f32 v55, v15  }
0x4d3: {  	s10 =	smov.u32 s12;
	s25 =	sadd.s32 $0x400, s17;
	s12 =	sor.u32 $0x430, s0;
	v61 =	vld [tilespmem:s11+$0x90];
	v56 =	vpop (erf);
	(erf) = vrcp.f32 v34  }
0x4d4: {  	s26 =	sor.u32 $0x400, s25;
	v25 =	vld [tilespmem:s12+$0x2B00];
	v57 =	vpop (erf);
	(erf) = vrcp.f32 v31;
	v31 =	vmul.f32 $1.442695020e+00, v11;
	v15 =	vsub.f32 $0.0e+00, v15  }
0x4d5: {  	v26 =	vld [tilespmem:s26+$0x2B00];
	s26 =	sadd.s32 $0x80, s2;
	v58 =	vsub.f32 $0.0e+00, v10;
	v18 =	vmul.f32 v57, v18  }
0x4d6: {  	v28 =	vld [tilespmem:s11+$0xFFFFFF10];
	s2 =	sor.u32 $0x400, s26;
	(erf) = vpow2.f32 v31;
	v15 =	vmul.f32 $1.442695020e+00, v15  }
0x4d7: {  	v30 =	vld [tilespmem:s2+$0x2B00];
	[tilespmem:s11+$0x80] =	vst v18;
	v18 =	vmul.f32 $1.442695020e+00, v58  }
0x4d8: {  	v59 =	vld [tilespmem:s22+$0x10]  }
0x4d9: {  	s21 =	sor.u32 $0x400, s19;
	v25 =	vmul.f32 v56, v25;
	v31 =	vld [tilespmem:s20+$0x90];
	(erf) = vpow2.f32 v18  }
0x4da: {  	v20 =	vld [tilespmem:s21+$0x2B00];
	(erf) = vpow2.f32 v15;
	v15 =	vpop (erf)  }
0x4db: {  	v22 =	vld [tilespmem:s11+$0xFFFFFF90];
	[tilespmem:s18+$0xFFFFFF30] =	vst v25;
	v18 =	vmul.f32 v15, v26  }
0x4dc: {  	v60 =	vld [tilespmem:s10+$0x40];
	v26 =	vpop (erf)  }
0x4dd: {  	v62 =	vld [tilespmem:s13+$0xFFFFFF40];
	v26 =	vmul.f32 v26, v30;
	[tilespmem:s11+$0xFFFFFF00] =	vst v18  }
0x4de: {  	v31 =	vadd.f32 v31, v59;
	v30 =	vpop (erf);
	v63 =	vld [tilespmem:s16+$0x10]  }
0x4df: {  	v20 =	vmul.f32 v30, v20;
	v30 =	vpop (erf);
	[tilespmem:s11+$0xFFFFFF80] =	vst v26;
	v26 =	vld [tilespmem:s20+$0xFFFFFF10]  }
0x4e0: {  	v31 =	vadd.f32 v61, v31;
	v30 =	vadd.f32 $1.000000000e+00, v30;
	v40 =	vld [tilespmem:s15+$0x10]  }
0x4e1: {  	[tilespmem:s11+$0x0] =	vst v20;
	v20 =	vld [tilespmem:s20+$0xFFFFFF90]  }
0x4e2: {  	v31 =	vsub.f32 $0.0e+00, v31;
	v36 =	vpop (erf);
	v37 =	vld [tilespmem:s14+$0x10]  }
0x4e3: {  	v36 =	vadd.f32 $1.000000000e+00, v36;
	v41 =	vld [tilespmem:s20+$0x10]  }
0x4e4: {  	v29 =	vld [tilespmem:s11+$0x10];
	v31 =	vmul.f32 $1.442695020e+00, v31;
	(erf) = vrcp.f32 v30;
	v30 =	vpop (erf);
	v26 =	vadd.f32 v26, v63  }
0x4e5: {  	v24 =	vld [tilespmem:s11+$0xFFFFFF20];
	v33 =	vadd.f32 v62, v60;
	(erf) = vrcp.f32 v36;
	v30 =	vadd.f32 $1.000000000e+00, v30  }
0x4e6: {  	v16 =	vld [tilespmem:s11+$0xFFFFFF30];
	(erf) = vpow2.f32 v31;
	v26 =	vadd.f32 v28, v26  }
0x4e7: {  	v27 =	vld [tilespmem:s11+$0xFFFFFFA0];
	v7 =	vadd.f32 v7, v33;
	v20 =	vadd.f32 v20, v40;
	(erf) = vrcp.f32 v30  }
0x4e8: {  	s12 =	sor.u32 $0x430, s23;
	v17 =	vld [tilespmem:s11+$0x20];
	v30 =	vadd.f32 v41, v37;
	v26 =	vsub.f32 $0.0e+00, v26  }
0x4e9: {  	v7 =	vsub.f32 $0.0e+00, v7;
	v28 =	vld [tilespmem:s12+$0x2B00];
	v20 =	vadd.f32 v22, v20  }
0x4ea: {  	v10 =	vld [tilespmem:s11+$0xFFFFFFB0];
	v22 =	vmul.f32 $1.442695020e+00, v26;
	v26 =	vadd.f32 v29, v30  }
0x4eb: {  	s17 =	sor.u32 $0x440, s1;
	v11 =	vld [tilespmem:s11+$0x30];
	v7 =	vmul.f32 $1.442695020e+00, v7  }
0x4ec: {  	v29 =	vld [tilespmem:s17+$0x2B00]  }
0x4ed: {  	v25 =	vld [tilespmem:s11+$0xFFFFFF40];
	(erf) = vpow2.f32 v7;
	v7 =	vsub.f32 $0.0e+00, v20;
	v20 =	vpop (erf)  }
0x4ee: {  	v15 =	vld [tilespmem:s11+$0xFFFFFFC0];
	(erf) = vpow2.f32 v22;
	v22 =	vsub.f32 $0.0e+00, v26;
	v20 =	vmul.f32 v20, v28;
	v26 =	vpop (erf)  }
0x4ef: {  	s21 =	sor.u32 $0x430, s5;
	v18 =	vld [tilespmem:s11+$0x40];
	[smem:$0x7BD] =	sst s5;
	v7 =	vmul.f32 $1.442695020e+00, v7;
	v28 =	vpop (erf)  }
0x4f0: {  	v30 =	vld [tilespmem:s21+$0x2B00];
	v22 =	vmul.f32 $1.442695020e+00, v22;
	[tilespmem:s18+$0xFFFFFFB0] =	vst v20;
	v28 =	vadd.f32 $1.000000000e+00, v28;
	v31 =	vpop (erf)  }
0x4f1: {  	(erf) = vpow2.f32 v7;
	v20 =	vld [tilespmem:s6+$0x40];
	v7 =	vmul.f32 v31, v29  }
0x4f2: {  	s24 =	sor.u32 $0x410, s25;
	(erf) = vrcp.f32 v28;
	v28 =	vld [tilespmem:s13+$0xFFFFFFC0]  }
0x4f3: {  	v42 =	vld [tilespmem:s24+$0x2B00];
	(erf) = vpow2.f32 v22;
	[tilespmem:s18+$0xC0] =	vst v7  }
0x4f4: {  	v7 =	vld [tilespmem:s3+$0x50]  }
0x4f5: {  	s4 =	sor.u32 $0x410, s29;
	v22 =	vld [tilespmem:s13+$0xD0]  }
0x4f6: {  	v26 =	vmul.f32 v26, v30;
	v30 =	vld [tilespmem:s4+$0x2B00];
	v29 =	vpop (erf)  }
0x4f7: {  	s7 =	sor.u32 $0x410, s26;
	v31 =	vld [tilespmem:s18+$0xD0];
	v29 =	vadd.f32 $1.000000000e+00, v29;
	v20 =	vadd.f32 v28, v20  }
0x4f8: {  	s8 =	sor.u32 $0x410, s19;
	v43 =	vld [tilespmem:s7+$0x2B00];
	[tilespmem:s18+$0x30] =	vst v26;
	v44 =	vpop (erf)  }
0x4f9: {  	(erf) = vrcp.f32 v29;
	v26 =	vadd.f32 $1.000000000e+00, v44;
	v28 =	vld [tilespmem:s8+$0x2B00];
	[smem:$0x7BE] =	sst s9  }
0x4fa: {  	v45 =	vpop (erf);
	v29 =	vld [tilespmem:s9+$0x40];
	v5 =	vadd.f32 v5, v20;
	v7 =	vadd.f32 v22, v7  }
0x4fb: {  	s12 =	sor.u32 $0x440, s0;
	(erf) = vrcp.f32 v26;
	v26 =	vadd.f32 $1.000000000e+00, v45;
	v22 =	vld [tilespmem:s13+$0x40];
	v20 =	vpop (erf)  }
0x4fc: {  	v46 =	vld [tilespmem:s12+$0x2B00];
	v5 =	vsub.f32 $0.0e+00, v5;
	v7 =	vadd.f32 v31, v7;
	v30 =	vmul.f32 v20, v30;
	v47 =	vpop (erf)  }
0x4fd: {  	(erf) = vrcp.f32 v26;
	v26 =	vld [tilespmem:s11+$0xFFFFFFD0];
	v31 =	vadd.f32 $1.000000000e+00, v47  }
0x4fe: {  	v20 =	vld [tilespmem:s11+$0xFFFFFF50];
	v5 =	vmul.f32 $1.442695020e+00, v5;
	v7 =	vsub.f32 $0.0e+00, v7;
	[tilespmem:s11+$0x90] =	vst v30  }
0x4ff: {  	v30 =	vld [tilespmem:s22+$0x20];
	(erf) = vrcp.f32 v31  }
0x500: {  	v29 =	vadd.f32 v22, v29;
	v31 =	vld [tilespmem:s20+$0xA0];
	v7 =	vmul.f32 $1.442695020e+00, v7;
	(erf) = vpow2.f32 v5  }
0x501: {  	v22 =	vld [tilespmem:s11+$0x50]  }
0x502: {  	v4 =	vadd.f32 v4, v29;
	v29 =	vld [tilespmem:s11+$0xA0];
	v5 =	vpop (erf);
	(erf) = vpow2.f32 v7  }
0x503: {  	v7 =	vld [tilespmem:s11+$0xFFFFFF60];
	v34 =	vmul.f32 v5, v46  }
0x504: {  	v5 =	vld [tilespmem:s11+$0xFFFFFFE0];
	v49 =	vpop (erf)  }
0x505: {  	v48 =	vsub.f32 $0.0e+00, v4;
	v4 =	vld [tilespmem:s11+$0x60];
	v32 =	vmul.f32 v49, v42;
	[tilespmem:s18+$0xFFFFFF40] =	vst v34;
	v30 =	vadd.f32 v31, v30  }
0x506: {  	v31 =	vld [tilespmem:s10+$0x50];
	[smem:$0x7BF] =	sst s10  }
0x507: {  	v51 =	vpop (erf);
	v50 =	vmul.f32 $1.442695020e+00, v48;
	v52 =	vld [tilespmem:s13+$0xFFFFFF50];
	[tilespmem:s11+$0xFFFFFF10] =	vst v32;
	v29 =	vadd.f32 v29, v30  }
0x508: {  	v53 =	vmul.f32 v51, v43;
	v30 =	vld [tilespmem:s16+$0x20];
	v54 =	vpop (erf)  }
0x509: {  	(erf) = vpow2.f32 v50;
	v55 =	vld [tilespmem:s20+$0xFFFFFF20];
	v29 =	vsub.f32 $0.0e+00, v29;
	v56 =	vpop (erf)  }
0x50a: {  	[tilespmem:s11+$0xFFFFFF90] =	vst v53;
	v28 =	vmul.f32 v54, v28;
	v32 =	vadd.f32 $1.000000000e+00, v56  }
0x50b: {  	v57 =	vld [tilespmem:s15+$0x20];
	v29 =	vmul.f32 $1.442695020e+00, v29;
	v59 =	vpop (erf)  }
0x50c: {  	v58 =	vld [tilespmem:s20+$0xFFFFFFA0];
	[tilespmem:s11+$0x10] =	vst v28;
	v28 =	vadd.f32 $1.000000000e+00, v59;
	(erf) = vrcp.f32 v32  }
0x50d: {  	(erf) = vpow2.f32 v29  }
0x50e: {  	v31 =	vadd.f32 v52, v31;
	v60 =	vld [tilespmem:s14+$0x20];
	(erf) = vrcp.f32 v28;
	v28 =	vadd.f32 v55, v30  }
0x50f: {  	v29 =	vld [tilespmem:s20+$0x20]  }
0x510: {  	v13 =	vadd.f32 v13, v31  }
0x511: {  	s17 =	sor.u32 $0x440, s23;
	v30 =	vadd.f32 v58, v57  }
0x512: {  	v31 =	vld [tilespmem:s17+$0x2B00];
	v13 =	vsub.f32 $0.0e+00, v13;
	v24 =	vadd.f32 v24, v28;
	v28 =	vpop (erf)  }
0x513: {  	s21 =	sor.u32 $0x450, s1;
	v27 =	vadd.f32 v27, v30;
	v28 =	vadd.f32 $1.000000000e+00, v28  }
0x514: {  	v30 =	vld [tilespmem:s21+$0x2B00];
	v13 =	vmul.f32 $1.442695020e+00, v13;
	v24 =	vsub.f32 $0.0e+00, v24;
	v29 =	vadd.f32 v29, v60  }
0x515: {  	v27 =	vsub.f32 $0.0e+00, v27;
	(erf) = vrcp.f32 v28  }
0x516: {  	v24 =	vmul.f32 $1.442695020e+00, v24;
	(erf) = vpow2.f32 v13;
	v13 =	vadd.f32 v17, v29;
	v17 =	vpop (erf)  }
0x517: {  	v27 =	vmul.f32 $1.442695020e+00, v27;
	v28 =	vpop (erf);
	v17 =	vmul.f32 v17, v31  }
0x518: {  	s24 =	sor.u32 $0x440, s5;
	(erf) = vpow2.f32 v24;
	v13 =	vsub.f32 $0.0e+00, v13;
	v24 =	vadd.f32 $1.000000000e+00, v28;
	v28 =	vpop (erf)  }
0x519: {  	v29 =	vld [tilespmem:s24+$0x2B00];
	(erf) = vpow2.f32 v27;
	[tilespmem:s18+$0xFFFFFFC0] =	vst v17;
	v17 =	vmul.f32 v28, v30  }
0x51a: {  	v13 =	vmul.f32 $1.442695020e+00, v13;
	(erf) = vrcp.f32 v24;
	v24 =	vld [tilespmem:s6+$0x50]  }
0x51b: {  	v27 =	vld [tilespmem:s13+$0xFFFFFFD0];
	[tilespmem:s18+$0xD0] =	vst v17  }
0x51c: {  	(erf) = vpow2.f32 v13;
	v13 =	vld [tilespmem:s3+$0x60]  }
0x51d: {  	s4 =	sor.u32 $0x420, s29;
	v17 =	vld [tilespmem:s13+$0xE0]  }
0x51e: {  	v61 =	vld [tilespmem:s4+$0x2B00]  }
0x51f: {  	v30 =	vld [tilespmem:s18+$0xE0];
	v28 =	vpop (erf)  }
0x520: {  	v31 =	vpop (erf)  }
0x521: {  	v28 =	vmul.f32 v28, v29;
	v24 =	vadd.f32 v27, v24;
	v31 =	vadd.f32 $1.000000000e+00, v31;
	v29 =	vpop (erf)  }
0x522: {  	v27 =	vadd.f32 $1.000000000e+00, v29;
	v29 =	vpop (erf);
	v13 =	vadd.f32 v17, v13  }
0x523: {  	[tilespmem:s18+$0x40] =	vst v28;
	v9 =	vadd.f32 v9, v24;
	(erf) = vrcp.f32 v31;
	v17 =	vpop (erf)  }
0x524: {  	v24 =	vld [tilespmem:s9+$0x50];
	(erf) = vrcp.f32 v27;
	v13 =	vadd.f32 v30, v13;
	v17 =	vmul.f32 v17, v61  }
0x525: {  	s5 =	sor.u32 $0x450, s0;
	v27 =	vld [tilespmem:s13+$0x50]  }
0x526: {  	v28 =	vadd.f32 $1.000000000e+00, v29;
	v30 =	vld [tilespmem:s5+$0x2B00];
	v29 =	vpop (erf);
	v13 =	vsub.f32 $0.0e+00, v13;
	[tilespmem:s11+$0xA0] =	vst v17  }
0x527: {  	v9 =	vsub.f32 $0.0e+00, v9;
	v29 =	vadd.f32 $1.000000000e+00, v29;
	v17 =	vld [tilespmem:s22+$0x30]  }
0x528: {  	s7 =	sor.u32 $0x420, s25;
	(erf) = vrcp.f32 v28;
	v28 =	vld [tilespmem:s20+$0xB0];
	v13 =	vmul.f32 $1.442695020e+00, v13  }
0x529: {  	v9 =	vmul.f32 $1.442695020e+00, v9;
	(erf) = vrcp.f32 v29;
	v29 =	vld [tilespmem:s7+$0x2B00]  }
0x52a: {  	v24 =	vadd.f32 v27, v24  }
0x52b: {  	v27 =	vld [tilespmem:s11+$0xB0];
	(erf) = vpow2.f32 v9  }
0x52c: {  	s24 =	sor.u32 $0x460, s1;
	(erf) = vpow2.f32 v13;
	v24 =	vadd.f32 v6, v24;
	v13 =	vpop (erf)  }
0x52d: {  	s8 =	sor.u32 $0x420, s26;
	v41 =	vld [tilespmem:s24+$0x2B00];
	v30 =	vmul.f32 v13, v30;
	v31 =	vpop (erf)  }
0x52e: {  	v9 =	vld [tilespmem:s8+$0x2B00];
	s8 =	simm.s32 $0x6C00;
	v17 =	vadd.f32 v28, v17;
	v24 =	vsub.f32 $0.0e+00, v24;
	v28 =	vmul.f32 v31, v29  }
0x52f: {  	v63 =	vld [tilespmem:s8+$0x80];
	[tilespmem:s18+$0xFFFFFF50] =	vst v30  }
0x530: {  	s21 =	simm.s32 $0x800;
	v17 =	vadd.f32 v27, v17;
	v24 =	vmul.f32 $1.442695020e+00, v24;
	v29 =	vld [tilespmem:s10+$0x60];
	[tilespmem:s11+$0xFFFFFF20] =	vst v28  }
0x531: {  	s12 =	sand.u32 $0x3800, s21;
	s7 =	simm.s32 $0x580;
	v30 =	vld [tilespmem:s16+$0x30]  }
0x532: {  	s2 =	sadd.s32 $0x2B00, s12;
	s17 =	sand.u32 $0x380, s7;
	v27 =	vpop (erf);
	v17 =	vsub.f32 $0.0e+00, v17;
	(erf) = vpow2.f32 v24;
	v24 =	vld [tilespmem:s20+$0xFFFFFF30]  }
0x533: {  	s5 =	sadd.s32 s17, s2;
	v28 =	vld [tilespmem:s13+$0xFFFFFF60];
	v62 =	vpop (erf)  }
0x534: {  	v40 =	vld [tilespmem:s5+$0x0];
	v31 =	vpop (erf);
	v17 =	vmul.f32 $1.442695020e+00, v17  }
0x535: {  	s17 =	simm.s32 $0x9400;
	v42 =	vld [tilespmem:s8+$0xFFFFFF00];
	v39 =	vpop (erf)  }
0x536: {  	s9 =	sor.u32 $0x420, s19;
	v34 =	vadd.f32 $1.000000000e+00, v39;
	(erf) = vpow2.f32 v17;
	v17 =	vld [tilespmem:s17+$0x80]  }
0x537: {  	v13 =	vld [tilespmem:s9+$0x2B00];
	s9 =	simm.s32 $0x400;
	v24 =	vadd.f32 v24, v30  }
0x538: {  	s12 =	simm.s32 $0x500;
	v44 =	vld [tilespmem:s8+$0xFFFFFF80];
	s4 =	sand.u32 $0x200, s9;
	v28 =	vadd.f32 v28, v29;
	(erf) = vrcp.f32 v34  }
0x539: {  	v45 =	vld [tilespmem:s17+$0xFFFFFF00];
	s24 =	sadd.s32 s4, s2;
	s4 =	sand.u32 $0x300, s12;
	v30 =	vadd.f32 v63, v40;
	v16 =	vadd.f32 v16, v24  }
0x53a: {  	s10 =	simm.s32 $0x480;
	s31 =	sadd.s32 s4, s2;
	v31 =	vadd.f32 $1.000000000e+00, v31;
	v29 =	vld [tilespmem:s24+$0x0];
	v8 =	vadd.f32 v8, v28  }
0x53b: {  	s9 =	sand.u32 $0x280, s10;
	v28 =	vld [tilespmem:s31+$0x0];
	v43 =	vpop (erf);
	v16 =	vsub.f32 $0.0e+00, v16;
	v17 =	vadd.f32 v17, v30  }
0x53c: {  	s10 =	simm.s32 $0x4;
	s9 =	sadd.s32 s9, s2;
	(erf) = vrcp.f32 v31;
	v31 =	vld [tilespmem:s8+$0x0];
	v8 =	vsub.f32 $0.0e+00, v8;
	v30 =	vadd.f32 $1.000000000e+00, v43  }
0x53d: {  	s2 =	sand.u32 $0x3, s10;
	v24 =	vld [tilespmem:s9+$0x0];
	v16 =	vmul.f32 $1.442695020e+00, v16;
	v17 =	vsub.f32 $0.0e+00, v17  }
0x53e: {  	p1 =	por !p1, !p1;
	s4 =	simm.s32 $0x1;
	s2 =	sshll.u32 s2, $0x8;
	v8 =	vmul.f32 $1.442695020e+00, v8;
	(erf) = vrcp.f32 v30  }
0x53f: {  	s4 =	simm.s32 @!p1 $0x0;
	s2 =	sadd.s32 $0x800, s2;
	v29 =	vadd.f32 v42, v29;
	(erf) = vpow2.f32 v16;
	v16 =	vld [tilespmem:s17+$0x0];
	v17 =	vmul.f32 $1.442695020e+00, v17  }
0x540: {  	s12 =	sor.u32 $0x430, s25;
	s4 =	sshll.u32 s4, $0x9;
	s10 =	sadd.s32 $0x100, s2;
	v30 =	vld [tilespmem:s17+$0xFFFFFF80];
	v46 =	vpop (erf);
	(erf) = vpow2.f32 v8  }
0x541: {  	v38 =	vld [tilespmem:s12+$0x2B00];
	s12 =	sadd.s32 $0x800, s4;
	s4 =	sor.u32 $0x400, s10;
	v28 =	vadd.f32 v31, v28;
	v47 =	vpop (erf);
	(erf) = vpow2.f32 v17;
	v17 =	vadd.f32 v45, v29  }
0x542: {  	v48 =	vld [tilespmem:s4+$0x2B00];
	s4 =	simm.s32 $0x8;
	v8 =	vadd.f32 v44, v24;
	v49 =	vadd.f32 $1.000000000e+00, v46;
	v24 =	vmul.f32 v47, v41  }
0x543: {  	v6 =	vld [tilespmem:s11+$0xFFFFFF70];
	[dreg:$0x6] =	wrdreg s4;
	v17 =	vsub.f32 $0.0e+00, v17  }
0x544: {  	(erf) = vrcp.f32 v49;
	[tilespmem:s18+$0xE0] =	vst v24;
	v16 =	vadd.f32 v16, v28  }
0x545: {  	s30 =	simm.s32 $0x8;
	v8 =	vadd.f32 v30, v8;
	v24 =	vld [tilespmem:s3+$0x70];
	v17 =	vmul.f32 $1.442695020e+00, v17  }
0x546: {  	s2 =	sor.u32 $0x400, s12;
	s4 =	sand.u32 $0x7, s30;
	v32 =	vpop (erf);
	v28 =	vld [tilespmem:s13+$0xF0];
	v16 =	vsub.f32 $0.0e+00, v16  }
0x547: {  	v50 =	vld [tilespmem:s2+$0x2B00];
	s4 =	sshll.u32 s4, $0x7;
	v8 =	vsub.f32 $0.0e+00, v8;
	v31 =	vpop (erf);
	(erf) = vpow2.f32 v17  }
0x548: {  	s2 =	sadd.s32 $0x800, s4;
	s4 =	sor.u32 $0x430, s29;
	v30 =	vld [tilespmem:s18+$0xF0];
	v17 =	vmul.f32 v27, v9;
	v27 =	vpop (erf);
	v16 =	vmul.f32 $1.442695020e+00, v16  }
0x549: {  	v29 =	vld [tilespmem:s4+$0x2B00];
	v8 =	vmul.f32 $1.442695020e+00, v8;
	v27 =	vadd.f32 $1.000000000e+00, v27;
	_ =	sdelay $0x1  }
0x54a: {  	v13 =	vmul.f32 v62, v13;
	v53 =	vld [tilespmem:s17+$0xFFFFFF10];
	v39 =	vpop (erf);
	(erf) = vpow2.f32 v8;
	[tilespmem:s11+$0xFFFFFFA0] =	vst v17;
	v24 =	vadd.f32 v28, v24  }
0x54b: {  	v17 =	vadd.f32 $1.000000000e+00, v39;
	(erf) = vpow2.f32 v16;
	v28 =	vld [tilespmem:s15+$0x30];
	v16 =	vpop (erf)  }
0x54c: {  	[tilespmem:s11+$0x20] =	vst v13;
	v13 =	vld [tilespmem:s20+$0xFFFFFFB0];
	(erf) = vrcp.f32 v27;
	v24 =	vadd.f32 v30, v24;
	v16 =	vadd.f32 $1.000000000e+00, v16;
	v27 =	vpop (erf)  }
0x54d: {  	(erf) = vrcp.f32 v17;
	v17 =	vmul.f32 v27, v29;
	v27 =	vld [tilespmem:s20+$0x30]  }
0x54e: {  	v24 =	vsub.f32 $0.0e+00, v24;
	(erf) = vrcp.f32 v16;
	v16 =	vld [tilespmem:s14+$0x30]  }
0x54f: {  	v40 =	vld [tilespmem:s17+$0xFFFFFF90];
	[tilespmem:s11+$0xB0] =	vst v17  }
0x550: {  	v24 =	vmul.f32 $1.442695020e+00, v24;
	v29 =	vpop (erf);
	v17 =	vld [tilespmem:s22+$0x40]  }
0x551: {  	s28 =	sadd.s32 $0x180, s2;
	v54 =	vld [tilespmem:s20+$0xC0];
	v29 =	vadd.f32 $1.000000000e+00, v29  }
0x552: {  	v42 =	vld [tilespmem:s11+$0xC0];
	s4 =	sor.u32 $0x400, s28;
	v13 =	vadd.f32 v13, v28;
	(erf) = vpow2.f32 v24  }
0x553: {  	v51 =	vld [tilespmem:s4+$0x2B00];
	v41 =	vpop (erf);
	(erf) = vrcp.f32 v29;
	v16 =	vadd.f32 v27, v16  }
0x554: {  	v43 =	vld [tilespmem:s17+$0x10];
	s30 =	sadd.s32 $0x80, s2;
	v10 =	vadd.f32 v10, v13;
	v24 =	vpop (erf)  }
0x555: {  	v58 =	vld [tilespmem:s17+$0x90];
	s2 =	sor.u32 $0x400, s30;
	v41 =	vadd.f32 $1.000000000e+00, v41;
	v27 =	vpop (erf)  }
0x556: {  	v52 =	vld [tilespmem:s2+$0x2B00];
	v10 =	vsub.f32 $0.0e+00, v10;
	v29 =	vpop (erf);
	v13 =	vadd.f32 v54, v17  }
0x557: {  	v9 =	vld [tilespmem:s11+$0xFFFFFFF0];
	v55 =	vadd.f32 $1.000000000e+00, v24;
	v11 =	vadd.f32 v11, v16;
	v16 =	vpop (erf)  }
0x558: {  	v8 =	vld [tilespmem:s11+$0x70];
	v17 =	vmul.f32 v27, v38;
	v13 =	vadd.f32 v42, v13;
	v16 =	vmul.f32 v16, v51  }
0x559: {  	v30 =	vld [tilespmem:s17+$0xFFFFFF20];
	(erf) = vrcp.f32 v41;
	v10 =	vmul.f32 $1.442695020e+00, v10;
	v11 =	vsub.f32 $0.0e+00, v11  }
0x55a: {  	v28 =	vld [tilespmem:s17+$0xFFFFFFA0];
	(erf) = vrcp.f32 v55;
	[tilespmem:s11+$0xFFFFFF30] =	vst v17;
	v13 =	vsub.f32 $0.0e+00, v13  }
0x55b: {  	(erf) = vpow2.f32 v10;
	v56 =	vld [tilespmem:s16+$0x40];
	v11 =	vmul.f32 $1.442695020e+00, v11;
	[tilespmem:s17+$0x80] =	vst v16;
	v57 =	vpop (erf)  }
0x55c: {  	v17 =	vld [tilespmem:s5+$0x10];
	v13 =	vmul.f32 $1.442695020e+00, v13;
	v16 =	vpop (erf)  }
0x55d: {  	v10 =	vld [tilespmem:s8+$0x90];
	(erf) = vpow2.f32 v11;
	v36 =	vmul.f32 v16, v50  }
0x55e: {  	v11 =	vld [tilespmem:s20+$0xFFFFFF40]  }
0x55f: {  	v24 =	vld [tilespmem:s17+$0xFFFFFF30];
	(erf) = vpow2.f32 v13;
	[tilespmem:s17+$0xFFFFFF00] =	vst v36  }
0x560: {  	v36 =	vld [tilespmem:s24+$0x10]  }
0x561: {  	v59 =	vld [tilespmem:s8+$0xFFFFFF10]  }
0x562: {  	v27 =	vld [tilespmem:s17+$0x20];
	v41 =	vpop (erf);
	v10 =	vadd.f32 v10, v17  }
0x563: {  	v13 =	vld [tilespmem:s17+$0xFFFFFF40];
	v37 =	vmul.f32 v41, v52;
	v60 =	vpop (erf);
	v35 =	vadd.f32 v11, v56  }
0x564: {  	s4 =	sor.u32 $0x430, s26;
	v38 =	vadd.f32 $1.000000000e+00, v57;
	v16 =	vld [tilespmem:s17+$0xFFFFFFB0];
	v61 =	vpop (erf);
	v39 =	vadd.f32 v58, v10  }
0x565: {  	v50 =	vld [tilespmem:s4+$0x2B00];
	[tilespmem:s17+$0xFFFFFF80] =	vst v37;
	v25 =	vadd.f32 v25, v35;
	v35 =	vadd.f32 $1.000000000e+00, v61  }
0x566: {  	(erf) = vrcp.f32 v38;
	v37 =	vld [tilespmem:s9+$0x10];
	v39 =	vsub.f32 $0.0e+00, v39;
	v62 =	vpop (erf);
	v36 =	vadd.f32 v59, v36  }
0x567: {  	s3 =	smov.u32 s24;
	v34 =	vmul.f32 v60, v48;
	s24 =	sor.u32 $0x450, s23;
	v63 =	vld [tilespmem:s8+$0xFFFFFF90];
	v25 =	vsub.f32 $0.0e+00, v25;
	v45 =	vadd.f32 $1.000000000e+00, v62  }
0x568: {  	v49 =	vld [tilespmem:s24+$0x2B00];
	(erf) = vrcp.f32 v35;
	v39 =	vmul.f32 $1.442695020e+00, v39;
	v47 =	vpop (erf);
	v33 =	vadd.f32 v53, v36  }
0x569: {  	v17 =	vld [tilespmem:s17+$0x30];
	v35 =	vadd.f32 $1.000000000e+00, v47;
	(erf) = vrcp.f32 v45  }
0x56a: {  	v11 =	vld [tilespmem:s17+$0xFFFFFFC0];
	[tilespmem:s17+$0x0] =	vst v34;
	v25 =	vmul.f32 $1.442695020e+00, v25;
	(erf) = vpow2.f32 v39;
	v33 =	vsub.f32 $0.0e+00, v33  }
0x56b: {  	v46 =	vld [tilespmem:s31+$0x10];
	(erf) = vrcp.f32 v35  }
0x56c: {  	s24 =	sor.u32 $0x430, s19;
	v48 =	vld [tilespmem:s8+$0x10];
	(erf) = vpow2.f32 v25;
	v25 =	vmul.f32 $1.442695020e+00, v33  }
0x56d: {  	s4 =	sor.u32 $0x440, s29;
	v52 =	vld [tilespmem:s24+$0x2B00];
	v34 =	vadd.f32 v63, v37;
	v32 =	vmul.f32 v32, v49  }
0x56e: {  	(erf) = vpow2.f32 v25;
	v25 =	vld [tilespmem:s4+$0x2B00];
	s4 =	sld [smem:$0x7BD]  }
0x56f: {  	v10 =	vld [tilespmem:s17+$0x40];
	v34 =	vadd.f32 v40, v34;
	[tilespmem:s18+$0xFFFFFFD0] =	vst v32  }
0x570: {  	v33 =	vpop (erf);
	v58 =	vld [tilespmem:s6+$0x60]  }
0x571: {  	v51 =	vadd.f32 v48, v46;
	v34 =	vsub.f32 $0.0e+00, v34;
	v55 =	vpop (erf);
	v60 =	vld [tilespmem:s13+$0xFFFFFFE0];
	s24 =	sor.u32 $0x450, s4  }
0x572: {  	v35 =	vmul.f32 v55, v50;
	v57 =	vpop (erf);
	v54 =	vld [tilespmem:s24+$0x2B00]  }
0x573: {  	v53 =	vadd.f32 v43, v51;
	v34 =	vmul.f32 $1.442695020e+00, v34;
	s24 =	sor.u32 $0x410, s28;
	v59 =	vpop (erf);
	v36 =	vmul.f32 v57, v52;
	v52 =	vld [tilespmem:s11+$0xD0]  }
0x574: {  	[tilespmem:s11+$0xFFFFFFB0] =	vst v35;
	v40 =	vld [tilespmem:s24+$0x2B00];
	v41 =	vadd.f32 $1.000000000e+00, v59  }
0x575: {  	v56 =	vsub.f32 $0.0e+00, v53;
	(erf) = vpow2.f32 v34;
	v62 =	vld [tilespmem:s15+$0x40]  }
0x576: {  	s2 =	sor.u32 $0x410, s12;
	v61 =	vpop (erf);
	v63 =	vld [tilespmem:s20+$0xFFFFFFC0];
	(erf) = vrcp.f32 v41  }
0x577: {  	v32 =	vmul.f32 $1.442695020e+00, v56;
	v59 =	vld [tilespmem:s2+$0x2B00];
	v25 =	vmul.f32 v61, v25;
	[tilespmem:s11+$0x30] =	vst v36;
	v45 =	vpop (erf)  }
0x578: {  	v46 =	vadd.f32 $1.000000000e+00, v45;
	v47 =	vld [tilespmem:s14+$0x40]  }
0x579: {  	v53 =	vld [tilespmem:s20+$0x40];
	(erf) = vpow2.f32 v32;
	[tilespmem:s11+$0xC0] =	vst v25  }
0x57a: {  	v25 =	vld [tilespmem:s22+$0x50];
	v48 =	vpop (erf);
	(erf) = vrcp.f32 v46;
	v31 =	vmul.f32 v31, v54  }
0x57b: {  	s24 =	sor.u32 $0x440, s25;
	v51 =	vadd.f32 v60, v58;
	v49 =	vld [tilespmem:s20+$0xD0];
	v50 =	vadd.f32 $1.000000000e+00, v48  }
0x57c: {  	v54 =	vld [tilespmem:s24+$0x2B00];
	v34 =	vadd.f32 v63, v62;
	[tilespmem:s18+$0x50] =	vst v31  }
0x57d: {  	s1 =	sor.u32 $0x470, s1;
	v14 =	vadd.f32 v14, v51;
	(erf) = vrcp.f32 v50;
	s24 =	sld [smem:$0x7BE];
	v56 =	vld [tilespmem:s13+$0x60]  }
0x57e: {  	v15 =	vadd.f32 v15, v34;
	v55 =	vpop (erf);
	v34 =	vld [tilespmem:s1+$0x2B00]  }
0x57f: {  	v14 =	vsub.f32 $0.0e+00, v14;
	v35 =	vadd.f32 v53, v47;
	v47 =	vld [tilespmem:s17+$0xA0];
	v57 =	vpop (erf)  }
0x580: {  	s2 =	sor.u32 $0x410, s30;
	v37 =	vadd.f32 $1.000000000e+00, v55;
	v25 =	vadd.f32 v49, v25;
	v31 =	vld [tilespmem:s24+$0x60];
	v40 =	vmul.f32 v57, v40  }
0x581: {  	v14 =	vmul.f32 $1.442695020e+00, v14;
	v50 =	vld [tilespmem:s2+$0x2B00];
	s2 =	sor.u32 $0x410, s10  }
0x582: {  	v51 =	vld [tilespmem:s2+$0x2B00];
	(erf) = vrcp.f32 v37;
	v38 =	vadd.f32 v52, v25;
	v60 =	vpop (erf);
	[tilespmem:s17+$0x90] =	vst v40  }
0x583: {  	v58 =	vsub.f32 $0.0e+00, v15;
	v18 =	vadd.f32 v18, v35;
	(erf) = vpow2.f32 v14;
	v63 =	vpop (erf);
	v14 =	vld [tilespmem:s5+$0x20]  }
0x584: {  	s2 =	sor.u32 $0x440, s26;
	v61 =	vadd.f32 $1.000000000e+00, v60;
	v38 =	vsub.f32 $0.0e+00, v38;
	v32 =	vmul.f32 v63, v54;
	v44 =	vld [tilespmem:s8+$0xA0]  }
0x585: {  	v53 =	vld [tilespmem:s2+$0x2B00];
	s2 =	sor.u32 $0x440, s19;
	v62 =	vmul.f32 $1.442695020e+00, v58;
	v31 =	vadd.f32 v56, v31  }
0x586: {  	v41 =	vld [tilespmem:s2+$0x2B00];
	v18 =	vsub.f32 $0.0e+00, v18;
	(erf) = vrcp.f32 v61;
	v45 =	vmul.f32 $1.442695020e+00, v38;
	v46 =	vpop (erf);
	[tilespmem:s11+$0xFFFFFF40] =	vst v32  }
0x587: {  	(erf) = vpow2.f32 v62;
	v12 =	vadd.f32 v12, v31;
	v31 =	vmul.f32 v46, v59;
	v48 =	vld [tilespmem:s16+$0x50]  }
0x588: {  	s2 =	sor.u32 $0x460, s0;
	v18 =	vmul.f32 $1.442695020e+00, v18;
	v49 =	vld [tilespmem:s20+$0xFFFFFF50]  }
0x589: {  	v55 =	vld [tilespmem:s2+$0x2B00];
	(erf) = vpow2.f32 v45;
	v12 =	vsub.f32 $0.0e+00, v12;
	[tilespmem:s17+$0xFFFFFF10] =	vst v31;
	v14 =	vadd.f32 v44, v14  }
0x58a: {  	(erf) = vpow2.f32 v18;
	v18 =	vld [tilespmem:s3+$0x20]  }
0x58b: {  	v31 =	vld [tilespmem:s8+$0xFFFFFF20];
	v12 =	vmul.f32 $1.442695020e+00, v12  }
0x58c: {  	v15 =	vld [tilespmem:s17+$0xFFFFFF50];
	v52 =	vpop (erf)  }
0x58d: {  	v25 =	vld [tilespmem:s17+$0xFFFFFF60];
	s2 =	sor.u32 $0x450, s25;
	v37 =	vadd.f32 v49, v48;
	(erf) = vpow2.f32 v12;
	v12 =	vadd.f32 v47, v14;
	v14 =	vpop (erf)  }
0x58e: {  	v29 =	vmul.f32 v29, v55;
	v36 =	vld [tilespmem:s2+$0x2B00];
	s2 =	sor.u32 $0x420, s12;
	v14 =	vadd.f32 $1.000000000e+00, v14  }
0x58f: {  	v35 =	vld [tilespmem:s2+$0x2B00];
	v37 =	vadd.f32 v20, v37;
	v54 =	vpop (erf)  }
0x590: {  	[tilespmem:s18+$0xFFFFFF60] =	vst v29;
	v20 =	vld [tilespmem:s17+$0xFFFFFFD0];
	v12 =	vsub.f32 $0.0e+00, v12;
	v18 =	vadd.f32 v31, v18;
	v31 =	vmul.f32 v52, v50;
	v56 =	vpop (erf)  }
0x591: {  	v32 =	vmul.f32 v54, v51;
	v54 =	vld [tilespmem:s13+$0xFFFFFF70];
	v57 =	vadd.f32 $1.000000000e+00, v56  }
0x592: {  	(erf) = vrcp.f32 v14;
	v12 =	vmul.f32 $1.442695020e+00, v12;
	v30 =	vadd.f32 v30, v18;
	v18 =	vld [tilespmem:s17+$0x50];
	[tilespmem:s17+$0xFFFFFF90] =	vst v31;
	v14 =	vpop (erf)  }
0x593: {  	v37 =	vsub.f32 $0.0e+00, v37;
	v60 =	vld [tilespmem:s9+$0x20];
	(erf) = vrcp.f32 v57;
	v58 =	vadd.f32 $1.000000000e+00, v14;
	v14 =	vpop (erf)  }
0x594: {  	v61 =	vld [tilespmem:s8+$0xFFFFFFA0];
	[tilespmem:s17+$0x10] =	vst v32;
	v30 =	vsub.f32 $0.0e+00, v30;
	(erf) = vpow2.f32 v12;
	v59 =	vadd.f32 $1.000000000e+00, v14  }
0x595: {  	v37 =	vmul.f32 $1.442695020e+00, v37;
	v62 =	vld [tilespmem:s31+$0x20];
	(erf) = vrcp.f32 v58  }
0x596: {  	v44 =	vld [tilespmem:s8+$0x20];
	v30 =	vmul.f32 $1.442695020e+00, v30;
	(erf) = vrcp.f32 v59  }
0x597: {  	s2 =	sor.u32 $0x460, s23;
	v12 =	vld [tilespmem:s17+$0x60];
	v31 =	vpop (erf);
	(erf) = vpow2.f32 v37  }
0x598: {  	v31 =	vadd.f32 $1.000000000e+00, v31;
	(erf) = vpow2.f32 v30;
	v30 =	vld [tilespmem:s2+$0x2B00];
	s2 =	sor.u32 $0x420, s30  }
0x599: {  	v32 =	vld [tilespmem:s2+$0x2B00];
	s2 =	sor.u32 $0x420, s10  }
0x59a: {  	v37 =	vadd.f32 v61, v60;
	(erf) = vrcp.f32 v31;
	v31 =	vld [tilespmem:s2+$0x2B00];
	s2 =	sor.u32 $0x460, s4  }
0x59b: {  	v45 =	vld [tilespmem:s2+$0x2B00];
	s2 =	sld [smem:$0x7BF]  }
0x59c: {  	v14 =	vld [tilespmem:s17+$0xFFFFFFE0];
	v39 =	vadd.f32 v44, v62;
	v63 =	vpop (erf);
	v28 =	vadd.f32 v28, v37  }
0x59d: {  	v60 =	vld [tilespmem:s11+$0xE0];
	v29 =	vmul.f32 v63, v30  }
0x59e: {  	v27 =	vadd.f32 v27, v39;
	v48 =	vpop (erf);
	v28 =	vsub.f32 $0.0e+00, v28;
	v46 =	vld [tilespmem:s2+$0x70];
	s2 =	sor.u32 $0x450, s29  }
0x59f: {  	v49 =	vpop (erf);
	v51 =	vld [tilespmem:s2+$0x2B00];
	[tilespmem:s18+$0xFFFFFFE0] =	vst v29  }
0x5a0: {  	v27 =	vsub.f32 $0.0e+00, v27;
	v28 =	vmul.f32 $1.442695020e+00, v28;
	v50 =	vpop (erf);
	v29 =	vmul.f32 v48, v53;
	v47 =	vld [tilespmem:s6+$0x70]  }
0x5a1: {  	v38 =	vadd.f32 $1.000000000e+00, v49;
	v30 =	vpop (erf);
	s6 =	sor.u32 $0x420, s28;
	v57 =	vld [tilespmem:s13+$0xFFFFFFF0]  }
0x5a2: {  	v27 =	vmul.f32 $1.442695020e+00, v27;
	(erf) = vpow2.f32 v28;
	v52 =	vpop (erf);
	v56 =	vld [tilespmem:s6+$0x2B00];
	[tilespmem:s11+$0xFFFFFFC0] =	vst v29  }
0x5a3: {  	v55 =	vmul.f32 v30, v41;
	(erf) = vrcp.f32 v38;
	v53 =	vpop (erf);
	v58 =	vld [tilespmem:s15+$0x50]  }
0x5a4: {  	s2 =	sor.u32 $0x450, s26;
	(erf) = vpow2.f32 v27;
	v30 =	vpop (erf);
	v27 =	vld [tilespmem:s20+$0xFFFFFFD0]  }
0x5a5: {  	s6 =	sor.u32 $0x450, s19;
	[tilespmem:s11+$0x40] =	vst v55;
	v45 =	vmul.f32 v30, v45;
	v30 =	vld [tilespmem:s2+$0x2B00];
	v37 =	vmul.f32 v50, v51  }
0x5a6: {  	v29 =	vld [tilespmem:s6+$0x2B00];
	v28 =	vadd.f32 v54, v46  }
0x5a7: {  	v61 =	vld [tilespmem:s14+$0x50];
	[tilespmem:s11+$0xD0] =	vst v37  }
0x5a8: {  	v21 =	vadd.f32 v21, v28;
	v37 =	vld [tilespmem:s22+$0x60]  }
0x5a9: {  	v28 =	vadd.f32 $1.000000000e+00, v52;
	v59 =	vld [tilespmem:s20+$0xE0]  }
0x5aa: {  	v40 =	vadd.f32 $1.000000000e+00, v53;
	v63 =	vld [tilespmem:s20+$0x50];
	[tilespmem:s18+$0x60] =	vst v45;
	v21 =	vsub.f32 $0.0e+00, v21  }
0x5ab: {  	v39 =	vld [tilespmem:s24+$0x70];
	(erf) = vrcp.f32 v28;
	v28 =	vadd.f32 v57, v47;
	v27 =	vadd.f32 v27, v58  }
0x5ac: {  	s0 =	sor.u32 $0x470, s0;
	v44 =	vld [tilespmem:s13+$0x70];
	v62 =	vpop (erf);
	v21 =	vmul.f32 $1.442695020e+00, v21  }
0x5ad: {  	s2 =	sor.u32 $0x470, s23;
	s23 =	sor.u32 $0x460, s25;
	(erf) = vrcp.f32 v40;
	v19 =	vadd.f32 v19, v28;
	v28 =	vld [tilespmem:s0+$0x2B00];
	v48 =	vpop (erf);
	v49 =	vadd.f32 v26, v27  }
0x5ae: {  	s13 =	sor.u32 $0x470, s4;
	s24 =	sor.u32 $0x460, s19;
	v27 =	vld [tilespmem:s2+$0x2B00];
	[dreg:$0x11] =	wrdreg s23;
	(erf) = vpow2.f32 v21;
	v21 =	vadd.f32 v59, v37;
	v37 =	vmul.f32 v48, v56  }
0x5af: {  	v26 =	vld [tilespmem:s13+$0x2B00];
	[dreg:$0xe] =	wrdreg s24  }
0x5b0: {  	s6 =	smov.u32 s9;
	s2 =	sor.u32 $0x470, s25;
	s25 =	sor.u32 $0x460, s26;
	[tilespmem:s17+$0xA0] =	vst v37  }
0x5b1: {  	s9 =	smov.u32 s5;
	s4 =	sor.u32 $0x440, s12;
	v50 =	vsub.f32 $0.0e+00, v19;
	v19 =	vld [tilespmem:s17+$0xFFFFFF70];
	[dreg:$0x13] =	wrdreg s25  }
0x5b2: {  	s23 =	sor.u32 $0x430, s12;
	v55 =	vld [tilespmem:s5+$0x30];
	[dreg:$0x18] =	wrdreg s4;
	s5 =	sor.u32 $0x450, s12  }
0x5b3: {  	v40 =	vadd.f32 $1.000000000e+00, v62;
	v21 =	vadd.f32 v60, v21;
	s4 =	sor.u32 $0x470, s12;
	[dreg:$0xd] =	wrdreg s5;
	s5 =	sor.u32 $0x470, s26  }
0x5b4: {  	v51 =	vpop (erf);
	s26 =	smov.u32 s31;
	s31 =	sor.u32 $0x460, s12;
	s12 =	sor.u32 $0x430, s10;
	v58 =	vld [tilespmem:s8+$0xB0]  }
0x5b5: {  	v54 =	vadd.f32 v63, v61;
	s13 =	sor.u32 $0x440, s10;
	(erf) = vrcp.f32 v40;
	v56 =	vsub.f32 $0.0e+00, v21;
	v59 =	vpop (erf);
	v21 =	vld [tilespmem:s17+$0xFFFFFFF0];
	[dreg:$0x1b] =	wrdreg s12  }
0x5b6: {  	s1 =	sor.u32 $0x470, s19;
	s19 =	sor.u32 $0x430, s30;
	v36 =	vmul.f32 v59, v36;
	[dreg:$0x15] =	wrdreg s13  }
0x5b7: {  	s24 =	sor.u32 $0x450, s10;
	v52 =	vsub.f32 $0.0e+00, v49;
	v60 =	vadd.f32 v22, v54;
	v22 =	vld [tilespmem:s17+$0x70];
	[dreg:$0x1d] =	wrdreg s19  }
0x5b8: {  	v34 =	vmul.f32 v33, v34;
	v40 =	vadd.f32 $1.000000000e+00, v51;
	s25 =	sor.u32 $0x460, s10;
	s12 =	sor.u32 $0x470, s10;
	s10 =	sor.u32 $0x440, s30;
	[tilespmem:s11+$0xFFFFFF50] =	vst v36  }
0x5b9: {  	v53 =	vmul.f32 $1.442695020e+00, v50;
	v57 =	vmul.f32 $1.442695020e+00, v52;
	v61 =	vpop (erf);
	s13 =	sor.u32 $0x450, s30;
	v33 =	vld [tilespmem:s17+$0xB0];
	[dreg:$0x19] =	wrdreg s10  }
0x5ba: {  	(erf) = vrcp.f32 v40;
	v35 =	vmul.f32 v61, v35;
	s19 =	sor.u32 $0x460, s30;
	[dreg:$0xb] =	wrdreg s13  }
0x5bb: {  	v39 =	vadd.f32 v44, v39;
	(erf) = vpow2.f32 v53;
	v37 =	vmul.f32 $1.442695020e+00, v56;
	[dreg:$0xa] =	wrdreg s19  }
0x5bc: {  	p1 =	por !p1, !p1;
	(erf) = vpow2.f32 v57;
	v62 =	vsub.f32 $0.0e+00, v60;
	[tilespmem:s18+$0xF0] =	vst v34  }
0x5bd: {  	s0 =	simm.s32 $0x6;
	v38 =	vadd.f32 v23, v39;
	v63 =	vpop (erf);
	(erf) = vpow2.f32 v37;
	s19 =	sor.u32 $0x470, s30;
	s13 =	simm.s32 $0x9400;
	v34 =	vld [tilespmem:s16+$0x60];
	[tilespmem:s17+$0xFFFFFF20] =	vst v35  }
0x5be: {  	v37 =	vmul.f32 $1.442695020e+00, v62;
	v36 =	vadd.f32 $1.000000000e+00, v63;
	s10 =	simm.s32 $0x8;
	s30 =	simm.s32 $0x6C00;
	v35 =	vpop (erf);
	v23 =	vld [tilespmem:s20+$0xFFFFFF60];
	v39 =	vadd.f32 v58, v55;
	[dreg:$0x8] =	wrdreg s13  }
.LBB2_10:
0x5bf: {  	[smem:$0x7A6] =	sst s14  }
0x5c0: {  	[smem:$0x7B0] =	sst s16  }
0x5c1: {  	[smem:$0x7B1] =	sst s24  }
0x5c2: {  	[smem:$0x7BB] =	sst s12;
	v40 =	vld [tilespmem:s3+$0x30]  }
0x5c3: {  	[smem:$0x7B4] =	sst s2;
	v63 =	vld [tilespmem:s8+$0xFFFFFF30];
	s21 =	sadd.s32 $0x400, s21;
	s8 =	sadd.s32 $0x200, s8;
	(erf) = vpow2.f32 v37;
	v42 =	vsub.f32 $0.0e+00, v38;
	v39 =	vadd.f32 v33, v39  }
0x5c4: {  	s12 =	sand.u32 $0x3, s0;
	v41 =	vmul.f32 v35, v32;
	s7 =	sadd.s32 $0x200, s7;
	s13 =	sand.u32 $0x3800, s21;
	v47 =	vld [tilespmem:s8+$0x80];
	v43 =	vpop (erf)  }
0x5c5: {  	s2 =	sshll.u32 s12, $0x8;
	s16 =	sand.u32 $0x380, s7;
	v51 =	vld [tilespmem:s8+$0xFFFFFF00];
	s14 =	sadd.s32 $0x2B00, s13;
	v44 =	vmul.f32 $1.442695020e+00, v42;
	v31 =	vmul.f32 v43, v31;
	v46 =	vpop (erf);
	v45 =	vsub.f32 $0.0e+00, v39  }
0x5c6: {  	s24 =	smov.u32 s3;
	(erf) = vrcp.f32 v36;
	s3 =	sadd.s32 s21, s2;
	v32 =	vld [tilespmem:s23+$0x2B00];
	[tilespmem:s17+$0xFFFFFFA0] =	vst v41;
	s2 =	sadd.s32 s16, s14;
	v48 =	vpop (erf);
	v37 =	vadd.f32 $1.000000000e+00, v46  }
0x5c7: {  	[smem:$0x7B8] =	sst s19;
	s19 =	sadd.s32 $0xFFFFFE80, s7;
	v23 =	vadd.f32 v23, v34;
	v49 =	vld [tilespmem:s2+$0x0];
	(erf) = vpow2.f32 v44;
	[tilespmem:s17+$0x20] =	vst v31;
	v31 =	vmul.f32 $1.442695020e+00, v45;
	v50 =	vpop (erf)  }
0x5c8: {  	[smem:$0x7B7] =	sst s5;
	s5 =	sand.u32 $0x200, s19;
	v33 =	vld [tilespmem:s6+$0x30];
	v38 =	vadd.f32 v63, v40;
	s17 =	sadd.s32 $0x200, s17;
	(erf) = vrcp.f32 v37;
	v35 =	vadd.f32 $1.000000000e+00, v50  }
0x5c9: {  	[smem:$0x7A7] =	sst s6;
	s13 =	sadd.s32 $0xFFFFFF80, s7;
	s6 =	sadd.s32 s5, s14;
	v23 =	vadd.f32 v7, v23;
	v52 =	vld [tilespmem:s17+$0x80];
	(erf) = vpow2.f32 v31  }
0x5ca: {  	[smem:$0x7AE] =	sst s25;
	s23 =	sadd.s32 $0xFFFFFF00, s7;
	s13 =	sand.u32 $0x300, s13;
	v7 =	vmov v25;
	v25 =	vld [tilespmem:s6+$0x0];
	v24 =	vadd.f32 v24, v38;
	(erf) = vrcp.f32 v35  }
0x5cb: {  	s25 =	sand.u32 $0x280, s23;
	v56 =	vld [tilespmem:s8+$0xFFFFFF80];
	s23 =	sadd.s32 s13, s14;
	s13 =	sadd.s32 $0x100, s3;
	v34 =	vadd.f32 $1.000000000e+00, v48;
	v23 =	vsub.f32 $0.0e+00, v23  }
0x5cc: {  	s5 =	sadd.s32 s25, s14;
	s25 =	sor.u32 $0x420, s13;
	v54 =	vld [tilespmem:s23+$0x0];
	v36 =	vadd.f32 v47, v49;
	v24 =	vsub.f32 $0.0e+00, v24;
	v53 =	vpop (erf)  }
0x5cd: {  	[smem:$0x7AD] =	sst s25;
	s25 =	sor.u32 $0x450, s13;
	v60 =	vld [tilespmem:s17+$0xFFFFFF00];
	v23 =	vmul.f32 $1.442695020e+00, v23;
	(erf) = vrcp.f32 v34;
	v34 =	vadd.f32 $1.000000000e+00, v53  }
0x5ce: {  	[smem:$0x7B2] =	sst s25;
	s25 =	sor.u32 $0x460, s29;
	v31 =	vld [tilespmem:s5+$0x0];
	v24 =	vmul.f32 $1.442695020e+00, v24;
	v36 =	vadd.f32 v52, v36  }
0x5cf: {  	v59 =	vld [tilespmem:s25+$0x2B00];
	v55 =	vpop (erf);
	v25 =	vadd.f32 v51, v25;
	(erf) = vrcp.f32 v34  }
0x5d0: {  	[smem:$0x7BA] =	sst s1;
	s1 =	simm.s32 $0x1;
	v58 =	vld [tilespmem:s8+$0x0];
	v57 =	vmul.f32 v55, v28;
	v28 =	vpop (erf);
	v61 =	vsub.f32 $0.0e+00, v36;
	(erf) = vpow2.f32 v24  }
0x5d1: {  	s1 =	simm.s32 @!p1 $0x0;
	v62 =	vld [tilespmem:s17+$0xFFFFFF80];
	v24 =	vadd.f32 $1.000000000e+00, v28;
	(erf) = vpow2.f32 v23;
	v23 =	vpop (erf)  }
0x5d2: {  	s1 =	sshll.u32 s1, $0x9;
	v63 =	vld [tilespmem:s17+$0x0];
	v47 =	vadd.f32 v60, v25;
	v28 =	vmul.f32 $1.442695020e+00, v61;
	v43 =	vpop (erf)  }
0x5d3: {  	s16 =	sadd.s32 s1, s21;
	v39 =	vadd.f32 v56, v31;
	v23 =	vmul.f32 v23, v27;
	(erf) = vrcp.f32 v24;
	v45 =	vpop (erf)  }
0x5d4: {  	[smem:$0x7A9] =	sst s31;
	s14 =	sor.u32 $0x420, s16;
	v44 =	vadd.f32 $1.000000000e+00, v43;
	(erf) = vpow2.f32 v28;
	v27 =	vmul.f32 v45, v59  }
0x5d5: {  	s12 =	sor.u32 $0x410, s13;
	[smem:$0x7AC] =	sst s14;
	v52 =	vld [tilespmem:s11+$0xF0];
	v24 =	vadd.f32 v58, v54;
	[tilespmem:s18+$0xFFFFFFF0] =	vst v23  }
0x5d6: {  	s14 =	sor.u32 $0x440, s13;
	[smem:$0x7A5] =	sst s12;
	v25 =	vld [tilespmem:s17+$0xFFFFFF90];
	v23 =	vadd.f32 v62, v39;
	v46 =	vpop (erf);
	(erf) = vrcp.f32 v44;
	[tilespmem:s11+$0xE0] =	vst v27;
	v27 =	vsub.f32 $0.0e+00, v47  }
0x5d7: {  	s3 =	sor.u32 $0x400, s16;
	s12 =	sor.u32 $0x430, s16;
	[smem:$0x7A8] =	sst s14;
	v24 =	vadd.f32 v63, v24;
	v48 =	vld [tilespmem:s22+$0x70]  }
0x5d8: {  	s19 =	sor.u32 $0x400, s13;
	s14 =	sor.u32 $0x450, s16;
	[smem:$0x7B3] =	sst s12;
	v37 =	vmul.f32 v46, v30;
	v23 =	vsub.f32 $0.0e+00, v23;
	v30 =	vpop (erf);
	v49 =	vld [tilespmem:s20+$0xF0];
	v27 =	vmul.f32 $1.442695020e+00, v27  }
0x5d9: {  	s1 =	sor.u32 $0x410, s16;
	s31 =	sor.u32 $0x440, s16;
	[smem:$0x7AB] =	sst s14;
	[tilespmem:s18+$0xFFFFFF70] =	vst v57;
	v31 =	vld [tilespmem:s19+$0x2B00];
	v24 =	vsub.f32 $0.0e+00, v24;
	v50 =	vpop (erf)  }
0x5da: {  	s14 =	sor.u32 $0x460, s16;
	s25 =	sor.u32 $0x470, s16;
	s16 =	sor.u32 $0x430, s28;
	v34 =	vld [tilespmem:s3+$0x2B00];
	v23 =	vmul.f32 $1.442695020e+00, v23;
	v54 =	vpop (erf);
	(erf) = vpow2.f32 v27  }
0x5db: {  	[smem:$0x7AA] =	sst s14;
	s14 =	sor.u32 $0x460, s13;
	v51 =	vmul.f32 v30, v29;
	v53 =	vld [tilespmem:s16+$0x2B00];
	v55 =	vmul.f32 $1.442695020e+00, v24  }
0x5dc: {  	[smem:$0x7AF] =	sst s14;
	v28 =	vld [tilespmem:s17+$0xFFFFFF10];
	[tilespmem:s11+$0xFFFFFFD0] =	vst v37;
	v37 =	vadd.f32 $1.000000000e+00, v50;
	v40 =	vadd.f32 $1.000000000e+00, v54;
	v29 =	vpop (erf);
	(erf) = vpow2.f32 v23  }
0x5dd: {  	[smem:$0x7B6] =	sst s25;
	v30 =	vld [tilespmem:s17+$0x10];
	v29 =	vmul.f32 v29, v26;
	(erf) = vpow2.f32 v55;
	v24 =	vpop (erf);
	v35 =	vadd.f32 v49, v48  }
0x5de: {  	s12 =	smov.u32 s2;
	s14 =	sor.u32 $0x470, s13;
	s25 =	rddreg [dreg:$0x6];
	[tilespmem:s11+$0x50] =	vst v51;
	v27 =	vld [tilespmem:s17+$0xFFFFFF20];
	v24 =	vadd.f32 $1.000000000e+00, v24;
	(erf) = vrcp.f32 v37  }
0x5df: {  	[smem:$0x7BC] =	sst s14;
	s14 =	smov.u32 s15;
	s15 =	smov.u32 s29;
	v56 =	vpop (erf);
	[tilespmem:s18+$0x70] =	vst v29;
	v29 =	vld [tilespmem:s30+$0xFFFFFFB0];
	v35 =	vadd.f32 v52, v35;
	(erf) = vrcp.f32 v40  }
0x5e0: {  	s29 =	smov.u32 s11;
	s2 =	sadd.s32 $0x4, s25;
	s18 =	rddreg [dreg:$0x8];
	v36 =	vmul.f32 v56, v53;
	(erf) = vrcp.f32 v24;
	v24 =	vld [tilespmem:s26+$0x30]  }
0x5e1: {  	[dreg:$0x6] =	wrdreg s2;
	s2 =	sand.u32 $0x7, s2;
	s11 =	smov.u32 s18;
	v57 =	vld [tilespmem:s30+$0x30];
	v35 =	vsub.f32 $0.0e+00, v35  }
0x5e2: {  	s2 =	sshll.u32 s2, $0x7;
	s22 =	smov.u32 s9;
	v23 =	vld [tilespmem:s17+$0x20];
	[tilespmem:s11+$0xB0] =	vst v36  }
0x5e3: {  	[smem:$0x7B5] =	sst s4;
	s2 =	sadd.s32 s2, s21;
	v36 =	vld [tilespmem:s22+$0x40];
	v35 =	vmul.f32 $1.442695020e+00, v35;
	v59 =	vpop (erf)  }
0x5e4: {  	s19 =	smov.u32 s17;
	s3 =	sadd.s32 $0x180, s2;
	s9 =	smov.u32 s26;
	v58 =	vld [tilespmem:s30+$0xC0];
	v29 =	vadd.f32 v29, v33;
	v39 =	vadd.f32 $1.000000000e+00, v59  }
0x5e5: {  	[dreg:$0x8] =	wrdreg s19;
	s19 =	sor.u32 $0x400, s3;
	s26 =	sadd.s32 $0x80, s2;
	v60 =	vld [tilespmem:s11+$0xC0];
	v62 =	vpop (erf);
	(erf) = vpow2.f32 v35  }
0x5e6: {  	s4 =	sor.u32 $0x430, s13;
	s13 =	sor.u32 $0x400, s26;
	s2 =	sor.u32 $0x410, s26;
	v61 =	vld [tilespmem:s19+$0x2B00];
	v37 =	vadd.f32 v57, v24;
	v42 =	vpop (erf);
	v45 =	vadd.f32 v16, v29;
	(erf) = vrcp.f32 v39  }
0x5e7: {  	v26 =	vld [tilespmem:s17+$0xFFFFFFA0];
	s25 =	sor.u32 $0x420, s26;
	s18 =	sor.u32 $0x430, s26;
	s16 =	sor.u32 $0x440, s26;
	v41 =	vadd.f32 $1.000000000e+00, v62;
	v42 =	vadd.f32 $1.000000000e+00, v42  }
0x5e8: {  	v63 =	vld [tilespmem:s13+$0x2B00];
	s13 =	sor.u32 $0x450, s26;
	s19 =	sor.u32 $0x460, s26;
	s26 =	sor.u32 $0x470, s26;
	v43 =	vpop (erf);
	v37 =	vadd.f32 v17, v37;
	v39 =	vsub.f32 $0.0e+00, v45  }
0x5e9: {  	v54 =	vld [tilespmem:s17+$0x90];
	[smem:$0x7B9] =	sst s26;
	(erf) = vrcp.f32 v41;
	v36 =	vadd.f32 v58, v36;
	v29 =	vpop (erf);
	v32 =	vmul.f32 v43, v32  }
0x5ea: {  	s26 =	rddreg [dreg:$0x1d];
	v24 =	vld [tilespmem:s17+$0xFFFFFF30];
	(erf) = vrcp.f32 v42;
	v46 =	vpop (erf);
	v47 =	vmul.f32 $1.442695020e+00, v39  }
0x5eb: {  	v40 =	vld [tilespmem:s26+$0x2B00];
	v37 =	vsub.f32 $0.0e+00, v37;
	v38 =	vmul.f32 v46, v61;
	v33 =	vadd.f32 v60, v36  }
0x5ec: {  	v16 =	vld [tilespmem:s17+$0xFFFFFFB0];
	[tilespmem:s11+$0xFFFFFF30] =	vst v32;
	(erf) = vpow2.f32 v47  }
0x5ed: {  	v48 =	vld [tilespmem:s24+$0x40];
	v49 =	vmul.f32 $1.442695020e+00, v37;
	[tilespmem:s17+$0x80] =	vst v38;
	v33 =	vsub.f32 $0.0e+00, v33  }
0x5ee: {  	v50 =	vld [tilespmem:s12+$0x10];
	v52 =	vpop (erf)  }
0x5ef: {  	s26 =	smov.u32 s18;
	v51 =	vld [tilespmem:s8+$0x90];
	(erf) = vpow2.f32 v49;
	v33 =	vmul.f32 $1.442695020e+00, v33;
	v55 =	vpop (erf)  }
0x5f0: {  	[dreg:$0x1d] =	wrdreg s26;
	v53 =	vld [tilespmem:s30+$0xFFFFFF40];
	v56 =	vmul.f32 v55, v34  }
0x5f1: {  	s26 =	rddreg [dreg:$0x1b];
	v17 =	vld [tilespmem:s17+$0x30];
	v37 =	vadd.f32 $1.000000000e+00, v52;
	(erf) = vpow2.f32 v33  }
0x5f2: {  	v36 =	vld [tilespmem:s26+$0x2B00];
	v57 =	vpop (erf);
	[tilespmem:s17+$0xFFFFFF00] =	vst v56  }
0x5f3: {  	(erf) = vrcp.f32 v37;
	v35 =	vmul.f32 v57, v63;
	v58 =	vpop (erf);
	v33 =	vld [tilespmem:s6+$0x10]  }
0x5f4: {  	s26 =	smov.u32 s4;
	v32 =	vadd.f32 v51, v50;
	v31 =	vmul.f32 v58, v31;
	v59 =	vld [tilespmem:s8+$0xFFFFFF10]  }
0x5f5: {  	[dreg:$0x1b] =	wrdreg s26;
	v44 =	vld [tilespmem:s17+$0xFFFFFF40];
	s26 =	sor.u32 $0x470, s15;
	v39 =	vadd.f32 v53, v48;
	[tilespmem:s17+$0xFFFFFF80] =	vst v35;
	v61 =	vpop (erf)  }
0x5f6: {  	v62 =	vld [tilespmem:s26+$0x2B00];
	[tilespmem:s17+$0x0] =	vst v31;
	v31 =	vadd.f32 v54, v32;
	v45 =	vadd.f32 $1.000000000e+00, v61  }
0x5f7: {  	v63 =	vld [tilespmem:s5+$0x10]  }
0x5f8: {  	v60 =	vadd.f32 v13, v39;
	v48 =	vld [tilespmem:s8+$0xFFFFFF90];
	v47 =	vpop (erf);
	v31 =	vsub.f32 $0.0e+00, v31;
	(erf) = vrcp.f32 v45  }
0x5f9: {  	v49 =	vld [tilespmem:s23+$0x10];
	v42 =	vadd.f32 $1.000000000e+00, v47;
	v33 =	vadd.f32 v59, v33  }
0x5fa: {  	v32 =	vsub.f32 $0.0e+00, v60;
	v51 =	vld [tilespmem:s8+$0x10];
	v31 =	vmul.f32 $1.442695020e+00, v31;
	v50 =	vpop (erf)  }
0x5fb: {  	v38 =	vld [tilespmem:s17+$0xFFFFFFC0];
	(erf) = vrcp.f32 v42;
	v46 =	vadd.f32 $1.000000000e+00, v50;
	v28 =	vadd.f32 v28, v33  }
0x5fc: {  	v34 =	vld [tilespmem:s17+$0x40];
	v53 =	vmul.f32 $1.442695020e+00, v32;
	v52 =	vpop (erf);
	(erf) = vpow2.f32 v31  }
0x5fd: {  	s18 =	smov.u32 s29;
	s4 =	rddreg [dreg:$0x18];
	v35 =	vld [tilespmem:s1+$0x2B00];
	(erf) = vrcp.f32 v46;
	v28 =	vsub.f32 $0.0e+00, v28  }
0x5fe: {  	s29 =	smov.u32 s28;
	s28 =	smov.u32 s3;
	s3 =	sld [smem:$0x7A5];
	v41 =	vld [tilespmem:s4+$0x2B00];
	v54 =	vadd.f32 v48, v63;
	(erf) = vpow2.f32 v53  }
0x5ff: {  	v37 =	vld [tilespmem:s2+$0x2B00];
	v31 =	vmul.f32 v52, v62;
	v55 =	vadd.f32 v51, v49;
	v56 =	vmul.f32 $1.442695020e+00, v28  }
0x600: {  	v61 =	vld [tilespmem:s14+$0x60];
	v25 =	vadd.f32 v25, v54  }
0x601: {  	s26 =	sor.u32 $0x440, s29;
	v32 =	vld [tilespmem:s3+$0x2B00];
	[tilespmem:s18+$0xF0] =	vst v31;
	v30 =	vadd.f32 v30, v55;
	(erf) = vpow2.f32 v56;
	v58 =	vpop (erf)  }
0x602: {  	v25 =	vsub.f32 $0.0e+00, v25;
	v57 =	vld [tilespmem:s26+$0x2B00];
	s26 =	sld [smem:$0x7A7];
	v39 =	vmul.f32 v58, v40  }
0x603: {  	v63 =	vld [tilespmem:s20+$0xFFFFFFE0];
	v30 =	vsub.f32 $0.0e+00, v30  }
0x604: {  	v28 =	vld [tilespmem:s17+$0xFFFFFFD0];
	v59 =	vmul.f32 $1.442695020e+00, v25;
	v60 =	vpop (erf);
	[tilespmem:s11+$0xFFFFFFB0] =	vst v39  }
0x605: {  	v13 =	vmov v44;
	s4 =	sld [smem:$0x7A6];
	v30 =	vmul.f32 $1.442695020e+00, v30;
	v62 =	vpop (erf);
	v48 =	vld [tilespmem:s26+$0x40]  }
0x606: {  	v36 =	vmul.f32 v60, v36;
	(erf) = vpow2.f32 v59;
	v44 =	vadd.f32 $1.000000000e+00, v62;
	v25 =	vpop (erf);
	v49 =	vld [tilespmem:s30+$0xFFFFFFC0]  }
0x607: {  	v33 =	vld [tilespmem:s17+$0x50];
	v50 =	vpop (erf)  }
0x608: {  	v39 =	vld [tilespmem:s4+$0x60];
	[tilespmem:s11+$0x30] =	vst v36;
	v25 =	vmul.f32 v25, v57;
	(erf) = vrcp.f32 v44;
	v51 =	vadd.f32 $1.000000000e+00, v50  }
0x609: {  	v52 =	vld [tilespmem:s9+$0x40];
	(erf) = vpow2.f32 v30  }
0x60a: {  	v40 =	vadd.f32 v63, v61;
	v56 =	vld [tilespmem:s30+$0x40];
	[tilespmem:s11+$0xC0] =	vst v25;
	(erf) = vrcp.f32 v51;
	v30 =	vpop (erf)  }
0x60b: {  	v25 =	vld [tilespmem:s22+$0x50];
	v47 =	vadd.f32 $1.000000000e+00, v30;
	v30 =	vadd.f32 v49, v48  }
0x60c: {  	s1 =	sor.u32 $0x410, s28;
	v53 =	vld [tilespmem:s30+$0xD0]  }
0x60d: {  	v40 =	vadd.f32 v5, v40;
	v55 =	vld [tilespmem:s1+$0x2B00];
	v57 =	vadd.f32 v11, v30  }
0x60e: {  	v54 =	vld [tilespmem:s11+$0xD0];
	(erf) = vrcp.f32 v47  }
0x60f: {  	s3 =	rddreg [dreg:$0x19];
	v31 =	vld [tilespmem:s17+$0xFFFFFF50];
	v5 =	vmov v14;
	v40 =	vsub.f32 $0.0e+00, v40;
	v14 =	vpop (erf);
	v47 =	vsub.f32 $0.0e+00, v57  }
0x610: {  	v36 =	vld [tilespmem:s3+$0x2B00];
	v14 =	vadd.f32 $1.000000000e+00, v14  }
0x611: {  	s15 =	smov.u32 s31;
	v63 =	vld [tilespmem:s17+$0x60];
	v40 =	vmul.f32 $1.442695020e+00, v40;
	v42 =	vadd.f32 v56, v52;
	v58 =	vadd.f32 v53, v25;
	v59 =	vpop (erf)  }
0x612: {  	[dreg:$0x18] =	wrdreg s15;
	v48 =	vld [tilespmem:s20+$0x60];
	v11 =	vmov v38;
	(erf) = vrcp.f32 v14;
	v49 =	vmul.f32 v59, v55;
	v60 =	vpop (erf)  }
0x613: {  	s3 =	sld [smem:$0x7A8];
	v25 =	vld [tilespmem:s17+$0xFFFFFF60];
	v38 =	vadd.f32 v54, v58;
	v62 =	vmul.f32 $1.442695020e+00, v47;
	v61 =	vadd.f32 $1.000000000e+00, v60;
	v47 =	vpop (erf)  }
0x614: {  	s15 =	smov.u32 s16;
	s16 =	rddreg [dreg:$0x11];
	v53 =	vld [tilespmem:s17+$0xA0];
	[tilespmem:s17+$0x90] =	vst v49;
	(erf) = vpow2.f32 v40;
	v41 =	vmul.f32 v47, v41  }
0x615: {  	s2 =	rddreg [dreg:$0x15];
	v42 =	vadd.f32 v10, v42;
	v38 =	vsub.f32 $0.0e+00, v38;
	v49 =	vld [tilespmem:s12+$0x20];
	(erf) = vrcp.f32 v61  }
0x616: {  	[dreg:$0x19] =	wrdreg s15;
	s15 =	smov.u32 s3;
	v50 =	vld [tilespmem:s8+$0xA0];
	(erf) = vpow2.f32 v62;
	[tilespmem:s11+$0xFFFFFF40] =	vst v41  }
0x617: {  	[dreg:$0x15] =	wrdreg s15;
	v51 =	vsub.f32 $0.0e+00, v42;
	v39 =	vadd.f32 v48, v39;
	v38 =	vmul.f32 $1.442695020e+00, v38;
	v54 =	vpop (erf);
	v52 =	vld [tilespmem:s16+$0x2B00]  }
0x618: {  	s15 =	sld [smem:$0x7AA];
	v35 =	vmul.f32 v54, v35;
	v56 =	vld [tilespmem:s24+$0x50]  }
0x619: {  	s1 =	sld [smem:$0x7A9];
	v55 =	vadd.f32 v4, v39;
	(erf) = vpow2.f32 v38;
	v41 =	vmul.f32 $1.442695020e+00, v51;
	v57 =	vld [tilespmem:s30+$0xFFFFFF50]  }
0x61a: {  	v30 =	vld [tilespmem:s2+$0x2B00];
	v10 =	vmov v34;
	s16 =	rddreg [dreg:$0xd];
	[tilespmem:s17+$0xFFFFFF10] =	vst v35  }
0x61b: {  	s31 =	smov.u32 s15;
	s15 =	sld [smem:$0x7AC];
	v38 =	vsub.f32 $0.0e+00, v55;
	v34 =	vadd.f32 v50, v49;
	v58 =	vpop (erf);
	(erf) = vpow2.f32 v41;
	v35 =	vld [tilespmem:s16+$0x2B00]  }
0x61c: {  	v4 =	vmov v12;
	v59 =	vld [tilespmem:s6+$0x20];
	v60 =	vmul.f32 v58, v37  }
0x61d: {  	v12 =	vmov v63;
	v38 =	vmul.f32 $1.442695020e+00, v38;
	v61 =	vld [tilespmem:s8+$0xFFFFFF20];
	v43 =	vadd.f32 v53, v34;
	v62 =	vpop (erf)  }
0x61e: {  	s3 =	smov.u32 s1;
	s1 =	sld [smem:$0x7AB];
	v34 =	vld [tilespmem:s15+$0x2B00];
	v29 =	vmul.f32 v29, v52;
	[tilespmem:s17+$0xFFFFFF90] =	vst v60;
	v39 =	vadd.f32 v57, v56;
	v63 =	vpop (erf);
	v48 =	vadd.f32 $1.000000000e+00, v62  }
0x61f: {  	(erf) = vpow2.f32 v38;
	v49 =	vld [tilespmem:s5+$0x20];
	v43 =	vsub.f32 $0.0e+00, v43;
	v37 =	vmul.f32 v63, v32;
	v50 =	vpop (erf)  }
0x620: {  	[dreg:$0x11] =	wrdreg s3;
	[tilespmem:s18+$0xFFFFFF60] =	vst v29;
	v29 =	vld [tilespmem:s8+$0xFFFFFFA0];
	v51 =	vadd.f32 $1.000000000e+00, v50  }
0x621: {  	s2 =	rddreg [dreg:$0xa];
	s3 =	smov.u32 s1;
	v14 =	vld [tilespmem:s17+$0xFFFFFFE0];
	v53 =	vadd.f32 v15, v39;
	(erf) = vrcp.f32 v48;
	v52 =	vmul.f32 $1.442695020e+00, v43;
	[tilespmem:s17+$0x10] =	vst v37  }
0x622: {  	[dreg:$0xd] =	wrdreg s3;
	v15 =	vmov v31;
	v54 =	vpop (erf);
	v31 =	vadd.f32 v61, v59;
	v55 =	vld [tilespmem:s23+$0x20];
	(erf) = vrcp.f32 v51  }
0x623: {  	s16 =	sld [smem:$0x7AD];
	v56 =	vadd.f32 $1.000000000e+00, v54;
	v57 =	vld [tilespmem:s8+$0x20];
	(erf) = vpow2.f32 v52  }
0x624: {  	s3 =	smov.u32 s2;
	v32 =	vld [tilespmem:s25+$0x2B00];
	s25 =	rddreg [dreg:$0x13];
	v58 =	vsub.f32 $0.0e+00, v53;
	v27 =	vadd.f32 v27, v31;
	v59 =	vpop (erf)  }
0x625: {  	[dreg:$0x13] =	wrdreg s3;
	v61 =	vld [tilespmem:s25+$0x2B00];
	(erf) = vrcp.f32 v56;
	v29 =	vadd.f32 v29, v49;
	v60 =	vadd.f32 $1.000000000e+00, v59  }
0x626: {  	s3 =	sld [smem:$0x7B0];
	v48 =	vld [tilespmem:s20+$0xFFFFFF70];
	v37 =	vmul.f32 $1.442695020e+00, v58;
	v27 =	vsub.f32 $0.0e+00, v27  }
0x627: {  	v53 =	vld [tilespmem:s17+$0xFFFFFFF0];
	v26 =	vadd.f32 v26, v29;
	(erf) = vrcp.f32 v60  }
0x628: {  	v31 =	vld [tilespmem:s16+$0x2B00];
	v27 =	vmul.f32 $1.442695020e+00, v27;
	v62 =	vpop (erf);
	v63 =	vadd.f32 v57, v55;
	(erf) = vpow2.f32 v37  }
0x629: {  	v29 =	vld [tilespmem:s3+$0x70];
	s3 =	smov.u32 s6;
	s6 =	sor.u32 $0x450, s29;
	v26 =	vsub.f32 $0.0e+00, v26  }
0x62a: {  	v49 =	vld [tilespmem:s6+$0x2B00];
	v38 =	vadd.f32 $1.000000000e+00, v62;
	v50 =	vpop (erf);
	v23 =	vadd.f32 v23, v63;
	(erf) = vpow2.f32 v27  }
0x62b: {  	s16 =	rddreg [dreg:$0xe];
	v51 =	vld [tilespmem:s17+$0xFFFFFF70];
	v27 =	vmul.f32 v50, v61;
	v52 =	vmul.f32 $1.442695020e+00, v26;
	v54 =	vpop (erf)  }
0x62c: {  	v41 =	vld [tilespmem:s16+$0x2B00];
	(erf) = vrcp.f32 v38;
	v55 =	vsub.f32 $0.0e+00, v23;
	v56 =	vpop (erf);
	v36 =	vmul.f32 v54, v36  }
0x62d: {  	v23 =	vld [tilespmem:s17+$0x70];
	[tilespmem:s18+$0xFFFFFFE0] =	vst v27;
	v27 =	vadd.f32 $1.000000000e+00, v56  }
0x62e: {  	s15 =	smov.u32 s19;
	(erf) = vpow2.f32 v52;
	v26 =	vpop (erf);
	v57 =	vld [tilespmem:s14+$0x70];
	v38 =	vmul.f32 $1.442695020e+00, v55;
	[tilespmem:s11+$0xFFFFFFC0] =	vst v36  }
0x62f: {  	[dreg:$0xa] =	wrdreg s15;
	s15 =	smov.u32 s26;
	v58 =	vmul.f32 v26, v49;
	v36 =	vld [tilespmem:s20+$0xFFFFFFF0];
	(erf) = vrcp.f32 v27  }
0x630: {  	s19 =	sld [smem:$0x7AE];
	v27 =	vld [tilespmem:s15+$0x50];
	v26 =	vpop (erf)  }
0x631: {  	s2 =	sld [smem:$0x7AF];
	v29 =	vadd.f32 v48, v29;
	v59 =	vld [tilespmem:s30+$0xFFFFFFD0];
	(erf) = vpow2.f32 v38;
	[tilespmem:s11+$0xD0] =	vst v58;
	v26 =	vmul.f32 v26, v30;
	v30 =	vpop (erf)  }
0x632: {  	s26 =	sld [smem:$0x7B1];
	v40 =	vld [tilespmem:s22+$0x60];
	v60 =	vadd.f32 $1.000000000e+00, v30  }
0x633: {  	s25 =	smov.u32 s19;
	s19 =	rddreg [dreg:$0xb];
	v29 =	vadd.f32 v6, v29;
	s14 =	sor.u32 $0x420, s28;
	v61 =	vld [tilespmem:s30+$0xE0];
	v62 =	vpop (erf)  }
0x634: {  	[dreg:$0xe] =	wrdreg s25;
	v48 =	vld [tilespmem:s14+$0x2B00];
	[tilespmem:s11+$0x40] =	vst v26;
	v63 =	vadd.f32 $1.000000000e+00, v62;
	(erf) = vrcp.f32 v60  }
0x635: {  	s25 =	smov.u32 s2;
	s2 =	sld [smem:$0x7B2];
	v29 =	vsub.f32 $0.0e+00, v29;
	v49 =	vld [tilespmem:s9+$0x50];
	v36 =	vadd.f32 v36, v57;
	v30 =	vpop (erf)  }
0x636: {  	s16 =	smov.u32 s24;
	s24 =	smov.u32 s13;
	s13 =	sld [smem:$0x7B5];
	v6 =	vmovc v19;
	v19 =	vmovc v51;
	v51 =	vld [tilespmem:s30+$0x50];
	v27 =	vadd.f32 v59, v27;
	v50 =	vmul.f32 v30, v41;
	(erf) = vrcp.f32 v63  }
0x637: {  	[dreg:$0xb] =	wrdreg s24;
	v29 =	vmul.f32 $1.442695020e+00, v29;
	v26 =	vld [tilespmem:s11+$0xE0];
	v30 =	vpop (erf);
	v36 =	vadd.f32 v9, v36;
	v9 =	vmov v21  }
0x638: {  	s6 =	smov.u32 s5;
	s5 =	sld [smem:$0x7B4];
	v21 =	vmov v53;
	v52 =	vadd.f32 $1.000000000e+00, v30;
	v30 =	vld [tilespmem:s19+$0x2B00];
	v27 =	vadd.f32 v20, v27;
	[tilespmem:s18+$0x60] =	vst v50;
	v53 =	vpop (erf)  }
0x639: {  	s24 =	smov.u32 s2;
	s2 =	smov.u32 s13;
	s13 =	sld [smem:$0x7B9];
	v40 =	vadd.f32 v61, v40;
	(erf) = vpow2.f32 v29;
	v20 =	vmovc v28;
	v55 =	vld [tilespmem:s4+$0x70];
	v28 =	vmul.f32 v53, v48  }
0x63a: {  	s19 =	sld [smem:$0x7B6];
	v36 =	vsub.f32 $0.0e+00, v36;
	(erf) = vrcp.f32 v52;
	v27 =	vsub.f32 $0.0e+00, v27;
	v56 =	vld [tilespmem:s20+$0x70];
	v54 =	vpop (erf)  }
0x63b: {  	s10 =	sadd.s32 $0x4, s10;
	v37 =	vadd.f32 v51, v49;
	v39 =	vadd.f32 $1.000000000e+00, v54;
	[tilespmem:s17+$0xA0] =	vst v28;
	v28 =	vld [tilespmem:s5+$0x2B00];
	s5 =	sld [smem:$0x7B7]  }
0x63c: {  	s14 =	smov.u32 s9;
	s9 =	smov.u32 s12;
	v26 =	vadd.f32 v26, v40;
	v36 =	vmul.f32 $1.442695020e+00, v36;
	v57 =	vld [tilespmem:s12+$0x30];
	s12 =	sld [smem:$0x7B8]  }
0x63d: {  	v29 =	vld [tilespmem:s26+$0x2B00];
	s4 =	smov.u32 s19;
	s19 =	smov.u32 s13;
	s13 =	sld [smem:$0x7BB];
	v27 =	vmul.f32 $1.442695020e+00, v27;
	v37 =	vadd.f32 v18, v37;
	(erf) = vrcp.f32 v39;
	v18 =	vpop (erf)  }
0x63e: {  	p2 =	slt.u32 s10, $0x24;
	v26 =	vsub.f32 $0.0e+00, v26;
	v58 =	vld [tilespmem:s8+$0xB0];
	(erf) = vpow2.f32 v36;
	v59 =	vmul.f32 v18, v35  }
.Ltmp6:
0x63f: {  	v37 =	vsub.f32 $0.0e+00, v37;
	(erf) = vpow2.f32 v27;
	v27 =	vld [tilespmem:s5+$0x2B00];
	v60 =	vpop (erf);
	s5 =	smov.u32 s12;
	s12 =	sld [smem:$0x7BA];
	(pc) =	sbr.rel @p2 .LBB2_10-.Ltmp6, $4  }
0x640: {  	v26 =	vmul.f32 $1.442695020e+00, v26;
	s1 =	smov.u32 s13;
	s13 =	sld [smem:$0x7BC];
	v18 =	vmovc v33;
	v33 =	vld [tilespmem:s17+$0xB0];
	v61 =	vadd.f32 v56, v55;
	v62 =	vmul.f32 v60, v34;
	[tilespmem:s11+$0xFFFFFF50] =	vst v59  }
0x641: {  	s0 =	sadd.s32 $0x2, s0;
	v37 =	vmul.f32 $1.442695020e+00, v37;
	v34 =	vld [tilespmem:s16+$0x60]  }
0x642: {  	p1 =	por !p1, !p1;
	s26 =	smov.u32 s23;
	s20 =	smov.u32 s30;
	(erf) = vpow2.f32 v26;
	v63 =	vpop (erf);
	v38 =	vadd.f32 v8, v61;
	v8 =	vmov v22;
	[tilespmem:s17+$0xFFFFFF20] =	vst v62;
	v26 =	vld [tilespmem:s12+$0x2B00]  }
0x643: {  	s23 =	sld [smem:$0x7B3];
	s30 =	smov.u32 s8;
	v22 =	vmov v23;
	v36 =	vadd.f32 $1.000000000e+00, v63;
	v39 =	vadd.f32 v58, v57;
	v35 =	vpop (erf);
	s12 =	smov.u32 s13;
	v23 =	vld [tilespmem:s20+$0xFFFFFF60]  }
0x644: {  	_ = 	snop  }
0x645: {  	v38 =	vsub.f32 $0.0e+00, v38;
	v33 =	vadd.f32 v33, v39  }
0x646: {  	v59 =	vld [tilespmem:s8+$0xFFFFFF30];
	v40 =	vpop (erf)  }
0x647: {  	v41 =	vld [tilespmem:s3+$0x30];
	(erf) = vpow2.f32 v37;
	v60 =	vmul.f32 $1.442695020e+00, v38;
	v33 =	vsub.f32 $0.0e+00, v33;
	v61 =	vpop (erf)  }
0x648: {  	(erf) = vrcp.f32 v36;
	v62 =	vadd.f32 $1.000000000e+00, v61  }
0x649: {  	(erf) = vpow2.f32 v60;
	v33 =	vmul.f32 $1.442695020e+00, v33  }
0x64a: {  	(erf) = vrcp.f32 v62  }
0x64b: {  	v23 =	vadd.f32 v23, v34;
	(erf) = vpow2.f32 v33  }
0x64c: {  	v42 =	vadd.f32 v59, v41  }
0x64d: {  	v63 =	vpop (erf);
	v7 =	vadd.f32 v7, v23  }
0x64e: {  	v43 =	vpop (erf);
	v24 =	vadd.f32 v24, v42  }
0x64f: {  	v34 =	vadd.f32 $1.000000000e+00, v43  }
0x650: {  	v44 =	vadd.f32 $1.000000000e+00, v63;
	v24 =	vsub.f32 $0.0e+00, v24;
	v45 =	vpop (erf)  }
0x651: {  	v46 =	vsub.f32 $0.0e+00, v7;
	(erf) = vrcp.f32 v34;
	v7 =	vpop (erf);
	v33 =	vadd.f32 $1.000000000e+00, v45  }
0x652: {  	v24 =	vmul.f32 $1.442695020e+00, v24;
	(erf) = vrcp.f32 v44;
	v47 =	vpop (erf)  }
0x653: {  	v34 =	vmul.f32 $1.442695020e+00, v46;
	(erf) = vrcp.f32 v33;
	v23 =	vpop (erf)  }
0x654: {  	v48 =	vadd.f32 $1.000000000e+00, v47;
	(erf) = vpow2.f32 v24;
	v49 =	vpop (erf)  }
0x655: {  	s0 =	sor.u32 $0x460, s29;
	(erf) = vpow2.f32 v34;
	v33 =	vadd.f32 $1.000000000e+00, v49  }
0x656: {  	v50 =	vld [tilespmem:s0+$0x2B00];
	(erf) = vrcp.f32 v48  }
0x657: {  	(erf) = vrcp.f32 v33;
	_ =	sdelay $0x2  }
0x658: {  	v51 =	vpop (erf)  }
0x659: {  	v32 =	vmul.f32 v35, v32;
	s8 =	sor.u32 $0x430, s28;
	v24 =	vmul.f32 v51, v50;
	v33 =	vpop (erf)  }
0x65a: {  	v52 =	vld [tilespmem:s8+$0x2B00];
	v31 =	vmul.f32 v40, v31;
	v35 =	vpop (erf)  }
0x65b: {  	v58 =	vld [tilespmem:s11+$0xF0];
	[tilespmem:s17+$0xFFFFFFA0] =	vst v32;
	v54 =	vpop (erf)  }
0x65c: {  	v55 =	vld [tilespmem:s6+$0x30];
	[tilespmem:s17+$0x20] =	vst v31;
	v56 =	vpop (erf)  }
0x65d: {  	v60 =	vld [tilespmem:s30+$0xFFFFFFB0];
	[tilespmem:s11+$0xE0] =	vst v24;
	v24 =	vpop (erf)  }
0x65e: {  	v61 =	vld [tilespmem:s26+$0x30];
	v59 =	vpop (erf)  }
0x65f: {  	v53 =	vld [tilespmem:s22+$0x70];
	v34 =	vmul.f32 v59, v52  }
0x660: {  	v57 =	vld [tilespmem:s20+$0xF0];
	s7 =	rddreg [dreg:$0x8]  }
0x661: {  	v42 =	vld [tilespmem:s30+$0x30];
	[tilespmem:s7+$0xB0] =	vst v34  }
0x662: {  	v34 =	vld [tilespmem:s9+$0x40]  }
0x663: {  	v62 =	vld [tilespmem:s30+$0xC0]  }
0x664: {  	v31 =	vadd.f32 v60, v55  }
0x665: {  	v63 =	vld [tilespmem:s7+$0xC0];
	v36 =	vadd.f32 v57, v53  }
0x666: {  	v16 =	vadd.f32 v16, v31;
	v43 =	vadd.f32 v42, v61  }
0x667: {  	v32 =	vadd.f32 $1.000000000e+00, v54;
	v36 =	vadd.f32 v58, v36  }
0x668: {  	v16 =	vsub.f32 $0.0e+00, v16;
	v44 =	vadd.f32 v62, v34  }
0x669: {  	v17 =	vadd.f32 v17, v43;
	(erf) = vrcp.f32 v32;
	v45 =	vsub.f32 $0.0e+00, v36  }
0x66a: {  	v38 =	vadd.f32 $1.000000000e+00, v56;
	v31 =	vadd.f32 v63, v44  }
0x66b: {  	v17 =	vsub.f32 $0.0e+00, v17;
	v32 =	vmul.f32 $1.442695020e+00, v45  }
0x66c: {  	v16 =	vmul.f32 $1.442695020e+00, v16;
	(erf) = vrcp.f32 v38;
	v31 =	vsub.f32 $0.0e+00, v31  }
0x66d: {  	v17 =	vmul.f32 $1.442695020e+00, v17;
	(erf) = vpow2.f32 v32  }
0x66e: {  	v46 =	vld [tilespmem:s23+$0x2B00];
	(erf) = vpow2.f32 v16;
	v47 =	vmul.f32 $1.442695020e+00, v31  }
0x66f: {  	(erf) = vpow2.f32 v17  }
0x670: {  	(erf) = vpow2.f32 v47;
	_ =	sdelay $0x1  }
0x671: {  	v48 =	vpop (erf)  }
0x672: {  	v16 =	vmul.f32 v48, v46;
	_ =	sdelay $0x1  }
0x673: {  	v17 =	vpop (erf);
	[tilespmem:s7+$0xFFFFFF30] =	vst v16  }
0x674: {  	v16 =	vld [tilespmem:s3+$0x40];
	v49 =	vpop (erf)  }
0x675: {  	v50 =	vld [tilespmem:s30+$0xFFFFFF40];
	v31 =	vadd.f32 $1.000000000e+00, v49;
	v51 =	vpop (erf)  }
0x676: {  	v34 =	vadd.f32 $1.000000000e+00, v51;
	v52 =	vpop (erf)  }
0x677: {  	(erf) = vrcp.f32 v31;
	v53 =	vadd.f32 $1.000000000e+00, v52;
	v54 =	vpop (erf)  }
0x678: {  	(erf) = vrcp.f32 v34;
	v55 =	vadd.f32 $1.000000000e+00, v54  }
0x679: {  	(erf) = vrcp.f32 v53  }
0x67a: {  	v16 =	vadd.f32 v50, v16;
	(erf) = vrcp.f32 v55;
	_ =	sdelay $0x1  }
0x67b: {  	s10 =	rddreg [dreg:$0x1d];
	v13 =	vadd.f32 v13, v16  }
0x67c: {  	v56 =	vld [tilespmem:s10+$0x2B00]  }
0x67d: {  	s13 =	sor.u32 $0x440, s28;
	v57 =	vsub.f32 $0.0e+00, v13  }
0x67e: {  	v30 =	vmul.f32 v33, v30;
	v58 =	vld [tilespmem:s13+$0x2B00]  }
0x67f: {  	v31 =	vmul.f32 $1.442695020e+00, v57;
	v13 =	vpop (erf)  }
0x680: {  	[tilespmem:s11+$0xFFFFFFD0] =	vst v30;
	v59 =	vpop (erf)  }
0x681: {  	v61 =	vld [tilespmem:s15+$0x60];
	(erf) = vpow2.f32 v31;
	v16 =	vmul.f32 v59, v56;
	v60 =	vpop (erf)  }
0x682: {  	v62 =	vld [tilespmem:s20+$0xFFFFFFE0];
	s17 =	rddreg [dreg:$0x1b];
	v34 =	vpop (erf)  }
0x683: {  	v63 =	vld [tilespmem:s17+$0x2B00];
	[tilespmem:s7+$0xFFFFFFB0] =	vst v16;
	v40 =	vmul.f32 v34, v58  }
0x684: {  	v41 =	vld [tilespmem:s6+$0x40]  }
0x685: {  	v42 =	vld [tilespmem:s30+$0xFFFFFFC0];
	[tilespmem:s7+$0xC0] =	vst v40  }
0x686: {  	v16 =	vld [tilespmem:s9+$0x50]  }
0x687: {  	v29 =	vmul.f32 v35, v29;
	v31 =	vadd.f32 v62, v61;
	v43 =	vld [tilespmem:s30+$0xD0]  }
0x688: {  	v30 =	vmul.f32 v60, v63  }
0x689: {  	v44 =	vld [tilespmem:s7+$0xD0];
	[tilespmem:s11+$0x50] =	vst v29;
	v5 =	vadd.f32 v5, v31  }
0x68a: {  	v45 =	vld [tilespmem:s14+$0x60];
	[tilespmem:s7+$0x30] =	vst v30;
	v46 =	vpop (erf);
	v32 =	vadd.f32 v42, v41  }
0x68b: {  	v5 =	vsub.f32 $0.0e+00, v5;
	v47 =	vld [tilespmem:s26+$0x40];
	v30 =	vadd.f32 $1.000000000e+00, v46  }
0x68c: {  	v48 =	vld [tilespmem:s30+$0x40];
	v11 =	vadd.f32 v11, v32;
	v16 =	vadd.f32 v43, v16  }
0x68d: {  	v49 =	vld [tilespmem:s20+$0x60];
	v5 =	vmul.f32 $1.442695020e+00, v5;
	(erf) = vrcp.f32 v30  }
0x68e: {  	v11 =	vsub.f32 $0.0e+00, v11;
	v16 =	vadd.f32 v44, v16  }
0x68f: {  	(erf) = vpow2.f32 v5  }
0x690: {  	v5 =	vmul.f32 $1.442695020e+00, v11;
	v50 =	vsub.f32 $0.0e+00, v16  }
0x691: {  	v51 =	vadd.f32 v48, v47;
	s21 =	rddreg [dreg:$0x18]  }
0x692: {  	v52 =	vld [tilespmem:s21+$0x2B00];
	(erf) = vpow2.f32 v5;
	v5 =	vadd.f32 v49, v45;
	v11 =	vmul.f32 $1.442695020e+00, v50  }
0x693: {  	v10 =	vadd.f32 v10, v51  }
0x694: {  	v4 =	vadd.f32 v4, v5;
	(erf) = vpow2.f32 v11  }
0x695: {  	v5 =	vsub.f32 $0.0e+00, v10  }
0x696: {  	v4 =	vsub.f32 $0.0e+00, v4;
	v53 =	vpop (erf)  }
0x697: {  	v5 =	vmul.f32 $1.442695020e+00, v5;
	v10 =	vmul.f32 v53, v52  }
0x698: {  	v54 =	vpop (erf);
	v4 =	vmul.f32 $1.442695020e+00, v4  }
0x699: {  	[tilespmem:s7+$0xFFFFFF40] =	vst v10;
	(erf) = vpow2.f32 v5;
	v5 =	vadd.f32 $1.000000000e+00, v54  }
0x69a: {  	(erf) = vpow2.f32 v4;
	v4 =	vld [tilespmem:s3+$0x50]  }
0x69b: {  	v55 =	vpop (erf);
	(erf) = vrcp.f32 v5;
	v5 =	vld [tilespmem:s30+$0xFFFFFF50]  }
0x69c: {  	v10 =	vadd.f32 $1.000000000e+00, v55  }
0x69d: {  	v56 =	vpop (erf)  }
0x69e: {  	s22 =	rddreg [dreg:$0x11];
	(erf) = vrcp.f32 v10;
	v11 =	vadd.f32 $1.000000000e+00, v56  }
0x69f: {  	s23 =	rddreg [dreg:$0x13];
	v57 =	vld [tilespmem:s22+$0x2B00]  }
0x6a0: {  	v58 =	vld [tilespmem:s23+$0x2B00];
	v4 =	vadd.f32 v5, v4;
	(erf) = vrcp.f32 v11;
	_ =	sdelay $0x1  }
0x6a1: {  	s8 =	rddreg [dreg:$0x19];
	v5 =	vpop (erf);
	v4 =	vadd.f32 v15, v4  }
0x6a2: {  	v59 =	vld [tilespmem:s8+$0x2B00];
	v60 =	vpop (erf)  }
0x6a3: {  	s10 =	sor.u32 $0x450, s28;
	v10 =	vmul.f32 v17, v57;
	v61 =	vpop (erf);
	v4 =	vsub.f32 $0.0e+00, v4  }
0x6a4: {  	v62 =	vld [tilespmem:s10+$0x2B00];
	s13 =	rddreg [dreg:$0x15];
	v5 =	vadd.f32 $1.000000000e+00, v5;
	v16 =	vmul.f32 v61, v58  }
0x6a5: {  	v63 =	vld [tilespmem:s13+$0x2B00];
	[tilespmem:s11+$0xFFFFFF60] =	vst v10;
	v4 =	vmul.f32 $1.442695020e+00, v4  }
0x6a6: {  	v10 =	vld [tilespmem:s16+$0x70];
	v33 =	vpop (erf);
	(erf) = vrcp.f32 v5;
	v5 =	vadd.f32 $1.000000000e+00, v60;
	[tilespmem:s11+$0xFFFFFFE0] =	vst v16  }
0x6a7: {  	v11 =	vmul.f32 v33, v59;
	v16 =	vld [tilespmem:s15+$0x70];
	(erf) = vpow2.f32 v4  }
0x6a8: {  	v4 =	vld [tilespmem:s20+$0xFFFFFF70];
	v34 =	vpop (erf);
	(erf) = vrcp.f32 v5  }
0x6a9: {  	[tilespmem:s7+$0xFFFFFFC0] =	vst v11;
	v35 =	vld [tilespmem:s20+$0xFFFFFFF0];
	v5 =	vmul.f32 v34, v62  }
0x6aa: {  	v36 =	vld [tilespmem:s6+$0x50]  }
0x6ab: {  	v37 =	vld [tilespmem:s30+$0xFFFFFFD0];
	[tilespmem:s7+$0xD0] =	vst v5  }
0x6ac: {  	v5 =	vld [tilespmem:s9+$0x60];
	s17 =	rddreg [dreg:$0xe]  }
0x6ad: {  	v39 =	vld [tilespmem:s17+$0x2B00]  }
0x6ae: {  	v38 =	vld [tilespmem:s30+$0xE0]  }
0x6af: {  	v41 =	vpop (erf)  }
0x6b0: {  	v40 =	vld [tilespmem:s7+$0xE0];
	v4 =	vadd.f32 v4, v10;
	v11 =	vadd.f32 v35, v16;
	v42 =	vmul.f32 v41, v63;
	v43 =	vpop (erf)  }
0x6b1: {  	v15 =	vadd.f32 v37, v36;
	v44 =	vpop (erf)  }
0x6b2: {  	v4 =	vadd.f32 v6, v4;
	v9 =	vadd.f32 v9, v11;
	[tilespmem:s7+$0x40] =	vst v42;
	v46 =	vmul.f32 v44, v39  }
0x6b3: {  	v15 =	vadd.f32 v20, v15;
	v16 =	vld [tilespmem:s26+$0x50];
	v5 =	vadd.f32 v38, v5  }
0x6b4: {  	v4 =	vsub.f32 $0.0e+00, v4;
	v9 =	vsub.f32 $0.0e+00, v9;
	v47 =	vld [tilespmem:s30+$0x50];
	[tilespmem:s11+$0x60] =	vst v46  }
0x6b5: {  	v45 =	vadd.f32 $1.000000000e+00, v43;
	v5 =	vadd.f32 v40, v5;
	v49 =	vld [tilespmem:s14+$0x70]  }
0x6b6: {  	v48 =	vsub.f32 $0.0e+00, v15;
	v4 =	vmul.f32 $1.442695020e+00, v4;
	v50 =	vld [tilespmem:s20+$0x70]  }
0x6b7: {  	v9 =	vmul.f32 $1.442695020e+00, v9;
	(erf) = vrcp.f32 v45;
	v5 =	vsub.f32 $0.0e+00, v5  }
0x6b8: {  	(erf) = vpow2.f32 v4;
	v4 =	vmul.f32 $1.442695020e+00, v48  }
0x6b9: {  	(erf) = vpow2.f32 v9;
	v5 =	vmul.f32 $1.442695020e+00, v5  }
0x6ba: {  	(erf) = vpow2.f32 v4  }
0x6bb: {  	v4 =	vadd.f32 v47, v16;
	(erf) = vpow2.f32 v5;
	v5 =	vadd.f32 v50, v49;
	_ =	sdelay $0x1  }
0x6bc: {  	v4 =	vadd.f32 v18, v4;
	v5 =	vadd.f32 v8, v5  }
0x6bd: {  	s21 =	rddreg [dreg:$0xd]  }
0x6be: {  	v51 =	vld [tilespmem:s21+$0x2B00];
	v4 =	vsub.f32 $0.0e+00, v4;
	v5 =	vsub.f32 $0.0e+00, v5  }
0x6bf: {  	v52 =	vpop (erf)  }
0x6c0: {  	v4 =	vmul.f32 $1.442695020e+00, v4;
	v53 =	vpop (erf)  }
0x6c1: {  	v9 =	vadd.f32 $1.000000000e+00, v53;
	v54 =	vpop (erf)  }
0x6c2: {  	(erf) = vpow2.f32 v4;
	v4 =	vmul.f32 $1.442695020e+00, v5;
	v5 =	vpop (erf)  }
0x6c3: {  	v6 =	vmul.f32 v52, v51;
	v55 =	vadd.f32 $1.000000000e+00, v54;
	(erf) = vrcp.f32 v9;
	v56 =	vpop (erf)  }
0x6c4: {  	(erf) = vpow2.f32 v4;
	v4 =	vadd.f32 $1.000000000e+00, v56  }
0x6c5: {  	[tilespmem:s7+$0xFFFFFF50] =	vst v6;
	(erf) = vrcp.f32 v55  }
0x6c6: {  	v6 =	vld [tilespmem:s3+$0x60];
	(erf) = vrcp.f32 v4  }
0x6c7: {  	v4 =	vld [tilespmem:s30+$0xFFFFFF60];
	_ =	sdelay $0x2  }
0x6c8: {  	s22 =	sor.u32 $0x460, s28  }
0x6c9: {  	v57 =	vld [tilespmem:s22+$0x2B00];
	v58 =	vpop (erf)  }
0x6ca: {  	v59 =	vpop (erf);
	v4 =	vadd.f32 v4, v6  }
0x6cb: {  	v60 =	vpop (erf)  }
0x6cc: {  	v61 =	vpop (erf);
	v4 =	vadd.f32 v25, v4  }
0x6cd: {  	v62 =	vpop (erf)  }
0x6ce: {  	v5 =	vadd.f32 $1.000000000e+00, v5;
	v4 =	vsub.f32 $0.0e+00, v4;
	v8 =	vmul.f32 v62, v57  }
0x6cf: {  	v9 =	vadd.f32 $1.000000000e+00, v58  }
0x6d0: {  	(erf) = vrcp.f32 v5;
	v4 =	vmul.f32 $1.442695020e+00, v4;
	[tilespmem:s7+$0xE0] =	vst v8  }
0x6d1: {  	(erf) = vrcp.f32 v9;
	v5 =	vld [tilespmem:s9+$0x70]  }
0x6d2: {  	(erf) = vpow2.f32 v4;
	v4 =	vld [tilespmem:s30+$0xF0];
	_ =	sdelay $0x1  }
0x6d3: {  	v63 =	vld [tilespmem:s7+$0xF0]  }
0x6d4: {  	s23 =	rddreg [dreg:$0xb]  }
0x6d5: {  	v18 =	vld [tilespmem:s23+$0x2B00]  }
0x6d6: {  	v4 =	vadd.f32 v4, v5  }
0x6d7: {  	v5 =	vld [tilespmem:s24+$0x2B00]  }
0x6d8: {  	v20 =	vpop (erf);
	v4 =	vadd.f32 v63, v4  }
0x6d9: {  	v25 =	vadd.f32 $1.000000000e+00, v60;
	v29 =	vpop (erf)  }
0x6da: {  	v9 =	vmul.f32 v20, v18;
	v30 =	vpop (erf);
	v4 =	vsub.f32 $0.0e+00, v4  }
0x6db: {  	(erf) = vrcp.f32 v25;
	v31 =	vadd.f32 $1.000000000e+00, v30  }
0x6dc: {  	[tilespmem:s7+$0xFFFFFFD0] =	vst v9;
	v5 =	vmul.f32 v29, v5;
	v4 =	vmul.f32 $1.442695020e+00, v4  }
0x6dd: {  	v32 =	vld [tilespmem:s6+$0x60];
	(erf) = vrcp.f32 v31  }
0x6de: {  	[tilespmem:s7+$0x50] =	vst v5;
	(erf) = vpow2.f32 v4;
	v4 =	vld [tilespmem:s30+$0xFFFFFFE0]  }
0x6df: {  	v5 =	vld [tilespmem:s26+$0x60]  }
0x6e0: {  	v33 =	vld [tilespmem:s30+$0x60];
	_ =	sdelay $0x2  }
0x6e1: {  	v4 =	vadd.f32 v4, v32;
	_ =	sdelay $0x1  }
0x6e2: {  	v34 =	vpop (erf);
	v5 =	vadd.f32 v33, v5;
	v4 =	vadd.f32 v14, v4  }
0x6e3: {  	v35 =	vpop (erf)  }
0x6e4: {  	v5 =	vadd.f32 v12, v5;
	v36 =	vpop (erf);
	v4 =	vsub.f32 $0.0e+00, v4  }
0x6e5: {  	v10 =	vadd.f32 $1.000000000e+00, v36  }
0x6e6: {  	v5 =	vsub.f32 $0.0e+00, v5;
	v4 =	vmul.f32 $1.442695020e+00, v4  }
0x6e7: {  	(erf) = vrcp.f32 v10  }
0x6e8: {  	(erf) = vpow2.f32 v4;
	v4 =	vmul.f32 $1.442695020e+00, v5;
	_ =	sdelay $0x1  }
0x6e9: {  	(erf) = vpow2.f32 v4;
	_ =	sdelay $0x3  }
0x6ea: {  	v4 =	vld [tilespmem:s31+$0x2B00];
	_ =	sdelay $0x1  }
0x6eb: {  	v5 =	vpop (erf)  }
0x6ec: {  	v37 =	vpop (erf)  }
0x6ed: {  	v10 =	vadd.f32 $1.000000000e+00, v37  }
0x6ee: {  	v4 =	vmul.f32 v35, v4;
	v38 =	vpop (erf)  }
0x6ef: {  	(erf) = vrcp.f32 v10;
	v9 =	vadd.f32 $1.000000000e+00, v38  }
0x6f0: {  	[tilespmem:s7+$0xFFFFFF60] =	vst v4  }
0x6f1: {  	v4 =	vld [tilespmem:s3+$0x70];
	(erf) = vrcp.f32 v9  }
0x6f2: {  	v39 =	vld [tilespmem:s30+$0xFFFFFF70]  }
0x6f3: {  	s24 =	rddreg [dreg:$0xa]  }
0x6f4: {  	v40 =	vld [tilespmem:s24+$0x2B00];
	_ =	sdelay $0x1  }
0x6f5: {  	v41 =	vld [tilespmem:s25+$0x2B00]  }
0x6f6: {  	v4 =	vadd.f32 v39, v4  }
0x6f7: {  	v42 =	vpop (erf)  }
0x6f8: {  	v4 =	vadd.f32 v19, v4;
	v9 =	vmul.f32 v42, v40  }
0x6f9: {  	v43 =	vpop (erf)  }
0x6fa: {  	v4 =	vsub.f32 $0.0e+00, v4;
	[tilespmem:s7+$0xFFFFFFE0] =	vst v9;
	v44 =	vmul.f32 v43, v41  }
0x6fb: {  	v45 =	vld [tilespmem:s6+$0x70]  }
0x6fc: {  	v4 =	vmul.f32 $1.442695020e+00, v4;
	v46 =	vld [tilespmem:s30+$0xFFFFFFF0];
	[tilespmem:s7+$0x60] =	vst v44  }
0x6fd: {  	v9 =	vld [tilespmem:s26+$0x70]  }
0x6fe: {  	(erf) = vpow2.f32 v4;
	v47 =	vld [tilespmem:s30+$0x70];
	_ =	sdelay $0x2  }
0x6ff: {  	v4 =	vadd.f32 v46, v45;
	_ =	sdelay $0x1  }
0x700: {  	v4 =	vadd.f32 v21, v4;
	v9 =	vadd.f32 v47, v9;
	_ =	sdelay $0x1  }
0x701: {  	v4 =	vsub.f32 $0.0e+00, v4;
	v9 =	vadd.f32 v22, v9;
	_ =	sdelay $0x1  }
0x702: {  	v48 =	vpop (erf);
	v4 =	vmul.f32 $1.442695020e+00, v4;
	v9 =	vsub.f32 $0.0e+00, v9  }
0x703: {  	v10 =	vadd.f32 $1.000000000e+00, v48  }
0x704: {  	(erf) = vpow2.f32 v4;
	v4 =	vmul.f32 $1.442695020e+00, v9  }
0x705: {  	(erf) = vrcp.f32 v10  }
0x706: {  	(erf) = vpow2.f32 v4;
	_ =	sdelay $0x6  }
0x707: {  	v4 =	vpop (erf)  }
0x708: {  	v49 =	vpop (erf)  }
0x709: {  	v4 =	vadd.f32 $1.000000000e+00, v4;
	v50 =	vpop (erf)  }
0x70a: {  	v52 =	vld [tilespmem:s2+$0x2B00];
	v10 =	vadd.f32 $1.000000000e+00, v50  }
0x70b: {  	v53 =	vld [tilespmem:s1+$0x2B00];
	(erf) = vrcp.f32 v4  }
0x70c: {  	v7 =	vmul.f32 v7, v28;
	s26 =	sor.u32 $0x470, s29;
	v4 =	vld [tilespmem:s5+$0x2B00];
	(erf) = vrcp.f32 v10  }
0x70d: {  	v54 =	vmul.f32 v23, v27;
	s29 =	sor.u32 $0x470, s28;
	v51 =	vld [tilespmem:s26+$0x2B00]  }
0x70e: {  	v56 =	vmul.f32 v24, v26;
	[tilespmem:s18+$0xFFFFFF70] =	vst v7;
	v55 =	vld [tilespmem:s29+$0x2B00]  }
0x70f: {  	v6 =	vmul.f32 v59, v52;
	v57 =	vld [tilespmem:s4+$0x2B00];
	[tilespmem:s18+$0xFFFFFFF0] =	vst v54  }
0x710: {  	v60 =	vmul.f32 v34, v53;
	[tilespmem:s18+$0x70] =	vst v56;
	v58 =	vld [tilespmem:s19+$0x2B00]  }
0x711: {  	[tilespmem:s11+$0xFFFFFF70] =	vst v6;
	v59 =	vld [tilespmem:s12+$0x2B00];
	v4 =	vmul.f32 v61, v4  }
0x712: {  	[tilespmem:s11+$0x70] =	vst v60;
	v12 =	vmul.f32 v13, v51  }
0x713: {  	[tilespmem:s11+$0xFFFFFFF0] =	vst v4;
	v4 =	vmul.f32 v5, v55  }
0x714: {  	[tilespmem:s11+$0xF0] =	vst v12;
	v5 =	vmul.f32 v49, v57;
	v61 =	vpop (erf)  }
0x715: {  	[tilespmem:s7+$0xF0] =	vst v4;
	v4 =	vmul.f32 v61, v58;
	v62 =	vpop (erf)  }
0x716: {  	[tilespmem:s7+$0xFFFFFF70] =	vst v5;
	v5 =	vmul.f32 v62, v59  }
0x717: {  	[tilespmem:s7+$0xFFFFFFF0] =	vst v4  }
0x718: {  	[tilespmem:s7+$0x70] =	vst v5  }
0x719: {  	v4 =	vld [tilespmem:$0x180]  }
0x71a: {  	v5 =	vld [tilespmem:$0x190]  }
0x71b: {  	v63 =	vld [tilespmem:$0x198];
	_ =	sdelay $0x1  }
.Ltmp7:
0x71c: {  	_ = 	snop;
	(pc) =	sbr.rel @p0 .LBB2_13-.Ltmp7, $4  }
0x71d: {  	[tilespmem:$0x280] =	vst v4  }
0x71e: {  	s31 =	simm.s32 $0x280;
	[tilespmem:$0x290] =	vst v5  }
0x71f: {  	s6 =	simm.s32 $0x8F00;
	s30 =	rddreg [dreg:$0x3];
	s5 =	simm.s32 $0x28;
	[tilespmem:$0x298] =	vst v63  }
0x720: {  	[spmem:s30] =	stream.indirect.scatter.add.f32 [tilespmem:s6], [sflag:$0x8], $0x80, s31, s5, $0xb8;
	[tilespmem:$0x1E300] =	vst v63  }
0x721: {  	s0 =	sld [smem:$0x7FC]  }
0x722: {  	s1 =	sld [smem:$0x7D6];
	_ =	sdelay $0x1  }
0x723: {  	s29 =	sld [smem:$0x7EC]  }
0x724: {  	s30 =	sld [smem:$0x7EE];
	s0 =	sadd.s32 s1, s0  }
.Ltmp8:
0x725: {  	s31 =	sld [smem:$0x7DE];
	s0 =	sshrl.u32 s0, $0x3;
	(pc) =	sbr.rel .LBB2_4-.Ltmp8, $4  }
0x726: {  	s8 =	simm.s32 $0x0;
	s2 =	simm.s32 $0x100;
	s1 =	sadd.s32 s29, s0  }
0x727: {  	[tilespmem:s2], [sflag:$0x2] =	stream.linear.gather [hbm4b:s1+s8], $0x28, $0x38;
	[tilespmem:$0x1E300] =	vst v63  }
0x728: {  	s4 =	simm.s32 $0x180;
	s0 =	sadd.s32 s30, s0;
	s2 =	sadd.s32 $0x1, s31  }
0x729: {  	[tilespmem:s4], [sflag:$0x2] =	stream.linear.gather [hbm4b:s0+s8], $0x28, $0x38;
	[tilespmem:$0x1E300] =	vst v63  }
.LBB2_14:
0x72a: {  	_ =	sfence.sel $0x180000  }
0x72b: {  	[bflag:$0x0] =	sbarrier.arrive $0xFFFF  }
0x72c: {  	_ =	strace $0x90000047  }
0x72d: {  	s0 =	stileid.u32;
	[bflag:$0x2] =	sbarrier.arrive $0xFFFF  }
0x72e: {  	p0 =	sne.s32 s0, $0x0;
	s0 =	rddreg [dreg:$0x4]  }
0x72f: {  	s0 =	sadd.s32 @!p0 $0x100000, s0  }
0x730: {  	[sflag:s0] =	ssyncadd.tile.s32 @!p0 $0x1;
	_ =	shalt  }
.Lfunc_end2:
_tile_overlayer_lowered:
.L_overlay_start_2:
0x731: {  	(tag) =	ssettag $0x2  }
0x732: {  	s0 =	rddreg [dreg:$0x0];
	s2 =	stileid.u32  }
0x733: {  	s1 =	rddreg [dreg:$0x1];
	p0 =	sne.s32 s2, $0x0  }
0x734: {  	s3 =	rddreg [dreg:$0x2];
	[bflag:$0x3] =	sbarrier.arrive $0xFFFF;
	s2 =	simm.s32 @!p0 $0x1C09  }
0x735: {  	[timem:s3], [sflag:s2] =	dma.local @!p0 [hbm:s0], s1  }
0x736: {  	s0 =	simm.s32 @!p0 $0x9  }
0x737: {  	_ =	swait.ge @!p0 [sflag:s0], s1  }
0x738: {  	s1 =	ssub.s32 @!p0 $0x0, s1;
	[sflag:s0] =	ssyncset.done @!p0 $0x0  }
0x739: {  	[sflag:s0] =	ssyncadd.s32 @!p0 s1  }
0x73a: {  	[bflag:$0x3] =	sbarrier.arrive $0xFFFF  }
0x73b: {  	_ =	shalt  }

</sc_bundles>
